<compile_context>
chip_gen: v7x
topology: tpu7x:2x2x1
jax: 0.10.2.dev20260603
libtpu: 0.0.44.dev20260713+nightly
codegen_flags: <defaults>
</compile_context>

<pallas_src>
import dataclasses
import functools

import jax
import jax.numpy as jnp
from jax import lax
from jax.experimental import pallas as pl
from jax.experimental.pallas import tpu as pltpu
from jax.experimental.pallas import tpu_sc as plsc

N = 10000
E = 320000
R = 8
D = 128
NW = 32
EPW = E // NW
C = 80
NCHUNK = EPW // C
NPAD = 10240
NPW = NPAD // 16
BN = 400



def _embed_body(x_ref, w_ref, b_ref, o_ref):
    o_ref[...] = jax.nn.relu(
        jnp.dot(x_ref[...], w_ref[...], preferred_element_type=jnp.float32)
        + b_ref[...])


def _embed(x, w, b):
    return pl.pallas_call(
        _embed_body,
        grid=(N // BN,),
        in_specs=[
            pl.BlockSpec((BN, D), lambda i: (i, 0)),
            pl.BlockSpec((D, D), lambda i: (0, 0)),
            pl.BlockSpec((1, D), lambda i: (0, 0)),
        ],
        out_specs=pl.BlockSpec((BN, D), lambda i: (i, 0)),
        out_shape=jax.ShapeDtypeStruct((N, D), jnp.float32),
    )(x, w, b.reshape(1, D))


def _dense_body(h_ref, w2_ref, wss_ref, b_ref, wg_ref, am_ref, ad_ref,
                hpg_ref, sn_ref, d_ref, sp_ref):
    h = h_ref[...]
    hp = jnp.dot(h, w2_ref[...], preferred_element_type=jnp.float32)
    g = jax.nn.sigmoid(jnp.sum(h * wg_ref[...], axis=1, keepdims=True))
    hp3 = hp.reshape(BN, R, D)
    sn_ref[...] = jnp.sum(hp3 * am_ref[...].reshape(1, 1, D), axis=2)
    d_ref[...] = jnp.sum(h * ad_ref[...], axis=1, keepdims=True)
    sp_ref[...] = (jnp.dot(h, wss_ref[...], preferred_element_type=jnp.float32)
                   + b_ref[...])
    hpg_ref[...] = hp * g


def _dense(h, w2, wss, b, wg, am, ad):
    return pl.pallas_call(
        _dense_body,
        grid=(N // BN,),
        in_specs=[
            pl.BlockSpec((BN, D), lambda i: (i, 0)),
            pl.BlockSpec((D, R * D), lambda i: (0, 0)),
            pl.BlockSpec((D, D), lambda i: (0, 0)),
            pl.BlockSpec((1, D), lambda i: (0, 0)),
            pl.BlockSpec((1, D), lambda i: (0, 0)),
            pl.BlockSpec((1, D), lambda i: (0, 0)),
            pl.BlockSpec((1, D), lambda i: (0, 0)),
        ],
        out_specs=[
            pl.BlockSpec((BN, R * D), lambda i: (i, 0)),
            pl.BlockSpec((BN, R), lambda i: (i, 0)),
            pl.BlockSpec((BN, 1), lambda i: (i, 0)),
            pl.BlockSpec((BN, D), lambda i: (i, 0)),
        ],
        out_shape=[
            jax.ShapeDtypeStruct((N, R * D), jnp.float32),
            jax.ShapeDtypeStruct((N, R), jnp.float32),
            jax.ShapeDtypeStruct((N, 1), jnp.float32),
            jax.ShapeDtypeStruct((N, D), jnp.float32),
        ],
    )(h, w2, wss, b.reshape(1, D), wg.reshape(1, D), am.reshape(1, D),
      ad.reshape(1, D))


def _edge_body(src_ref, et_ref, fx_ref, hi_ref, lo_ref):
    fx = src_ref[...] * R + et_ref[...]
    fx_ref[...] = fx
    hi_ref[...] = lax.shift_right_logical(fx, 4)
    lo_ref[...] = lax.bitwise_and(fx, 15)


def _edge_pre(src, et):
    e2 = (E // D, D)
    return pl.pallas_call(
        _edge_body,
        grid=(1,),
        in_specs=[pl.BlockSpec(e2, lambda i: (0, 0))] * 2,
        out_specs=[pl.BlockSpec(e2, lambda i: (0, 0))] * 3,
        out_shape=[jax.ShapeDtypeStruct(e2, jnp.int32)] * 3,
    )(src.reshape(e2), et.reshape(e2))


def _epi_body_act(agg_ref, den_ref, sp_ref, o_ref):
    a = agg_ref[0] + agg_ref[1]
    dn = den_ref[0, :, 0:1] + den_ref[1, :, 0:1]
    o_ref[...] = jax.nn.relu(a / (dn + 1e-9) + sp_ref[...])


def _epi_body_noact(agg_ref, den_ref, sp_ref, o_ref):
    a = agg_ref[0] + agg_ref[1]
    dn = den_ref[0, :, 0:1] + den_ref[1, :, 0:1]
    o_ref[...] = a / (dn + 1e-9) + sp_ref[...]


def _epilogue(agg2, den2, sp, act):
    return pl.pallas_call(
        _epi_body_act if act else _epi_body_noact,
        grid=(N // BN,),
        in_specs=[
            pl.BlockSpec((2, BN, D), lambda i: (0, i, 0)),
            pl.BlockSpec((2, BN, 16), lambda i: (0, i, 0)),
            pl.BlockSpec((BN, D), lambda i: (i, 0)),
        ],
        out_specs=pl.BlockSpec((BN, D), lambda i: (i, 0)),
        out_shape=jax.ShapeDtypeStruct((N, D), jnp.float32),
    )(agg2, den2, sp)



_MESH = plsc.VectorSubcoreMesh(core_axis_name="c", subcore_axis_name="s")

_CP = pltpu.CompilerParams()
if "needs_layout_passes" in pltpu.CompilerParams.__dataclass_fields__:
    _CP = dataclasses.replace(_CP, needs_layout_passes=False)
if "use_tc_tiling_on_sc" in pltpu.CompilerParams.__dataclass_fields__:
    _CP = dataclasses.replace(_CP, use_tc_tiling_on_sc=False)


@functools.partial(
    pl.kernel,
    compiler_params=_CP,
    out_type=[
        jax.ShapeDtypeStruct((2, NPAD, D), jnp.float32),
        jax.ShapeDtypeStruct((2, NPAD, 16), jnp.float32),
    ],
    mesh=_MESH,
    scratch_types=[
        pltpu.VMEM((N,), jnp.float32),
        pltpu.VMEM((4, C), jnp.int32),
        pltpu.VMEM((C, D), jnp.float32),
        pltpu.VMEM((C, 16), jnp.float32),
        pltpu.VMEM((C, 16), jnp.float32),
        pltpu.VMEM_SHARED((NPAD, D), jnp.float32),
        pltpu.VMEM_SHARED((NPAD, 16), jnp.float32),
    ],
)
def _sc_edge(hproj_hbm, snode_hbm, d_hbm, edata_hbm, agg_out, den_out,
             d_v, ebuf_v, rows_v, sblk_v, denb_v, agg_sh, den_sh):
    core = lax.axis_index("c")
    sub = lax.axis_index("s")
    wid = core * 16 + sub
    iota = lax.iota(jnp.int32, 16)
    zero16 = jnp.zeros((16,), jnp.float32)
    zidx = jnp.zeros((16,), jnp.int32)

    pltpu.sync_copy(d_hbm, d_v)

    @pl.loop(0, C)
    def _(i):
        row = jnp.full((16,), i, jnp.int32)
        plsc.store_scatter(denb_v, [row, iota], zero16)

    @pl.loop(0, C)
    def _(i):
        row = jnp.full((16,), i, jnp.int32)
        for j in range(8):
            plsc.store_scatter(rows_v, [row, iota + j * 16], zero16)

    nbase = sub * NPW
    @pl.loop(0, NPW // C)
    def _(k):
        pltpu.sync_copy(rows_v, agg_sh.at[pl.ds(nbase + k * C, C)])
        pltpu.sync_copy(denb_v, den_sh.at[pl.ds(nbase + k * C, C)])

    plsc.subcore_barrier()

    @pl.loop(0, NCHUNK)
    def _(c):
        pltpu.sync_copy(edata_hbm.at[wid * NCHUNK + c], ebuf_v)
        pltpu.sync_copy(hproj_hbm.at[ebuf_v.at[0]], rows_v)
        pltpu.sync_copy(snode_hbm.at[ebuf_v.at[1]], sblk_v)

        for g in range(C // 16):
            lanes = iota + g * 16
            lo = plsc.load_gather(ebuf_v, [jnp.full((16,), 2, jnp.int32), lanes])
            dstg = plsc.load_gather(ebuf_v, [jnp.full((16,), 3, jnp.int32), lanes])
            s = plsc.load_gather(sblk_v, [lanes, lo])
            dd = plsc.load_gather(d_v, [dstg])
            t = s + dd
            sc = jnp.minimum(jnp.maximum(t, 0.2 * t), 80.0)
            ex = jnp.exp(sc)
            plsc.store_scatter(denb_v, [lanes, zidx], ex)

        @pl.loop(0, C)
        def _(e):
            erow = jnp.full((16,), e, jnp.int32)
            exb = plsc.load_gather(denb_v, [erow, zidx])
            for j in range(8):
                col = iota + j * 16
                v = plsc.load_gather(rows_v, [erow, col])
                plsc.store_scatter(rows_v, [erow, col], v * exb)

        pltpu.sync_copy(rows_v, agg_sh.at[ebuf_v.at[3]], add=True)
        pltpu.sync_copy(denb_v, den_sh.at[ebuf_v.at[3]], add=True)

    plsc.subcore_barrier()

    @pl.loop(0, NPW // C)
    def _(k):
        pltpu.sync_copy(agg_sh.at[pl.ds(nbase + k * C, C)],
                        agg_out.at[core, pl.ds(nbase + k * C, C)])
        pltpu.sync_copy(den_sh.at[pl.ds(nbase + k * C, C)],
                        den_out.at[core, pl.ds(nbase + k * C, C)])



def _layer(h, p, edata, act):
    w2 = p['Wr'].transpose(1, 0, 2).reshape(D, R * D)
    wss = p['Wself'] + p['Wskip'] if 'Wskip' in p else p['Wself']
    hpg, sn, d, sp = _dense(h, w2, wss, p['b'], p['wg'], p['am'], p['ad'])
    agg2, den2 = _sc_edge(hpg.reshape(N * R, D), sn.reshape(N * R // 16, 16),
                          d.reshape(N), edata)
    return _epilogue(agg2, den2, sp, act)


def kernel(x, edge_index, edge_type, params):
    src = edge_index[0]
    dst = edge_index[1]
    fx, hi, lo = _edge_pre(src, edge_type)
    edata = jnp.stack(
        [fx.reshape(E), hi.reshape(E), lo.reshape(E), dst],
        axis=0).reshape(4, E // C, C).transpose(1, 0, 2)
    h = _embed(x, params['emb_W'], params['emb_b'])
    h = _layer(h, params['l1'], edata, True)
    h = _layer(h, params['l2'], edata, True)
    h = _layer(h, params['l3'], edata, False)
    return h

# --- scband reference (transcript-rebuilt; emitter-appended) ---
"""Pipeline reference for scband-classifier-72816875536719 (READ-ONLY COPY).

The authoritative reference and input builder live on the scoring server;
editing this copy changes nothing except your own understanding.
"""

import jax, jax.numpy as jnp
import numpy as np

N = 10000
E = 320000
R = 8
IN_DIM = 128
H1 = 128
H2 = 128
H3 = 128
H4 = 128


def _glorot(key, shape):
    fan_in = shape[-2] if len(shape) >= 2 else shape[-1]
    return jax.random.normal(key, shape, dtype=jnp.float32) / jnp.sqrt(jnp.float32(fan_in))


def _layer_params(key, din, dout, skip_dim):
    ks = jax.random.split(key, 7)
    p = {
        'Wr': _glorot(ks[0], (R, din, dout)),
        'Wself': _glorot(ks[1], (din, dout)),
        'b': jnp.zeros((dout,), dtype=jnp.float32),
        'wg': _glorot(ks[2], (din,)),
        'am': _glorot(ks[3], (dout,)),
        'ad': _glorot(ks[4], (din,)),
    }
    if skip_dim is not None:
        p['Wskip'] = _glorot(ks[5], (skip_dim, dout))
    return p


def setup_inputs(seed: int = 0):
    key = jax.random.key(seed)
    ks = jax.random.split(key, 8)
    x = jax.random.normal(ks[0], (N, IN_DIM), dtype=jnp.float32)
    edge_index = jax.random.randint(ks[1], (2, E), 0, N, dtype=jnp.int32)
    edge_type = jax.random.randint(ks[2], (E,), 0, R, dtype=jnp.int32)
    params = {
        'emb_W': _glorot(ks[3], (IN_DIM, H1)),
        'emb_b': jnp.zeros((H1,), dtype=jnp.float32),
        'l1': _layer_params(ks[4], H1, H2, None),
        'l2': _layer_params(ks[5], H2, H3, H2),
        'l3': _layer_params(ks[6], H3, H4, H3),
    }
    return {'x': x, 'edge_index': edge_index, 'edge_type': edge_type, 'params': params}


def _rgcn_layer(h, src, dst, etype, p, activation):
    # relation-specific projection: [N, R, dout], then per-edge gather by (src, etype)
    hproj = jnp.einsum('nd,rdo->nro', h, p['Wr'])
    msg = hproj[src, etype]                                   # [E, dout] gather
    # edge gate (gated=True)
    gate = jax.nn.sigmoid(h[src] @ p['wg'])                   # [E]
    # edge attention (attention=True): segment softmax over incoming edges per dst
    score = jax.nn.leaky_relu(msg @ p['am'] + h[dst] @ p['ad'], negative_slope=0.2)
    smax = jax.ops.segment_max(score, dst, num_segments=N)
    smax = jnp.where(jnp.isfinite(smax), smax, 0.0)
    smax = jax.lax.stop_gradient(smax)
    ex = jnp.exp(score - smax[dst])
    den = jax.ops.segment_sum(ex, dst, num_segments=N)
    alpha = ex / (den[dst] + 1e-9)
    weighted = msg * (alpha * gate)[:, None]
    agg = jax.ops.segment_sum(weighted, dst, num_segments=N)  # scatter-add
    out = agg + h @ p['Wself'] + p['b']
    if 'Wskip' in p:                                          # skip connection (skip=True, k=1)
        out = out + h @ p['Wskip']
    if activation:
        out = jax.nn.relu(out)
    return out


def reference(x, edge_index, edge_type, params):
    src = edge_index[0]
    dst = edge_index[1]
    # Embed_Layer: in_dim -> h_dim with relu
    h = jax.nn.relu(x @ params['emb_W'] + params['emb_b'])
    # three RGCN hidden layers (last one has no activation), dropout=0.0
    h = _rgcn_layer(h, src, dst, edge_type, params['l1'], True)
    h = _rgcn_layer(h, src, dst, edge_type, params['l2'], True)
    h = _rgcn_layer(h, src, dst, edge_type, params['l3'], False)
    return h

if __name__ == "__main__":
    import jax
    _d = setup_inputs()
    print(jax.jit(kernel)(*tuple(_d.values())))

</pallas_src>

<mosaic_0001>
#map = affine_map<(d0, d1) -> (0, 0)>
#map1 = affine_map<(d0, d1) -> (0)>
#map2 = affine_map<(d0, d1) -> (0, 0, 0)>
module attributes {stable_mosaic.version = 14 : i64} {
  func.func @_sc_edge(%arg0: i32, %arg1: i32, %arg2: memref<80000x128xf32, #tpu.memory_space<hbm>>, %arg3: memref<5000x16xf32, #tpu.memory_space<hbm>>, %arg4: memref<10000xf32, #tpu.memory_space<hbm>>, %arg5: memref<4000x4x80xi32, #tpu.memory_space<hbm>>, %arg6: memref<2x10240x128xf32, #tpu.memory_space<hbm>>, %arg7: memref<2x10240x16xf32, #tpu.memory_space<hbm>>, %arg8: memref<10000xf32, #tpu.memory_space<vmem>>, %arg9: memref<4x80xi32, #tpu.memory_space<vmem>>, %arg10: memref<80x128xf32, #tpu.memory_space<vmem>>, %arg11: memref<80x16xf32, #tpu.memory_space<vmem>>, %arg12: memref<80x16xf32, #tpu.memory_space<vmem>>, %arg13: memref<10240x128xf32, #tpu.memory_space<vmem_shared>>, %arg14: memref<10240x16xf32, #tpu.memory_space<vmem_shared>>) attributes {dimension_semantics = [#tpu.dimension_semantics<core_parallel>, #tpu.dimension_semantics<subcore_parallel>], iteration_bounds = array<i64: 2, 16>, scalar_prefetch = 0 : i64, scratch_operands = 7 : i64, tpu.core_type = #tpu.core_type<sc_vector_subcore>, window_params = [{transform_indices = #map}, {transform_indices = #map}, {transform_indices = #map1}, {transform_indices = #map2}, {transform_indices = #map2}, {transform_indices = #map2}]} {
    %mul3A = arith.constant 16 : i32
    %mul3A_0 = arith.muli %arg0, %mul3A : i32
    %add3A = arith.addi %mul3A_0, %arg1 : i32
    %iota3A = tpu.iota {dimensions = array<i32: 0>} : vector<16xi32>
    %broadcast_in_dim3A = arith.constant 0.000000e+00 : f32
    %broadcast_in_dim3A_1 = vector.broadcast %broadcast_in_dim3A : f32 to vector<16xf32>
    %broadcast_in_dim3A_2 = arith.constant 0 : i32
    %broadcast_in_dim3A_3 = vector.broadcast %broadcast_in_dim3A_2 : i32 to vector<16xi32>
    "tpu.region"() ({
      %run_scoped3A = tpu.sem_alloc : memref<!tpu.dma_semaphore, #tpu.memory_space<semaphore_mem>>
      tpu.enqueue_dma source(%arg4 : memref<10000xf32, #tpu.memory_space<hbm>>) target(%arg8 : memref<10000xf32, #tpu.memory_space<vmem>>) target_semaphore(%run_scoped3A : memref<!tpu.dma_semaphore, #tpu.memory_space<semaphore_mem>>)
      tpu.wait_dma2 semaphore(%run_scoped3A : memref<!tpu.dma_semaphore, #tpu.memory_space<semaphore_mem>>) src(%arg4 : memref<10000xf32, #tpu.memory_space<hbm>>) dst(%arg8 : memref<10000xf32, #tpu.memory_space<vmem>>)
      tpu.yield
    }) : () -> ()
    %scan3A = arith.constant 0 : i32
    %scan3A_4 = arith.constant 80 : i32
    %scan3A_5 = arith.addi %scan3A, %scan3A_4 : i32
    %scan3A_6 = arith.constant 1 : i32
    scf.for %scan3A_31 = %scan3A to %scan3A_5 step %scan3A_6  : i32 {
      %mul3A_32 = arith.constant 1 : i32
      %mul3A_33 = arith.muli %scan3A_31, %mul3A_32 : i32
      %add3A_34 = arith.constant 0 : i32
      %add3A_35 = arith.addi %add3A_34, %mul3A_33 : i32
      %broadcast_in_dim3A_36 = vector.broadcast %add3A_35 : i32 to vector<16xi32>
      tpu.vector_store_idx %arg12[%broadcast_in_dim3A_36, %iota3A], %broadcast_in_dim3A_1 : memref<80x16xf32, #tpu.memory_space<vmem>>[vector<16xi32>, vector<16xi32>], vector<16xf32>,
    }
    %scan3A_7 = arith.constant 80 : i32
    %scan3A_8 = arith.constant 0 : i32
    %scan3A_9 = arith.constant 80 : i32
    %scan3A_10 = arith.addi %scan3A_8, %scan3A_9 : i32
    %scan3A_11 = arith.constant 1 : i32
    scf.for %scan3A_31 = %scan3A_8 to %scan3A_10 step %scan3A_11  : i32 {
      %mul3A_32 = arith.constant 1 : i32
      %mul3A_33 = arith.muli %scan3A_31, %mul3A_32 : i32
      %add3A_34 = arith.constant 0 : i32
      %add3A_35 = arith.addi %add3A_34, %mul3A_33 : i32
      %broadcast_in_dim3A_36 = vector.broadcast %add3A_35 : i32 to vector<16xi32>
      %add3A_37 = arith.constant 0 : i32
      %add3A_38 = vector.broadcast %add3A_37 : i32 to vector<16xi32>
      %add3A_39 = arith.addi %iota3A, %add3A_38 : vector<16xi32>
      tpu.vector_store_idx %arg10[%broadcast_in_dim3A_36, %add3A_39], %broadcast_in_dim3A_1 : memref<80x128xf32, #tpu.memory_space<vmem>>[vector<16xi32>, vector<16xi32>], vector<16xf32>,
      %add3A_40 = arith.constant 16 : i32
      %add3A_41 = vector.broadcast %add3A_40 : i32 to vector<16xi32>
      %add3A_42 = arith.addi %iota3A, %add3A_41 : vector<16xi32>
      tpu.vector_store_idx %arg10[%broadcast_in_dim3A_36, %add3A_42], %broadcast_in_dim3A_1 : memref<80x128xf32, #tpu.memory_space<vmem>>[vector<16xi32>, vector<16xi32>], vector<16xf32>,
      %add3A_43 = arith.constant 32 : i32
      %add3A_44 = vector.broadcast %add3A_43 : i32 to vector<16xi32>
      %add3A_45 = arith.addi %iota3A, %add3A_44 : vector<16xi32>
      tpu.vector_store_idx %arg10[%broadcast_in_dim3A_36, %add3A_45], %broadcast_in_dim3A_1 : memref<80x128xf32, #tpu.memory_space<vmem>>[vector<16xi32>, vector<16xi32>], vector<16xf32>,
      %add3A_46 = arith.constant 48 : i32
      %add3A_47 = vector.broadcast %add3A_46 : i32 to vector<16xi32>
      %add3A_48 = arith.addi %iota3A, %add3A_47 : vector<16xi32>
      tpu.vector_store_idx %arg10[%broadcast_in_dim3A_36, %add3A_48], %broadcast_in_dim3A_1 : memref<80x128xf32, #tpu.memory_space<vmem>>[vector<16xi32>, vector<16xi32>], vector<16xf32>,
      %add3A_49 = arith.constant 64 : i32
      %add3A_50 = vector.broadcast %add3A_49 : i32 to vector<16xi32>
      %add3A_51 = arith.addi %iota3A, %add3A_50 : vector<16xi32>
      tpu.vector_store_idx %arg10[%broadcast_in_dim3A_36, %add3A_51], %broadcast_in_dim3A_1 : memref<80x128xf32, #tpu.memory_space<vmem>>[vector<16xi32>, vector<16xi32>], vector<16xf32>,
      %add3A_52 = arith.constant 80 : i32
      %add3A_53 = vector.broadcast %add3A_52 : i32 to vector<16xi32>
      %add3A_54 = arith.addi %iota3A, %add3A_53 : vector<16xi32>
      tpu.vector_store_idx %arg10[%broadcast_in_dim3A_36, %add3A_54], %broadcast_in_dim3A_1 : memref<80x128xf32, #tpu.memory_space<vmem>>[vector<16xi32>, vector<16xi32>], vector<16xf32>,
      %add3A_55 = arith.constant 96 : i32
      %add3A_56 = vector.broadcast %add3A_55 : i32 to vector<16xi32>
      %add3A_57 = arith.addi %iota3A, %add3A_56 : vector<16xi32>
      tpu.vector_store_idx %arg10[%broadcast_in_dim3A_36, %add3A_57], %broadcast_in_dim3A_1 : memref<80x128xf32, #tpu.memory_space<vmem>>[vector<16xi32>, vector<16xi32>], vector<16xf32>,
      %add3A_58 = arith.constant 112 : i32
      %add3A_59 = vector.broadcast %add3A_58 : i32 to vector<16xi32>
      %add3A_60 = arith.addi %iota3A, %add3A_59 : vector<16xi32>
      tpu.vector_store_idx %arg10[%broadcast_in_dim3A_36, %add3A_60], %broadcast_in_dim3A_1 : memref<80x128xf32, #tpu.memory_space<vmem>>[vector<16xi32>, vector<16xi32>], vector<16xf32>,
    }
    %scan3A_12 = arith.constant 80 : i32
    %mul3A_13 = arith.constant 640 : i32
    %mul3A_14 = arith.muli %arg1, %mul3A_13 : i32
    %scan3A_15 = arith.constant 0 : i32
    %scan3A_16 = arith.constant 8 : i32
    %scan3A_17 = arith.addi %scan3A_15, %scan3A_16 : i32
    %scan3A_18 = arith.constant 1 : i32
    scf.for %scan3A_31 = %scan3A_15 to %scan3A_17 step %scan3A_18  : i32 {
      %mul3A_32 = arith.constant 1 : i32
      %mul3A_33 = arith.muli %scan3A_31, %mul3A_32 : i32
      %add3A_34 = arith.constant 0 : i32
      %add3A_35 = arith.addi %add3A_34, %mul3A_33 : i32
      %mul3A_36 = arith.constant 80 : i32
      %mul3A_37 = arith.muli %add3A_35, %mul3A_36 : i32
      %add3A_38 = arith.addi %mul3A_14, %mul3A_37 : i32
      "tpu.region"() ({
        %run_scoped3A = tpu.sem_alloc : memref<!tpu.dma_semaphore, #tpu.memory_space<semaphore_mem>>
        %dma_start3A = arith.constant 0 : i32
        %dma_start3A_42 = tpu.memref_slice %arg13[%add3A_38, %dma_start3A] : memref<10240x128xf32, #tpu.memory_space<vmem_shared>> -> memref<80x128xf32, #tpu.memory_space<vmem_shared>>
        %dma_start3A_43 = arith.constant 0 : i32
        %dma_start3A_44 = tpu.memref_slice %arg13[%add3A_38, %dma_start3A_43] : memref<10240x128xf32, #tpu.memory_space<vmem_shared>> -> memref<80x128xf32, #tpu.memory_space<vmem_shared>>
        tpu.enqueue_dma source(%arg10 : memref<80x128xf32, #tpu.memory_space<vmem>>) target(%dma_start3A_44 : memref<80x128xf32, #tpu.memory_space<vmem_shared>>) target_semaphore(%run_scoped3A : memref<!tpu.dma_semaphore, #tpu.memory_space<semaphore_mem>>)
        %dma_wait3A = arith.constant 0 : i32
        %dma_wait3A_45 = tpu.memref_slice %arg13[%add3A_38, %dma_wait3A] : memref<10240x128xf32, #tpu.memory_space<vmem_shared>> -> memref<80x128xf32, #tpu.memory_space<vmem_shared>>
        %dma_wait3A_46 = arith.constant 0 : i32
        %dma_wait3A_47 = tpu.memref_slice %arg13[%add3A_38, %dma_wait3A_46] : memref<10240x128xf32, #tpu.memory_space<vmem_shared>> -> memref<80x128xf32, #tpu.memory_space<vmem_shared>>
        tpu.wait_dma2 semaphore(%run_scoped3A : memref<!tpu.dma_semaphore, #tpu.memory_space<semaphore_mem>>) src(%arg10 : memref<80x128xf32, #tpu.memory_space<vmem>>) dst(%dma_wait3A_47 : memref<80x128xf32, #tpu.memory_space<vmem_shared>>)
        tpu.yield
      }) : () -> ()
      %mul3A_39 = arith.constant 80 : i32
      %mul3A_40 = arith.muli %add3A_35, %mul3A_39 : i32
      %add3A_41 = arith.addi %mul3A_14, %mul3A_40 : i32
      "tpu.region"() ({
        %run_scoped3A = tpu.sem_alloc : memref<!tpu.dma_semaphore, #tpu.memory_space<semaphore_mem>>
        %dma_start3A = arith.constant 0 : i32
        %dma_start3A_42 = tpu.memref_slice %arg14[%add3A_41, %dma_start3A] : memref<10240x16xf32, #tpu.memory_space<vmem_shared>> -> memref<80x16xf32, #tpu.memory_space<vmem_shared>>
        %dma_start3A_43 = arith.constant 0 : i32
        %dma_start3A_44 = tpu.memref_slice %arg14[%add3A_41, %dma_start3A_43] : memref<10240x16xf32, #tpu.memory_space<vmem_shared>> -> memref<80x16xf32, #tpu.memory_space<vmem_shared>>
        tpu.enqueue_dma source(%arg12 : memref<80x16xf32, #tpu.memory_space<vmem>>) target(%dma_start3A_44 : memref<80x16xf32, #tpu.memory_space<vmem_shared>>) target_semaphore(%run_scoped3A : memref<!tpu.dma_semaphore, #tpu.memory_space<semaphore_mem>>)
        %dma_wait3A = arith.constant 0 : i32
        %dma_wait3A_45 = tpu.memref_slice %arg14[%add3A_41, %dma_wait3A] : memref<10240x16xf32, #tpu.memory_space<vmem_shared>> -> memref<80x16xf32, #tpu.memory_space<vmem_shared>>
        %dma_wait3A_46 = arith.constant 0 : i32
        %dma_wait3A_47 = tpu.memref_slice %arg14[%add3A_41, %dma_wait3A_46] : memref<10240x16xf32, #tpu.memory_space<vmem_shared>> -> memref<80x16xf32, #tpu.memory_space<vmem_shared>>
        tpu.wait_dma2 semaphore(%run_scoped3A : memref<!tpu.dma_semaphore, #tpu.memory_space<semaphore_mem>>) src(%arg12 : memref<80x16xf32, #tpu.memory_space<vmem>>) dst(%dma_wait3A_47 : memref<80x16xf32, #tpu.memory_space<vmem_shared>>)
        tpu.yield
      }) : () -> ()
    }
    %scan3A_19 = arith.constant 8 : i32
    %barrier3A = arith.constant 0 : index
    tpu.barrier barrier_id(%barrier3A)
    %scan3A_20 = arith.constant 0 : i32
    %scan3A_21 = arith.constant 125 : i32
    %scan3A_22 = arith.addi %scan3A_20, %scan3A_21 : i32
    %scan3A_23 = arith.constant 1 : i32
    scf.for %scan3A_31 = %scan3A_20 to %scan3A_22 step %scan3A_23  : i32 {
      %mul3A_32 = arith.constant 1 : i32
      %mul3A_33 = arith.muli %scan3A_31, %mul3A_32 : i32
      %add3A_34 = arith.constant 0 : i32
      %add3A_35 = arith.addi %add3A_34, %mul3A_33 : i32
      %mul3A_36 = arith.constant 125 : i32
      %mul3A_37 = arith.muli %add3A, %mul3A_36 : i32
      %add3A_38 = arith.addi %mul3A_37, %add3A_35 : i32
      "tpu.region"() ({
        %run_scoped3A_143 = tpu.sem_alloc : memref<!tpu.dma_semaphore, #tpu.memory_space<semaphore_mem>>
        %dma_start3A = arith.constant 0 : i32
        %dma_start3A_144 = arith.constant 0 : i32
        %dma_start3A_145 = tpu.memref_slice %arg5[%add3A_38, %dma_start3A, %dma_start3A_144] : memref<4000x4x80xi32, #tpu.memory_space<hbm>> -> memref<1x4x80xi32, #tpu.memory_space<hbm>>
        %dma_start3A_146 = tpu.memref_squeeze %dma_start3A_145 : memref<1x4x80xi32, #tpu.memory_space<hbm>> -> memref<4x80xi32, #tpu.memory_space<hbm>>
        %dma_start3A_147 = arith.constant 0 : i32
        %dma_start3A_148 = arith.constant 0 : i32
        %dma_start3A_149 = tpu.memref_slice %arg5[%add3A_38, %dma_start3A_147, %dma_start3A_148] : memref<4000x4x80xi32, #tpu.memory_space<hbm>> -> memref<1x4x80xi32, #tpu.memory_space<hbm>>
        %dma_start3A_150 = tpu.memref_squeeze %dma_start3A_149 : memref<1x4x80xi32, #tpu.memory_space<hbm>> -> memref<4x80xi32, #tpu.memory_space<hbm>>
        tpu.enqueue_dma source(%dma_start3A_150 : memref<4x80xi32, #tpu.memory_space<hbm>>) target(%arg9 : memref<4x80xi32, #tpu.memory_space<vmem>>) target_semaphore(%run_scoped3A_143 : memref<!tpu.dma_semaphore, #tpu.memory_space<semaphore_mem>>)
        %dma_wait3A = arith.constant 0 : i32
        %dma_wait3A_151 = arith.constant 0 : i32
        %dma_wait3A_152 = tpu.memref_slice %arg5[%add3A_38, %dma_wait3A, %dma_wait3A_151] : memref<4000x4x80xi32, #tpu.memory_space<hbm>> -> memref<1x4x80xi32, #tpu.memory_space<hbm>>
        %dma_wait3A_153 = tpu.memref_squeeze %dma_wait3A_152 : memref<1x4x80xi32, #tpu.memory_space<hbm>> -> memref<4x80xi32, #tpu.memory_space<hbm>>
        %dma_wait3A_154 = arith.constant 0 : i32
        %dma_wait3A_155 = arith.constant 0 : i32
        %dma_wait3A_156 = tpu.memref_slice %arg5[%add3A_38, %dma_wait3A_154, %dma_wait3A_155] : memref<4000x4x80xi32, #tpu.memory_space<hbm>> -> memref<1x4x80xi32, #tpu.memory_space<hbm>>
        %dma_wait3A_157 = tpu.memref_squeeze %dma_wait3A_156 : memref<1x4x80xi32, #tpu.memory_space<hbm>> -> memref<4x80xi32, #tpu.memory_space<hbm>>
        tpu.wait_dma2 semaphore(%run_scoped3A_143 : memref<!tpu.dma_semaphore, #tpu.memory_space<semaphore_mem>>) src(%dma_wait3A_157 : memref<4x80xi32, #tpu.memory_space<hbm>>) dst(%arg9 : memref<4x80xi32, #tpu.memory_space<vmem>>)
        tpu.yield
      }) : () -> ()
      %run_scoped3A = arith.constant 0 : i32
      "tpu.region"() ({
        %run_scoped3A_143 = tpu.sem_alloc : memref<!tpu.dma_semaphore, #tpu.memory_space<semaphore_mem>>
        %dma_start3A = arith.constant 0 : i32
        %dma_start3A_144 = tpu.memref_slice %arg9[%run_scoped3A, %dma_start3A] : memref<4x80xi32, #tpu.memory_space<vmem>> -> memref<1x80xi32, #tpu.memory_space<vmem>>
        %dma_start3A_145 = tpu.memref_squeeze %dma_start3A_144 : memref<1x80xi32, #tpu.memory_space<vmem>> -> memref<80xi32, #tpu.memory_space<vmem>>
        %dma_start3A_146 = arith.constant 0 : i32
        %dma_start3A_147 = arith.constant 0 : i32
        %dma_start3A_148 = tpu.memref_slice %arg2[%dma_start3A_146, %dma_start3A_147] : memref<80000x128xf32, #tpu.memory_space<hbm>> -> memref<80000x128xf32, #tpu.memory_space<hbm>>
        tpu.enqueue_indirect_dma source(%dma_start3A_148 : memref<80000x128xf32, #tpu.memory_space<hbm>>) target(%arg10 : memref<80x128xf32, #tpu.memory_space<vmem>>) offsets(%dma_start3A_145 : memref<80xi32, #tpu.memory_space<vmem>>) semaphore(%run_scoped3A_143 : memref<!tpu.dma_semaphore, #tpu.memory_space<semaphore_mem>>)
        %dma_wait3A = arith.constant 0 : i32
        %dma_wait3A_149 = tpu.memref_slice %arg9[%run_scoped3A, %dma_wait3A] : memref<4x80xi32, #tpu.memory_space<vmem>> -> memref<1x80xi32, #tpu.memory_space<vmem>>
        %dma_wait3A_150 = tpu.memref_squeeze %dma_wait3A_149 : memref<1x80xi32, #tpu.memory_space<vmem>> -> memref<80xi32, #tpu.memory_space<vmem>>
        %dma_wait3A_151 = arith.constant 0 : i32
        %dma_wait3A_152 = arith.constant 0 : i32
        %dma_wait3A_153 = tpu.memref_slice %arg2[%dma_wait3A_151, %dma_wait3A_152] : memref<80000x128xf32, #tpu.memory_space<hbm>> -> memref<80000x128xf32, #tpu.memory_space<hbm>>
        tpu.wait_indirect_dma semaphore(%run_scoped3A_143 : memref<!tpu.dma_semaphore, #tpu.memory_space<semaphore_mem>>) src(%dma_wait3A_153 : memref<80000x128xf32, #tpu.memory_space<hbm>>) dst(%arg10 : memref<80x128xf32, #tpu.memory_space<vmem>>)
        tpu.yield
      }) : () -> ()
      %run_scoped3A_39 = arith.constant 1 : i32
      "tpu.region"() ({
        %run_scoped3A_143 = tpu.sem_alloc : memref<!tpu.dma_semaphore, #tpu.memory_space<semaphore_mem>>
        %dma_start3A = arith.constant 0 : i32
        %dma_start3A_144 = tpu.memref_slice %arg9[%run_scoped3A_39, %dma_start3A] : memref<4x80xi32, #tpu.memory_space<vmem>> -> memref<1x80xi32, #tpu.memory_space<vmem>>
        %dma_start3A_145 = tpu.memref_squeeze %dma_start3A_144 : memref<1x80xi32, #tpu.memory_space<vmem>> -> memref<80xi32, #tpu.memory_space<vmem>>
        %dma_start3A_146 = arith.constant 0 : i32
        %dma_start3A_147 = arith.constant 0 : i32
        %dma_start3A_148 = tpu.memref_slice %arg3[%dma_start3A_146, %dma_start3A_147] : memref<5000x16xf32, #tpu.memory_space<hbm>> -> memref<5000x16xf32, #tpu.memory_space<hbm>>
        tpu.enqueue_indirect_dma source(%dma_start3A_148 : memref<5000x16xf32, #tpu.memory_space<hbm>>) target(%arg11 : memref<80x16xf32, #tpu.memory_space<vmem>>) offsets(%dma_start3A_145 : memref<80xi32, #tpu.memory_space<vmem>>) semaphore(%run_scoped3A_143 : memref<!tpu.dma_semaphore, #tpu.memory_space<semaphore_mem>>)
        %dma_wait3A = arith.constant 0 : i32
        %dma_wait3A_149 = tpu.memref_slice %arg9[%run_scoped3A_39, %dma_wait3A] : memref<4x80xi32, #tpu.memory_space<vmem>> -> memref<1x80xi32, #tpu.memory_space<vmem>>
        %dma_wait3A_150 = tpu.memref_squeeze %dma_wait3A_149 : memref<1x80xi32, #tpu.memory_space<vmem>> -> memref<80xi32, #tpu.memory_space<vmem>>
        %dma_wait3A_151 = arith.constant 0 : i32
        %dma_wait3A_152 = arith.constant 0 : i32
        %dma_wait3A_153 = tpu.memref_slice %arg3[%dma_wait3A_151, %dma_wait3A_152] : memref<5000x16xf32, #tpu.memory_space<hbm>> -> memref<5000x16xf32, #tpu.memory_space<hbm>>
        tpu.wait_indirect_dma semaphore(%run_scoped3A_143 : memref<!tpu.dma_semaphore, #tpu.memory_space<semaphore_mem>>) src(%dma_wait3A_153 : memref<5000x16xf32, #tpu.memory_space<hbm>>) dst(%arg11 : memref<80x16xf32, #tpu.memory_space<vmem>>)
        tpu.yield
      }) : () -> ()
      %add3A_40 = arith.constant 0 : i32
      %add3A_41 = vector.broadcast %add3A_40 : i32 to vector<16xi32>
      %add3A_42 = arith.addi %iota3A, %add3A_41 : vector<16xi32>
      %broadcast_in_dim3A_43 = arith.constant 2 : i32
      %broadcast_in_dim3A_44 = vector.broadcast %broadcast_in_dim3A_43 : i32 to vector<16xi32>
      %gather3A = tpu.vector_load_idx %arg9[%broadcast_in_dim3A_44, %add3A_42] : memref<4x80xi32, #tpu.memory_space<vmem>>[vector<16xi32>, vector<16xi32>], vector<16xi32>,
      %broadcast_in_dim3A_45 = arith.constant 3 : i32
      %broadcast_in_dim3A_46 = vector.broadcast %broadcast_in_dim3A_45 : i32 to vector<16xi32>
      %gather3A_47 = tpu.vector_load_idx %arg9[%broadcast_in_dim3A_46, %add3A_42] : memref<4x80xi32, #tpu.memory_space<vmem>>[vector<16xi32>, vector<16xi32>], vector<16xi32>,
      %gather3A_48 = tpu.vector_load_idx %arg11[%add3A_42, %gather3A] : memref<80x16xf32, #tpu.memory_space<vmem>>[vector<16xi32>, vector<16xi32>], vector<16xf32>,
      %gather3A_49 = tpu.vector_load_idx %arg8[%gather3A_47] : memref<10000xf32, #tpu.memory_space<vmem>>[vector<16xi32>], vector<16xf32>,
      %add3A_50 = arith.addf %gather3A_48, %gather3A_49 : vector<16xf32>
      %mul3A_51 = arith.constant 2.000000e-01 : f32
      %mul3A_52 = vector.broadcast %mul3A_51 : f32 to vector<16xf32>
      %mul3A_53 = arith.mulf %mul3A_52, %add3A_50 : vector<16xf32>
      %max3A = arith.maximumf %add3A_50, %mul3A_53 : vector<16xf32>
      %min3A = arith.constant 8.000000e+01 : f32
      %min3A_54 = vector.broadcast %min3A : f32 to vector<16xf32>
      %min3A_55 = arith.minimumf %max3A, %min3A_54 : vector<16xf32>
      %exp3A = math.exp %min3A_55 : vector<16xf32>
      tpu.vector_store_idx %arg12[%add3A_42, %broadcast_in_dim3A_3], %exp3A : memref<80x16xf32, #tpu.memory_space<vmem>>[vector<16xi32>, vector<16xi32>], vector<16xf32>,
      %add3A_56 = arith.constant 16 : i32
      %add3A_57 = vector.broadcast %add3A_56 : i32 to vector<16xi32>
      %add3A_58 = arith.addi %iota3A, %add3A_57 : vector<16xi32>
      %broadcast_in_dim3A_59 = arith.constant 2 : i32
      %broadcast_in_dim3A_60 = vector.broadcast %broadcast_in_dim3A_59 : i32 to vector<16xi32>
      %gather3A_61 = tpu.vector_load_idx %arg9[%broadcast_in_dim3A_60, %add3A_58] : memref<4x80xi32, #tpu.memory_space<vmem>>[vector<16xi32>, vector<16xi32>], vector<16xi32>,
      %broadcast_in_dim3A_62 = arith.constant 3 : i32
      %broadcast_in_dim3A_63 = vector.broadcast %broadcast_in_dim3A_62 : i32 to vector<16xi32>
      %gather3A_64 = tpu.vector_load_idx %arg9[%broadcast_in_dim3A_63, %add3A_58] : memref<4x80xi32, #tpu.memory_space<vmem>>[vector<16xi32>, vector<16xi32>], vector<16xi32>,
      %gather3A_65 = tpu.vector_load_idx %arg11[%add3A_58, %gather3A_61] : memref<80x16xf32, #tpu.memory_space<vmem>>[vector<16xi32>, vector<16xi32>], vector<16xf32>,
      %gather3A_66 = tpu.vector_load_idx %arg8[%gather3A_64] : memref<10000xf32, #tpu.memory_space<vmem>>[vector<16xi32>], vector<16xf32>,
      %add3A_67 = arith.addf %gather3A_65, %gather3A_66 : vector<16xf32>
      %mul3A_68 = arith.constant 2.000000e-01 : f32
      %mul3A_69 = vector.broadcast %mul3A_68 : f32 to vector<16xf32>
      %mul3A_70 = arith.mulf %mul3A_69, %add3A_67 : vector<16xf32>
      %max3A_71 = arith.maximumf %add3A_67, %mul3A_70 : vector<16xf32>
      %min3A_72 = arith.constant 8.000000e+01 : f32
      %min3A_73 = vector.broadcast %min3A_72 : f32 to vector<16xf32>
      %min3A_74 = arith.minimumf %max3A_71, %min3A_73 : vector<16xf32>
      %exp3A_75 = math.exp %min3A_74 : vector<16xf32>
      tpu.vector_store_idx %arg12[%add3A_58, %broadcast_in_dim3A_3], %exp3A_75 : memref<80x16xf32, #tpu.memory_space<vmem>>[vector<16xi32>, vector<16xi32>], vector<16xf32>,
      %add3A_76 = arith.constant 32 : i32
      %add3A_77 = vector.broadcast %add3A_76 : i32 to vector<16xi32>
      %add3A_78 = arith.addi %iota3A, %add3A_77 : vector<16xi32>
      %broadcast_in_dim3A_79 = arith.constant 2 : i32
      %broadcast_in_dim3A_80 = vector.broadcast %broadcast_in_dim3A_79 : i32 to vector<16xi32>
      %gather3A_81 = tpu.vector_load_idx %arg9[%broadcast_in_dim3A_80, %add3A_78] : memref<4x80xi32, #tpu.memory_space<vmem>>[vector<16xi32>, vector<16xi32>], vector<16xi32>,
      %broadcast_in_dim3A_82 = arith.constant 3 : i32
      %broadcast_in_dim3A_83 = vector.broadcast %broadcast_in_dim3A_82 : i32 to vector<16xi32>
      %gather3A_84 = tpu.vector_load_idx %arg9[%broadcast_in_dim3A_83, %add3A_78] : memref<4x80xi32, #tpu.memory_space<vmem>>[vector<16xi32>, vector<16xi32>], vector<16xi32>,
      %gather3A_85 = tpu.vector_load_idx %arg11[%add3A_78, %gather3A_81] : memref<80x16xf32, #tpu.memory_space<vmem>>[vector<16xi32>, vector<16xi32>], vector<16xf32>,
      %gather3A_86 = tpu.vector_load_idx %arg8[%gather3A_84] : memref<10000xf32, #tpu.memory_space<vmem>>[vector<16xi32>], vector<16xf32>,
      %add3A_87 = arith.addf %gather3A_85, %gather3A_86 : vector<16xf32>
      %mul3A_88 = arith.constant 2.000000e-01 : f32
      %mul3A_89 = vector.broadcast %mul3A_88 : f32 to vector<16xf32>
      %mul3A_90 = arith.mulf %mul3A_89, %add3A_87 : vector<16xf32>
      %max3A_91 = arith.maximumf %add3A_87, %mul3A_90 : vector<16xf32>
      %min3A_92 = arith.constant 8.000000e+01 : f32
      %min3A_93 = vector.broadcast %min3A_92 : f32 to vector<16xf32>
      %min3A_94 = arith.minimumf %max3A_91, %min3A_93 : vector<16xf32>
      %exp3A_95 = math.exp %min3A_94 : vector<16xf32>
      tpu.vector_store_idx %arg12[%add3A_78, %broadcast_in_dim3A_3], %exp3A_95 : memref<80x16xf32, #tpu.memory_space<vmem>>[vector<16xi32>, vector<16xi32>], vector<16xf32>,
      %add3A_96 = arith.constant 48 : i32
      %add3A_97 = vector.broadcast %add3A_96 : i32 to vector<16xi32>
      %add3A_98 = arith.addi %iota3A, %add3A_97 : vector<16xi32>
      %broadcast_in_dim3A_99 = arith.constant 2 : i32
      %broadcast_in_dim3A_100 = vector.broadcast %broadcast_in_dim3A_99 : i32 to vector<16xi32>
      %gather3A_101 = tpu.vector_load_idx %arg9[%broadcast_in_dim3A_100, %add3A_98] : memref<4x80xi32, #tpu.memory_space<vmem>>[vector<16xi32>, vector<16xi32>], vector<16xi32>,
      %broadcast_in_dim3A_102 = arith.constant 3 : i32
      %broadcast_in_dim3A_103 = vector.broadcast %broadcast_in_dim3A_102 : i32 to vector<16xi32>
      %gather3A_104 = tpu.vector_load_idx %arg9[%broadcast_in_dim3A_103, %add3A_98] : memref<4x80xi32, #tpu.memory_space<vmem>>[vector<16xi32>, vector<16xi32>], vector<16xi32>,
      %gather3A_105 = tpu.vector_load_idx %arg11[%add3A_98, %gather3A_101] : memref<80x16xf32, #tpu.memory_space<vmem>>[vector<16xi32>, vector<16xi32>], vector<16xf32>,
      %gather3A_106 = tpu.vector_load_idx %arg8[%gather3A_104] : memref<10000xf32, #tpu.memory_space<vmem>>[vector<16xi32>], vector<16xf32>,
      %add3A_107 = arith.addf %gather3A_105, %gather3A_106 : vector<16xf32>
      %mul3A_108 = arith.constant 2.000000e-01 : f32
      %mul3A_109 = vector.broadcast %mul3A_108 : f32 to vector<16xf32>
      %mul3A_110 = arith.mulf %mul3A_109, %add3A_107 : vector<16xf32>
      %max3A_111 = arith.maximumf %add3A_107, %mul3A_110 : vector<16xf32>
      %min3A_112 = arith.constant 8.000000e+01 : f32
      %min3A_113 = vector.broadcast %min3A_112 : f32 to vector<16xf32>
      %min3A_114 = arith.minimumf %max3A_111, %min3A_113 : vector<16xf32>
      %exp3A_115 = math.exp %min3A_114 : vector<16xf32>
      tpu.vector_store_idx %arg12[%add3A_98, %broadcast_in_dim3A_3], %exp3A_115 : memref<80x16xf32, #tpu.memory_space<vmem>>[vector<16xi32>, vector<16xi32>], vector<16xf32>,
      %add3A_116 = arith.constant 64 : i32
      %add3A_117 = vector.broadcast %add3A_116 : i32 to vector<16xi32>
      %add3A_118 = arith.addi %iota3A, %add3A_117 : vector<16xi32>
      %broadcast_in_dim3A_119 = arith.constant 2 : i32
      %broadcast_in_dim3A_120 = vector.broadcast %broadcast_in_dim3A_119 : i32 to vector<16xi32>
      %gather3A_121 = tpu.vector_load_idx %arg9[%broadcast_in_dim3A_120, %add3A_118] : memref<4x80xi32, #tpu.memory_space<vmem>>[vector<16xi32>, vector<16xi32>], vector<16xi32>,
      %broadcast_in_dim3A_122 = arith.constant 3 : i32
      %broadcast_in_dim3A_123 = vector.broadcast %broadcast_in_dim3A_122 : i32 to vector<16xi32>
      %gather3A_124 = tpu.vector_load_idx %arg9[%broadcast_in_dim3A_123, %add3A_118] : memref<4x80xi32, #tpu.memory_space<vmem>>[vector<16xi32>, vector<16xi32>], vector<16xi32>,
      %gather3A_125 = tpu.vector_load_idx %arg11[%add3A_118, %gather3A_121] : memref<80x16xf32, #tpu.memory_space<vmem>>[vector<16xi32>, vector<16xi32>], vector<16xf32>,
      %gather3A_126 = tpu.vector_load_idx %arg8[%gather3A_124] : memref<10000xf32, #tpu.memory_space<vmem>>[vector<16xi32>], vector<16xf32>,
      %add3A_127 = arith.addf %gather3A_125, %gather3A_126 : vector<16xf32>
      %mul3A_128 = arith.constant 2.000000e-01 : f32
      %mul3A_129 = vector.broadcast %mul3A_128 : f32 to vector<16xf32>
      %mul3A_130 = arith.mulf %mul3A_129, %add3A_127 : vector<16xf32>
      %max3A_131 = arith.maximumf %add3A_127, %mul3A_130 : vector<16xf32>
      %min3A_132 = arith.constant 8.000000e+01 : f32
      %min3A_133 = vector.broadcast %min3A_132 : f32 to vector<16xf32>
      %min3A_134 = arith.minimumf %max3A_131, %min3A_133 : vector<16xf32>
      %exp3A_135 = math.exp %min3A_134 : vector<16xf32>
      tpu.vector_store_idx %arg12[%add3A_118, %broadcast_in_dim3A_3], %exp3A_135 : memref<80x16xf32, #tpu.memory_space<vmem>>[vector<16xi32>, vector<16xi32>], vector<16xf32>,
      %scan3A_136 = arith.constant 0 : i32
      %scan3A_137 = arith.constant 80 : i32
      %scan3A_138 = arith.addi %scan3A_136, %scan3A_137 : i32
      %scan3A_139 = arith.constant 1 : i32
      scf.for %scan3A_143 = %scan3A_136 to %scan3A_138 step %scan3A_139  : i32 {
        %mul3A_144 = arith.constant 1 : i32
        %mul3A_145 = arith.muli %scan3A_143, %mul3A_144 : i32
        %add3A_146 = arith.constant 0 : i32
        %add3A_147 = arith.addi %add3A_146, %mul3A_145 : i32
        %broadcast_in_dim3A_148 = vector.broadcast %add3A_147 : i32 to vector<16xi32>
        %gather3A_149 = tpu.vector_load_idx %arg12[%broadcast_in_dim3A_148, %broadcast_in_dim3A_3] : memref<80x16xf32, #tpu.memory_space<vmem>>[vector<16xi32>, vector<16xi32>], vector<16xf32>,
        %add3A_150 = arith.constant 0 : i32
        %add3A_151 = vector.broadcast %add3A_150 : i32 to vector<16xi32>
        %add3A_152 = arith.addi %iota3A, %add3A_151 : vector<16xi32>
        %gather3A_153 = tpu.vector_load_idx %arg10[%broadcast_in_dim3A_148, %add3A_152] : memref<80x128xf32, #tpu.memory_space<vmem>>[vector<16xi32>, vector<16xi32>], vector<16xf32>,
        %mul3A_154 = arith.mulf %gather3A_153, %gather3A_149 : vector<16xf32>
        tpu.vector_store_idx %arg10[%broadcast_in_dim3A_148, %add3A_152], %mul3A_154 : memref<80x128xf32, #tpu.memory_space<vmem>>[vector<16xi32>, vector<16xi32>], vector<16xf32>,
        %add3A_155 = arith.constant 16 : i32
        %add3A_156 = vector.broadcast %add3A_155 : i32 to vector<16xi32>
        %add3A_157 = arith.addi %iota3A, %add3A_156 : vector<16xi32>
        %gather3A_158 = tpu.vector_load_idx %arg10[%broadcast_in_dim3A_148, %add3A_157] : memref<80x128xf32, #tpu.memory_space<vmem>>[vector<16xi32>, vector<16xi32>], vector<16xf32>,
        %mul3A_159 = arith.mulf %gather3A_158, %gather3A_149 : vector<16xf32>
        tpu.vector_store_idx %arg10[%broadcast_in_dim3A_148, %add3A_157], %mul3A_159 : memref<80x128xf32, #tpu.memory_space<vmem>>[vector<16xi32>, vector<16xi32>], vector<16xf32>,
        %add3A_160 = arith.constant 32 : i32
        %add3A_161 = vector.broadcast %add3A_160 : i32 to vector<16xi32>
        %add3A_162 = arith.addi %iota3A, %add3A_161 : vector<16xi32>
        %gather3A_163 = tpu.vector_load_idx %arg10[%broadcast_in_dim3A_148, %add3A_162] : memref<80x128xf32, #tpu.memory_space<vmem>>[vector<16xi32>, vector<16xi32>], vector<16xf32>,
        %mul3A_164 = arith.mulf %gather3A_163, %gather3A_149 : vector<16xf32>
        tpu.vector_store_idx %arg10[%broadcast_in_dim3A_148, %add3A_162], %mul3A_164 : memref<80x128xf32, #tpu.memory_space<vmem>>[vector<16xi32>, vector<16xi32>], vector<16xf32>,
        %add3A_165 = arith.constant 48 : i32
        %add3A_166 = vector.broadcast %add3A_165 : i32 to vector<16xi32>
        %add3A_167 = arith.addi %iota3A, %add3A_166 : vector<16xi32>
        %gather3A_168 = tpu.vector_load_idx %arg10[%broadcast_in_dim3A_148, %add3A_167] : memref<80x128xf32, #tpu.memory_space<vmem>>[vector<16xi32>, vector<16xi32>], vector<16xf32>,
        %mul3A_169 = arith.mulf %gather3A_168, %gather3A_149 : vector<16xf32>
        tpu.vector_store_idx %arg10[%broadcast_in_dim3A_148, %add3A_167], %mul3A_169 : memref<80x128xf32, #tpu.memory_space<vmem>>[vector<16xi32>, vector<16xi32>], vector<16xf32>,
        %add3A_170 = arith.constant 64 : i32
        %add3A_171 = vector.broadcast %add3A_170 : i32 to vector<16xi32>
        %add3A_172 = arith.addi %iota3A, %add3A_171 : vector<16xi32>
        %gather3A_173 = tpu.vector_load_idx %arg10[%broadcast_in_dim3A_148, %add3A_172] : memref<80x128xf32, #tpu.memory_space<vmem>>[vector<16xi32>, vector<16xi32>], vector<16xf32>,
        %mul3A_174 = arith.mulf %gather3A_173, %gather3A_149 : vector<16xf32>
        tpu.vector_store_idx %arg10[%broadcast_in_dim3A_148, %add3A_172], %mul3A_174 : memref<80x128xf32, #tpu.memory_space<vmem>>[vector<16xi32>, vector<16xi32>], vector<16xf32>,
        %add3A_175 = arith.constant 80 : i32
        %add3A_176 = vector.broadcast %add3A_175 : i32 to vector<16xi32>
        %add3A_177 = arith.addi %iota3A, %add3A_176 : vector<16xi32>
        %gather3A_178 = tpu.vector_load_idx %arg10[%broadcast_in_dim3A_148, %add3A_177] : memref<80x128xf32, #tpu.memory_space<vmem>>[vector<16xi32>, vector<16xi32>], vector<16xf32>,
        %mul3A_179 = arith.mulf %gather3A_178, %gather3A_149 : vector<16xf32>
        tpu.vector_store_idx %arg10[%broadcast_in_dim3A_148, %add3A_177], %mul3A_179 : memref<80x128xf32, #tpu.memory_space<vmem>>[vector<16xi32>, vector<16xi32>], vector<16xf32>,
        %add3A_180 = arith.constant 96 : i32
        %add3A_181 = vector.broadcast %add3A_180 : i32 to vector<16xi32>
        %add3A_182 = arith.addi %iota3A, %add3A_181 : vector<16xi32>
        %gather3A_183 = tpu.vector_load_idx %arg10[%broadcast_in_dim3A_148, %add3A_182] : memref<80x128xf32, #tpu.memory_space<vmem>>[vector<16xi32>, vector<16xi32>], vector<16xf32>,
        %mul3A_184 = arith.mulf %gather3A_183, %gather3A_149 : vector<16xf32>
        tpu.vector_store_idx %arg10[%broadcast_in_dim3A_148, %add3A_182], %mul3A_184 : memref<80x128xf32, #tpu.memory_space<vmem>>[vector<16xi32>, vector<16xi32>], vector<16xf32>,
        %add3A_185 = arith.constant 112 : i32
        %add3A_186 = vector.broadcast %add3A_185 : i32 to vector<16xi32>
        %add3A_187 = arith.addi %iota3A, %add3A_186 : vector<16xi32>
        %gather3A_188 = tpu.vector_load_idx %arg10[%broadcast_in_dim3A_148, %add3A_187] : memref<80x128xf32, #tpu.memory_space<vmem>>[vector<16xi32>, vector<16xi32>], vector<16xf32>,
        %mul3A_189 = arith.mulf %gather3A_188, %gather3A_149 : vector<16xf32>
        tpu.vector_store_idx %arg10[%broadcast_in_dim3A_148, %add3A_187], %mul3A_189 : memref<80x128xf32, #tpu.memory_space<vmem>>[vector<16xi32>, vector<16xi32>], vector<16xf32>,
      }
      %scan3A_140 = arith.constant 80 : i32
      %run_scoped3A_141 = arith.constant 3 : i32
      "tpu.region"() ({
        %run_scoped3A_143 = tpu.sem_alloc : memref<!tpu.dma_semaphore, #tpu.memory_space<semaphore_mem>>
        %dma_start3A = arith.constant 0 : i32
        %dma_start3A_144 = tpu.memref_slice %arg9[%run_scoped3A_141, %dma_start3A] : memref<4x80xi32, #tpu.memory_space<vmem>> -> memref<1x80xi32, #tpu.memory_space<vmem>>
        %dma_start3A_145 = tpu.memref_squeeze %dma_start3A_144 : memref<1x80xi32, #tpu.memory_space<vmem>> -> memref<80xi32, #tpu.memory_space<vmem>>
        %dma_start3A_146 = arith.constant 0 : i32
        %dma_start3A_147 = arith.constant 0 : i32
        %dma_start3A_148 = tpu.memref_slice %arg13[%dma_start3A_146, %dma_start3A_147] : memref<10240x128xf32, #tpu.memory_space<vmem_shared>> -> memref<10240x128xf32, #tpu.memory_space<vmem_shared>>
        tpu.enqueue_indirect_dma source(%arg10 : memref<80x128xf32, #tpu.memory_space<vmem>>) target(%dma_start3A_148 : memref<10240x128xf32, #tpu.memory_space<vmem_shared>>) offsets(%dma_start3A_145 : memref<80xi32, #tpu.memory_space<vmem>>) semaphore(%run_scoped3A_143 : memref<!tpu.dma_semaphore, #tpu.memory_space<semaphore_mem>>) {add = true}
        %dma_wait3A = arith.constant 0 : i32
        %dma_wait3A_149 = tpu.memref_slice %arg9[%run_scoped3A_141, %dma_wait3A] : memref<4x80xi32, #tpu.memory_space<vmem>> -> memref<1x80xi32, #tpu.memory_space<vmem>>
        %dma_wait3A_150 = tpu.memref_squeeze %dma_wait3A_149 : memref<1x80xi32, #tpu.memory_space<vmem>> -> memref<80xi32, #tpu.memory_space<vmem>>
        %dma_wait3A_151 = arith.constant 0 : i32
        %dma_wait3A_152 = arith.constant 0 : i32
        %dma_wait3A_153 = tpu.memref_slice %arg13[%dma_wait3A_151, %dma_wait3A_152] : memref<10240x128xf32, #tpu.memory_space<vmem_shared>> -> memref<10240x128xf32, #tpu.memory_space<vmem_shared>>
        tpu.wait_indirect_dma semaphore(%run_scoped3A_143 : memref<!tpu.dma_semaphore, #tpu.memory_space<semaphore_mem>>) src(%arg10 : memref<80x128xf32, #tpu.memory_space<vmem>>) dst(%dma_wait3A_153 : memref<10240x128xf32, #tpu.memory_space<vmem_shared>>)
        tpu.yield
      }) : () -> ()
      %run_scoped3A_142 = arith.constant 3 : i32
      "tpu.region"() ({
        %run_scoped3A_143 = tpu.sem_alloc : memref<!tpu.dma_semaphore, #tpu.memory_space<semaphore_mem>>
        %dma_start3A = arith.constant 0 : i32
        %dma_start3A_144 = tpu.memref_slice %arg9[%run_scoped3A_142, %dma_start3A] : memref<4x80xi32, #tpu.memory_space<vmem>> -> memref<1x80xi32, #tpu.memory_space<vmem>>
        %dma_start3A_145 = tpu.memref_squeeze %dma_start3A_144 : memref<1x80xi32, #tpu.memory_space<vmem>> -> memref<80xi32, #tpu.memory_space<vmem>>
        %dma_start3A_146 = arith.constant 0 : i32
        %dma_start3A_147 = arith.constant 0 : i32
        %dma_start3A_148 = tpu.memref_slice %arg14[%dma_start3A_146, %dma_start3A_147] : memref<10240x16xf32, #tpu.memory_space<vmem_shared>> -> memref<10240x16xf32, #tpu.memory_space<vmem_shared>>
        tpu.enqueue_indirect_dma source(%arg12 : memref<80x16xf32, #tpu.memory_space<vmem>>) target(%dma_start3A_148 : memref<10240x16xf32, #tpu.memory_space<vmem_shared>>) offsets(%dma_start3A_145 : memref<80xi32, #tpu.memory_space<vmem>>) semaphore(%run_scoped3A_143 : memref<!tpu.dma_semaphore, #tpu.memory_space<semaphore_mem>>) {add = true}
        %dma_wait3A = arith.constant 0 : i32
        %dma_wait3A_149 = tpu.memref_slice %arg9[%run_scoped3A_142, %dma_wait3A] : memref<4x80xi32, #tpu.memory_space<vmem>> -> memref<1x80xi32, #tpu.memory_space<vmem>>
        %dma_wait3A_150 = tpu.memref_squeeze %dma_wait3A_149 : memref<1x80xi32, #tpu.memory_space<vmem>> -> memref<80xi32, #tpu.memory_space<vmem>>
        %dma_wait3A_151 = arith.constant 0 : i32
        %dma_wait3A_152 = arith.constant 0 : i32
        %dma_wait3A_153 = tpu.memref_slice %arg14[%dma_wait3A_151, %dma_wait3A_152] : memref<10240x16xf32, #tpu.memory_space<vmem_shared>> -> memref<10240x16xf32, #tpu.memory_space<vmem_shared>>
        tpu.wait_indirect_dma semaphore(%run_scoped3A_143 : memref<!tpu.dma_semaphore, #tpu.memory_space<semaphore_mem>>) src(%arg12 : memref<80x16xf32, #tpu.memory_space<vmem>>) dst(%dma_wait3A_153 : memref<10240x16xf32, #tpu.memory_space<vmem_shared>>)
        tpu.yield
      }) : () -> ()
    }
    %scan3A_24 = arith.constant 125 : i32
    %barrier3A_25 = arith.constant 0 : index
    tpu.barrier barrier_id(%barrier3A_25)
    %scan3A_26 = arith.constant 0 : i32
    %scan3A_27 = arith.constant 8 : i32
    %scan3A_28 = arith.addi %scan3A_26, %scan3A_27 : i32
    %scan3A_29 = arith.constant 1 : i32
    scf.for %scan3A_31 = %scan3A_26 to %scan3A_28 step %scan3A_29  : i32 {
      %mul3A_32 = arith.constant 1 : i32
      %mul3A_33 = arith.muli %scan3A_31, %mul3A_32 : i32
      %add3A_34 = arith.constant 0 : i32
      %add3A_35 = arith.addi %add3A_34, %mul3A_33 : i32
      %mul3A_36 = arith.constant 80 : i32
      %mul3A_37 = arith.muli %add3A_35, %mul3A_36 : i32
      %add3A_38 = arith.addi %mul3A_14, %mul3A_37 : i32
      %mul3A_39 = arith.constant 80 : i32
      %mul3A_40 = arith.muli %add3A_35, %mul3A_39 : i32
      %add3A_41 = arith.addi %mul3A_14, %mul3A_40 : i32
      "tpu.region"() ({
        %run_scoped3A = tpu.sem_alloc : memref<!tpu.dma_semaphore, #tpu.memory_space<semaphore_mem>>
        %dma_start3A = arith.constant 0 : i32
        %dma_start3A_48 = tpu.memref_slice %arg6[%arg0, %add3A_41, %dma_start3A] : memref<2x10240x128xf32, #tpu.memory_space<hbm>> -> memref<1x80x128xf32, #tpu.memory_space<hbm>>
        %dma_start3A_49 = tpu.memref_squeeze %dma_start3A_48 : memref<1x80x128xf32, #tpu.memory_space<hbm>> -> memref<80x128xf32, #tpu.memory_space<hbm>>
        %dma_start3A_50 = arith.constant 0 : i32
        %dma_start3A_51 = tpu.memref_slice %arg13[%add3A_38, %dma_start3A_50] : memref<10240x128xf32, #tpu.memory_space<vmem_shared>> -> memref<80x128xf32, #tpu.memory_space<vmem_shared>>
        tpu.enqueue_dma source(%dma_start3A_51 : memref<80x128xf32, #tpu.memory_space<vmem_shared>>) target(%dma_start3A_49 : memref<80x128xf32, #tpu.memory_space<hbm>>) target_semaphore(%run_scoped3A : memref<!tpu.dma_semaphore, #tpu.memory_space<semaphore_mem>>)
        %dma_wait3A = arith.constant 0 : i32
        %dma_wait3A_52 = tpu.memref_slice %arg6[%arg0, %add3A_41, %dma_wait3A] : memref<2x10240x128xf32, #tpu.memory_space<hbm>> -> memref<1x80x128xf32, #tpu.memory_space<hbm>>
        %dma_wait3A_53 = tpu.memref_squeeze %dma_wait3A_52 : memref<1x80x128xf32, #tpu.memory_space<hbm>> -> memref<80x128xf32, #tpu.memory_space<hbm>>
        %dma_wait3A_54 = arith.constant 0 : i32
        %dma_wait3A_55 = tpu.memref_slice %arg13[%add3A_38, %dma_wait3A_54] : memref<10240x128xf32, #tpu.memory_space<vmem_shared>> -> memref<80x128xf32, #tpu.memory_space<vmem_shared>>
        tpu.wait_dma2 semaphore(%run_scoped3A : memref<!tpu.dma_semaphore, #tpu.memory_space<semaphore_mem>>) src(%dma_wait3A_55 : memref<80x128xf32, #tpu.memory_space<vmem_shared>>) dst(%dma_wait3A_53 : memref<80x128xf32, #tpu.memory_space<hbm>>)
        tpu.yield
      }) : () -> ()
      %mul3A_42 = arith.constant 80 : i32
      %mul3A_43 = arith.muli %add3A_35, %mul3A_42 : i32
      %add3A_44 = arith.addi %mul3A_14, %mul3A_43 : i32
      %mul3A_45 = arith.constant 80 : i32
      %mul3A_46 = arith.muli %add3A_35, %mul3A_45 : i32
      %add3A_47 = arith.addi %mul3A_14, %mul3A_46 : i32
      "tpu.region"() ({
        %run_scoped3A = tpu.sem_alloc : memref<!tpu.dma_semaphore, #tpu.memory_space<semaphore_mem>>
        %dma_start3A = arith.constant 0 : i32
        %dma_start3A_48 = tpu.memref_slice %arg7[%arg0, %add3A_47, %dma_start3A] : memref<2x10240x16xf32, #tpu.memory_space<hbm>> -> memref<1x80x16xf32, #tpu.memory_space<hbm>>
        %dma_start3A_49 = tpu.memref_squeeze %dma_start3A_48 : memref<1x80x16xf32, #tpu.memory_space<hbm>> -> memref<80x16xf32, #tpu.memory_space<hbm>>
        %dma_start3A_50 = arith.constant 0 : i32
        %dma_start3A_51 = tpu.memref_slice %arg14[%add3A_44, %dma_start3A_50] : memref<10240x16xf32, #tpu.memory_space<vmem_shared>> -> memref<80x16xf32, #tpu.memory_space<vmem_shared>>
        tpu.enqueue_dma source(%dma_start3A_51 : memref<80x16xf32, #tpu.memory_space<vmem_shared>>) target(%dma_start3A_49 : memref<80x16xf32, #tpu.memory_space<hbm>>) target_semaphore(%run_scoped3A : memref<!tpu.dma_semaphore, #tpu.memory_space<semaphore_mem>>)
        %dma_wait3A = arith.constant 0 : i32
        %dma_wait3A_52 = tpu.memref_slice %arg7[%arg0, %add3A_47, %dma_wait3A] : memref<2x10240x16xf32, #tpu.memory_space<hbm>> -> memref<1x80x16xf32, #tpu.memory_space<hbm>>
        %dma_wait3A_53 = tpu.memref_squeeze %dma_wait3A_52 : memref<1x80x16xf32, #tpu.memory_space<hbm>> -> memref<80x16xf32, #tpu.memory_space<hbm>>
        %dma_wait3A_54 = arith.constant 0 : i32
        %dma_wait3A_55 = tpu.memref_slice %arg14[%add3A_44, %dma_wait3A_54] : memref<10240x16xf32, #tpu.memory_space<vmem_shared>> -> memref<80x16xf32, #tpu.memory_space<vmem_shared>>
        tpu.wait_dma2 semaphore(%run_scoped3A : memref<!tpu.dma_semaphore, #tpu.memory_space<semaphore_mem>>) src(%dma_wait3A_55 : memref<80x16xf32, #tpu.memory_space<vmem_shared>>) dst(%dma_wait3A_53 : memref<80x16xf32, #tpu.memory_space<hbm>>)
        tpu.yield
      }) : () -> ()
    }
    %scan3A_30 = arith.constant 8 : i32
    return
  }
}

#map = affine_map<(d0, d1) -> (0, 0)>
#map1 = affine_map<(d0, d1) -> (0)>
#map2 = affine_map<(d0, d1) -> (0, 0, 0)>
module attributes {stable_mosaic.version = 14 : i64} {
  func.func @_sc_edge(%arg0: i32, %arg1: i32, %arg2: memref<80000x128xf32, #tpu.memory_space<hbm>>, %arg3: memref<5000x16xf32, #tpu.memory_space<hbm>>, %arg4: memref<10000xf32, #tpu.memory_space<hbm>>, %arg5: memref<4000x4x80xi32, #tpu.memory_space<hbm>>, %arg6: memref<2x10240x128xf32, #tpu.memory_space<hbm>>, %arg7: memref<2x10240x16xf32, #tpu.memory_space<hbm>>, %arg8: memref<10000xf32, #tpu.memory_space<vmem>>, %arg9: memref<4x80xi32, #tpu.memory_space<vmem>>, %arg10: memref<80x128xf32, #tpu.memory_space<vmem>>, %arg11: memref<80x16xf32, #tpu.memory_space<vmem>>, %arg12: memref<80x16xf32, #tpu.memory_space<vmem>>, %arg13: memref<10240x128xf32, #tpu.memory_space<vmem_shared>>, %arg14: memref<10240x16xf32, #tpu.memory_space<vmem_shared>>) attributes {dimension_semantics = [#tpu.dimension_semantics<core_parallel>, #tpu.dimension_semantics<subcore_parallel>], iteration_bounds = array<i64: 2, 16>, scalar_prefetch = 0 : i64, scratch_operands = 7 : i64, tpu.core_type = #tpu.core_type<sc_vector_subcore>, window_params = [{transform_indices = #map}, {transform_indices = #map}, {transform_indices = #map1}, {transform_indices = #map2}, {transform_indices = #map2}, {transform_indices = #map2}]} {
    %mul3A = arith.constant 16 : i32
    %mul3A_0 = arith.muli %arg0, %mul3A : i32
    %add3A = arith.addi %mul3A_0, %arg1 : i32
    %iota3A = tpu.iota {dimensions = array<i32: 0>} : vector<16xi32>
    %broadcast_in_dim3A = arith.constant 0.000000e+00 : f32
    %broadcast_in_dim3A_1 = vector.broadcast %broadcast_in_dim3A : f32 to vector<16xf32>
    %broadcast_in_dim3A_2 = arith.constant 0 : i32
    %broadcast_in_dim3A_3 = vector.broadcast %broadcast_in_dim3A_2 : i32 to vector<16xi32>
    "tpu.region"() ({
      %run_scoped3A = tpu.sem_alloc : memref<!tpu.dma_semaphore, #tpu.memory_space<semaphore_mem>>
      tpu.enqueue_dma source(%arg4 : memref<10000xf32, #tpu.memory_space<hbm>>) target(%arg8 : memref<10000xf32, #tpu.memory_space<vmem>>) target_semaphore(%run_scoped3A : memref<!tpu.dma_semaphore, #tpu.memory_space<semaphore_mem>>)
      tpu.wait_dma2 semaphore(%run_scoped3A : memref<!tpu.dma_semaphore, #tpu.memory_space<semaphore_mem>>) src(%arg4 : memref<10000xf32, #tpu.memory_space<hbm>>) dst(%arg8 : memref<10000xf32, #tpu.memory_space<vmem>>)
      tpu.yield
    }) : () -> ()
    %scan3A = arith.constant 0 : i32
    %scan3A_4 = arith.constant 80 : i32
    %scan3A_5 = arith.addi %scan3A, %scan3A_4 : i32
    %scan3A_6 = arith.constant 1 : i32
    scf.for %scan3A_31 = %scan3A to %scan3A_5 step %scan3A_6  : i32 {
      %mul3A_32 = arith.constant 1 : i32
      %mul3A_33 = arith.muli %scan3A_31, %mul3A_32 : i32
      %add3A_34 = arith.constant 0 : i32
      %add3A_35 = arith.addi %add3A_34, %mul3A_33 : i32
      %broadcast_in_dim3A_36 = vector.broadcast %add3A_35 : i32 to vector<16xi32>
      tpu.vector_store_idx %arg12[%broadcast_in_dim3A_36, %iota3A], %broadcast_in_dim3A_1 : memref<80x16xf32, #tpu.memory_space<vmem>>[vector<16xi32>, vector<16xi32>], vector<16xf32>,
    }
    %scan3A_7 = arith.constant 80 : i32
    %scan3A_8 = arith.constant 0 : i32
    %scan3A_9 = arith.constant 80 : i32
    %scan3A_10 = arith.addi %scan3A_8, %scan3A_9 : i32
    %scan3A_11 = arith.constant 1 : i32
    scf.for %scan3A_31 = %scan3A_8 to %scan3A_10 step %scan3A_11  : i32 {
      %mul3A_32 = arith.constant 1 : i32
      %mul3A_33 = arith.muli %scan3A_31, %mul3A_32 : i32
      %add3A_34 = arith.constant 0 : i32
      %add3A_35 = arith.addi %add3A_34, %mul3A_33 : i32
      %broadcast_in_dim3A_36 = vector.broadcast %add3A_35 : i32 to vector<16xi32>
      %add3A_37 = arith.constant 0 : i32
      %add3A_38 = vector.broadcast %add3A_37 : i32 to vector<16xi32>
      %add3A_39 = arith.addi %iota3A, %add3A_38 : vector<16xi32>
      tpu.vector_store_idx %arg10[%broadcast_in_dim3A_36, %add3A_39], %broadcast_in_dim3A_1 : memref<80x128xf32, #tpu.memory_space<vmem>>[vector<16xi32>, vector<16xi32>], vector<16xf32>,
      %add3A_40 = arith.constant 16 : i32
      %add3A_41 = vector.broadcast %add3A_40 : i32 to vector<16xi32>
      %add3A_42 = arith.addi %iota3A, %add3A_41 : vector<16xi32>
      tpu.vector_store_idx %arg10[%broadcast_in_dim3A_36, %add3A_42], %broadcast_in_dim3A_1 : memref<80x128xf32, #tpu.memory_space<vmem>>[vector<16xi32>, vector<16xi32>], vector<16xf32>,
      %add3A_43 = arith.constant 32 : i32
      %add3A_44 = vector.broadcast %add3A_43 : i32 to vector<16xi32>
      %add3A_45 = arith.addi %iota3A, %add3A_44 : vector<16xi32>
      tpu.vector_store_idx %arg10[%broadcast_in_dim3A_36, %add3A_45], %broadcast_in_dim3A_1 : memref<80x128xf32, #tpu.memory_space<vmem>>[vector<16xi32>, vector<16xi32>], vector<16xf32>,
      %add3A_46 = arith.constant 48 : i32
      %add3A_47 = vector.broadcast %add3A_46 : i32 to vector<16xi32>
      %add3A_48 = arith.addi %iota3A, %add3A_47 : vector<16xi32>
      tpu.vector_store_idx %arg10[%broadcast_in_dim3A_36, %add3A_48], %broadcast_in_dim3A_1 : memref<80x128xf32, #tpu.memory_space<vmem>>[vector<16xi32>, vector<16xi32>], vector<16xf32>,
      %add3A_49 = arith.constant 64 : i32
      %add3A_50 = vector.broadcast %add3A_49 : i32 to vector<16xi32>
      %add3A_51 = arith.addi %iota3A, %add3A_50 : vector<16xi32>
      tpu.vector_store_idx %arg10[%broadcast_in_dim3A_36, %add3A_51], %broadcast_in_dim3A_1 : memref<80x128xf32, #tpu.memory_space<vmem>>[vector<16xi32>, vector<16xi32>], vector<16xf32>,
      %add3A_52 = arith.constant 80 : i32
      %add3A_53 = vector.broadcast %add3A_52 : i32 to vector<16xi32>
      %add3A_54 = arith.addi %iota3A, %add3A_53 : vector<16xi32>
      tpu.vector_store_idx %arg10[%broadcast_in_dim3A_36, %add3A_54], %broadcast_in_dim3A_1 : memref<80x128xf32, #tpu.memory_space<vmem>>[vector<16xi32>, vector<16xi32>], vector<16xf32>,
      %add3A_55 = arith.constant 96 : i32
      %add3A_56 = vector.broadcast %add3A_55 : i32 to vector<16xi32>
      %add3A_57 = arith.addi %iota3A, %add3A_56 : vector<16xi32>
      tpu.vector_store_idx %arg10[%broadcast_in_dim3A_36, %add3A_57], %broadcast_in_dim3A_1 : memref<80x128xf32, #tpu.memory_space<vmem>>[vector<16xi32>, vector<16xi32>], vector<16xf32>,
      %add3A_58 = arith.constant 112 : i32
      %add3A_59 = vector.broadcast %add3A_58 : i32 to vector<16xi32>
      %add3A_60 = arith.addi %iota3A, %add3A_59 : vector<16xi32>
      tpu.vector_store_idx %arg10[%broadcast_in_dim3A_36, %add3A_60], %broadcast_in_dim3A_1 : memref<80x128xf32, #tpu.memory_space<vmem>>[vector<16xi32>, vector<16xi32>], vector<16xf32>,
    }
    %scan3A_12 = arith.constant 80 : i32
    %mul3A_13 = arith.constant 640 : i32
    %mul3A_14 = arith.muli %arg1, %mul3A_13 : i32
    %scan3A_15 = arith.constant 0 : i32
    %scan3A_16 = arith.constant 8 : i32
    %scan3A_17 = arith.addi %scan3A_15, %scan3A_16 : i32
    %scan3A_18 = arith.constant 1 : i32
    scf.for %scan3A_31 = %scan3A_15 to %scan3A_17 step %scan3A_18  : i32 {
      %mul3A_32 = arith.constant 1 : i32
      %mul3A_33 = arith.muli %scan3A_31, %mul3A_32 : i32
      %add3A_34 = arith.constant 0 : i32
      %add3A_35 = arith.addi %add3A_34, %mul3A_33 : i32
      %mul3A_36 = arith.constant 80 : i32
      %mul3A_37 = arith.muli %add3A_35, %mul3A_36 : i32
      %add3A_38 = arith.addi %mul3A_14, %mul3A_37 : i32
      "tpu.region"() ({
        %run_scoped3A = tpu.sem_alloc : memref<!tpu.dma_semaphore, #tpu.memory_space<semaphore_mem>>
        %dma_start3A = arith.constant 0 : i32
        %dma_start3A_42 = tpu.memref_slice %arg13[%add3A_38, %dma_start3A] : memref<10240x128xf32, #tpu.memory_space<vmem_shared>> -> memref<80x128xf32, #tpu.memory_space<vmem_shared>>
        %dma_start3A_43 = arith.constant 0 : i32
        %dma_start3A_44 = tpu.memref_slice %arg13[%add3A_38, %dma_start3A_43] : memref<10240x128xf32, #tpu.memory_space<vmem_shared>> -> memref<80x128xf32, #tpu.memory_space<vmem_shared>>
        tpu.enqueue_dma source(%arg10 : memref<80x128xf32, #tpu.memory_space<vmem>>) target(%dma_start3A_44 : memref<80x128xf32, #tpu.memory_space<vmem_shared>>) target_semaphore(%run_scoped3A : memref<!tpu.dma_semaphore, #tpu.memory_space<semaphore_mem>>)
        %dma_wait3A = arith.constant 0 : i32
        %dma_wait3A_45 = tpu.memref_slice %arg13[%add3A_38, %dma_wait3A] : memref<10240x128xf32, #tpu.memory_space<vmem_shared>> -> memref<80x128xf32, #tpu.memory_space<vmem_shared>>
        %dma_wait3A_46 = arith.constant 0 : i32
        %dma_wait3A_47 = tpu.memref_slice %arg13[%add3A_38, %dma_wait3A_46] : memref<10240x128xf32, #tpu.memory_space<vmem_shared>> -> memref<80x128xf32, #tpu.memory_space<vmem_shared>>
        tpu.wait_dma2 semaphore(%run_scoped3A : memref<!tpu.dma_semaphore, #tpu.memory_space<semaphore_mem>>) src(%arg10 : memref<80x128xf32, #tpu.memory_space<vmem>>) dst(%dma_wait3A_47 : memref<80x128xf32, #tpu.memory_space<vmem_shared>>)
        tpu.yield
      }) : () -> ()
      %mul3A_39 = arith.constant 80 : i32
      %mul3A_40 = arith.muli %add3A_35, %mul3A_39 : i32
      %add3A_41 = arith.addi %mul3A_14, %mul3A_40 : i32
      "tpu.region"() ({
        %run_scoped3A = tpu.sem_alloc : memref<!tpu.dma_semaphore, #tpu.memory_space<semaphore_mem>>
        %dma_start3A = arith.constant 0 : i32
        %dma_start3A_42 = tpu.memref_slice %arg14[%add3A_41, %dma_start3A] : memref<10240x16xf32, #tpu.memory_space<vmem_shared>> -> memref<80x16xf32, #tpu.memory_space<vmem_shared>>
        %dma_start3A_43 = arith.constant 0 : i32
        %dma_start3A_44 = tpu.memref_slice %arg14[%add3A_41, %dma_start3A_43] : memref<10240x16xf32, #tpu.memory_space<vmem_shared>> -> memref<80x16xf32, #tpu.memory_space<vmem_shared>>
        tpu.enqueue_dma source(%arg12 : memref<80x16xf32, #tpu.memory_space<vmem>>) target(%dma_start3A_44 : memref<80x16xf32, #tpu.memory_space<vmem_shared>>) target_semaphore(%run_scoped3A : memref<!tpu.dma_semaphore, #tpu.memory_space<semaphore_mem>>)
        %dma_wait3A = arith.constant 0 : i32
        %dma_wait3A_45 = tpu.memref_slice %arg14[%add3A_41, %dma_wait3A] : memref<10240x16xf32, #tpu.memory_space<vmem_shared>> -> memref<80x16xf32, #tpu.memory_space<vmem_shared>>
        %dma_wait3A_46 = arith.constant 0 : i32
        %dma_wait3A_47 = tpu.memref_slice %arg14[%add3A_41, %dma_wait3A_46] : memref<10240x16xf32, #tpu.memory_space<vmem_shared>> -> memref<80x16xf32, #tpu.memory_space<vmem_shared>>
        tpu.wait_dma2 semaphore(%run_scoped3A : memref<!tpu.dma_semaphore, #tpu.memory_space<semaphore_mem>>) src(%arg12 : memref<80x16xf32, #tpu.memory_space<vmem>>) dst(%dma_wait3A_47 : memref<80x16xf32, #tpu.memory_space<vmem_shared>>)
        tpu.yield
      }) : () -> ()
    }
    %scan3A_19 = arith.constant 8 : i32
    %barrier3A = arith.constant 0 : index
    tpu.barrier barrier_id(%barrier3A)
    %scan3A_20 = arith.constant 0 : i32
    %scan3A_21 = arith.constant 125 : i32
    %scan3A_22 = arith.addi %scan3A_20, %scan3A_21 : i32
    %scan3A_23 = arith.constant 1 : i32
    scf.for %scan3A_31 = %scan3A_20 to %scan3A_22 step %scan3A_23  : i32 {
      %mul3A_32 = arith.constant 1 : i32
      %mul3A_33 = arith.muli %scan3A_31, %mul3A_32 : i32
      %add3A_34 = arith.constant 0 : i32
      %add3A_35 = arith.addi %add3A_34, %mul3A_33 : i32
      %mul3A_36 = arith.constant 125 : i32
      %mul3A_37 = arith.muli %add3A, %mul3A_36 : i32
      %add3A_38 = arith.addi %mul3A_37, %add3A_35 : i32
      "tpu.region"() ({
        %run_scoped3A_143 = tpu.sem_alloc : memref<!tpu.dma_semaphore, #tpu.memory_space<semaphore_mem>>
        %dma_start3A = arith.constant 0 : i32
        %dma_start3A_144 = arith.constant 0 : i32
        %dma_start3A_145 = tpu.memref_slice %arg5[%add3A_38, %dma_start3A, %dma_start3A_144] : memref<4000x4x80xi32, #tpu.memory_space<hbm>> -> memref<1x4x80xi32, #tpu.memory_space<hbm>>
        %dma_start3A_146 = tpu.memref_squeeze %dma_start3A_145 : memref<1x4x80xi32, #tpu.memory_space<hbm>> -> memref<4x80xi32, #tpu.memory_space<hbm>>
        %dma_start3A_147 = arith.constant 0 : i32
        %dma_start3A_148 = arith.constant 0 : i32
        %dma_start3A_149 = tpu.memref_slice %arg5[%add3A_38, %dma_start3A_147, %dma_start3A_148] : memref<4000x4x80xi32, #tpu.memory_space<hbm>> -> memref<1x4x80xi32, #tpu.memory_space<hbm>>
        %dma_start3A_150 = tpu.memref_squeeze %dma_start3A_149 : memref<1x4x80xi32, #tpu.memory_space<hbm>> -> memref<4x80xi32, #tpu.memory_space<hbm>>
        tpu.enqueue_dma source(%dma_start3A_150 : memref<4x80xi32, #tpu.memory_space<hbm>>) target(%arg9 : memref<4x80xi32, #tpu.memory_space<vmem>>) target_semaphore(%run_scoped3A_143 : memref<!tpu.dma_semaphore, #tpu.memory_space<semaphore_mem>>)
        %dma_wait3A = arith.constant 0 : i32
        %dma_wait3A_151 = arith.constant 0 : i32
        %dma_wait3A_152 = tpu.memref_slice %arg5[%add3A_38, %dma_wait3A, %dma_wait3A_151] : memref<4000x4x80xi32, #tpu.memory_space<hbm>> -> memref<1x4x80xi32, #tpu.memory_space<hbm>>
        %dma_wait3A_153 = tpu.memref_squeeze %dma_wait3A_152 : memref<1x4x80xi32, #tpu.memory_space<hbm>> -> memref<4x80xi32, #tpu.memory_space<hbm>>
        %dma_wait3A_154 = arith.constant 0 : i32
        %dma_wait3A_155 = arith.constant 0 : i32
        %dma_wait3A_156 = tpu.memref_slice %arg5[%add3A_38, %dma_wait3A_154, %dma_wait3A_155] : memref<4000x4x80xi32, #tpu.memory_space<hbm>> -> memref<1x4x80xi32, #tpu.memory_space<hbm>>
        %dma_wait3A_157 = tpu.memref_squeeze %dma_wait3A_156 : memref<1x4x80xi32, #tpu.memory_space<hbm>> -> memref<4x80xi32, #tpu.memory_space<hbm>>
        tpu.wait_dma2 semaphore(%run_scoped3A_143 : memref<!tpu.dma_semaphore, #tpu.memory_space<semaphore_mem>>) src(%dma_wait3A_157 : memref<4x80xi32, #tpu.memory_space<hbm>>) dst(%arg9 : memref<4x80xi32, #tpu.memory_space<vmem>>)
        tpu.yield
      }) : () -> ()
      %run_scoped3A = arith.constant 0 : i32
      "tpu.region"() ({
        %run_scoped3A_143 = tpu.sem_alloc : memref<!tpu.dma_semaphore, #tpu.memory_space<semaphore_mem>>
        %dma_start3A = arith.constant 0 : i32
        %dma_start3A_144 = tpu.memref_slice %arg9[%run_scoped3A, %dma_start3A] : memref<4x80xi32, #tpu.memory_space<vmem>> -> memref<1x80xi32, #tpu.memory_space<vmem>>
        %dma_start3A_145 = tpu.memref_squeeze %dma_start3A_144 : memref<1x80xi32, #tpu.memory_space<vmem>> -> memref<80xi32, #tpu.memory_space<vmem>>
        %dma_start3A_146 = arith.constant 0 : i32
        %dma_start3A_147 = arith.constant 0 : i32
        %dma_start3A_148 = tpu.memref_slice %arg2[%dma_start3A_146, %dma_start3A_147] : memref<80000x128xf32, #tpu.memory_space<hbm>> -> memref<80000x128xf32, #tpu.memory_space<hbm>>
        tpu.enqueue_indirect_dma source(%dma_start3A_148 : memref<80000x128xf32, #tpu.memory_space<hbm>>) target(%arg10 : memref<80x128xf32, #tpu.memory_space<vmem>>) offsets(%dma_start3A_145 : memref<80xi32, #tpu.memory_space<vmem>>) semaphore(%run_scoped3A_143 : memref<!tpu.dma_semaphore, #tpu.memory_space<semaphore_mem>>)
        %dma_wait3A = arith.constant 0 : i32
        %dma_wait3A_149 = tpu.memref_slice %arg9[%run_scoped3A, %dma_wait3A] : memref<4x80xi32, #tpu.memory_space<vmem>> -> memref<1x80xi32, #tpu.memory_space<vmem>>
        %dma_wait3A_150 = tpu.memref_squeeze %dma_wait3A_149 : memref<1x80xi32, #tpu.memory_space<vmem>> -> memref<80xi32, #tpu.memory_space<vmem>>
        %dma_wait3A_151 = arith.constant 0 : i32
        %dma_wait3A_152 = arith.constant 0 : i32
        %dma_wait3A_153 = tpu.memref_slice %arg2[%dma_wait3A_151, %dma_wait3A_152] : memref<80000x128xf32, #tpu.memory_space<hbm>> -> memref<80000x128xf32, #tpu.memory_space<hbm>>
        tpu.wait_indirect_dma semaphore(%run_scoped3A_143 : memref<!tpu.dma_semaphore, #tpu.memory_space<semaphore_mem>>) src(%dma_wait3A_153 : memref<80000x128xf32, #tpu.memory_space<hbm>>) dst(%arg10 : memref<80x128xf32, #tpu.memory_space<vmem>>)
        tpu.yield
      }) : () -> ()
      %run_scoped3A_39 = arith.constant 1 : i32
      "tpu.region"() ({
        %run_scoped3A_143 = tpu.sem_alloc : memref<!tpu.dma_semaphore, #tpu.memory_space<semaphore_mem>>
        %dma_start3A = arith.constant 0 : i32
        %dma_start3A_144 = tpu.memref_slice %arg9[%run_scoped3A_39, %dma_start3A] : memref<4x80xi32, #tpu.memory_space<vmem>> -> memref<1x80xi32, #tpu.memory_space<vmem>>
        %dma_start3A_145 = tpu.memref_squeeze %dma_start3A_144 : memref<1x80xi32, #tpu.memory_space<vmem>> -> memref<80xi32, #tpu.memory_space<vmem>>
        %dma_start3A_146 = arith.constant 0 : i32
        %dma_start3A_147 = arith.constant 0 : i32
        %dma_start3A_148 = tpu.memref_slice %arg3[%dma_start3A_146, %dma_start3A_147] : memref<5000x16xf32, #tpu.memory_space<hbm>> -> memref<5000x16xf32, #tpu.memory_space<hbm>>
        tpu.enqueue_indirect_dma source(%dma_start3A_148 : memref<5000x16xf32, #tpu.memory_space<hbm>>) target(%arg11 : memref<80x16xf32, #tpu.memory_space<vmem>>) offsets(%dma_start3A_145 : memref<80xi32, #tpu.memory_space<vmem>>) semaphore(%run_scoped3A_143 : memref<!tpu.dma_semaphore, #tpu.memory_space<semaphore_mem>>)
        %dma_wait3A = arith.constant 0 : i32
        %dma_wait3A_149 = tpu.memref_slice %arg9[%run_scoped3A_39, %dma_wait3A] : memref<4x80xi32, #tpu.memory_space<vmem>> -> memref<1x80xi32, #tpu.memory_space<vmem>>
        %dma_wait3A_150 = tpu.memref_squeeze %dma_wait3A_149 : memref<1x80xi32, #tpu.memory_space<vmem>> -> memref<80xi32, #tpu.memory_space<vmem>>
        %dma_wait3A_151 = arith.constant 0 : i32
        %dma_wait3A_152 = arith.constant 0 : i32
        %dma_wait3A_153 = tpu.memref_slice %arg3[%dma_wait3A_151, %dma_wait3A_152] : memref<5000x16xf32, #tpu.memory_space<hbm>> -> memref<5000x16xf32, #tpu.memory_space<hbm>>
        tpu.wait_indirect_dma semaphore(%run_scoped3A_143 : memref<!tpu.dma_semaphore, #tpu.memory_space<semaphore_mem>>) src(%dma_wait3A_153 : memref<5000x16xf32, #tpu.memory_space<hbm>>) dst(%arg11 : memref<80x16xf32, #tpu.memory_space<vmem>>)
        tpu.yield
      }) : () -> ()
      %add3A_40 = arith.constant 0 : i32
      %add3A_41 = vector.broadcast %add3A_40 : i32 to vector<16xi32>
      %add3A_42 = arith.addi %iota3A, %add3A_41 : vector<16xi32>
      %broadcast_in_dim3A_43 = arith.constant 2 : i32
      %broadcast_in_dim3A_44 = vector.broadcast %broadcast_in_dim3A_43 : i32 to vector<16xi32>
      %gather3A = tpu.vector_load_idx %arg9[%broadcast_in_dim3A_44, %add3A_42] : memref<4x80xi32, #tpu.memory_space<vmem>>[vector<16xi32>, vector<16xi32>], vector<16xi32>,
      %broadcast_in_dim3A_45 = arith.constant 3 : i32
      %broadcast_in_dim3A_46 = vector.broadcast %broadcast_in_dim3A_45 : i32 to vector<16xi32>
      %gather3A_47 = tpu.vector_load_idx %arg9[%broadcast_in_dim3A_46, %add3A_42] : memref<4x80xi32, #tpu.memory_space<vmem>>[vector<16xi32>, vector<16xi32>], vector<16xi32>,
      %gather3A_48 = tpu.vector_load_idx %arg11[%add3A_42, %gather3A] : memref<80x16xf32, #tpu.memory_space<vmem>>[vector<16xi32>, vector<16xi32>], vector<16xf32>,
      %gather3A_49 = tpu.vector_load_idx %arg8[%gather3A_47] : memref<10000xf32, #tpu.memory_space<vmem>>[vector<16xi32>], vector<16xf32>,
      %add3A_50 = arith.addf %gather3A_48, %gather3A_49 : vector<16xf32>
      %mul3A_51 = arith.constant 2.000000e-01 : f32
      %mul3A_52 = vector.broadcast %mul3A_51 : f32 to vector<16xf32>
      %mul3A_53 = arith.mulf %mul3A_52, %add3A_50 : vector<16xf32>
      %max3A = arith.maximumf %add3A_50, %mul3A_53 : vector<16xf32>
      %min3A = arith.constant 8.000000e+01 : f32
      %min3A_54 = vector.broadcast %min3A : f32 to vector<16xf32>
      %min3A_55 = arith.minimumf %max3A, %min3A_54 : vector<16xf32>
      %exp3A = math.exp %min3A_55 : vector<16xf32>
      tpu.vector_store_idx %arg12[%add3A_42, %broadcast_in_dim3A_3], %exp3A : memref<80x16xf32, #tpu.memory_space<vmem>>[vector<16xi32>, vector<16xi32>], vector<16xf32>,
      %add3A_56 = arith.constant 16 : i32
      %add3A_57 = vector.broadcast %add3A_56 : i32 to vector<16xi32>
      %add3A_58 = arith.addi %iota3A, %add3A_57 : vector<16xi32>
      %broadcast_in_dim3A_59 = arith.constant 2 : i32
      %broadcast_in_dim3A_60 = vector.broadcast %broadcast_in_dim3A_59 : i32 to vector<16xi32>
      %gather3A_61 = tpu.vector_load_idx %arg9[%broadcast_in_dim3A_60, %add3A_58] : memref<4x80xi32, #tpu.memory_space<vmem>>[vector<16xi32>, vector<16xi32>], vector<16xi32>,
      %broadcast_in_dim3A_62 = arith.constant 3 : i32
      %broadcast_in_dim3A_63 = vector.broadcast %broadcast_in_dim3A_62 : i32 to vector<16xi32>
      %gather3A_64 = tpu.vector_load_idx %arg9[%broadcast_in_dim3A_63, %add3A_58] : memref<4x80xi32, #tpu.memory_space<vmem>>[vector<16xi32>, vector<16xi32>], vector<16xi32>,
      %gather3A_65 = tpu.vector_load_idx %arg11[%add3A_58, %gather3A_61] : memref<80x16xf32, #tpu.memory_space<vmem>>[vector<16xi32>, vector<16xi32>], vector<16xf32>,
      %gather3A_66 = tpu.vector_load_idx %arg8[%gather3A_64] : memref<10000xf32, #tpu.memory_space<vmem>>[vector<16xi32>], vector<16xf32>,
      %add3A_67 = arith.addf %gather3A_65, %gather3A_66 : vector<16xf32>
      %mul3A_68 = arith.constant 2.000000e-01 : f32
      %mul3A_69 = vector.broadcast %mul3A_68 : f32 to vector<16xf32>
      %mul3A_70 = arith.mulf %mul3A_69, %add3A_67 : vector<16xf32>
      %max3A_71 = arith.maximumf %add3A_67, %mul3A_70 : vector<16xf32>
      %min3A_72 = arith.constant 8.000000e+01 : f32
      %min3A_73 = vector.broadcast %min3A_72 : f32 to vector<16xf32>
      %min3A_74 = arith.minimumf %max3A_71, %min3A_73 : vector<16xf32>
      %exp3A_75 = math.exp %min3A_74 : vector<16xf32>
      tpu.vector_store_idx %arg12[%add3A_58, %broadcast_in_dim3A_3], %exp3A_75 : memref<80x16xf32, #tpu.memory_space<vmem>>[vector<16xi32>, vector<16xi32>], vector<16xf32>,
      %add3A_76 = arith.constant 32 : i32
      %add3A_77 = vector.broadcast %add3A_76 : i32 to vector<16xi32>
      %add3A_78 = arith.addi %iota3A, %add3A_77 : vector<16xi32>
      %broadcast_in_dim3A_79 = arith.constant 2 : i32
      %broadcast_in_dim3A_80 = vector.broadcast %broadcast_in_dim3A_79 : i32 to vector<16xi32>
      %gather3A_81 = tpu.vector_load_idx %arg9[%broadcast_in_dim3A_80, %add3A_78] : memref<4x80xi32, #tpu.memory_space<vmem>>[vector<16xi32>, vector<16xi32>], vector<16xi32>,
      %broadcast_in_dim3A_82 = arith.constant 3 : i32
      %broadcast_in_dim3A_83 = vector.broadcast %broadcast_in_dim3A_82 : i32 to vector<16xi32>
      %gather3A_84 = tpu.vector_load_idx %arg9[%broadcast_in_dim3A_83, %add3A_78] : memref<4x80xi32, #tpu.memory_space<vmem>>[vector<16xi32>, vector<16xi32>], vector<16xi32>,
      %gather3A_85 = tpu.vector_load_idx %arg11[%add3A_78, %gather3A_81] : memref<80x16xf32, #tpu.memory_space<vmem>>[vector<16xi32>, vector<16xi32>], vector<16xf32>,
      %gather3A_86 = tpu.vector_load_idx %arg8[%gather3A_84] : memref<10000xf32, #tpu.memory_space<vmem>>[vector<16xi32>], vector<16xf32>,
      %add3A_87 = arith.addf %gather3A_85, %gather3A_86 : vector<16xf32>
      %mul3A_88 = arith.constant 2.000000e-01 : f32
      %mul3A_89 = vector.broadcast %mul3A_88 : f32 to vector<16xf32>
      %mul3A_90 = arith.mulf %mul3A_89, %add3A_87 : vector<16xf32>
      %max3A_91 = arith.maximumf %add3A_87, %mul3A_90 : vector<16xf32>
      %min3A_92 = arith.constant 8.000000e+01 : f32
      %min3A_93 = vector.broadcast %min3A_92 : f32 to vector<16xf32>
      %min3A_94 = arith.minimumf %max3A_91, %min3A_93 : vector<16xf32>
      %exp3A_95 = math.exp %min3A_94 : vector<16xf32>
      tpu.vector_store_idx %arg12[%add3A_78, %broadcast_in_dim3A_3], %exp3A_95 : memref<80x16xf32, #tpu.memory_space<vmem>>[vector<16xi32>, vector<16xi32>], vector<16xf32>,
      %add3A_96 = arith.constant 48 : i32
      %add3A_97 = vector.broadcast %add3A_96 : i32 to vector<16xi32>
      %add3A_98 = arith.addi %iota3A, %add3A_97 : vector<16xi32>
      %broadcast_in_dim3A_99 = arith.constant 2 : i32
      %broadcast_in_dim3A_100 = vector.broadcast %broadcast_in_dim3A_99 : i32 to vector<16xi32>
      %gather3A_101 = tpu.vector_load_idx %arg9[%broadcast_in_dim3A_100, %add3A_98] : memref<4x80xi32, #tpu.memory_space<vmem>>[vector<16xi32>, vector<16xi32>], vector<16xi32>,
      %broadcast_in_dim3A_102 = arith.constant 3 : i32
      %broadcast_in_dim3A_103 = vector.broadcast %broadcast_in_dim3A_102 : i32 to vector<16xi32>
      %gather3A_104 = tpu.vector_load_idx %arg9[%broadcast_in_dim3A_103, %add3A_98] : memref<4x80xi32, #tpu.memory_space<vmem>>[vector<16xi32>, vector<16xi32>], vector<16xi32>,
      %gather3A_105 = tpu.vector_load_idx %arg11[%add3A_98, %gather3A_101] : memref<80x16xf32, #tpu.memory_space<vmem>>[vector<16xi32>, vector<16xi32>], vector<16xf32>,
      %gather3A_106 = tpu.vector_load_idx %arg8[%gather3A_104] : memref<10000xf32, #tpu.memory_space<vmem>>[vector<16xi32>], vector<16xf32>,
      %add3A_107 = arith.addf %gather3A_105, %gather3A_106 : vector<16xf32>
      %mul3A_108 = arith.constant 2.000000e-01 : f32
      %mul3A_109 = vector.broadcast %mul3A_108 : f32 to vector<16xf32>
      %mul3A_110 = arith.mulf %mul3A_109, %add3A_107 : vector<16xf32>
      %max3A_111 = arith.maximumf %add3A_107, %mul3A_110 : vector<16xf32>
      %min3A_112 = arith.constant 8.000000e+01 : f32
      %min3A_113 = vector.broadcast %min3A_112 : f32 to vector<16xf32>
      %min3A_114 = arith.minimumf %max3A_111, %min3A_113 : vector<16xf32>
      %exp3A_115 = math.exp %min3A_114 : vector<16xf32>
      tpu.vector_store_idx %arg12[%add3A_98, %broadcast_in_dim3A_3], %exp3A_115 : memref<80x16xf32, #tpu.memory_space<vmem>>[vector<16xi32>, vector<16xi32>], vector<16xf32>,
      %add3A_116 = arith.constant 64 : i32
      %add3A_117 = vector.broadcast %add3A_116 : i32 to vector<16xi32>
      %add3A_118 = arith.addi %iota3A, %add3A_117 : vector<16xi32>
      %broadcast_in_dim3A_119 = arith.constant 2 : i32
      %broadcast_in_dim3A_120 = vector.broadcast %broadcast_in_dim3A_119 : i32 to vector<16xi32>
      %gather3A_121 = tpu.vector_load_idx %arg9[%broadcast_in_dim3A_120, %add3A_118] : memref<4x80xi32, #tpu.memory_space<vmem>>[vector<16xi32>, vector<16xi32>], vector<16xi32>,
      %broadcast_in_dim3A_122 = arith.constant 3 : i32
      %broadcast_in_dim3A_123 = vector.broadcast %broadcast_in_dim3A_122 : i32 to vector<16xi32>
      %gather3A_124 = tpu.vector_load_idx %arg9[%broadcast_in_dim3A_123, %add3A_118] : memref<4x80xi32, #tpu.memory_space<vmem>>[vector<16xi32>, vector<16xi32>], vector<16xi32>,
      %gather3A_125 = tpu.vector_load_idx %arg11[%add3A_118, %gather3A_121] : memref<80x16xf32, #tpu.memory_space<vmem>>[vector<16xi32>, vector<16xi32>], vector<16xf32>,
      %gather3A_126 = tpu.vector_load_idx %arg8[%gather3A_124] : memref<10000xf32, #tpu.memory_space<vmem>>[vector<16xi32>], vector<16xf32>,
      %add3A_127 = arith.addf %gather3A_125, %gather3A_126 : vector<16xf32>
      %mul3A_128 = arith.constant 2.000000e-01 : f32
      %mul3A_129 = vector.broadcast %mul3A_128 : f32 to vector<16xf32>
      %mul3A_130 = arith.mulf %mul3A_129, %add3A_127 : vector<16xf32>
      %max3A_131 = arith.maximumf %add3A_127, %mul3A_130 : vector<16xf32>
      %min3A_132 = arith.constant 8.000000e+01 : f32
      %min3A_133 = vector.broadcast %min3A_132 : f32 to vector<16xf32>
      %min3A_134 = arith.minimumf %max3A_131, %min3A_133 : vector<16xf32>
      %exp3A_135 = math.exp %min3A_134 : vector<16xf32>
      tpu.vector_store_idx %arg12[%add3A_118, %broadcast_in_dim3A_3], %exp3A_135 : memref<80x16xf32, #tpu.memory_space<vmem>>[vector<16xi32>, vector<16xi32>], vector<16xf32>,
      %scan3A_136 = arith.constant 0 : i32
      %scan3A_137 = arith.constant 80 : i32
      %scan3A_138 = arith.addi %scan3A_136, %scan3A_137 : i32
      %scan3A_139 = arith.constant 1 : i32
      scf.for %scan3A_143 = %scan3A_136 to %scan3A_138 step %scan3A_139  : i32 {
        %mul3A_144 = arith.constant 1 : i32
        %mul3A_145 = arith.muli %scan3A_143, %mul3A_144 : i32
        %add3A_146 = arith.constant 0 : i32
        %add3A_147 = arith.addi %add3A_146, %mul3A_145 : i32
        %broadcast_in_dim3A_148 = vector.broadcast %add3A_147 : i32 to vector<16xi32>
        %gather3A_149 = tpu.vector_load_idx %arg12[%broadcast_in_dim3A_148, %broadcast_in_dim3A_3] : memref<80x16xf32, #tpu.memory_space<vmem>>[vector<16xi32>, vector<16xi32>], vector<16xf32>,
        %add3A_150 = arith.constant 0 : i32
        %add3A_151 = vector.broadcast %add3A_150 : i32 to vector<16xi32>
        %add3A_152 = arith.addi %iota3A, %add3A_151 : vector<16xi32>
        %gather3A_153 = tpu.vector_load_idx %arg10[%broadcast_in_dim3A_148, %add3A_152] : memref<80x128xf32, #tpu.memory_space<vmem>>[vector<16xi32>, vector<16xi32>], vector<16xf32>,
        %mul3A_154 = arith.mulf %gather3A_153, %gather3A_149 : vector<16xf32>
        tpu.vector_store_idx %arg10[%broadcast_in_dim3A_148, %add3A_152], %mul3A_154 : memref<80x128xf32, #tpu.memory_space<vmem>>[vector<16xi32>, vector<16xi32>], vector<16xf32>,
        %add3A_155 = arith.constant 16 : i32
        %add3A_156 = vector.broadcast %add3A_155 : i32 to vector<16xi32>
        %add3A_157 = arith.addi %iota3A, %add3A_156 : vector<16xi32>
        %gather3A_158 = tpu.vector_load_idx %arg10[%broadcast_in_dim3A_148, %add3A_157] : memref<80x128xf32, #tpu.memory_space<vmem>>[vector<16xi32>, vector<16xi32>], vector<16xf32>,
        %mul3A_159 = arith.mulf %gather3A_158, %gather3A_149 : vector<16xf32>
        tpu.vector_store_idx %arg10[%broadcast_in_dim3A_148, %add3A_157], %mul3A_159 : memref<80x128xf32, #tpu.memory_space<vmem>>[vector<16xi32>, vector<16xi32>], vector<16xf32>,
        %add3A_160 = arith.constant 32 : i32
        %add3A_161 = vector.broadcast %add3A_160 : i32 to vector<16xi32>
        %add3A_162 = arith.addi %iota3A, %add3A_161 : vector<16xi32>
        %gather3A_163 = tpu.vector_load_idx %arg10[%broadcast_in_dim3A_148, %add3A_162] : memref<80x128xf32, #tpu.memory_space<vmem>>[vector<16xi32>, vector<16xi32>], vector<16xf32>,
        %mul3A_164 = arith.mulf %gather3A_163, %gather3A_149 : vector<16xf32>
        tpu.vector_store_idx %arg10[%broadcast_in_dim3A_148, %add3A_162], %mul3A_164 : memref<80x128xf32, #tpu.memory_space<vmem>>[vector<16xi32>, vector<16xi32>], vector<16xf32>,
        %add3A_165 = arith.constant 48 : i32
        %add3A_166 = vector.broadcast %add3A_165 : i32 to vector<16xi32>
        %add3A_167 = arith.addi %iota3A, %add3A_166 : vector<16xi32>
        %gather3A_168 = tpu.vector_load_idx %arg10[%broadcast_in_dim3A_148, %add3A_167] : memref<80x128xf32, #tpu.memory_space<vmem>>[vector<16xi32>, vector<16xi32>], vector<16xf32>,
        %mul3A_169 = arith.mulf %gather3A_168, %gather3A_149 : vector<16xf32>
        tpu.vector_store_idx %arg10[%broadcast_in_dim3A_148, %add3A_167], %mul3A_169 : memref<80x128xf32, #tpu.memory_space<vmem>>[vector<16xi32>, vector<16xi32>], vector<16xf32>,
        %add3A_170 = arith.constant 64 : i32
        %add3A_171 = vector.broadcast %add3A_170 : i32 to vector<16xi32>
        %add3A_172 = arith.addi %iota3A, %add3A_171 : vector<16xi32>
        %gather3A_173 = tpu.vector_load_idx %arg10[%broadcast_in_dim3A_148, %add3A_172] : memref<80x128xf32, #tpu.memory_space<vmem>>[vector<16xi32>, vector<16xi32>], vector<16xf32>,
        %mul3A_174 = arith.mulf %gather3A_173, %gather3A_149 : vector<16xf32>
        tpu.vector_store_idx %arg10[%broadcast_in_dim3A_148, %add3A_172], %mul3A_174 : memref<80x128xf32, #tpu.memory_space<vmem>>[vector<16xi32>, vector<16xi32>], vector<16xf32>,
        %add3A_175 = arith.constant 80 : i32
        %add3A_176 = vector.broadcast %add3A_175 : i32 to vector<16xi32>
        %add3A_177 = arith.addi %iota3A, %add3A_176 : vector<16xi32>
        %gather3A_178 = tpu.vector_load_idx %arg10[%broadcast_in_dim3A_148, %add3A_177] : memref<80x128xf32, #tpu.memory_space<vmem>>[vector<16xi32>, vector<16xi32>], vector<16xf32>,
        %mul3A_179 = arith.mulf %gather3A_178, %gather3A_149 : vector<16xf32>
        tpu.vector_store_idx %arg10[%broadcast_in_dim3A_148, %add3A_177], %mul3A_179 : memref<80x128xf32, #tpu.memory_space<vmem>>[vector<16xi32>, vector<16xi32>], vector<16xf32>,
        %add3A_180 = arith.constant 96 : i32
        %add3A_181 = vector.broadcast %add3A_180 : i32 to vector<16xi32>
        %add3A_182 = arith.addi %iota3A, %add3A_181 : vector<16xi32>
        %gather3A_183 = tpu.vector_load_idx %arg10[%broadcast_in_dim3A_148, %add3A_182] : memref<80x128xf32, #tpu.memory_space<vmem>>[vector<16xi32>, vector<16xi32>], vector<16xf32>,
        %mul3A_184 = arith.mulf %gather3A_183, %gather3A_149 : vector<16xf32>
        tpu.vector_store_idx %arg10[%broadcast_in_dim3A_148, %add3A_182], %mul3A_184 : memref<80x128xf32, #tpu.memory_space<vmem>>[vector<16xi32>, vector<16xi32>], vector<16xf32>,
        %add3A_185 = arith.constant 112 : i32
        %add3A_186 = vector.broadcast %add3A_185 : i32 to vector<16xi32>
        %add3A_187 = arith.addi %iota3A, %add3A_186 : vector<16xi32>
        %gather3A_188 = tpu.vector_load_idx %arg10[%broadcast_in_dim3A_148, %add3A_187] : memref<80x128xf32, #tpu.memory_space<vmem>>[vector<16xi32>, vector<16xi32>], vector<16xf32>,
        %mul3A_189 = arith.mulf %gather3A_188, %gather3A_149 : vector<16xf32>
        tpu.vector_store_idx %arg10[%broadcast_in_dim3A_148, %add3A_187], %mul3A_189 : memref<80x128xf32, #tpu.memory_space<vmem>>[vector<16xi32>, vector<16xi32>], vector<16xf32>,
      }
      %scan3A_140 = arith.constant 80 : i32
      %run_scoped3A_141 = arith.constant 3 : i32
      "tpu.region"() ({
        %run_scoped3A_143 = tpu.sem_alloc : memref<!tpu.dma_semaphore, #tpu.memory_space<semaphore_mem>>
        %dma_start3A = arith.constant 0 : i32
        %dma_start3A_144 = tpu.memref_slice %arg9[%run_scoped3A_141, %dma_start3A] : memref<4x80xi32, #tpu.memory_space<vmem>> -> memref<1x80xi32, #tpu.memory_space<vmem>>
        %dma_start3A_145 = tpu.memref_squeeze %dma_start3A_144 : memref<1x80xi32, #tpu.memory_space<vmem>> -> memref<80xi32, #tpu.memory_space<vmem>>
        %dma_start3A_146 = arith.constant 0 : i32
        %dma_start3A_147 = arith.constant 0 : i32
        %dma_start3A_148 = tpu.memref_slice %arg13[%dma_start3A_146, %dma_start3A_147] : memref<10240x128xf32, #tpu.memory_space<vmem_shared>> -> memref<10240x128xf32, #tpu.memory_space<vmem_shared>>
        tpu.enqueue_indirect_dma source(%arg10 : memref<80x128xf32, #tpu.memory_space<vmem>>) target(%dma_start3A_148 : memref<10240x128xf32, #tpu.memory_space<vmem_shared>>) offsets(%dma_start3A_145 : memref<80xi32, #tpu.memory_space<vmem>>) semaphore(%run_scoped3A_143 : memref<!tpu.dma_semaphore, #tpu.memory_space<semaphore_mem>>) {add = true}
        %dma_wait3A = arith.constant 0 : i32
        %dma_wait3A_149 = tpu.memref_slice %arg9[%run_scoped3A_141, %dma_wait3A] : memref<4x80xi32, #tpu.memory_space<vmem>> -> memref<1x80xi32, #tpu.memory_space<vmem>>
        %dma_wait3A_150 = tpu.memref_squeeze %dma_wait3A_149 : memref<1x80xi32, #tpu.memory_space<vmem>> -> memref<80xi32, #tpu.memory_space<vmem>>
        %dma_wait3A_151 = arith.constant 0 : i32
        %dma_wait3A_152 = arith.constant 0 : i32
        %dma_wait3A_153 = tpu.memref_slice %arg13[%dma_wait3A_151, %dma_wait3A_152] : memref<10240x128xf32, #tpu.memory_space<vmem_shared>> -> memref<10240x128xf32, #tpu.memory_space<vmem_shared>>
        tpu.wait_indirect_dma semaphore(%run_scoped3A_143 : memref<!tpu.dma_semaphore, #tpu.memory_space<semaphore_mem>>) src(%arg10 : memref<80x128xf32, #tpu.memory_space<vmem>>) dst(%dma_wait3A_153 : memref<10240x128xf32, #tpu.memory_space<vmem_shared>>)
        tpu.yield
      }) : () -> ()
      %run_scoped3A_142 = arith.constant 3 : i32
      "tpu.region"() ({
        %run_scoped3A_143 = tpu.sem_alloc : memref<!tpu.dma_semaphore, #tpu.memory_space<semaphore_mem>>
        %dma_start3A = arith.constant 0 : i32
        %dma_start3A_144 = tpu.memref_slice %arg9[%run_scoped3A_142, %dma_start3A] : memref<4x80xi32, #tpu.memory_space<vmem>> -> memref<1x80xi32, #tpu.memory_space<vmem>>
        %dma_start3A_145 = tpu.memref_squeeze %dma_start3A_144 : memref<1x80xi32, #tpu.memory_space<vmem>> -> memref<80xi32, #tpu.memory_space<vmem>>
        %dma_start3A_146 = arith.constant 0 : i32
        %dma_start3A_147 = arith.constant 0 : i32
        %dma_start3A_148 = tpu.memref_slice %arg14[%dma_start3A_146, %dma_start3A_147] : memref<10240x16xf32, #tpu.memory_space<vmem_shared>> -> memref<10240x16xf32, #tpu.memory_space<vmem_shared>>
        tpu.enqueue_indirect_dma source(%arg12 : memref<80x16xf32, #tpu.memory_space<vmem>>) target(%dma_start3A_148 : memref<10240x16xf32, #tpu.memory_space<vmem_shared>>) offsets(%dma_start3A_145 : memref<80xi32, #tpu.memory_space<vmem>>) semaphore(%run_scoped3A_143 : memref<!tpu.dma_semaphore, #tpu.memory_space<semaphore_mem>>) {add = true}
        %dma_wait3A = arith.constant 0 : i32
        %dma_wait3A_149 = tpu.memref_slice %arg9[%run_scoped3A_142, %dma_wait3A] : memref<4x80xi32, #tpu.memory_space<vmem>> -> memref<1x80xi32, #tpu.memory_space<vmem>>
        %dma_wait3A_150 = tpu.memref_squeeze %dma_wait3A_149 : memref<1x80xi32, #tpu.memory_space<vmem>> -> memref<80xi32, #tpu.memory_space<vmem>>
        %dma_wait3A_151 = arith.constant 0 : i32
        %dma_wait3A_152 = arith.constant 0 : i32
        %dma_wait3A_153 = tpu.memref_slice %arg14[%dma_wait3A_151, %dma_wait3A_152] : memref<10240x16xf32, #tpu.memory_space<vmem_shared>> -> memref<10240x16xf32, #tpu.memory_space<vmem_shared>>
        tpu.wait_indirect_dma semaphore(%run_scoped3A_143 : memref<!tpu.dma_semaphore, #tpu.memory_space<semaphore_mem>>) src(%arg12 : memref<80x16xf32, #tpu.memory_space<vmem>>) dst(%dma_wait3A_153 : memref<10240x16xf32, #tpu.memory_space<vmem_shared>>)
        tpu.yield
      }) : () -> ()
    }
    %scan3A_24 = arith.constant 125 : i32
    %barrier3A_25 = arith.constant 0 : index
    tpu.barrier barrier_id(%barrier3A_25)
    %scan3A_26 = arith.constant 0 : i32
    %scan3A_27 = arith.constant 8 : i32
    %scan3A_28 = arith.addi %scan3A_26, %scan3A_27 : i32
    %scan3A_29 = arith.constant 1 : i32
    scf.for %scan3A_31 = %scan3A_26 to %scan3A_28 step %scan3A_29  : i32 {
      %mul3A_32 = arith.constant 1 : i32
      %mul3A_33 = arith.muli %scan3A_31, %mul3A_32 : i32
      %add3A_34 = arith.constant 0 : i32
      %add3A_35 = arith.addi %add3A_34, %mul3A_33 : i32
      %mul3A_36 = arith.constant 80 : i32
      %mul3A_37 = arith.muli %add3A_35, %mul3A_36 : i32
      %add3A_38 = arith.addi %mul3A_14, %mul3A_37 : i32
      %mul3A_39 = arith.constant 80 : i32
      %mul3A_40 = arith.muli %add3A_35, %mul3A_39 : i32
      %add3A_41 = arith.addi %mul3A_14, %mul3A_40 : i32
      "tpu.region"() ({
        %run_scoped3A = tpu.sem_alloc : memref<!tpu.dma_semaphore, #tpu.memory_space<semaphore_mem>>
        %dma_start3A = arith.constant 0 : i32
        %dma_start3A_48 = tpu.memref_slice %arg6[%arg0, %add3A_41, %dma_start3A] : memref<2x10240x128xf32, #tpu.memory_space<hbm>> -> memref<1x80x128xf32, #tpu.memory_space<hbm>>
        %dma_start3A_49 = tpu.memref_squeeze %dma_start3A_48 : memref<1x80x128xf32, #tpu.memory_space<hbm>> -> memref<80x128xf32, #tpu.memory_space<hbm>>
        %dma_start3A_50 = arith.constant 0 : i32
        %dma_start3A_51 = tpu.memref_slice %arg13[%add3A_38, %dma_start3A_50] : memref<10240x128xf32, #tpu.memory_space<vmem_shared>> -> memref<80x128xf32, #tpu.memory_space<vmem_shared>>
        tpu.enqueue_dma source(%dma_start3A_51 : memref<80x128xf32, #tpu.memory_space<vmem_shared>>) target(%dma_start3A_49 : memref<80x128xf32, #tpu.memory_space<hbm>>) target_semaphore(%run_scoped3A : memref<!tpu.dma_semaphore, #tpu.memory_space<semaphore_mem>>)
        %dma_wait3A = arith.constant 0 : i32
        %dma_wait3A_52 = tpu.memref_slice %arg6[%arg0, %add3A_41, %dma_wait3A] : memref<2x10240x128xf32, #tpu.memory_space<hbm>> -> memref<1x80x128xf32, #tpu.memory_space<hbm>>
        %dma_wait3A_53 = tpu.memref_squeeze %dma_wait3A_52 : memref<1x80x128xf32, #tpu.memory_space<hbm>> -> memref<80x128xf32, #tpu.memory_space<hbm>>
        %dma_wait3A_54 = arith.constant 0 : i32
        %dma_wait3A_55 = tpu.memref_slice %arg13[%add3A_38, %dma_wait3A_54] : memref<10240x128xf32, #tpu.memory_space<vmem_shared>> -> memref<80x128xf32, #tpu.memory_space<vmem_shared>>
        tpu.wait_dma2 semaphore(%run_scoped3A : memref<!tpu.dma_semaphore, #tpu.memory_space<semaphore_mem>>) src(%dma_wait3A_55 : memref<80x128xf32, #tpu.memory_space<vmem_shared>>) dst(%dma_wait3A_53 : memref<80x128xf32, #tpu.memory_space<hbm>>)
        tpu.yield
      }) : () -> ()
      %mul3A_42 = arith.constant 80 : i32
      %mul3A_43 = arith.muli %add3A_35, %mul3A_42 : i32
      %add3A_44 = arith.addi %mul3A_14, %mul3A_43 : i32
      %mul3A_45 = arith.constant 80 : i32
      %mul3A_46 = arith.muli %add3A_35, %mul3A_45 : i32
      %add3A_47 = arith.addi %mul3A_14, %mul3A_46 : i32
      "tpu.region"() ({
        %run_scoped3A = tpu.sem_alloc : memref<!tpu.dma_semaphore, #tpu.memory_space<semaphore_mem>>
        %dma_start3A = arith.constant 0 : i32
        %dma_start3A_48 = tpu.memref_slice %arg7[%arg0, %add3A_47, %dma_start3A] : memref<2x10240x16xf32, #tpu.memory_space<hbm>> -> memref<1x80x16xf32, #tpu.memory_space<hbm>>
        %dma_start3A_49 = tpu.memref_squeeze %dma_start3A_48 : memref<1x80x16xf32, #tpu.memory_space<hbm>> -> memref<80x16xf32, #tpu.memory_space<hbm>>
        %dma_start3A_50 = arith.constant 0 : i32
        %dma_start3A_51 = tpu.memref_slice %arg14[%add3A_44, %dma_start3A_50] : memref<10240x16xf32, #tpu.memory_space<vmem_shared>> -> memref<80x16xf32, #tpu.memory_space<vmem_shared>>
        tpu.enqueue_dma source(%dma_start3A_51 : memref<80x16xf32, #tpu.memory_space<vmem_shared>>) target(%dma_start3A_49 : memref<80x16xf32, #tpu.memory_space<hbm>>) target_semaphore(%run_scoped3A : memref<!tpu.dma_semaphore, #tpu.memory_space<semaphore_mem>>)
        %dma_wait3A = arith.constant 0 : i32
        %dma_wait3A_52 = tpu.memref_slice %arg7[%arg0, %add3A_47, %dma_wait3A] : memref<2x10240x16xf32, #tpu.memory_space<hbm>> -> memref<1x80x16xf32, #tpu.memory_space<hbm>>
        %dma_wait3A_53 = tpu.memref_squeeze %dma_wait3A_52 : memref<1x80x16xf32, #tpu.memory_space<hbm>> -> memref<80x16xf32, #tpu.memory_space<hbm>>
        %dma_wait3A_54 = arith.constant 0 : i32
        %dma_wait3A_55 = tpu.memref_slice %arg14[%add3A_44, %dma_wait3A_54] : memref<10240x16xf32, #tpu.memory_space<vmem_shared>> -> memref<80x16xf32, #tpu.memory_space<vmem_shared>>
        tpu.wait_dma2 semaphore(%run_scoped3A : memref<!tpu.dma_semaphore, #tpu.memory_space<semaphore_mem>>) src(%dma_wait3A_55 : memref<80x16xf32, #tpu.memory_space<vmem_shared>>) dst(%dma_wait3A_53 : memref<80x16xf32, #tpu.memory_space<hbm>>)
        tpu.yield
      }) : () -> ()
    }
    %scan3A_30 = arith.constant 8 : i32
    return
  }
}

#map = affine_map<(d0, d1) -> (0, 0)>
#map1 = affine_map<(d0, d1) -> (0)>
#map2 = affine_map<(d0, d1) -> (0, 0, 0)>
module attributes {stable_mosaic.version = 14 : i64} {
  func.func @_sc_edge(%arg0: i32, %arg1: i32, %arg2: memref<80000x128xf32, #tpu.memory_space<hbm>>, %arg3: memref<5000x16xf32, #tpu.memory_space<hbm>>, %arg4: memref<10000xf32, #tpu.memory_space<hbm>>, %arg5: memref<4000x4x80xi32, #tpu.memory_space<hbm>>, %arg6: memref<2x10240x128xf32, #tpu.memory_space<hbm>>, %arg7: memref<2x10240x16xf32, #tpu.memory_space<hbm>>, %arg8: memref<10000xf32, #tpu.memory_space<vmem>>, %arg9: memref<4x80xi32, #tpu.memory_space<vmem>>, %arg10: memref<80x128xf32, #tpu.memory_space<vmem>>, %arg11: memref<80x16xf32, #tpu.memory_space<vmem>>, %arg12: memref<80x16xf32, #tpu.memory_space<vmem>>, %arg13: memref<10240x128xf32, #tpu.memory_space<vmem_shared>>, %arg14: memref<10240x16xf32, #tpu.memory_space<vmem_shared>>) attributes {dimension_semantics = [#tpu.dimension_semantics<core_parallel>, #tpu.dimension_semantics<subcore_parallel>], iteration_bounds = array<i64: 2, 16>, scalar_prefetch = 0 : i64, scratch_operands = 7 : i64, tpu.core_type = #tpu.core_type<sc_vector_subcore>, window_params = [{transform_indices = #map}, {transform_indices = #map}, {transform_indices = #map1}, {transform_indices = #map2}, {transform_indices = #map2}, {transform_indices = #map2}]} {
    %mul3A = arith.constant 16 : i32
    %mul3A_0 = arith.muli %arg0, %mul3A : i32
    %add3A = arith.addi %mul3A_0, %arg1 : i32
    %iota3A = tpu.iota {dimensions = array<i32: 0>} : vector<16xi32>
    %broadcast_in_dim3A = arith.constant 0.000000e+00 : f32
    %broadcast_in_dim3A_1 = vector.broadcast %broadcast_in_dim3A : f32 to vector<16xf32>
    %broadcast_in_dim3A_2 = arith.constant 0 : i32
    %broadcast_in_dim3A_3 = vector.broadcast %broadcast_in_dim3A_2 : i32 to vector<16xi32>
    "tpu.region"() ({
      %run_scoped3A = tpu.sem_alloc : memref<!tpu.dma_semaphore, #tpu.memory_space<semaphore_mem>>
      tpu.enqueue_dma source(%arg4 : memref<10000xf32, #tpu.memory_space<hbm>>) target(%arg8 : memref<10000xf32, #tpu.memory_space<vmem>>) target_semaphore(%run_scoped3A : memref<!tpu.dma_semaphore, #tpu.memory_space<semaphore_mem>>)
      tpu.wait_dma2 semaphore(%run_scoped3A : memref<!tpu.dma_semaphore, #tpu.memory_space<semaphore_mem>>) src(%arg4 : memref<10000xf32, #tpu.memory_space<hbm>>) dst(%arg8 : memref<10000xf32, #tpu.memory_space<vmem>>)
      tpu.yield
    }) : () -> ()
    %scan3A = arith.constant 0 : i32
    %scan3A_4 = arith.constant 80 : i32
    %scan3A_5 = arith.addi %scan3A, %scan3A_4 : i32
    %scan3A_6 = arith.constant 1 : i32
    scf.for %scan3A_31 = %scan3A to %scan3A_5 step %scan3A_6  : i32 {
      %mul3A_32 = arith.constant 1 : i32
      %mul3A_33 = arith.muli %scan3A_31, %mul3A_32 : i32
      %add3A_34 = arith.constant 0 : i32
      %add3A_35 = arith.addi %add3A_34, %mul3A_33 : i32
      %broadcast_in_dim3A_36 = vector.broadcast %add3A_35 : i32 to vector<16xi32>
      tpu.vector_store_idx %arg12[%broadcast_in_dim3A_36, %iota3A], %broadcast_in_dim3A_1 : memref<80x16xf32, #tpu.memory_space<vmem>>[vector<16xi32>, vector<16xi32>], vector<16xf32>,
    }
    %scan3A_7 = arith.constant 80 : i32
    %scan3A_8 = arith.constant 0 : i32
    %scan3A_9 = arith.constant 80 : i32
    %scan3A_10 = arith.addi %scan3A_8, %scan3A_9 : i32
    %scan3A_11 = arith.constant 1 : i32
    scf.for %scan3A_31 = %scan3A_8 to %scan3A_10 step %scan3A_11  : i32 {
      %mul3A_32 = arith.constant 1 : i32
      %mul3A_33 = arith.muli %scan3A_31, %mul3A_32 : i32
      %add3A_34 = arith.constant 0 : i32
      %add3A_35 = arith.addi %add3A_34, %mul3A_33 : i32
      %broadcast_in_dim3A_36 = vector.broadcast %add3A_35 : i32 to vector<16xi32>
      %add3A_37 = arith.constant 0 : i32
      %add3A_38 = vector.broadcast %add3A_37 : i32 to vector<16xi32>
      %add3A_39 = arith.addi %iota3A, %add3A_38 : vector<16xi32>
      tpu.vector_store_idx %arg10[%broadcast_in_dim3A_36, %add3A_39], %broadcast_in_dim3A_1 : memref<80x128xf32, #tpu.memory_space<vmem>>[vector<16xi32>, vector<16xi32>], vector<16xf32>,
      %add3A_40 = arith.constant 16 : i32
      %add3A_41 = vector.broadcast %add3A_40 : i32 to vector<16xi32>
      %add3A_42 = arith.addi %iota3A, %add3A_41 : vector<16xi32>
      tpu.vector_store_idx %arg10[%broadcast_in_dim3A_36, %add3A_42], %broadcast_in_dim3A_1 : memref<80x128xf32, #tpu.memory_space<vmem>>[vector<16xi32>, vector<16xi32>], vector<16xf32>,
      %add3A_43 = arith.constant 32 : i32
      %add3A_44 = vector.broadcast %add3A_43 : i32 to vector<16xi32>
      %add3A_45 = arith.addi %iota3A, %add3A_44 : vector<16xi32>
      tpu.vector_store_idx %arg10[%broadcast_in_dim3A_36, %add3A_45], %broadcast_in_dim3A_1 : memref<80x128xf32, #tpu.memory_space<vmem>>[vector<16xi32>, vector<16xi32>], vector<16xf32>,
      %add3A_46 = arith.constant 48 : i32
      %add3A_47 = vector.broadcast %add3A_46 : i32 to vector<16xi32>
      %add3A_48 = arith.addi %iota3A, %add3A_47 : vector<16xi32>
      tpu.vector_store_idx %arg10[%broadcast_in_dim3A_36, %add3A_48], %broadcast_in_dim3A_1 : memref<80x128xf32, #tpu.memory_space<vmem>>[vector<16xi32>, vector<16xi32>], vector<16xf32>,
      %add3A_49 = arith.constant 64 : i32
      %add3A_50 = vector.broadcast %add3A_49 : i32 to vector<16xi32>
      %add3A_51 = arith.addi %iota3A, %add3A_50 : vector<16xi32>
      tpu.vector_store_idx %arg10[%broadcast_in_dim3A_36, %add3A_51], %broadcast_in_dim3A_1 : memref<80x128xf32, #tpu.memory_space<vmem>>[vector<16xi32>, vector<16xi32>], vector<16xf32>,
      %add3A_52 = arith.constant 80 : i32
      %add3A_53 = vector.broadcast %add3A_52 : i32 to vector<16xi32>
      %add3A_54 = arith.addi %iota3A, %add3A_53 : vector<16xi32>
      tpu.vector_store_idx %arg10[%broadcast_in_dim3A_36, %add3A_54], %broadcast_in_dim3A_1 : memref<80x128xf32, #tpu.memory_space<vmem>>[vector<16xi32>, vector<16xi32>], vector<16xf32>,
      %add3A_55 = arith.constant 96 : i32
      %add3A_56 = vector.broadcast %add3A_55 : i32 to vector<16xi32>
      %add3A_57 = arith.addi %iota3A, %add3A_56 : vector<16xi32>
      tpu.vector_store_idx %arg10[%broadcast_in_dim3A_36, %add3A_57], %broadcast_in_dim3A_1 : memref<80x128xf32, #tpu.memory_space<vmem>>[vector<16xi32>, vector<16xi32>], vector<16xf32>,
      %add3A_58 = arith.constant 112 : i32
      %add3A_59 = vector.broadcast %add3A_58 : i32 to vector<16xi32>
      %add3A_60 = arith.addi %iota3A, %add3A_59 : vector<16xi32>
      tpu.vector_store_idx %arg10[%broadcast_in_dim3A_36, %add3A_60], %broadcast_in_dim3A_1 : memref<80x128xf32, #tpu.memory_space<vmem>>[vector<16xi32>, vector<16xi32>], vector<16xf32>,
    }
    %scan3A_12 = arith.constant 80 : i32
    %mul3A_13 = arith.constant 640 : i32
    %mul3A_14 = arith.muli %arg1, %mul3A_13 : i32
    %scan3A_15 = arith.constant 0 : i32
    %scan3A_16 = arith.constant 8 : i32
    %scan3A_17 = arith.addi %scan3A_15, %scan3A_16 : i32
    %scan3A_18 = arith.constant 1 : i32
    scf.for %scan3A_31 = %scan3A_15 to %scan3A_17 step %scan3A_18  : i32 {
      %mul3A_32 = arith.constant 1 : i32
      %mul3A_33 = arith.muli %scan3A_31, %mul3A_32 : i32
      %add3A_34 = arith.constant 0 : i32
      %add3A_35 = arith.addi %add3A_34, %mul3A_33 : i32
      %mul3A_36 = arith.constant 80 : i32
      %mul3A_37 = arith.muli %add3A_35, %mul3A_36 : i32
      %add3A_38 = arith.addi %mul3A_14, %mul3A_37 : i32
      "tpu.region"() ({
        %run_scoped3A = tpu.sem_alloc : memref<!tpu.dma_semaphore, #tpu.memory_space<semaphore_mem>>
        %dma_start3A = arith.constant 0 : i32
        %dma_start3A_42 = tpu.memref_slice %arg13[%add3A_38, %dma_start3A] : memref<10240x128xf32, #tpu.memory_space<vmem_shared>> -> memref<80x128xf32, #tpu.memory_space<vmem_shared>>
        %dma_start3A_43 = arith.constant 0 : i32
        %dma_start3A_44 = tpu.memref_slice %arg13[%add3A_38, %dma_start3A_43] : memref<10240x128xf32, #tpu.memory_space<vmem_shared>> -> memref<80x128xf32, #tpu.memory_space<vmem_shared>>
        tpu.enqueue_dma source(%arg10 : memref<80x128xf32, #tpu.memory_space<vmem>>) target(%dma_start3A_44 : memref<80x128xf32, #tpu.memory_space<vmem_shared>>) target_semaphore(%run_scoped3A : memref<!tpu.dma_semaphore, #tpu.memory_space<semaphore_mem>>)
        %dma_wait3A = arith.constant 0 : i32
        %dma_wait3A_45 = tpu.memref_slice %arg13[%add3A_38, %dma_wait3A] : memref<10240x128xf32, #tpu.memory_space<vmem_shared>> -> memref<80x128xf32, #tpu.memory_space<vmem_shared>>
        %dma_wait3A_46 = arith.constant 0 : i32
        %dma_wait3A_47 = tpu.memref_slice %arg13[%add3A_38, %dma_wait3A_46] : memref<10240x128xf32, #tpu.memory_space<vmem_shared>> -> memref<80x128xf32, #tpu.memory_space<vmem_shared>>
        tpu.wait_dma2 semaphore(%run_scoped3A : memref<!tpu.dma_semaphore, #tpu.memory_space<semaphore_mem>>) src(%arg10 : memref<80x128xf32, #tpu.memory_space<vmem>>) dst(%dma_wait3A_47 : memref<80x128xf32, #tpu.memory_space<vmem_shared>>)
        tpu.yield
      }) : () -> ()
      %mul3A_39 = arith.constant 80 : i32
      %mul3A_40 = arith.muli %add3A_35, %mul3A_39 : i32
      %add3A_41 = arith.addi %mul3A_14, %mul3A_40 : i32
      "tpu.region"() ({
        %run_scoped3A = tpu.sem_alloc : memref<!tpu.dma_semaphore, #tpu.memory_space<semaphore_mem>>
        %dma_start3A = arith.constant 0 : i32
        %dma_start3A_42 = tpu.memref_slice %arg14[%add3A_41, %dma_start3A] : memref<10240x16xf32, #tpu.memory_space<vmem_shared>> -> memref<80x16xf32, #tpu.memory_space<vmem_shared>>
        %dma_start3A_43 = arith.constant 0 : i32
        %dma_start3A_44 = tpu.memref_slice %arg14[%add3A_41, %dma_start3A_43] : memref<10240x16xf32, #tpu.memory_space<vmem_shared>> -> memref<80x16xf32, #tpu.memory_space<vmem_shared>>
        tpu.enqueue_dma source(%arg12 : memref<80x16xf32, #tpu.memory_space<vmem>>) target(%dma_start3A_44 : memref<80x16xf32, #tpu.memory_space<vmem_shared>>) target_semaphore(%run_scoped3A : memref<!tpu.dma_semaphore, #tpu.memory_space<semaphore_mem>>)
        %dma_wait3A = arith.constant 0 : i32
        %dma_wait3A_45 = tpu.memref_slice %arg14[%add3A_41, %dma_wait3A] : memref<10240x16xf32, #tpu.memory_space<vmem_shared>> -> memref<80x16xf32, #tpu.memory_space<vmem_shared>>
        %dma_wait3A_46 = arith.constant 0 : i32
        %dma_wait3A_47 = tpu.memref_slice %arg14[%add3A_41, %dma_wait3A_46] : memref<10240x16xf32, #tpu.memory_space<vmem_shared>> -> memref<80x16xf32, #tpu.memory_space<vmem_shared>>
        tpu.wait_dma2 semaphore(%run_scoped3A : memref<!tpu.dma_semaphore, #tpu.memory_space<semaphore_mem>>) src(%arg12 : memref<80x16xf32, #tpu.memory_space<vmem>>) dst(%dma_wait3A_47 : memref<80x16xf32, #tpu.memory_space<vmem_shared>>)
        tpu.yield
      }) : () -> ()
    }
    %scan3A_19 = arith.constant 8 : i32
    %barrier3A = arith.constant 0 : index
    tpu.barrier barrier_id(%barrier3A)
    %scan3A_20 = arith.constant 0 : i32
    %scan3A_21 = arith.constant 125 : i32
    %scan3A_22 = arith.addi %scan3A_20, %scan3A_21 : i32
    %scan3A_23 = arith.constant 1 : i32
    scf.for %scan3A_31 = %scan3A_20 to %scan3A_22 step %scan3A_23  : i32 {
      %mul3A_32 = arith.constant 1 : i32
      %mul3A_33 = arith.muli %scan3A_31, %mul3A_32 : i32
      %add3A_34 = arith.constant 0 : i32
      %add3A_35 = arith.addi %add3A_34, %mul3A_33 : i32
      %mul3A_36 = arith.constant 125 : i32
      %mul3A_37 = arith.muli %add3A, %mul3A_36 : i32
      %add3A_38 = arith.addi %mul3A_37, %add3A_35 : i32
      "tpu.region"() ({
        %run_scoped3A_143 = tpu.sem_alloc : memref<!tpu.dma_semaphore, #tpu.memory_space<semaphore_mem>>
        %dma_start3A = arith.constant 0 : i32
        %dma_start3A_144 = arith.constant 0 : i32
        %dma_start3A_145 = tpu.memref_slice %arg5[%add3A_38, %dma_start3A, %dma_start3A_144] : memref<4000x4x80xi32, #tpu.memory_space<hbm>> -> memref<1x4x80xi32, #tpu.memory_space<hbm>>
        %dma_start3A_146 = tpu.memref_squeeze %dma_start3A_145 : memref<1x4x80xi32, #tpu.memory_space<hbm>> -> memref<4x80xi32, #tpu.memory_space<hbm>>
        %dma_start3A_147 = arith.constant 0 : i32
        %dma_start3A_148 = arith.constant 0 : i32
        %dma_start3A_149 = tpu.memref_slice %arg5[%add3A_38, %dma_start3A_147, %dma_start3A_148] : memref<4000x4x80xi32, #tpu.memory_space<hbm>> -> memref<1x4x80xi32, #tpu.memory_space<hbm>>
        %dma_start3A_150 = tpu.memref_squeeze %dma_start3A_149 : memref<1x4x80xi32, #tpu.memory_space<hbm>> -> memref<4x80xi32, #tpu.memory_space<hbm>>
        tpu.enqueue_dma source(%dma_start3A_150 : memref<4x80xi32, #tpu.memory_space<hbm>>) target(%arg9 : memref<4x80xi32, #tpu.memory_space<vmem>>) target_semaphore(%run_scoped3A_143 : memref<!tpu.dma_semaphore, #tpu.memory_space<semaphore_mem>>)
        %dma_wait3A = arith.constant 0 : i32
        %dma_wait3A_151 = arith.constant 0 : i32
        %dma_wait3A_152 = tpu.memref_slice %arg5[%add3A_38, %dma_wait3A, %dma_wait3A_151] : memref<4000x4x80xi32, #tpu.memory_space<hbm>> -> memref<1x4x80xi32, #tpu.memory_space<hbm>>
        %dma_wait3A_153 = tpu.memref_squeeze %dma_wait3A_152 : memref<1x4x80xi32, #tpu.memory_space<hbm>> -> memref<4x80xi32, #tpu.memory_space<hbm>>
        %dma_wait3A_154 = arith.constant 0 : i32
        %dma_wait3A_155 = arith.constant 0 : i32
        %dma_wait3A_156 = tpu.memref_slice %arg5[%add3A_38, %dma_wait3A_154, %dma_wait3A_155] : memref<4000x4x80xi32, #tpu.memory_space<hbm>> -> memref<1x4x80xi32, #tpu.memory_space<hbm>>
        %dma_wait3A_157 = tpu.memref_squeeze %dma_wait3A_156 : memref<1x4x80xi32, #tpu.memory_space<hbm>> -> memref<4x80xi32, #tpu.memory_space<hbm>>
        tpu.wait_dma2 semaphore(%run_scoped3A_143 : memref<!tpu.dma_semaphore, #tpu.memory_space<semaphore_mem>>) src(%dma_wait3A_157 : memref<4x80xi32, #tpu.memory_space<hbm>>) dst(%arg9 : memref<4x80xi32, #tpu.memory_space<vmem>>)
        tpu.yield
      }) : () -> ()
      %run_scoped3A = arith.constant 0 : i32
      "tpu.region"() ({
        %run_scoped3A_143 = tpu.sem_alloc : memref<!tpu.dma_semaphore, #tpu.memory_space<semaphore_mem>>
        %dma_start3A = arith.constant 0 : i32
        %dma_start3A_144 = tpu.memref_slice %arg9[%run_scoped3A, %dma_start3A] : memref<4x80xi32, #tpu.memory_space<vmem>> -> memref<1x80xi32, #tpu.memory_space<vmem>>
        %dma_start3A_145 = tpu.memref_squeeze %dma_start3A_144 : memref<1x80xi32, #tpu.memory_space<vmem>> -> memref<80xi32, #tpu.memory_space<vmem>>
        %dma_start3A_146 = arith.constant 0 : i32
        %dma_start3A_147 = arith.constant 0 : i32
        %dma_start3A_148 = tpu.memref_slice %arg2[%dma_start3A_146, %dma_start3A_147] : memref<80000x128xf32, #tpu.memory_space<hbm>> -> memref<80000x128xf32, #tpu.memory_space<hbm>>
        tpu.enqueue_indirect_dma source(%dma_start3A_148 : memref<80000x128xf32, #tpu.memory_space<hbm>>) target(%arg10 : memref<80x128xf32, #tpu.memory_space<vmem>>) offsets(%dma_start3A_145 : memref<80xi32, #tpu.memory_space<vmem>>) semaphore(%run_scoped3A_143 : memref<!tpu.dma_semaphore, #tpu.memory_space<semaphore_mem>>)
        %dma_wait3A = arith.constant 0 : i32
        %dma_wait3A_149 = tpu.memref_slice %arg9[%run_scoped3A, %dma_wait3A] : memref<4x80xi32, #tpu.memory_space<vmem>> -> memref<1x80xi32, #tpu.memory_space<vmem>>
        %dma_wait3A_150 = tpu.memref_squeeze %dma_wait3A_149 : memref<1x80xi32, #tpu.memory_space<vmem>> -> memref<80xi32, #tpu.memory_space<vmem>>
        %dma_wait3A_151 = arith.constant 0 : i32
        %dma_wait3A_152 = arith.constant 0 : i32
        %dma_wait3A_153 = tpu.memref_slice %arg2[%dma_wait3A_151, %dma_wait3A_152] : memref<80000x128xf32, #tpu.memory_space<hbm>> -> memref<80000x128xf32, #tpu.memory_space<hbm>>
        tpu.wait_indirect_dma semaphore(%run_scoped3A_143 : memref<!tpu.dma_semaphore, #tpu.memory_space<semaphore_mem>>) src(%dma_wait3A_153 : memref<80000x128xf32, #tpu.memory_space<hbm>>) dst(%arg10 : memref<80x128xf32, #tpu.memory_space<vmem>>)
        tpu.yield
      }) : () -> ()
      %run_scoped3A_39 = arith.constant 1 : i32
      "tpu.region"() ({
        %run_scoped3A_143 = tpu.sem_alloc : memref<!tpu.dma_semaphore, #tpu.memory_space<semaphore_mem>>
        %dma_start3A = arith.constant 0 : i32
        %dma_start3A_144 = tpu.memref_slice %arg9[%run_scoped3A_39, %dma_start3A] : memref<4x80xi32, #tpu.memory_space<vmem>> -> memref<1x80xi32, #tpu.memory_space<vmem>>
        %dma_start3A_145 = tpu.memref_squeeze %dma_start3A_144 : memref<1x80xi32, #tpu.memory_space<vmem>> -> memref<80xi32, #tpu.memory_space<vmem>>
        %dma_start3A_146 = arith.constant 0 : i32
        %dma_start3A_147 = arith.constant 0 : i32
        %dma_start3A_148 = tpu.memref_slice %arg3[%dma_start3A_146, %dma_start3A_147] : memref<5000x16xf32, #tpu.memory_space<hbm>> -> memref<5000x16xf32, #tpu.memory_space<hbm>>
        tpu.enqueue_indirect_dma source(%dma_start3A_148 : memref<5000x16xf32, #tpu.memory_space<hbm>>) target(%arg11 : memref<80x16xf32, #tpu.memory_space<vmem>>) offsets(%dma_start3A_145 : memref<80xi32, #tpu.memory_space<vmem>>) semaphore(%run_scoped3A_143 : memref<!tpu.dma_semaphore, #tpu.memory_space<semaphore_mem>>)
        %dma_wait3A = arith.constant 0 : i32
        %dma_wait3A_149 = tpu.memref_slice %arg9[%run_scoped3A_39, %dma_wait3A] : memref<4x80xi32, #tpu.memory_space<vmem>> -> memref<1x80xi32, #tpu.memory_space<vmem>>
        %dma_wait3A_150 = tpu.memref_squeeze %dma_wait3A_149 : memref<1x80xi32, #tpu.memory_space<vmem>> -> memref<80xi32, #tpu.memory_space<vmem>>
        %dma_wait3A_151 = arith.constant 0 : i32
        %dma_wait3A_152 = arith.constant 0 : i32
        %dma_wait3A_153 = tpu.memref_slice %arg3[%dma_wait3A_151, %dma_wait3A_152] : memref<5000x16xf32, #tpu.memory_space<hbm>> -> memref<5000x16xf32, #tpu.memory_space<hbm>>
        tpu.wait_indirect_dma semaphore(%run_scoped3A_143 : memref<!tpu.dma_semaphore, #tpu.memory_space<semaphore_mem>>) src(%dma_wait3A_153 : memref<5000x16xf32, #tpu.memory_space<hbm>>) dst(%arg11 : memref<80x16xf32, #tpu.memory_space<vmem>>)
        tpu.yield
      }) : () -> ()
      %add3A_40 = arith.constant 0 : i32
      %add3A_41 = vector.broadcast %add3A_40 : i32 to vector<16xi32>
      %add3A_42 = arith.addi %iota3A, %add3A_41 : vector<16xi32>
      %broadcast_in_dim3A_43 = arith.constant 2 : i32
      %broadcast_in_dim3A_44 = vector.broadcast %broadcast_in_dim3A_43 : i32 to vector<16xi32>
      %gather3A = tpu.vector_load_idx %arg9[%broadcast_in_dim3A_44, %add3A_42] : memref<4x80xi32, #tpu.memory_space<vmem>>[vector<16xi32>, vector<16xi32>], vector<16xi32>,
      %broadcast_in_dim3A_45 = arith.constant 3 : i32
      %broadcast_in_dim3A_46 = vector.broadcast %broadcast_in_dim3A_45 : i32 to vector<16xi32>
      %gather3A_47 = tpu.vector_load_idx %arg9[%broadcast_in_dim3A_46, %add3A_42] : memref<4x80xi32, #tpu.memory_space<vmem>>[vector<16xi32>, vector<16xi32>], vector<16xi32>,
      %gather3A_48 = tpu.vector_load_idx %arg11[%add3A_42, %gather3A] : memref<80x16xf32, #tpu.memory_space<vmem>>[vector<16xi32>, vector<16xi32>], vector<16xf32>,
      %gather3A_49 = tpu.vector_load_idx %arg8[%gather3A_47] : memref<10000xf32, #tpu.memory_space<vmem>>[vector<16xi32>], vector<16xf32>,
      %add3A_50 = arith.addf %gather3A_48, %gather3A_49 : vector<16xf32>
      %mul3A_51 = arith.constant 2.000000e-01 : f32
      %mul3A_52 = vector.broadcast %mul3A_51 : f32 to vector<16xf32>
      %mul3A_53 = arith.mulf %mul3A_52, %add3A_50 : vector<16xf32>
      %max3A = arith.maximumf %add3A_50, %mul3A_53 : vector<16xf32>
      %min3A = arith.constant 8.000000e+01 : f32
      %min3A_54 = vector.broadcast %min3A : f32 to vector<16xf32>
      %min3A_55 = arith.minimumf %max3A, %min3A_54 : vector<16xf32>
      %exp3A = math.exp %min3A_55 : vector<16xf32>
      tpu.vector_store_idx %arg12[%add3A_42, %broadcast_in_dim3A_3], %exp3A : memref<80x16xf32, #tpu.memory_space<vmem>>[vector<16xi32>, vector<16xi32>], vector<16xf32>,
      %add3A_56 = arith.constant 16 : i32
      %add3A_57 = vector.broadcast %add3A_56 : i32 to vector<16xi32>
      %add3A_58 = arith.addi %iota3A, %add3A_57 : vector<16xi32>
      %broadcast_in_dim3A_59 = arith.constant 2 : i32
      %broadcast_in_dim3A_60 = vector.broadcast %broadcast_in_dim3A_59 : i32 to vector<16xi32>
      %gather3A_61 = tpu.vector_load_idx %arg9[%broadcast_in_dim3A_60, %add3A_58] : memref<4x80xi32, #tpu.memory_space<vmem>>[vector<16xi32>, vector<16xi32>], vector<16xi32>,
      %broadcast_in_dim3A_62 = arith.constant 3 : i32
      %broadcast_in_dim3A_63 = vector.broadcast %broadcast_in_dim3A_62 : i32 to vector<16xi32>
      %gather3A_64 = tpu.vector_load_idx %arg9[%broadcast_in_dim3A_63, %add3A_58] : memref<4x80xi32, #tpu.memory_space<vmem>>[vector<16xi32>, vector<16xi32>], vector<16xi32>,
      %gather3A_65 = tpu.vector_load_idx %arg11[%add3A_58, %gather3A_61] : memref<80x16xf32, #tpu.memory_space<vmem>>[vector<16xi32>, vector<16xi32>], vector<16xf32>,
      %gather3A_66 = tpu.vector_load_idx %arg8[%gather3A_64] : memref<10000xf32, #tpu.memory_space<vmem>>[vector<16xi32>], vector<16xf32>,
      %add3A_67 = arith.addf %gather3A_65, %gather3A_66 : vector<16xf32>
      %mul3A_68 = arith.constant 2.000000e-01 : f32
      %mul3A_69 = vector.broadcast %mul3A_68 : f32 to vector<16xf32>
      %mul3A_70 = arith.mulf %mul3A_69, %add3A_67 : vector<16xf32>
      %max3A_71 = arith.maximumf %add3A_67, %mul3A_70 : vector<16xf32>
      %min3A_72 = arith.constant 8.000000e+01 : f32
      %min3A_73 = vector.broadcast %min3A_72 : f32 to vector<16xf32>
      %min3A_74 = arith.minimumf %max3A_71, %min3A_73 : vector<16xf32>
      %exp3A_75 = math.exp %min3A_74 : vector<16xf32>
      tpu.vector_store_idx %arg12[%add3A_58, %broadcast_in_dim3A_3], %exp3A_75 : memref<80x16xf32, #tpu.memory_space<vmem>>[vector<16xi32>, vector<16xi32>], vector<16xf32>,
      %add3A_76 = arith.constant 32 : i32
      %add3A_77 = vector.broadcast %add3A_76 : i32 to vector<16xi32>
      %add3A_78 = arith.addi %iota3A, %add3A_77 : vector<16xi32>
      %broadcast_in_dim3A_79 = arith.constant 2 : i32
      %broadcast_in_dim3A_80 = vector.broadcast %broadcast_in_dim3A_79 : i32 to vector<16xi32>
      %gather3A_81 = tpu.vector_load_idx %arg9[%broadcast_in_dim3A_80, %add3A_78] : memref<4x80xi32, #tpu.memory_space<vmem>>[vector<16xi32>, vector<16xi32>], vector<16xi32>,
      %broadcast_in_dim3A_82 = arith.constant 3 : i32
      %broadcast_in_dim3A_83 = vector.broadcast %broadcast_in_dim3A_82 : i32 to vector<16xi32>
      %gather3A_84 = tpu.vector_load_idx %arg9[%broadcast_in_dim3A_83, %add3A_78] : memref<4x80xi32, #tpu.memory_space<vmem>>[vector<16xi32>, vector<16xi32>], vector<16xi32>,
      %gather3A_85 = tpu.vector_load_idx %arg11[%add3A_78, %gather3A_81] : memref<80x16xf32, #tpu.memory_space<vmem>>[vector<16xi32>, vector<16xi32>], vector<16xf32>,
      %gather3A_86 = tpu.vector_load_idx %arg8[%gather3A_84] : memref<10000xf32, #tpu.memory_space<vmem>>[vector<16xi32>], vector<16xf32>,
      %add3A_87 = arith.addf %gather3A_85, %gather3A_86 : vector<16xf32>
      %mul3A_88 = arith.constant 2.000000e-01 : f32
      %mul3A_89 = vector.broadcast %mul3A_88 : f32 to vector<16xf32>
      %mul3A_90 = arith.mulf %mul3A_89, %add3A_87 : vector<16xf32>
      %max3A_91 = arith.maximumf %add3A_87, %mul3A_90 : vector<16xf32>
      %min3A_92 = arith.constant 8.000000e+01 : f32
      %min3A_93 = vector.broadcast %min3A_92 : f32 to vector<16xf32>
      %min3A_94 = arith.minimumf %max3A_91, %min3A_93 : vector<16xf32>
      %exp3A_95 = math.exp %min3A_94 : vector<16xf32>
      tpu.vector_store_idx %arg12[%add3A_78, %broadcast_in_dim3A_3], %exp3A_95 : memref<80x16xf32, #tpu.memory_space<vmem>>[vector<16xi32>, vector<16xi32>], vector<16xf32>,
      %add3A_96 = arith.constant 48 : i32
      %add3A_97 = vector.broadcast %add3A_96 : i32 to vector<16xi32>
      %add3A_98 = arith.addi %iota3A, %add3A_97 : vector<16xi32>
      %broadcast_in_dim3A_99 = arith.constant 2 : i32
      %broadcast_in_dim3A_100 = vector.broadcast %broadcast_in_dim3A_99 : i32 to vector<16xi32>
      %gather3A_101 = tpu.vector_load_idx %arg9[%broadcast_in_dim3A_100, %add3A_98] : memref<4x80xi32, #tpu.memory_space<vmem>>[vector<16xi32>, vector<16xi32>], vector<16xi32>,
      %broadcast_in_dim3A_102 = arith.constant 3 : i32
      %broadcast_in_dim3A_103 = vector.broadcast %broadcast_in_dim3A_102 : i32 to vector<16xi32>
      %gather3A_104 = tpu.vector_load_idx %arg9[%broadcast_in_dim3A_103, %add3A_98] : memref<4x80xi32, #tpu.memory_space<vmem>>[vector<16xi32>, vector<16xi32>], vector<16xi32>,
      %gather3A_105 = tpu.vector_load_idx %arg11[%add3A_98, %gather3A_101] : memref<80x16xf32, #tpu.memory_space<vmem>>[vector<16xi32>, vector<16xi32>], vector<16xf32>,
      %gather3A_106 = tpu.vector_load_idx %arg8[%gather3A_104] : memref<10000xf32, #tpu.memory_space<vmem>>[vector<16xi32>], vector<16xf32>,
      %add3A_107 = arith.addf %gather3A_105, %gather3A_106 : vector<16xf32>
      %mul3A_108 = arith.constant 2.000000e-01 : f32
      %mul3A_109 = vector.broadcast %mul3A_108 : f32 to vector<16xf32>
      %mul3A_110 = arith.mulf %mul3A_109, %add3A_107 : vector<16xf32>
      %max3A_111 = arith.maximumf %add3A_107, %mul3A_110 : vector<16xf32>
      %min3A_112 = arith.constant 8.000000e+01 : f32
      %min3A_113 = vector.broadcast %min3A_112 : f32 to vector<16xf32>
      %min3A_114 = arith.minimumf %max3A_111, %min3A_113 : vector<16xf32>
      %exp3A_115 = math.exp %min3A_114 : vector<16xf32>
      tpu.vector_store_idx %arg12[%add3A_98, %broadcast_in_dim3A_3], %exp3A_115 : memref<80x16xf32, #tpu.memory_space<vmem>>[vector<16xi32>, vector<16xi32>], vector<16xf32>,
      %add3A_116 = arith.constant 64 : i32
      %add3A_117 = vector.broadcast %add3A_116 : i32 to vector<16xi32>
      %add3A_118 = arith.addi %iota3A, %add3A_117 : vector<16xi32>
      %broadcast_in_dim3A_119 = arith.constant 2 : i32
      %broadcast_in_dim3A_120 = vector.broadcast %broadcast_in_dim3A_119 : i32 to vector<16xi32>
      %gather3A_121 = tpu.vector_load_idx %arg9[%broadcast_in_dim3A_120, %add3A_118] : memref<4x80xi32, #tpu.memory_space<vmem>>[vector<16xi32>, vector<16xi32>], vector<16xi32>,
      %broadcast_in_dim3A_122 = arith.constant 3 : i32
      %broadcast_in_dim3A_123 = vector.broadcast %broadcast_in_dim3A_122 : i32 to vector<16xi32>
      %gather3A_124 = tpu.vector_load_idx %arg9[%broadcast_in_dim3A_123, %add3A_118] : memref<4x80xi32, #tpu.memory_space<vmem>>[vector<16xi32>, vector<16xi32>], vector<16xi32>,
      %gather3A_125 = tpu.vector_load_idx %arg11[%add3A_118, %gather3A_121] : memref<80x16xf32, #tpu.memory_space<vmem>>[vector<16xi32>, vector<16xi32>], vector<16xf32>,
      %gather3A_126 = tpu.vector_load_idx %arg8[%gather3A_124] : memref<10000xf32, #tpu.memory_space<vmem>>[vector<16xi32>], vector<16xf32>,
      %add3A_127 = arith.addf %gather3A_125, %gather3A_126 : vector<16xf32>
      %mul3A_128 = arith.constant 2.000000e-01 : f32
      %mul3A_129 = vector.broadcast %mul3A_128 : f32 to vector<16xf32>
      %mul3A_130 = arith.mulf %mul3A_129, %add3A_127 : vector<16xf32>
      %max3A_131 = arith.maximumf %add3A_127, %mul3A_130 : vector<16xf32>
      %min3A_132 = arith.constant 8.000000e+01 : f32
      %min3A_133 = vector.broadcast %min3A_132 : f32 to vector<16xf32>
      %min3A_134 = arith.minimumf %max3A_131, %min3A_133 : vector<16xf32>
      %exp3A_135 = math.exp %min3A_134 : vector<16xf32>
      tpu.vector_store_idx %arg12[%add3A_118, %broadcast_in_dim3A_3], %exp3A_135 : memref<80x16xf32, #tpu.memory_space<vmem>>[vector<16xi32>, vector<16xi32>], vector<16xf32>,
      %scan3A_136 = arith.constant 0 : i32
      %scan3A_137 = arith.constant 80 : i32
      %scan3A_138 = arith.addi %scan3A_136, %scan3A_137 : i32
      %scan3A_139 = arith.constant 1 : i32
      scf.for %scan3A_143 = %scan3A_136 to %scan3A_138 step %scan3A_139  : i32 {
        %mul3A_144 = arith.constant 1 : i32
        %mul3A_145 = arith.muli %scan3A_143, %mul3A_144 : i32
        %add3A_146 = arith.constant 0 : i32
        %add3A_147 = arith.addi %add3A_146, %mul3A_145 : i32
        %broadcast_in_dim3A_148 = vector.broadcast %add3A_147 : i32 to vector<16xi32>
        %gather3A_149 = tpu.vector_load_idx %arg12[%broadcast_in_dim3A_148, %broadcast_in_dim3A_3] : memref<80x16xf32, #tpu.memory_space<vmem>>[vector<16xi32>, vector<16xi32>], vector<16xf32>,
        %add3A_150 = arith.constant 0 : i32
        %add3A_151 = vector.broadcast %add3A_150 : i32 to vector<16xi32>
        %add3A_152 = arith.addi %iota3A, %add3A_151 : vector<16xi32>
        %gather3A_153 = tpu.vector_load_idx %arg10[%broadcast_in_dim3A_148, %add3A_152] : memref<80x128xf32, #tpu.memory_space<vmem>>[vector<16xi32>, vector<16xi32>], vector<16xf32>,
        %mul3A_154 = arith.mulf %gather3A_153, %gather3A_149 : vector<16xf32>
        tpu.vector_store_idx %arg10[%broadcast_in_dim3A_148, %add3A_152], %mul3A_154 : memref<80x128xf32, #tpu.memory_space<vmem>>[vector<16xi32>, vector<16xi32>], vector<16xf32>,
        %add3A_155 = arith.constant 16 : i32
        %add3A_156 = vector.broadcast %add3A_155 : i32 to vector<16xi32>
        %add3A_157 = arith.addi %iota3A, %add3A_156 : vector<16xi32>
        %gather3A_158 = tpu.vector_load_idx %arg10[%broadcast_in_dim3A_148, %add3A_157] : memref<80x128xf32, #tpu.memory_space<vmem>>[vector<16xi32>, vector<16xi32>], vector<16xf32>,
        %mul3A_159 = arith.mulf %gather3A_158, %gather3A_149 : vector<16xf32>
        tpu.vector_store_idx %arg10[%broadcast_in_dim3A_148, %add3A_157], %mul3A_159 : memref<80x128xf32, #tpu.memory_space<vmem>>[vector<16xi32>, vector<16xi32>], vector<16xf32>,
        %add3A_160 = arith.constant 32 : i32
        %add3A_161 = vector.broadcast %add3A_160 : i32 to vector<16xi32>
        %add3A_162 = arith.addi %iota3A, %add3A_161 : vector<16xi32>
        %gather3A_163 = tpu.vector_load_idx %arg10[%broadcast_in_dim3A_148, %add3A_162] : memref<80x128xf32, #tpu.memory_space<vmem>>[vector<16xi32>, vector<16xi32>], vector<16xf32>,
        %mul3A_164 = arith.mulf %gather3A_163, %gather3A_149 : vector<16xf32>
        tpu.vector_store_idx %arg10[%broadcast_in_dim3A_148, %add3A_162], %mul3A_164 : memref<80x128xf32, #tpu.memory_space<vmem>>[vector<16xi32>, vector<16xi32>], vector<16xf32>,
        %add3A_165 = arith.constant 48 : i32
        %add3A_166 = vector.broadcast %add3A_165 : i32 to vector<16xi32>
        %add3A_167 = arith.addi %iota3A, %add3A_166 : vector<16xi32>
        %gather3A_168 = tpu.vector_load_idx %arg10[%broadcast_in_dim3A_148, %add3A_167] : memref<80x128xf32, #tpu.memory_space<vmem>>[vector<16xi32>, vector<16xi32>], vector<16xf32>,
        %mul3A_169 = arith.mulf %gather3A_168, %gather3A_149 : vector<16xf32>
        tpu.vector_store_idx %arg10[%broadcast_in_dim3A_148, %add3A_167], %mul3A_169 : memref<80x128xf32, #tpu.memory_space<vmem>>[vector<16xi32>, vector<16xi32>], vector<16xf32>,
        %add3A_170 = arith.constant 64 : i32
        %add3A_171 = vector.broadcast %add3A_170 : i32 to vector<16xi32>
        %add3A_172 = arith.addi %iota3A, %add3A_171 : vector<16xi32>
        %gather3A_173 = tpu.vector_load_idx %arg10[%broadcast_in_dim3A_148, %add3A_172] : memref<80x128xf32, #tpu.memory_space<vmem>>[vector<16xi32>, vector<16xi32>], vector<16xf32>,
        %mul3A_174 = arith.mulf %gather3A_173, %gather3A_149 : vector<16xf32>
        tpu.vector_store_idx %arg10[%broadcast_in_dim3A_148, %add3A_172], %mul3A_174 : memref<80x128xf32, #tpu.memory_space<vmem>>[vector<16xi32>, vector<16xi32>], vector<16xf32>,
        %add3A_175 = arith.constant 80 : i32
        %add3A_176 = vector.broadcast %add3A_175 : i32 to vector<16xi32>
        %add3A_177 = arith.addi %iota3A, %add3A_176 : vector<16xi32>
        %gather3A_178 = tpu.vector_load_idx %arg10[%broadcast_in_dim3A_148, %add3A_177] : memref<80x128xf32, #tpu.memory_space<vmem>>[vector<16xi32>, vector<16xi32>], vector<16xf32>,
        %mul3A_179 = arith.mulf %gather3A_178, %gather3A_149 : vector<16xf32>
        tpu.vector_store_idx %arg10[%broadcast_in_dim3A_148, %add3A_177], %mul3A_179 : memref<80x128xf32, #tpu.memory_space<vmem>>[vector<16xi32>, vector<16xi32>], vector<16xf32>,
        %add3A_180 = arith.constant 96 : i32
        %add3A_181 = vector.broadcast %add3A_180 : i32 to vector<16xi32>
        %add3A_182 = arith.addi %iota3A, %add3A_181 : vector<16xi32>
        %gather3A_183 = tpu.vector_load_idx %arg10[%broadcast_in_dim3A_148, %add3A_182] : memref<80x128xf32, #tpu.memory_space<vmem>>[vector<16xi32>, vector<16xi32>], vector<16xf32>,
        %mul3A_184 = arith.mulf %gather3A_183, %gather3A_149 : vector<16xf32>
        tpu.vector_store_idx %arg10[%broadcast_in_dim3A_148, %add3A_182], %mul3A_184 : memref<80x128xf32, #tpu.memory_space<vmem>>[vector<16xi32>, vector<16xi32>], vector<16xf32>,
        %add3A_185 = arith.constant 112 : i32
        %add3A_186 = vector.broadcast %add3A_185 : i32 to vector<16xi32>
        %add3A_187 = arith.addi %iota3A, %add3A_186 : vector<16xi32>
        %gather3A_188 = tpu.vector_load_idx %arg10[%broadcast_in_dim3A_148, %add3A_187] : memref<80x128xf32, #tpu.memory_space<vmem>>[vector<16xi32>, vector<16xi32>], vector<16xf32>,
        %mul3A_189 = arith.mulf %gather3A_188, %gather3A_149 : vector<16xf32>
        tpu.vector_store_idx %arg10[%broadcast_in_dim3A_148, %add3A_187], %mul3A_189 : memref<80x128xf32, #tpu.memory_space<vmem>>[vector<16xi32>, vector<16xi32>], vector<16xf32>,
      }
      %scan3A_140 = arith.constant 80 : i32
      %run_scoped3A_141 = arith.constant 3 : i32
      "tpu.region"() ({
        %run_scoped3A_143 = tpu.sem_alloc : memref<!tpu.dma_semaphore, #tpu.memory_space<semaphore_mem>>
        %dma_start3A = arith.constant 0 : i32
        %dma_start3A_144 = tpu.memref_slice %arg9[%run_scoped3A_141, %dma_start3A] : memref<4x80xi32, #tpu.memory_space<vmem>> -> memref<1x80xi32, #tpu.memory_space<vmem>>
        %dma_start3A_145 = tpu.memref_squeeze %dma_start3A_144 : memref<1x80xi32, #tpu.memory_space<vmem>> -> memref<80xi32, #tpu.memory_space<vmem>>
        %dma_start3A_146 = arith.constant 0 : i32
        %dma_start3A_147 = arith.constant 0 : i32
        %dma_start3A_148 = tpu.memref_slice %arg13[%dma_start3A_146, %dma_start3A_147] : memref<10240x128xf32, #tpu.memory_space<vmem_shared>> -> memref<10240x128xf32, #tpu.memory_space<vmem_shared>>
        tpu.enqueue_indirect_dma source(%arg10 : memref<80x128xf32, #tpu.memory_space<vmem>>) target(%dma_start3A_148 : memref<10240x128xf32, #tpu.memory_space<vmem_shared>>) offsets(%dma_start3A_145 : memref<80xi32, #tpu.memory_space<vmem>>) semaphore(%run_scoped3A_143 : memref<!tpu.dma_semaphore, #tpu.memory_space<semaphore_mem>>) {add = true}
        %dma_wait3A = arith.constant 0 : i32
        %dma_wait3A_149 = tpu.memref_slice %arg9[%run_scoped3A_141, %dma_wait3A] : memref<4x80xi32, #tpu.memory_space<vmem>> -> memref<1x80xi32, #tpu.memory_space<vmem>>
        %dma_wait3A_150 = tpu.memref_squeeze %dma_wait3A_149 : memref<1x80xi32, #tpu.memory_space<vmem>> -> memref<80xi32, #tpu.memory_space<vmem>>
        %dma_wait3A_151 = arith.constant 0 : i32
        %dma_wait3A_152 = arith.constant 0 : i32
        %dma_wait3A_153 = tpu.memref_slice %arg13[%dma_wait3A_151, %dma_wait3A_152] : memref<10240x128xf32, #tpu.memory_space<vmem_shared>> -> memref<10240x128xf32, #tpu.memory_space<vmem_shared>>
        tpu.wait_indirect_dma semaphore(%run_scoped3A_143 : memref<!tpu.dma_semaphore, #tpu.memory_space<semaphore_mem>>) src(%arg10 : memref<80x128xf32, #tpu.memory_space<vmem>>) dst(%dma_wait3A_153 : memref<10240x128xf32, #tpu.memory_space<vmem_shared>>)
        tpu.yield
      }) : () -> ()
      %run_scoped3A_142 = arith.constant 3 : i32
      "tpu.region"() ({
        %run_scoped3A_143 = tpu.sem_alloc : memref<!tpu.dma_semaphore, #tpu.memory_space<semaphore_mem>>
        %dma_start3A = arith.constant 0 : i32
        %dma_start3A_144 = tpu.memref_slice %arg9[%run_scoped3A_142, %dma_start3A] : memref<4x80xi32, #tpu.memory_space<vmem>> -> memref<1x80xi32, #tpu.memory_space<vmem>>
        %dma_start3A_145 = tpu.memref_squeeze %dma_start3A_144 : memref<1x80xi32, #tpu.memory_space<vmem>> -> memref<80xi32, #tpu.memory_space<vmem>>
        %dma_start3A_146 = arith.constant 0 : i32
        %dma_start3A_147 = arith.constant 0 : i32
        %dma_start3A_148 = tpu.memref_slice %arg14[%dma_start3A_146, %dma_start3A_147] : memref<10240x16xf32, #tpu.memory_space<vmem_shared>> -> memref<10240x16xf32, #tpu.memory_space<vmem_shared>>
        tpu.enqueue_indirect_dma source(%arg12 : memref<80x16xf32, #tpu.memory_space<vmem>>) target(%dma_start3A_148 : memref<10240x16xf32, #tpu.memory_space<vmem_shared>>) offsets(%dma_start3A_145 : memref<80xi32, #tpu.memory_space<vmem>>) semaphore(%run_scoped3A_143 : memref<!tpu.dma_semaphore, #tpu.memory_space<semaphore_mem>>) {add = true}
        %dma_wait3A = arith.constant 0 : i32
        %dma_wait3A_149 = tpu.memref_slice %arg9[%run_scoped3A_142, %dma_wait3A] : memref<4x80xi32, #tpu.memory_space<vmem>> -> memref<1x80xi32, #tpu.memory_space<vmem>>
        %dma_wait3A_150 = tpu.memref_squeeze %dma_wait3A_149 : memref<1x80xi32, #tpu.memory_space<vmem>> -> memref<80xi32, #tpu.memory_space<vmem>>
        %dma_wait3A_151 = arith.constant 0 : i32
        %dma_wait3A_152 = arith.constant 0 : i32
        %dma_wait3A_153 = tpu.memref_slice %arg14[%dma_wait3A_151, %dma_wait3A_152] : memref<10240x16xf32, #tpu.memory_space<vmem_shared>> -> memref<10240x16xf32, #tpu.memory_space<vmem_shared>>
        tpu.wait_indirect_dma semaphore(%run_scoped3A_143 : memref<!tpu.dma_semaphore, #tpu.memory_space<semaphore_mem>>) src(%arg12 : memref<80x16xf32, #tpu.memory_space<vmem>>) dst(%dma_wait3A_153 : memref<10240x16xf32, #tpu.memory_space<vmem_shared>>)
        tpu.yield
      }) : () -> ()
    }
    %scan3A_24 = arith.constant 125 : i32
    %barrier3A_25 = arith.constant 0 : index
    tpu.barrier barrier_id(%barrier3A_25)
    %scan3A_26 = arith.constant 0 : i32
    %scan3A_27 = arith.constant 8 : i32
    %scan3A_28 = arith.addi %scan3A_26, %scan3A_27 : i32
    %scan3A_29 = arith.constant 1 : i32
    scf.for %scan3A_31 = %scan3A_26 to %scan3A_28 step %scan3A_29  : i32 {
      %mul3A_32 = arith.constant 1 : i32
      %mul3A_33 = arith.muli %scan3A_31, %mul3A_32 : i32
      %add3A_34 = arith.constant 0 : i32
      %add3A_35 = arith.addi %add3A_34, %mul3A_33 : i32
      %mul3A_36 = arith.constant 80 : i32
      %mul3A_37 = arith.muli %add3A_35, %mul3A_36 : i32
      %add3A_38 = arith.addi %mul3A_14, %mul3A_37 : i32
      %mul3A_39 = arith.constant 80 : i32
      %mul3A_40 = arith.muli %add3A_35, %mul3A_39 : i32
      %add3A_41 = arith.addi %mul3A_14, %mul3A_40 : i32
      "tpu.region"() ({
        %run_scoped3A = tpu.sem_alloc : memref<!tpu.dma_semaphore, #tpu.memory_space<semaphore_mem>>
        %dma_start3A = arith.constant 0 : i32
        %dma_start3A_48 = tpu.memref_slice %arg6[%arg0, %add3A_41, %dma_start3A] : memref<2x10240x128xf32, #tpu.memory_space<hbm>> -> memref<1x80x128xf32, #tpu.memory_space<hbm>>
        %dma_start3A_49 = tpu.memref_squeeze %dma_start3A_48 : memref<1x80x128xf32, #tpu.memory_space<hbm>> -> memref<80x128xf32, #tpu.memory_space<hbm>>
        %dma_start3A_50 = arith.constant 0 : i32
        %dma_start3A_51 = tpu.memref_slice %arg13[%add3A_38, %dma_start3A_50] : memref<10240x128xf32, #tpu.memory_space<vmem_shared>> -> memref<80x128xf32, #tpu.memory_space<vmem_shared>>
        tpu.enqueue_dma source(%dma_start3A_51 : memref<80x128xf32, #tpu.memory_space<vmem_shared>>) target(%dma_start3A_49 : memref<80x128xf32, #tpu.memory_space<hbm>>) target_semaphore(%run_scoped3A : memref<!tpu.dma_semaphore, #tpu.memory_space<semaphore_mem>>)
        %dma_wait3A = arith.constant 0 : i32
        %dma_wait3A_52 = tpu.memref_slice %arg6[%arg0, %add3A_41, %dma_wait3A] : memref<2x10240x128xf32, #tpu.memory_space<hbm>> -> memref<1x80x128xf32, #tpu.memory_space<hbm>>
        %dma_wait3A_53 = tpu.memref_squeeze %dma_wait3A_52 : memref<1x80x128xf32, #tpu.memory_space<hbm>> -> memref<80x128xf32, #tpu.memory_space<hbm>>
        %dma_wait3A_54 = arith.constant 0 : i32
        %dma_wait3A_55 = tpu.memref_slice %arg13[%add3A_38, %dma_wait3A_54] : memref<10240x128xf32, #tpu.memory_space<vmem_shared>> -> memref<80x128xf32, #tpu.memory_space<vmem_shared>>
        tpu.wait_dma2 semaphore(%run_scoped3A : memref<!tpu.dma_semaphore, #tpu.memory_space<semaphore_mem>>) src(%dma_wait3A_55 : memref<80x128xf32, #tpu.memory_space<vmem_shared>>) dst(%dma_wait3A_53 : memref<80x128xf32, #tpu.memory_space<hbm>>)
        tpu.yield
      }) : () -> ()
      %mul3A_42 = arith.constant 80 : i32
      %mul3A_43 = arith.muli %add3A_35, %mul3A_42 : i32
      %add3A_44 = arith.addi %mul3A_14, %mul3A_43 : i32
      %mul3A_45 = arith.constant 80 : i32
      %mul3A_46 = arith.muli %add3A_35, %mul3A_45 : i32
      %add3A_47 = arith.addi %mul3A_14, %mul3A_46 : i32
      "tpu.region"() ({
        %run_scoped3A = tpu.sem_alloc : memref<!tpu.dma_semaphore, #tpu.memory_space<semaphore_mem>>
        %dma_start3A = arith.constant 0 : i32
        %dma_start3A_48 = tpu.memref_slice %arg7[%arg0, %add3A_47, %dma_start3A] : memref<2x10240x16xf32, #tpu.memory_space<hbm>> -> memref<1x80x16xf32, #tpu.memory_space<hbm>>
        %dma_start3A_49 = tpu.memref_squeeze %dma_start3A_48 : memref<1x80x16xf32, #tpu.memory_space<hbm>> -> memref<80x16xf32, #tpu.memory_space<hbm>>
        %dma_start3A_50 = arith.constant 0 : i32
        %dma_start3A_51 = tpu.memref_slice %arg14[%add3A_44, %dma_start3A_50] : memref<10240x16xf32, #tpu.memory_space<vmem_shared>> -> memref<80x16xf32, #tpu.memory_space<vmem_shared>>
        tpu.enqueue_dma source(%dma_start3A_51 : memref<80x16xf32, #tpu.memory_space<vmem_shared>>) target(%dma_start3A_49 : memref<80x16xf32, #tpu.memory_space<hbm>>) target_semaphore(%run_scoped3A : memref<!tpu.dma_semaphore, #tpu.memory_space<semaphore_mem>>)
        %dma_wait3A = arith.constant 0 : i32
        %dma_wait3A_52 = tpu.memref_slice %arg7[%arg0, %add3A_47, %dma_wait3A] : memref<2x10240x16xf32, #tpu.memory_space<hbm>> -> memref<1x80x16xf32, #tpu.memory_space<hbm>>
        %dma_wait3A_53 = tpu.memref_squeeze %dma_wait3A_52 : memref<1x80x16xf32, #tpu.memory_space<hbm>> -> memref<80x16xf32, #tpu.memory_space<hbm>>
        %dma_wait3A_54 = arith.constant 0 : i32
        %dma_wait3A_55 = tpu.memref_slice %arg14[%add3A_44, %dma_wait3A_54] : memref<10240x16xf32, #tpu.memory_space<vmem_shared>> -> memref<80x16xf32, #tpu.memory_space<vmem_shared>>
        tpu.wait_dma2 semaphore(%run_scoped3A : memref<!tpu.dma_semaphore, #tpu.memory_space<semaphore_mem>>) src(%dma_wait3A_55 : memref<80x16xf32, #tpu.memory_space<vmem_shared>>) dst(%dma_wait3A_53 : memref<80x16xf32, #tpu.memory_space<hbm>>)
        tpu.yield
      }) : () -> ()
    }
    %scan3A_30 = arith.constant 8 : i32
    return
  }
}

module attributes {stable_mosaic.version = 14 : i64} {
  func.func @_embed_body(%arg0: i32, %arg1: memref<400x128xf32, #tpu.memory_space<vmem>>, %arg2: memref<128x128xf32, #tpu.memory_space<vmem>>, %arg3: memref<1x128xf32, #tpu.memory_space<vmem>>, %arg4: memref<400x128xf32, #tpu.memory_space<vmem>>) attributes {dimension_semantics = [#tpu.dimension_semantics<arbitrary>], iteration_bounds = array<i64: 25>, scalar_prefetch = 0 : i64, scratch_operands = 0 : i64, tpu.core_type = #tpu.core_type<tc>, window_params = [{transform_indices = @transform_0, window_bounds = array<i64: 400, 128>}, {pipeline_mode = #tpu.pipeline_mode<synchronous>, transform_indices = @transform_1, window_bounds = array<i64: 128, 128>}, {pipeline_mode = #tpu.pipeline_mode<synchronous>, transform_indices = @transform_2, window_bounds = array<i64: 1, 128>}, {transform_indices = @transform_3, window_bounds = array<i64: 400, 128>}]} {
    %get3A = arith.constant 0 : index
    %get3A_0 = arith.constant 0 : index
    %get3A_1 = vector.load %arg1[%get3A, %get3A_0] : memref<400x128xf32, #tpu.memory_space<vmem>>, vector<400x128xf32>
    %get3A_2 = arith.constant 0 : index
    %get3A_3 = arith.constant 0 : index
    %get3A_4 = vector.load %arg2[%get3A_2, %get3A_3] : memref<128x128xf32, #tpu.memory_space<vmem>>, vector<128x128xf32>
    %dot_general3A = arith.constant dense<0.000000e+00> : vector<400x128xf32>
    %dot_general3A_5 = tpu.matmul %get3A_1, %get3A_4, %dot_general3A {dimension_numbers = #tpu.dot_dimension_numbers<[1], [0], [0], [1], [0, 0, 1, 1], [], []>, transpose_lhs_hint = false} : vector<400x128xf32>, vector<128x128xf32>, vector<400x128xf32> -> vector<400x128xf32>
    %get3A_6 = arith.constant 0 : index
    %get3A_7 = arith.constant 0 : index
    %get3A_8 = vector.load %arg3[%get3A_6, %get3A_7] : memref<1x128xf32, #tpu.memory_space<vmem>>, vector<1x128xf32>
    %add3A = vector.broadcast %get3A_8 : vector<1x128xf32> to vector<400x128xf32>
    %add3A_9 = arith.addf %dot_general3A_5, %add3A : vector<400x128xf32>
    %max3A = arith.constant 0.000000e+00 : f32
    %max3A_10 = vector.broadcast %max3A : f32 to vector<400x128xf32>
    %max3A_11 = arith.maximumf %add3A_9, %max3A_10 : vector<400x128xf32>
    %swap3A = arith.constant 0 : index
    %swap3A_12 = arith.constant 0 : index
    %swap3A_13 = vector.load %arg4[%swap3A, %swap3A_12] : memref<400x128xf32, #tpu.memory_space<vmem>>, vector<400x128xf32>
    tpu.vector_store %arg4[%swap3A, %swap3A_12], %max3A_11 {strides = array<i32>} : memref<400x128xf32, #tpu.memory_space<vmem>>, vector<400x128xf32>,
    return
  }
  func.func @transform_0(%arg0: i32) -> (i32, i32) {
    %c0_i32 = arith.constant 0 : i32
    %c0_i32_0 = arith.constant 0 : i32
    return %arg0, %c0_i32 : i32, i32
  }
  func.func @transform_1(%arg0: i32) -> (i32, i32) {
    %c0_i32 = arith.constant 0 : i32
    %c0_i32_0 = arith.constant 0 : i32
    %c0_i32_1 = arith.constant 0 : i32
    return %c0_i32, %c0_i32_0 : i32, i32
  }
  func.func @transform_2(%arg0: i32) -> (i32, i32) {
    %c0_i32 = arith.constant 0 : i32
    %c0_i32_0 = arith.constant 0 : i32
    %c0_i32_1 = arith.constant 0 : i32
    return %c0_i32, %c0_i32_0 : i32, i32
  }
  func.func @transform_3(%arg0: i32) -> (i32, i32) {
    %c0_i32 = arith.constant 0 : i32
    %c0_i32_0 = arith.constant 0 : i32
    return %arg0, %c0_i32 : i32, i32
  }
}

module attributes {stable_mosaic.version = 14 : i64} {
  func.func @_dense_body(%arg0: i32, %arg1: memref<400x128xf32, #tpu.memory_space<vmem>>, %arg2: memref<128x1024xf32, #tpu.memory_space<vmem>>, %arg3: memref<128x128xf32, #tpu.memory_space<vmem>>, %arg4: memref<1x128xf32, #tpu.memory_space<vmem>>, %arg5: memref<1x128xf32, #tpu.memory_space<vmem>>, %arg6: memref<1x128xf32, #tpu.memory_space<vmem>>, %arg7: memref<1x128xf32, #tpu.memory_space<vmem>>, %arg8: memref<400x1024xf32, #tpu.memory_space<vmem>>, %arg9: memref<400x8xf32, #tpu.memory_space<vmem>>, %arg10: memref<400x1xf32, #tpu.memory_space<vmem>>, %arg11: memref<400x128xf32, #tpu.memory_space<vmem>>) attributes {dimension_semantics = [#tpu.dimension_semantics<arbitrary>], iteration_bounds = array<i64: 25>, scalar_prefetch = 0 : i64, scratch_operands = 0 : i64, tpu.core_type = #tpu.core_type<tc>, window_params = [{transform_indices = @transform_0, window_bounds = array<i64: 400, 128>}, {pipeline_mode = #tpu.pipeline_mode<synchronous>, transform_indices = @transform_1, window_bounds = array<i64: 128, 1024>}, {pipeline_mode = #tpu.pipeline_mode<synchronous>, transform_indices = @transform_2, window_bounds = array<i64: 128, 128>}, {pipeline_mode = #tpu.pipeline_mode<synchronous>, transform_indices = @transform_3, window_bounds = array<i64: 1, 128>}, {pipeline_mode = #tpu.pipeline_mode<synchronous>, transform_indices = @transform_4, window_bounds = array<i64: 1, 128>}, {pipeline_mode = #tpu.pipeline_mode<synchronous>, transform_indices = @transform_5, window_bounds = array<i64: 1, 128>}, {pipeline_mode = #tpu.pipeline_mode<synchronous>, transform_indices = @transform_6, window_bounds = array<i64: 1, 128>}, {transform_indices = @transform_7, window_bounds = array<i64: 400, 1024>}, {transform_indices = @transform_8, window_bounds = array<i64: 400, 8>}, {transform_indices = @transform_9, window_bounds = array<i64: 400, 1>}, {transform_indices = @transform_10, window_bounds = array<i64: 400, 128>}]} {
    %get3A = arith.constant 0 : index
    %get3A_0 = arith.constant 0 : index
    %get3A_1 = vector.load %arg1[%get3A, %get3A_0] : memref<400x128xf32, #tpu.memory_space<vmem>>, vector<400x128xf32>
    %get3A_2 = arith.constant 0 : index
    %get3A_3 = arith.constant 0 : index
    %get3A_4 = vector.load %arg2[%get3A_2, %get3A_3] : memref<128x1024xf32, #tpu.memory_space<vmem>>, vector<128x1024xf32>
    %dot_general3A = arith.constant dense<0.000000e+00> : vector<400x1024xf32>
    %dot_general3A_5 = tpu.matmul %get3A_1, %get3A_4, %dot_general3A {dimension_numbers = #tpu.dot_dimension_numbers<[1], [0], [0], [1], [0, 0, 1, 1], [], []>, transpose_lhs_hint = false} : vector<400x128xf32>, vector<128x1024xf32>, vector<400x1024xf32> -> vector<400x1024xf32>
    %get3A_6 = arith.constant 0 : index
    %get3A_7 = arith.constant 0 : index
    %get3A_8 = vector.load %arg5[%get3A_6, %get3A_7] : memref<1x128xf32, #tpu.memory_space<vmem>>, vector<1x128xf32>
    %mul3A = vector.broadcast %get3A_8 : vector<1x128xf32> to vector<400x128xf32>
    %mul3A_9 = arith.mulf %get3A_1, %mul3A : vector<400x128xf32>
    %reduce_sum3A = arith.constant dense<0.000000e+00> : vector<400xf32>
    %reduce_sum3A_10 = vector.multi_reduction <add>, %mul3A_9, %reduce_sum3A [1] : vector<400x128xf32> to vector<400xf32>
    %broadcast_in_dim3A = vector.shape_cast %reduce_sum3A_10 : vector<400xf32> to vector<400x1xf32>
    %logistic3A = arith.negf %broadcast_in_dim3A : vector<400x1xf32>
    %logistic3A_11 = math.exp %logistic3A : vector<400x1xf32>
    %logistic3A_12 = arith.constant 1.000000e+00 : f32
    %logistic3A_13 = vector.broadcast %logistic3A_12 : f32 to vector<400x1xf32>
    %logistic3A_14 = arith.addf %logistic3A_13, %logistic3A_11 : vector<400x1xf32>
    %logistic3A_15 = arith.divf %logistic3A_13, %logistic3A_14 : vector<400x1xf32>
    %reshape3A = vector.shape_cast %dot_general3A_5 : vector<400x1024xf32> to vector<400x8x128xf32>
    %get3A_16 = arith.constant 0 : index
    %get3A_17 = arith.constant 0 : index
    %get3A_18 = vector.load %arg6[%get3A_16, %get3A_17] : memref<1x128xf32, #tpu.memory_space<vmem>>, vector<1x128xf32>
    %reshape3A_19 = vector.shape_cast %get3A_18 : vector<1x128xf32> to vector<1x1x128xf32>
    %mul3A_20 = vector.broadcast %reshape3A_19 : vector<1x1x128xf32> to vector<400x8x128xf32>
    %mul3A_21 = arith.mulf %reshape3A, %mul3A_20 : vector<400x8x128xf32>
    %reduce_sum3A_22 = arith.constant dense<0.000000e+00> : vector<400x8xf32>
    %reduce_sum3A_23 = vector.multi_reduction <add>, %mul3A_21, %reduce_sum3A_22 [2] : vector<400x8x128xf32> to vector<400x8xf32>
    %swap3A = arith.constant 0 : index
    %swap3A_24 = arith.constant 0 : index
    %swap3A_25 = vector.load %arg9[%swap3A, %swap3A_24] : memref<400x8xf32, #tpu.memory_space<vmem>>, vector<400x8xf32>
    tpu.vector_store %arg9[%swap3A, %swap3A_24], %reduce_sum3A_23 {strides = array<i32>} : memref<400x8xf32, #tpu.memory_space<vmem>>, vector<400x8xf32>,
    %get3A_26 = arith.constant 0 : index
    %get3A_27 = arith.constant 0 : index
    %get3A_28 = vector.load %arg7[%get3A_26, %get3A_27] : memref<1x128xf32, #tpu.memory_space<vmem>>, vector<1x128xf32>
    %mul3A_29 = vector.broadcast %get3A_28 : vector<1x128xf32> to vector<400x128xf32>
    %mul3A_30 = arith.mulf %get3A_1, %mul3A_29 : vector<400x128xf32>
    %reduce_sum3A_31 = arith.constant dense<0.000000e+00> : vector<400xf32>
    %reduce_sum3A_32 = vector.multi_reduction <add>, %mul3A_30, %reduce_sum3A_31 [1] : vector<400x128xf32> to vector<400xf32>
    %broadcast_in_dim3A_33 = vector.shape_cast %reduce_sum3A_32 : vector<400xf32> to vector<400x1xf32>
    %swap3A_34 = arith.constant 0 : index
    %swap3A_35 = arith.constant 0 : index
    %swap3A_36 = vector.load %arg10[%swap3A_34, %swap3A_35] : memref<400x1xf32, #tpu.memory_space<vmem>>, vector<400x1xf32>
    tpu.vector_store %arg10[%swap3A_34, %swap3A_35], %broadcast_in_dim3A_33 {strides = array<i32>} : memref<400x1xf32, #tpu.memory_space<vmem>>, vector<400x1xf32>,
    %get3A_37 = arith.constant 0 : index
    %get3A_38 = arith.constant 0 : index
    %get3A_39 = vector.load %arg3[%get3A_37, %get3A_38] : memref<128x128xf32, #tpu.memory_space<vmem>>, vector<128x128xf32>
    %dot_general3A_40 = arith.constant dense<0.000000e+00> : vector<400x128xf32>
    %dot_general3A_41 = tpu.matmul %get3A_1, %get3A_39, %dot_general3A_40 {dimension_numbers = #tpu.dot_dimension_numbers<[1], [0], [0], [1], [0, 0, 1, 1], [], []>, transpose_lhs_hint = false} : vector<400x128xf32>, vector<128x128xf32>, vector<400x128xf32> -> vector<400x128xf32>
    %get3A_42 = arith.constant 0 : index
    %get3A_43 = arith.constant 0 : index
    %get3A_44 = vector.load %arg4[%get3A_42, %get3A_43] : memref<1x128xf32, #tpu.memory_space<vmem>>, vector<1x128xf32>
    %add3A = vector.broadcast %get3A_44 : vector<1x128xf32> to vector<400x128xf32>
    %add3A_45 = arith.addf %dot_general3A_41, %add3A : vector<400x128xf32>
    %swap3A_46 = arith.constant 0 : index
    %swap3A_47 = arith.constant 0 : index
    %swap3A_48 = vector.load %arg11[%swap3A_46, %swap3A_47] : memref<400x128xf32, #tpu.memory_space<vmem>>, vector<400x128xf32>
    tpu.vector_store %arg11[%swap3A_46, %swap3A_47], %add3A_45 {strides = array<i32>} : memref<400x128xf32, #tpu.memory_space<vmem>>, vector<400x128xf32>,
    %mul3A_49 = vector.broadcast %logistic3A_15 : vector<400x1xf32> to vector<400x1024xf32>
    %mul3A_50 = arith.mulf %dot_general3A_5, %mul3A_49 : vector<400x1024xf32>
    %swap3A_51 = arith.constant 0 : index
    %swap3A_52 = arith.constant 0 : index
    %swap3A_53 = vector.load %arg8[%swap3A_51, %swap3A_52] : memref<400x1024xf32, #tpu.memory_space<vmem>>, vector<400x1024xf32>
    tpu.vector_store %arg8[%swap3A_51, %swap3A_52], %mul3A_50 {strides = array<i32>} : memref<400x1024xf32, #tpu.memory_space<vmem>>, vector<400x1024xf32>,
    return
  }
  func.func @transform_0(%arg0: i32) -> (i32, i32) {
    %c0_i32 = arith.constant 0 : i32
    %c0_i32_0 = arith.constant 0 : i32
    return %arg0, %c0_i32 : i32, i32
  }
  func.func @transform_1(%arg0: i32) -> (i32, i32) {
    %c0_i32 = arith.constant 0 : i32
    %c0_i32_0 = arith.constant 0 : i32
    %c0_i32_1 = arith.constant 0 : i32
    return %c0_i32, %c0_i32_0 : i32, i32
  }
  func.func @transform_2(%arg0: i32) -> (i32, i32) {
    %c0_i32 = arith.constant 0 : i32
    %c0_i32_0 = arith.constant 0 : i32
    %c0_i32_1 = arith.constant 0 : i32
    return %c0_i32, %c0_i32_0 : i32, i32
  }
  func.func @transform_3(%arg0: i32) -> (i32, i32) {
    %c0_i32 = arith.constant 0 : i32
    %c0_i32_0 = arith.constant 0 : i32
    %c0_i32_1 = arith.constant 0 : i32
    return %c0_i32, %c0_i32_0 : i32, i32
  }
  func.func @transform_4(%arg0: i32) -> (i32, i32) {
    %c0_i32 = arith.constant 0 : i32
    %c0_i32_0 = arith.constant 0 : i32
    %c0_i32_1 = arith.constant 0 : i32
    return %c0_i32, %c0_i32_0 : i32, i32
  }
  func.func @transform_5(%arg0: i32) -> (i32, i32) {
    %c0_i32 = arith.constant 0 : i32
    %c0_i32_0 = arith.constant 0 : i32
    %c0_i32_1 = arith.constant 0 : i32
    return %c0_i32, %c0_i32_0 : i32, i32
  }
  func.func @transform_6(%arg0: i32) -> (i32, i32) {
    %c0_i32 = arith.constant 0 : i32
    %c0_i32_0 = arith.constant 0 : i32
    %c0_i32_1 = arith.constant 0 : i32
    return %c0_i32, %c0_i32_0 : i32, i32
  }
  func.func @transform_7(%arg0: i32) -> (i32, i32) {
    %c0_i32 = arith.constant 0 : i32
    %c0_i32_0 = arith.constant 0 : i32
    return %arg0, %c0_i32 : i32, i32
  }
  func.func @transform_8(%arg0: i32) -> (i32, i32) {
    %c0_i32 = arith.constant 0 : i32
    %c0_i32_0 = arith.constant 0 : i32
    return %arg0, %c0_i32 : i32, i32
  }
  func.func @transform_9(%arg0: i32) -> (i32, i32) {
    %c0_i32 = arith.constant 0 : i32
    %c0_i32_0 = arith.constant 0 : i32
    return %arg0, %c0_i32 : i32, i32
  }
  func.func @transform_10(%arg0: i32) -> (i32, i32) {
    %c0_i32 = arith.constant 0 : i32
    %c0_i32_0 = arith.constant 0 : i32
    return %arg0, %c0_i32 : i32, i32
  }
}

module attributes {stable_mosaic.version = 14 : i64} {
  func.func @_edge_body(%arg0: i32, %arg1: memref<2500x128xi32, #tpu.memory_space<vmem>>, %arg2: memref<2500x128xi32, #tpu.memory_space<vmem>>, %arg3: memref<2500x128xi32, #tpu.memory_space<vmem>>, %arg4: memref<2500x128xi32, #tpu.memory_space<vmem>>, %arg5: memref<2500x128xi32, #tpu.memory_space<vmem>>) attributes {dimension_semantics = [#tpu.dimension_semantics<arbitrary>], iteration_bounds = array<i64: 1>, scalar_prefetch = 0 : i64, scratch_operands = 0 : i64, tpu.core_type = #tpu.core_type<tc>, window_params = [{pipeline_mode = #tpu.pipeline_mode<synchronous>, transform_indices = @transform_0, window_bounds = array<i64: 2500, 128>}, {pipeline_mode = #tpu.pipeline_mode<synchronous>, transform_indices = @transform_1, window_bounds = array<i64: 2500, 128>}, {pipeline_mode = #tpu.pipeline_mode<synchronous>, transform_indices = @transform_2, window_bounds = array<i64: 2500, 128>}, {pipeline_mode = #tpu.pipeline_mode<synchronous>, transform_indices = @transform_3, window_bounds = array<i64: 2500, 128>}, {pipeline_mode = #tpu.pipeline_mode<synchronous>, transform_indices = @transform_4, window_bounds = array<i64: 2500, 128>}]} {
    %get3A = arith.constant 0 : index
    %get3A_0 = arith.constant 0 : index
    %get3A_1 = vector.load %arg1[%get3A, %get3A_0] : memref<2500x128xi32, #tpu.memory_space<vmem>>, vector<2500x128xi32>
    %mul3A = arith.constant 8 : i32
    %mul3A_2 = vector.broadcast %mul3A : i32 to vector<2500x128xi32>
    %mul3A_3 = arith.muli %get3A_1, %mul3A_2 : vector<2500x128xi32>
    %get3A_4 = arith.constant 0 : index
    %get3A_5 = arith.constant 0 : index
    %get3A_6 = vector.load %arg2[%get3A_4, %get3A_5] : memref<2500x128xi32, #tpu.memory_space<vmem>>, vector<2500x128xi32>
    %add3A = arith.addi %mul3A_3, %get3A_6 : vector<2500x128xi32>
    %swap3A = arith.constant 0 : index
    %swap3A_7 = arith.constant 0 : index
    %swap3A_8 = vector.load %arg3[%swap3A, %swap3A_7] : memref<2500x128xi32, #tpu.memory_space<vmem>>, vector<2500x128xi32>
    tpu.vector_store %arg3[%swap3A, %swap3A_7], %add3A {strides = array<i32>} : memref<2500x128xi32, #tpu.memory_space<vmem>>, vector<2500x128xi32>,
    %shift_right_logical3A = arith.constant 4 : i32
    %shift_right_logical3A_9 = vector.broadcast %shift_right_logical3A : i32 to vector<2500x128xi32>
    %shift_right_logical3A_10 = arith.shrui %add3A, %shift_right_logical3A_9 : vector<2500x128xi32>
    %swap3A_11 = arith.constant 0 : index
    %swap3A_12 = arith.constant 0 : index
    %swap3A_13 = vector.load %arg4[%swap3A_11, %swap3A_12] : memref<2500x128xi32, #tpu.memory_space<vmem>>, vector<2500x128xi32>
    tpu.vector_store %arg4[%swap3A_11, %swap3A_12], %shift_right_logical3A_10 {strides = array<i32>} : memref<2500x128xi32, #tpu.memory_space<vmem>>, vector<2500x128xi32>,
    %and3A = arith.constant 15 : i32
    %and3A_14 = vector.broadcast %and3A : i32 to vector<2500x128xi32>
    %and3A_15 = arith.andi %add3A, %and3A_14 : vector<2500x128xi32>
    %swap3A_16 = arith.constant 0 : index
    %swap3A_17 = arith.constant 0 : index
    %swap3A_18 = vector.load %arg5[%swap3A_16, %swap3A_17] : memref<2500x128xi32, #tpu.memory_space<vmem>>, vector<2500x128xi32>
    tpu.vector_store %arg5[%swap3A_16, %swap3A_17], %and3A_15 {strides = array<i32>} : memref<2500x128xi32, #tpu.memory_space<vmem>>, vector<2500x128xi32>,
    return
  }
  func.func @transform_0(%arg0: i32) -> (i32, i32) {
    %c0_i32 = arith.constant 0 : i32
    %c0_i32_0 = arith.constant 0 : i32
    %c0_i32_1 = arith.constant 0 : i32
    return %c0_i32, %c0_i32_0 : i32, i32
  }
  func.func @transform_1(%arg0: i32) -> (i32, i32) {
    %c0_i32 = arith.constant 0 : i32
    %c0_i32_0 = arith.constant 0 : i32
    %c0_i32_1 = arith.constant 0 : i32
    return %c0_i32, %c0_i32_0 : i32, i32
  }
  func.func @transform_2(%arg0: i32) -> (i32, i32) {
    %c0_i32 = arith.constant 0 : i32
    %c0_i32_0 = arith.constant 0 : i32
    %c0_i32_1 = arith.constant 0 : i32
    return %c0_i32, %c0_i32_0 : i32, i32
  }
  func.func @transform_3(%arg0: i32) -> (i32, i32) {
    %c0_i32 = arith.constant 0 : i32
    %c0_i32_0 = arith.constant 0 : i32
    %c0_i32_1 = arith.constant 0 : i32
    return %c0_i32, %c0_i32_0 : i32, i32
  }
  func.func @transform_4(%arg0: i32) -> (i32, i32) {
    %c0_i32 = arith.constant 0 : i32
    %c0_i32_0 = arith.constant 0 : i32
    %c0_i32_1 = arith.constant 0 : i32
    return %c0_i32, %c0_i32_0 : i32, i32
  }
}

module attributes {stable_mosaic.version = 14 : i64} {
  func.func @_epi_body_act(%arg0: i32, %arg1: memref<2x400x128xf32, #tpu.memory_space<vmem>>, %arg2: memref<2x400x16xf32, #tpu.memory_space<vmem>>, %arg3: memref<400x128xf32, #tpu.memory_space<vmem>>, %arg4: memref<400x128xf32, #tpu.memory_space<vmem>>) attributes {dimension_semantics = [#tpu.dimension_semantics<arbitrary>], iteration_bounds = array<i64: 25>, scalar_prefetch = 0 : i64, scratch_operands = 0 : i64, tpu.core_type = #tpu.core_type<tc>, window_params = [{transform_indices = @transform_0, window_bounds = array<i64: 2, 400, 128>}, {transform_indices = @transform_1, window_bounds = array<i64: 2, 400, 16>}, {transform_indices = @transform_2, window_bounds = array<i64: 400, 128>}, {transform_indices = @transform_3, window_bounds = array<i64: 400, 128>}]} {
    %get3A = arith.constant 0 : index
    %get3A_0 = arith.constant 0 : index
    %get3A_1 = arith.constant 0 : index
    %get3A_2 = vector.load %arg1[%get3A, %get3A_0, %get3A_1] : memref<2x400x128xf32, #tpu.memory_space<vmem>>, vector<1x400x128xf32>
    %get3A_3 = vector.shape_cast %get3A_2 : vector<1x400x128xf32> to vector<400x128xf32>
    %get3A_4 = arith.constant 1 : index
    %get3A_5 = arith.constant 0 : index
    %get3A_6 = arith.constant 0 : index
    %get3A_7 = vector.load %arg1[%get3A_4, %get3A_5, %get3A_6] : memref<2x400x128xf32, #tpu.memory_space<vmem>>, vector<1x400x128xf32>
    %get3A_8 = vector.shape_cast %get3A_7 : vector<1x400x128xf32> to vector<400x128xf32>
    %add3A = arith.addf %get3A_3, %get3A_8 : vector<400x128xf32>
    %get3A_9 = arith.constant 0 : index
    %get3A_10 = arith.constant 0 : index
    %get3A_11 = arith.constant 0 : index
    %get3A_12 = vector.load %arg2[%get3A_9, %get3A_10, %get3A_11] : memref<2x400x16xf32, #tpu.memory_space<vmem>>, vector<1x400x1xf32>
    %get3A_13 = vector.shape_cast %get3A_12 : vector<1x400x1xf32> to vector<400x1xf32>
    %get3A_14 = arith.constant 1 : index
    %get3A_15 = arith.constant 0 : index
    %get3A_16 = arith.constant 0 : index
    %get3A_17 = vector.load %arg2[%get3A_14, %get3A_15, %get3A_16] : memref<2x400x16xf32, #tpu.memory_space<vmem>>, vector<1x400x1xf32>
    %get3A_18 = vector.shape_cast %get3A_17 : vector<1x400x1xf32> to vector<400x1xf32>
    %add3A_19 = arith.addf %get3A_13, %get3A_18 : vector<400x1xf32>
    %add3A_20 = arith.constant 9.99999971E-10 : f32
    %add3A_21 = vector.broadcast %add3A_20 : f32 to vector<400x1xf32>
    %add3A_22 = arith.addf %add3A_19, %add3A_21 : vector<400x1xf32>
    %div3A = vector.broadcast %add3A_22 : vector<400x1xf32> to vector<400x128xf32>
    %div3A_23 = arith.divf %add3A, %div3A : vector<400x128xf32>
    %get3A_24 = arith.constant 0 : index
    %get3A_25 = arith.constant 0 : index
    %get3A_26 = vector.load %arg3[%get3A_24, %get3A_25] : memref<400x128xf32, #tpu.memory_space<vmem>>, vector<400x128xf32>
    %add3A_27 = arith.addf %div3A_23, %get3A_26 : vector<400x128xf32>
    %max3A = arith.constant 0.000000e+00 : f32
    %max3A_28 = vector.broadcast %max3A : f32 to vector<400x128xf32>
    %max3A_29 = arith.maximumf %add3A_27, %max3A_28 : vector<400x128xf32>
    %swap3A = arith.constant 0 : index
    %swap3A_30 = arith.constant 0 : index
    %swap3A_31 = vector.load %arg4[%swap3A, %swap3A_30] : memref<400x128xf32, #tpu.memory_space<vmem>>, vector<400x128xf32>
    tpu.vector_store %arg4[%swap3A, %swap3A_30], %max3A_29 {strides = array<i32>} : memref<400x128xf32, #tpu.memory_space<vmem>>, vector<400x128xf32>,
    return
  }
  func.func @transform_0(%arg0: i32) -> (i32, i32, i32) {
    %c0_i32 = arith.constant 0 : i32
    %c0_i32_0 = arith.constant 0 : i32
    %c0_i32_1 = arith.constant 0 : i32
    return %c0_i32, %arg0, %c0_i32_0 : i32, i32, i32
  }
  func.func @transform_1(%arg0: i32) -> (i32, i32, i32) {
    %c0_i32 = arith.constant 0 : i32
    %c0_i32_0 = arith.constant 0 : i32
    %c0_i32_1 = arith.constant 0 : i32
    return %c0_i32, %arg0, %c0_i32_0 : i32, i32, i32
  }
  func.func @transform_2(%arg0: i32) -> (i32, i32) {
    %c0_i32 = arith.constant 0 : i32
    %c0_i32_0 = arith.constant 0 : i32
    return %arg0, %c0_i32 : i32, i32
  }
  func.func @transform_3(%arg0: i32) -> (i32, i32) {
    %c0_i32 = arith.constant 0 : i32
    %c0_i32_0 = arith.constant 0 : i32
    return %arg0, %c0_i32 : i32, i32
  }
}

module attributes {stable_mosaic.version = 14 : i64} {
  func.func @_epi_body_noact(%arg0: i32, %arg1: memref<2x400x128xf32, #tpu.memory_space<vmem>>, %arg2: memref<2x400x16xf32, #tpu.memory_space<vmem>>, %arg3: memref<400x128xf32, #tpu.memory_space<vmem>>, %arg4: memref<400x128xf32, #tpu.memory_space<vmem>>) attributes {dimension_semantics = [#tpu.dimension_semantics<arbitrary>], iteration_bounds = array<i64: 25>, scalar_prefetch = 0 : i64, scratch_operands = 0 : i64, tpu.core_type = #tpu.core_type<tc>, window_params = [{transform_indices = @transform_0, window_bounds = array<i64: 2, 400, 128>}, {transform_indices = @transform_1, window_bounds = array<i64: 2, 400, 16>}, {transform_indices = @transform_2, window_bounds = array<i64: 400, 128>}, {transform_indices = @transform_3, window_bounds = array<i64: 400, 128>}]} {
    %get3A = arith.constant 0 : index
    %get3A_0 = arith.constant 0 : index
    %get3A_1 = arith.constant 0 : index
    %get3A_2 = vector.load %arg1[%get3A, %get3A_0, %get3A_1] : memref<2x400x128xf32, #tpu.memory_space<vmem>>, vector<1x400x128xf32>
    %get3A_3 = vector.shape_cast %get3A_2 : vector<1x400x128xf32> to vector<400x128xf32>
    %get3A_4 = arith.constant 1 : index
    %get3A_5 = arith.constant 0 : index
    %get3A_6 = arith.constant 0 : index
    %get3A_7 = vector.load %arg1[%get3A_4, %get3A_5, %get3A_6] : memref<2x400x128xf32, #tpu.memory_space<vmem>>, vector<1x400x128xf32>
    %get3A_8 = vector.shape_cast %get3A_7 : vector<1x400x128xf32> to vector<400x128xf32>
    %add3A = arith.addf %get3A_3, %get3A_8 : vector<400x128xf32>
    %get3A_9 = arith.constant 0 : index
    %get3A_10 = arith.constant 0 : index
    %get3A_11 = arith.constant 0 : index
    %get3A_12 = vector.load %arg2[%get3A_9, %get3A_10, %get3A_11] : memref<2x400x16xf32, #tpu.memory_space<vmem>>, vector<1x400x1xf32>
    %get3A_13 = vector.shape_cast %get3A_12 : vector<1x400x1xf32> to vector<400x1xf32>
    %get3A_14 = arith.constant 1 : index
    %get3A_15 = arith.constant 0 : index
    %get3A_16 = arith.constant 0 : index
    %get3A_17 = vector.load %arg2[%get3A_14, %get3A_15, %get3A_16] : memref<2x400x16xf32, #tpu.memory_space<vmem>>, vector<1x400x1xf32>
    %get3A_18 = vector.shape_cast %get3A_17 : vector<1x400x1xf32> to vector<400x1xf32>
    %add3A_19 = arith.addf %get3A_13, %get3A_18 : vector<400x1xf32>
    %add3A_20 = arith.constant 9.99999971E-10 : f32
    %add3A_21 = vector.broadcast %add3A_20 : f32 to vector<400x1xf32>
    %add3A_22 = arith.addf %add3A_19, %add3A_21 : vector<400x1xf32>
    %div3A = vector.broadcast %add3A_22 : vector<400x1xf32> to vector<400x128xf32>
    %div3A_23 = arith.divf %add3A, %div3A : vector<400x128xf32>
    %get3A_24 = arith.constant 0 : index
    %get3A_25 = arith.constant 0 : index
    %get3A_26 = vector.load %arg3[%get3A_24, %get3A_25] : memref<400x128xf32, #tpu.memory_space<vmem>>, vector<400x128xf32>
    %add3A_27 = arith.addf %div3A_23, %get3A_26 : vector<400x128xf32>
    %swap3A = arith.constant 0 : index
    %swap3A_28 = arith.constant 0 : index
    %swap3A_29 = vector.load %arg4[%swap3A, %swap3A_28] : memref<400x128xf32, #tpu.memory_space<vmem>>, vector<400x128xf32>
    tpu.vector_store %arg4[%swap3A, %swap3A_28], %add3A_27 {strides = array<i32>} : memref<400x128xf32, #tpu.memory_space<vmem>>, vector<400x128xf32>,
    return
  }
  func.func @transform_0(%arg0: i32) -> (i32, i32, i32) {
    %c0_i32 = arith.constant 0 : i32
    %c0_i32_0 = arith.constant 0 : i32
    %c0_i32_1 = arith.constant 0 : i32
    return %c0_i32, %arg0, %c0_i32_0 : i32, i32, i32
  }
  func.func @transform_1(%arg0: i32) -> (i32, i32, i32) {
    %c0_i32 = arith.constant 0 : i32
    %c0_i32_0 = arith.constant 0 : i32
    %c0_i32_1 = arith.constant 0 : i32
    return %c0_i32, %arg0, %c0_i32_0 : i32, i32, i32
  }
  func.func @transform_2(%arg0: i32) -> (i32, i32) {
    %c0_i32 = arith.constant 0 : i32
    %c0_i32_0 = arith.constant 0 : i32
    return %arg0, %c0_i32 : i32, i32
  }
  func.func @transform_3(%arg0: i32) -> (i32, i32) {
    %c0_i32 = arith.constant 0 : i32
    %c0_i32_0 = arith.constant 0 : i32
    return %arg0, %c0_i32 : i32, i32
  }
}

</mosaic_0001>

<sc_bundles>
// kernel: kernel.13.cloned.1.call-start
scs
__scs_entry_jumppad:
0x0: {  	(pc) =	sbr.rel $0x88, $3  }
0x1: {  	(tag) =	ssettag $0x0;
	lr =	simm.s32 $0x1  }
0x2: {  	[smem:$0x3F88] =	sst lr;
	_ =	strace $0xD0000000  }
0x3: {  	_ = 	snop  }
0x4: {  	_ = 	snop  }
0x5: {  	_ = 	snop  }
0x6: {  	_ = 	snop  }
0x7: {  	_ = 	snop  }
__scs_overlays_trampoline_lowered:
0x8: {  	[smem:$0x3F97] =	sst s0  }
0x9: {  	[smem:$0x3F98] =	sst s1  }
0xa: {  	[smem:$0x3F99] =	sst s2  }
0xb: {  	[smem:$0x3F9A] =	sst s3  }
0xc: {  	[smem:$0x3F9B] =	sst s4  }
0xd: {  	[smem:$0x3F9C] =	sst s5  }
0xe: {  	[smem:$0x3F9D] =	sst s6  }
0xf: {  	[smem:$0x3F9E] =	sst s7  }
0x10: {  	[smem:$0x3F9F] =	sst s8  }
0x11: {  	[smem:$0x3FA0] =	sst s9;
	s0 =	simm.s32 @!p0 $0x0  }
0x12: {  	s1 =	sld [smem:$0x3F86];
	s0 =	simm.s32 @p0 $0x1  }
0x13: {  	[smem:$0x3FA1] =	sst s0;
	s0 =	simm.s32 @!p1 $0x0  }
0x14: {  	s2 =	sld [smem:$0x3F85];
	s0 =	simm.s32 @p1 $0x1  }
0x15: {  	[smem:$0x3FA2] =	sst s0;
	s0 =	simm.s32 @!p2 $0x0  }
0x16: {  	s3 =	sld [smem:$0x3FDB];
	s0 =	simm.s32 @p2 $0x1  }
0x17: {  	s4 =	simm.s32 $0x1BF5;
	[smem:$0x3FA4] =	sst s0  }
0x18: {  	s0 =	sld [smem:$0x3F87];
	_ =	swait.ge [sflag:s4], $0x0  }
0x19: {  	s7 =	sld [smem:$0x3F88]  }
0x1a: {  	s8 =	sadd.s32 $0xFFFFE003, lr  }
0x1b: {  	s9 =	sadd.s32 $0xFFFFFEF7, lr;
	s5 =	simm.s32 $0xFFFFFFFF;
	p2 =	slt.u32 s8, $0xFFFFF086  }
0x1c: {  	p1 =	slt.u32 s9, $0xF7A;
	s5 =	simm.s32 @!p2 $0x0  }
0x1d: {  	s5 =	simm.s32 @p1 $0x1;
	p0 =	seq.s32 s7, s2  }
0x1e: {  	s7 =	smul.u32 @!p0 $0xF7A, s2;
	p2 =	seq.s32 @!p0 s5, $0x0  }
0x1f: {  	s9 =	smul.u32 $0xF7A, s1;
	s8 =	simm.s32 @!p0 $0x1BF5;
	p2 =	por !p2, p0  }
0x20: {  	[sflag:s8] =	ssyncset.s32 @!p0 $0xFFFFF086;
	s6 =	sadd.s32 @!p0 s3, s7;
	s7 =	simm.s32 @!p0 $0x108  }
0x21: {  	s3 =	sadd.s32 s3, s9;
	s6 =	sadd.s32 @!p0 $0x88, s6;
	s7 =	simm.s32 @p2 $0x1082  }
0x22: {  	[simem:s7], [sflag:s8] =	dma.local @!p0 [hbm:s6], $0xF7A  }
0x23: {  	s9 =	sor.u32 $0xD0000000, s2;
	s6 =	simm.s32 $0x108;
	_ =	swait.ge @!p0 [sflag:s8], $0x0  }
0x24: {  	s3 =	sadd.s32 $0x88, s3;
	s6 =	simm.s32 @!p1 $0x1082;
	[sflag:s4] =	ssyncset.s32 $0xFFFFF086  }
0x25: {  	[simem:s6], [sflag:s4] =	dma.local [hbm:s3], $0xF7A  }
0x26: {  	[smem:$0x3F88] =	sst s1;
	(tag) =	ssettag s2;
	_ =	strace s9  }
0x27: {  	s1 =	sld [smem:$0x3F98]  }
0x28: {  	s2 =	sld [smem:$0x3F99]  }
0x29: {  	s4 =	sld [smem:$0x3F9B]  }
0x2a: {  	p0 =	seq.s32 s5, $0x0;
	s5 =	sld [smem:$0x3F9C]  }
0x2b: {  	s6 =	sld [smem:$0x3F9D]  }
0x2c: {  	s7 =	sld [smem:$0x3F9E]  }
0x2d: {  	s3 =	simm.s32 $0x108;
	s8 =	sld [smem:$0x3F9F]  }
0x2e: {  	s3 =	simm.s32 @!p0 $0x1082;
	s9 =	sld [smem:$0x3FA0]  }
0x2f: {  	lr =	sadd.s32 s0, s3;
	s0 =	sld [smem:$0x3F97]  }
0x30: {  	s3 =	sld [smem:$0x3F9A]  }
0x31: {  	[smem:$0x3FA3] =	sst s10  }
0x32: {  	s10 =	sld [smem:$0x3FA1];
	_ =	sdelay $0x3  }
0x33: {  	p0 =	seq.s32 s10, $0x1;
	s10 =	sld [smem:$0x3FA3];
	_ =	sdelay $0x3  }
0x34: {  	[smem:$0x3FA3] =	sst s10  }
0x35: {  	s10 =	sld [smem:$0x3FA2];
	_ =	sdelay $0x3  }
0x36: {  	p1 =	seq.s32 s10, $0x1;
	s10 =	sld [smem:$0x3FA3];
	_ =	sdelay $0x3  }
0x37: {  	[smem:$0x3FA3] =	sst s10  }
0x38: {  	s10 =	sld [smem:$0x3FA4]  }
0x39: {  	_ = 	snop;
	(pc) =	sbr.ind lr, $3  }
0x3a: {  	_ = 	snop  }
0x3b: {  	_ = 	snop  }
0x3c: {  	p2 =	seq.s32 s10, $0x1;
	s10 =	sld [smem:$0x3FA3]  }
0x3d: {  	_ =	shalt  }
0x3e: {  	_ =	shalt  }
0x3f: {  	_ =	shalt  }
0x40: {  	_ =	shalt  }
0x41: {  	_ =	shalt  }
0x42: {  	_ =	shalt  }
0x43: {  	_ =	shalt  }
0x44: {  	_ =	shalt  }
0x45: {  	_ =	shalt  }
0x46: {  	_ =	shalt  }
0x47: {  	_ =	shalt  }
0x48: {  	_ =	shalt  }
0x49: {  	_ =	shalt  }
0x4a: {  	_ =	shalt  }
0x4b: {  	_ =	shalt  }
0x4c: {  	_ =	shalt  }
0x4d: {  	_ =	shalt  }
0x4e: {  	_ =	shalt  }
0x4f: {  	_ =	shalt  }
0x50: {  	_ =	shalt  }
0x51: {  	_ =	shalt  }
0x52: {  	_ =	shalt  }
0x53: {  	_ =	shalt  }
0x54: {  	_ =	shalt  }
0x55: {  	_ =	shalt  }
0x56: {  	_ =	shalt  }
0x57: {  	_ =	shalt  }
0x58: {  	_ =	shalt  }
0x59: {  	_ =	shalt  }
0x5a: {  	_ =	shalt  }
0x5b: {  	_ =	shalt  }
0x5c: {  	_ =	shalt  }
0x5d: {  	_ =	shalt  }
0x5e: {  	_ =	shalt  }
0x5f: {  	_ =	shalt  }
0x60: {  	_ =	shalt  }
0x61: {  	_ =	shalt  }
0x62: {  	_ =	shalt  }
0x63: {  	_ =	shalt  }
0x64: {  	_ =	shalt  }
0x65: {  	_ =	shalt  }
0x66: {  	_ =	shalt  }
0x67: {  	_ =	shalt  }
0x68: {  	_ =	shalt  }
0x69: {  	_ =	shalt  }
0x6a: {  	_ =	shalt  }
0x6b: {  	_ =	shalt  }
0x6c: {  	_ =	shalt  }
0x6d: {  	_ =	shalt  }
0x6e: {  	_ =	shalt  }
0x6f: {  	_ =	shalt  }
0x70: {  	_ =	shalt  }
0x71: {  	_ =	shalt  }
0x72: {  	_ =	shalt  }
0x73: {  	_ =	shalt  }
0x74: {  	_ =	shalt  }
0x75: {  	_ =	shalt  }
0x76: {  	_ =	shalt  }
0x77: {  	_ =	shalt  }
0x78: {  	_ =	shalt  }
0x79: {  	_ =	shalt  }
0x7a: {  	_ =	shalt  }
0x7b: {  	_ =	shalt  }
0x7c: {  	_ =	shalt  }
0x7d: {  	_ =	shalt  }
0x7e: {  	_ =	shalt  }
0x7f: {  	_ =	shalt  }
0x80: {  	_ =	shalt  }
0x81: {  	_ =	shalt  }
0x82: {  	_ =	shalt  }
0x83: {  	_ =	shalt  }
0x84: {  	_ =	shalt  }
0x85: {  	_ =	shalt  }
0x86: {  	_ =	shalt  }
0x87: {  	_ =	shalt  }
.Lfunc_end0:
.L_simem_size_0:
called_computation.3_lowered:
.L_overlay_start_0:
0x88: {  	s2 =	sld [smem:$0x3FD9]  }
0x89: {  	s3 =	sld [smem:$0x3FFE];
	_ =	sdelay $0x1  }
0x8a: {  	s1 =	srdreg.scid  }
0x8b: {  	s0 =	sand.u32 $0x1, s1  }
0x8c: {  	s17 =	sshll.u32 s0, $0xA;
	s2 =	sadd.s32 s3, s2  }
0x8d: {  	s2 =	sadd.s32 s2, s17  }
0x8e: {  	[smem:$0x3FAF] =	sst s2  }
0x8f: {  	_ = 	snop  }
0x90: {  	s2 =	sld [smem:$0x3FD0];
	(tm) =	ssettm $0x1  }
0x91: {  	s18 =	sld [smem:$0x3FFB];
	_ =	sdelay $0x3  }
0x92: {  	_ =	strace s18  }
0x93: {  	s3 =	sld [smem:$0x3FFC];
	_ =	sdelay $0x3  }
0x94: {  	_ =	strace s3  }
0x95: {  	s3 =	sld [smem:$0x3FFD];
	_ =	sdelay $0x3  }
0x96: {  	_ =	strace s3  }
0x97: {  	_ =	strace $0x8FFFFFFF  }
0x98: {  	s19 =	sld [smem:$0x3FDB];
	_ =	sdelay $0x1  }
0x99: {  	s4 =	simm.s32 $_scs_section_size  }
0x9a: {  	s5 =	simm.s32 $_size__tile_overlayer_lowered;
	s6 =	simm.s32 $_tile_overlayer_lowered  }
0x9b: {  	s22 =	simm.s32 $0x1BFF;
	s21 =	sshll.u32 s6, $0x1;
	s3 =	sadd.s32 s4, s19  }
0x9c: {  	s7 =	simm.s32 $0x0;
	s20 =	sshll.u32 s5, $0x1;
	s5 =	sadd.s32 s21, s3  }
0x9d: {  	[timem:s7], [sflag:s22] =	dma.local [hbm:s5], s20  }
0x9e: {  	_ =	swait.ge [sflag:s22], s20  }
0x9f: {  	s4 =	ssub.s32 $0x0, s20;
	[sflag:s22] =	ssyncset.done $0x0  }
0xa0: {  	[sflag:s22] =	ssyncadd.s32 s4;
	_ =	sdelay $0x1  }
0xa1: {  	s23 =	simm.s32 $0x1B8B  }
0xa2: {  	_ =	swait.ge [sflag:s23], $0x1  }
0xa3: {  	[sflag:s23] =	ssyncset.done $0x0  }
0xa4: {  	s25 =	simm.s32 $0x1B8E;
	s24 =	sld [smem:$0x3FFE];
	[sflag:s23] =	ssyncadd.s32 $0xFFFFFFFF  }
0xa5: {  	s26 =	simm.s32 $execute0_lowered;
	[smem:$0x3FD2] =	sst s25  }
0xa6: {  	s5 =	sshll.u32 s26, $0x1;
	_ =	strace $0x80000049;
	[dreg:$0x1] =	wrdreg $0xFFFFFFFF  }
0xa7: {  	s28 =	simm.s32 $_size_execute0_lowered;
	s3 =	sadd.s32 s3, s5;
	[dreg:$0x0] =	wrdreg $0x0  }
0xa8: {  	s5 =	sshll.u32 s28, $0x1;
	[dreg:$0x2] =	wrdreg s3  }
0xa9: {  	[dreg:$0x3] =	wrdreg s5  }
0xaa: {  	[dreg:$0x4] =	wrdreg $0xC0  }
0xab: {  	_ =	task [dreg:s7], $0x5FFFF  }
0xac: {  	[dreg:$0x1] =	wrdreg $0xFFFFFFFF  }
0xad: {  	[dreg:$0x0] =	wrdreg $0x60  }
0xae: {  	[dreg:$0x2] =	wrdreg s24  }
0xaf: {  	[dreg:$0x3] =	wrdreg s2  }
0xb0: {  	[dreg:$0x4] =	wrdreg $0x5A500  }
0xb1: {  	[dreg:$0x5] =	wrdreg $0x19A500  }
0xb2: {  	[dreg:$0x6] =	wrdreg $0x9  }
0xb3: {  	_ =	task.clear_ibuf [dreg:s7], $0x7FFFF;
	_ =	strace $0x90000049  }
0xb4: {  	s29 =	simm.s32 $0x9;
	_ =	strace $0x8000004B  }
0xb5: {  	_ =	swait.ge [sflag:s29], $0x1  }
0xb6: {  	[sflag:s29] =	ssyncadd.s32 $0xFFFFFFFF  }
0xb7: {  	_ =	strace $0x9000004B  }
0xb8: {  	_ =	sfence  }
0xb9: {  	s30 =	sld [smem:$0x0];
	_ =	sdelay $0x2  }
0xba: {  	s31 =	sshll.u32 s1, $0xD;
	s1 =	sshrl.u32 s1, $0x2  }
0xbb: {  	s3 =	sand.u32 $0x4000, s31;
	s1 =	sadd.s32 s1, s30  }
0xbc: {  	s0 =	sor.u32 s3, s0;
	s1 =	sshll.u32 s1, $0x11  }
0xbd: {  	s0 =	sor.u32 s1, s0  }
0xbe: {  	s0 =	sadd.s32 $0x8F2B, s0  }
0xbf: {  	[sflag:s0] =	ssyncadd.remote.s32 $0x1  }
0xc0: {  	_ =	sfence.sel $0xFFFF  }
0xc1: {  	[dreg:$0x0] =	wrdreg $0xFFFFFFFF;
	(pc) =	sbr.abs _section_cstart, $3  }
0xc2: {  	[dreg:$0x1] =	wrdreg $0xFFFFFFFF  }
0xc3: {  	_ =	task.clear_ibuf [dreg:s7], $0x2FFFF;
	_ =	strace $0x9FFFFFFF  }
0xc4: {  	(tm) =	ssettm $0x7FFFFFFF  }
0xc5: {  	_ =	shalt  }
tec
execute0_lowered:
.L_overlay_start_1:
0x0: {  	(tag) =	ssettag $0x1  }
0x1: {  	s0 =	srdreg.scid;
	s25 =	stileid.u32;
	s28 =	simm.s32 $0x2800  }
0x2: {  	s29 =	simm.s32 $0x0;
	s1 =	sand.u32 $0x1, s0;
	s10 =	smul.u32 $0x14000, s25  }
0x3: {  	s0 =	rddreg [dreg:$0x0];
	s9 =	smul.u32 $0x280, s25;
	s2 =	ssub.s32 $0x2, s1  }
0x4: {  	s11 =	smul.u32 $0x140000, s1;
	s12 =	sadd.s32 $0xEC00, s0;
	s4 =	sshrl.u32 s2, $0x1  }
0x5: {  	s13 =	sor.u32 $0x50, s9;
	s14 =	sadd.s32 $0xA0, s9;
	s15 =	sadd.s32 $0xF0, s9  }
0x6: {  	s16 =	sadd.s32 $0x140, s9;
	s17 =	sadd.s32 $0x190, s9;
	s18 =	sadd.s32 $0x1E0, s9  }
0x7: {  	s20 =	sadd.s32 $0x230, s9;
	s3 =	sadd.s32 s11, s10;
	s7 =	ssub.s32 s2, s4  }
0x8: {  	s8 =	sshll.u32 s14, $0x7;
	s5 =	sshll.u32 s15, $0x7;
	s2 =	sshll.u32 s16, $0x7  }
0x9: {  	s4 =	sshll.u32 s17, $0x7;
	s6 =	sshll.u32 s18, $0x7;
	s14 =	sshll.u32 s14, $0x4  }
0xa: {  	s16 =	sshll.u32 s16, $0x4;
	s3 =	sshrl.u32 s3, $0x3;
	s23 =	sadd.s32 s11, s8  }
0xb: {  	s24 =	sadd.s32 s11, s5;
	s7 =	smax.u32 s7, $0x1;
	s21 =	sadd.s32 s12, s3  }
0xc: {  	s3 =	sshll.u32 s13, $0x7;
	s9 =	sshrl.u32 s23, $0x3;
	s26 =	sshrl.u32 s24, $0x3  }
0xd: {  	s24 =	sadd.s32 s11, s6;
	s13 =	sshll.u32 s13, $0x4;
	[dreg:$0x5] =	wrdreg s21  }
0xe: {  	s19 =	sadd.s32 s11, s3;
	s21 =	sadd.s32 s11, s2;
	s9 =	sadd.s32 s12, s9  }
0xf: {  	s19 =	sshrl.u32 s19, $0x3;
	[dreg:$0x7] =	wrdreg s9;
	s30 =	sshrl.u32 s21, $0x3  }
0x10: {  	s9 =	sadd.s32 s12, s26;
	s26 =	sshrl.u32 s24, $0x3;
	s22 =	sadd.s32 s12, s19  }
0x11: {  	[dreg:$0x8] =	wrdreg s9;
	s21 =	sadd.s32 s12, s30;
	s9 =	sshll.u32 s20, $0x7  }
0x12: {  	s30 =	simm.s32 $0x0;
	[dreg:$0x6] =	wrdreg s22;
	s22 =	sadd.s32 s11, s4  }
0x13: {  	[dreg:$0x9] =	wrdreg s21;
	s11 =	sadd.s32 s11, s9;
	s23 =	sshrl.u32 s22, $0x3  }
0x14: {  	[smem:$0x7FF] =	sst s30;
	s11 =	sshrl.u32 s11, $0x3;
	s19 =	sadd.s32 s12, s23  }
0x15: {  	s24 =	sshll.u32 s17, $0x4;
	s11 =	sadd.s32 s12, s11;
	[dreg:$0xa] =	wrdreg s19  }
0x16: {  	s19 =	sadd.s32 s12, s26;
	[dreg:$0xc] =	wrdreg s11;
	s11 =	smul.u32 $0x2800, s25  }
0x17: {  	s21 =	sshll.u32 s15, $0x4;
	[dreg:$0xb] =	wrdreg s19;
	s19 =	smul.u32 $0x28000, s1  }
0x18: {  	s26 =	sshll.u32 s18, $0x4;
	s12 =	sshll.u32 s20, $0x4;
	s1 =	sshll.u32 s1, $0x4  }
0x19: {  	s18 =	sadd.s32 $0x4C00, s0;
	s1 =	sor.u32 s25, s1;
	s20 =	sadd.s32 s19, s11  }
0x1a: {  	s22 =	sadd.s32 s19, s13;
	s30 =	sadd.s32 s19, s14;
	s15 =	sshrl.u32 s20, $0x3  }
0x1b: {  	s23 =	sshrl.u32 s22, $0x3;
	s20 =	sshrl.u32 s30, $0x3;
	s15 =	sadd.s32 s18, s15  }
0x1c: {  	s22 =	sadd.s32 s19, s21;
	s30 =	sadd.s32 s19, s16;
	[dreg:$0xd] =	wrdreg s15  }
0x1d: {  	s15 =	sadd.s32 s18, s23;
	s23 =	sshrl.u32 s22, $0x3;
	s22 =	sadd.s32 s19, s24  }
0x1e: {  	[dreg:$0xe] =	wrdreg s15;
	s15 =	sadd.s32 s18, s20;
	s20 =	sshrl.u32 s30, $0x3  }
0x1f: {  	s17 =	sshrl.u32 s22, $0x3;
	s22 =	sadd.s32 s19, s12;
	[dreg:$0xf] =	wrdreg s15  }
0x20: {  	s15 =	sadd.s32 s18, s23;
	s23 =	sadd.s32 s19, s26;
	s19 =	rddreg [dreg:$0x3]  }
0x21: {  	s17 =	sadd.s32 s18, s17;
	s30 =	sshrl.u32 s22, $0x3;
	[dreg:$0x10] =	wrdreg s15  }
0x22: {  	s22 =	sadd.s32 $0x13D400, s0;
	s15 =	sadd.s32 s18, s20;
	[dreg:$0x12] =	wrdreg s17  }
0x23: {  	s17 =	rddreg [dreg:$0x2];
	s20 =	sshrl.u32 s23, $0x3;
	s23 =	sadd.s32 $0x275C00, s0  }
0x24: {  	s0 =	sadd.s32 $0x278400, s0;
	s11 =	sadd.s32 s11, s19;
	[dreg:$0x11] =	wrdreg s15  }
0x25: {  	s15 =	rddreg [dreg:$0x1];
	s20 =	sadd.s32 s18, s20;
	s18 =	sadd.s32 s18, s30  }
0x26: {  	s30 =	smul.u32 $0xA000, s25;
	s31 =	sadd.s32 s3, s17;
	s2 =	sadd.s32 s2, s17  }
0x27: {  	s3 =	sadd.s32 s16, s19;
	s4 =	sadd.s32 s4, s17;
	s6 =	sadd.s32 s6, s17  }
0x28: {  	s9 =	sadd.s32 s9, s17;
	s11 =	sshrl.u32 s11, $0x3;
	[dreg:$0x13] =	wrdreg s20  }
0x29: {  	s16 =	simm.s32 $0x2850;
	[dreg:$0x14] =	wrdreg s18;
	s20 =	smul.u32 $0x50000, s25  }
0x2a: {  	s25 =	smul.u32 $0x7D, s1;
	_ =	strace $0x8000004A;
	[dreg:$0x15] =	wrdreg s0  }
0x2b: {  	v0 =	vlaneseq.u32;
	s1 =	sadd.s32 s21, s19;
	s21 =	simm.s32 $0x50;
	[dreg:$0x16] =	wrdreg s7  }
0x2c: {  	v1 =	vimm.f32 $0.0e+00;
	v2 =	vor.u32 $0x10, v0;
	s30 =	sshrl.u32 s30, $0x2;
	[dreg:$0x1c] =	wrdreg s11;
	s18 =	sshrl.u32 s20, $0x2  }
0x2d: {  	v3 =	vor.u32 $0x20, v0;
	v4 =	vor.u32 $0x30, v0;
	v5 =	vor.u32 $0x40, v0;
	s7 =	sadd.s32 s30, s19;
	s20 =	sadd.s32 s8, s17;
	s8 =	sadd.s32 s14, s19  }
0x2e: {  	v6 =	vor.u32 $0x50, v0;
	v7 =	vor.u32 $0x60, v0;
	v8 =	vmul.u32 $0x10, v0;
	s14 =	simm.s32 $0x5550;
	s0 =	sadd.s32 s18, s17;
	[dreg:$0x18] =	wrdreg s7  }
0x2f: {  	v9 =	vor.u32 $0x70, v0;
	v10 =	vor.u32 $0xA0, v0;
	v11 =	vor.u32 $0xF0, v0;
	s18 =	sadd.s32 s13, s19;
	[dreg:$0x1a] =	wrdreg s20;
	s7 =	sadd.s32 s26, s19  }
0x30: {  	v12 =	vor.u32 $0xB0, v0;
	v13 =	vor.u32 $0x100, v0;
	v15 =	vor.u32 $0xC0, v0;
	s26 =	sadd.s32 s10, s17;
	s10 =	sadd.s32 s12, s19;
	[dreg:$0x17] =	wrdreg s0  }
0x31: {  	v16 =	vor.u32 $0x110, v0;
	v18 =	vor.u32 $0xD0, v0;
	v19 =	vor.u32 $0x120, v0;
	s13 =	simm.s32 $0x1;
	s20 =	simm.s32 $0x2710;
	[dreg:$0x19] =	wrdreg s18  }
0x32: {  	v21 =	vor.u32 $0xE0, v0;
	v22 =	vor.u32 $0x130, v0;
	v14 =	vor.u32 $0x100, v8;
	s0 =	sadd.s32 s5, s17;
	s5 =	sadd.s32 s24, s19;
	s30 =	sshrl.u32 s26, $0x3  }
0x33: {  	v17 =	vor.u32 $0x200, v8;
	v20 =	vor.u32 $0x300, v8;
	v23 =	vor.u32 $0x400, v8;
	s24 =	simm.s32 $0x2760;
	s26 =	simm.s32 $0x5050;
	[dreg:$0x1b] =	wrdreg s30  }
.LBB2_1:
0x34: {  	s11 =	simm.s32 $0x0;
	s12 =	rddreg [dreg:$0x15]  }
0x35: {  	[tilespmem:s11], [sflag:$0x1] =	stream.linear.gather [hbm4b:s12+s11], $0x2710, $0x38;
	[tilespmem:$0x1C250] =	vst v63  }
0x36: {  	_ =	swait.ge [sflag:s13], $0x2710  }
0x37: {  	[sflag:s13] =	ssyncset.done $0x0  }
0x38: {  	s11 =	simm.s32 $0x0;
	[sflag:s13] =	ssyncadd.s32 $0xFFFFD8F0  }
.LBB2_2:
0x39: {  	s12 =	sshll.u32 s11, $0x4  }
0x3a: {  	p0 =	sne.s32 s11, $0x4F;
	v24 =	vor.u32 s12, v0  }
.Ltmp0:
0x3b: {  	_ = 	snop;
	(pc) =	sbr.rel @p0 .LBB2_2-.Ltmp0, $2  }
0x3c: {  	_ =	sdelay $0x2  }
0x3d: {  	s11 =	sadd.s32 $0x1, s11;
	[tilespmem:v24+s14+$0x0] =	vst.idx.msk $0xffff, v1  }
0x3e: {  	s12 =	simm.s32 $0x0  }
0x3f: {  	v27 =	vor.u32 s12, v0;
	_ =	sdelay $0x1  }
0x40: {  	v29 =	vor.u32 s12, v2  }
0x41: {  	v26 =	vor.u32 s12, v3  }
0x42: {  	v25 =	vor.u32 s12, v4  }
0x43: {  	[tilespmem:v27+s16+$0x0] =	vst.idx.msk $0xffff, v1;
	v27 =	vor.u32 s12, v5  }
0x44: {  	v28 =	vor.u32 s12, v6  }
0x45: {  	s11 =	simm.s32 $0x1;
	v24 =	vor.u32 s12, v9;
	[tilespmem:v29+s16+$0x0] =	vst.idx.msk $0xffff, v1;
	v29 =	vor.u32 s12, v7  }
.LBB2_4:
0x46: {  	s12 =	sshll.u32 s11, $0x7;
	p0 =	sne.s32 s11, $0x4F;
	s11 =	sadd.s32 $0x1, s11;
	[tilespmem:v26+s16+$0x0] =	vst.idx.msk $0xffff, v1  }
0x47: {  	v30 =	vor.u32 s12, v0;
	v31 =	vor.u32 s12, v9;
	[tilespmem:v25+s16+$0x0] =	vst.idx.msk $0xffff, v1  }
0x48: {  	v32 =	vor.u32 s12, v2;
	[tilespmem:v27+s16+$0x0] =	vst.idx.msk $0xffff, v1  }
.Ltmp1:
0x49: {  	v26 =	vor.u32 s12, v3;
	[tilespmem:v28+s16+$0x0] =	vst.idx.msk $0xffff, v1;
	(pc) =	sbr.rel @p0 .LBB2_4-.Ltmp1, $4  }
0x4a: {  	v25 =	vor.u32 s12, v4;
	[tilespmem:v29+s16+$0x0] =	vst.idx.msk $0xffff, v1  }
0x4b: {  	v27 =	vor.u32 s12, v5;
	[tilespmem:v24+s16+$0x0] =	vst.idx.msk $0xffff, v1;
	v24 =	vmov v31  }
0x4c: {  	v28 =	vor.u32 s12, v6;
	[tilespmem:v30+s16+$0x0] =	vst.idx.msk $0xffff, v1  }
0x4d: {  	v29 =	vor.u32 s12, v7;
	[tilespmem:v32+s16+$0x0] =	vst.idx.msk $0xffff, v1  }
0x4e: {  	_ =	sdelay $0x3  }
0x4f: {  	[tilespmem:v26+s16+$0x0] =	vst.idx.msk $0xffff, v1  }
0x50: {  	[tilespmem:v25+s16+$0x0] =	vst.idx.msk $0xffff, v1  }
0x51: {  	[tilespmem:v27+s16+$0x0] =	vst.idx.msk $0xffff, v1  }
0x52: {  	[tilespmem:v28+s16+$0x0] =	vst.idx.msk $0xffff, v1  }
0x53: {  	[tilespmem:v29+s16+$0x0] =	vst.idx.msk $0xffff, v1  }
0x54: {  	s11 =	rddreg [dreg:$0x17];
	[tilespmem:v24+s16+$0x0] =	vst.idx.msk $0xffff, v1  }
0x55: {  	[spmem:s11] =	stream.linear.scatter [tilespmem:s16], [sflag:$0x1], $0x2800, $0x38;
	[tilespmem:$0x1C250] =	vst v63  }
0x56: {  	_ =	swait.ge [sflag:s13], $0x2800  }
0x57: {  	[sflag:s13] =	ssyncset.done $0x0  }
0x58: {  	s18 =	rddreg [dreg:$0x18];
	[sflag:s13] =	ssyncadd.s32 $0xFFFFD800  }
0x59: {  	[spmem:s18] =	stream.linear.scatter [tilespmem:s14], [sflag:$0x1], $0x500, $0x38;
	[tilespmem:$0x1C250] =	vst v63  }
0x5a: {  	_ =	swait.ge [sflag:s13], $0x500  }
0x5b: {  	[sflag:s13] =	ssyncset.done $0x0  }
0x5c: {  	[sflag:s13] =	ssyncadd.s32 $0xFFFFFB00  }
0x5d: {  	[spmem:s31] =	stream.linear.scatter [tilespmem:s16], [sflag:$0x1], $0x2800, $0x38;
	[tilespmem:$0x1C250] =	vst v63  }
0x5e: {  	_ =	swait.ge [sflag:s13], $0x2800  }
0x5f: {  	[sflag:s13] =	ssyncset.done $0x0  }
0x60: {  	s30 =	rddreg [dreg:$0x19];
	[sflag:s13] =	ssyncadd.s32 $0xFFFFD800  }
0x61: {  	[spmem:s30] =	stream.linear.scatter [tilespmem:s14], [sflag:$0x1], $0x500, $0x38;
	[tilespmem:$0x1C250] =	vst v63  }
0x62: {  	_ =	swait.ge [sflag:s13], $0x500  }
0x63: {  	[sflag:s13] =	ssyncset.done $0x0  }
0x64: {  	s18 =	smov.u32 s31;
	s31 =	rddreg [dreg:$0x1a];
	[sflag:s13] =	ssyncadd.s32 $0xFFFFFB00  }
0x65: {  	[spmem:s31] =	stream.linear.scatter [tilespmem:s16], [sflag:$0x1], $0x2800, $0x38;
	[tilespmem:$0x1C250] =	vst v63  }
0x66: {  	_ =	swait.ge [sflag:s13], $0x2800  }
0x67: {  	[sflag:s13] =	ssyncset.done $0x0  }
0x68: {  	[sflag:s13] =	ssyncadd.s32 $0xFFFFD800  }
0x69: {  	[spmem:s8] =	stream.linear.scatter [tilespmem:s14], [sflag:$0x1], $0x500, $0x38;
	[tilespmem:$0x1C250] =	vst v63  }
0x6a: {  	_ =	swait.ge [sflag:s13], $0x500  }
0x6b: {  	[sflag:s13] =	ssyncset.done $0x0  }
0x6c: {  	[sflag:s13] =	ssyncadd.s32 $0xFFFFFB00  }
0x6d: {  	[spmem:s0] =	stream.linear.scatter [tilespmem:s16], [sflag:$0x1], $0x2800, $0x38;
	[tilespmem:$0x1C250] =	vst v63  }
0x6e: {  	_ =	swait.ge [sflag:s13], $0x2800  }
0x6f: {  	[sflag:s13] =	ssyncset.done $0x0  }
0x70: {  	[sflag:s13] =	ssyncadd.s32 $0xFFFFD800  }
0x71: {  	[spmem:s1] =	stream.linear.scatter [tilespmem:s14], [sflag:$0x1], $0x500, $0x38;
	[tilespmem:$0x1C250] =	vst v63  }
0x72: {  	_ =	swait.ge [sflag:s13], $0x500  }
0x73: {  	[sflag:s13] =	ssyncset.done $0x0  }
0x74: {  	[sflag:s13] =	ssyncadd.s32 $0xFFFFFB00  }
0x75: {  	[spmem:s2] =	stream.linear.scatter [tilespmem:s16], [sflag:$0x1], $0x2800, $0x38;
	[tilespmem:$0x1C250] =	vst v63  }
0x76: {  	_ =	swait.ge [sflag:s13], $0x2800  }
0x77: {  	[sflag:s13] =	ssyncset.done $0x0  }
0x78: {  	[sflag:s13] =	ssyncadd.s32 $0xFFFFD800  }
0x79: {  	[spmem:s3] =	stream.linear.scatter [tilespmem:s14], [sflag:$0x1], $0x500, $0x38;
	[tilespmem:$0x1C250] =	vst v63  }
0x7a: {  	_ =	swait.ge [sflag:s13], $0x500  }
0x7b: {  	[sflag:s13] =	ssyncset.done $0x0  }
0x7c: {  	[sflag:s13] =	ssyncadd.s32 $0xFFFFFB00  }
0x7d: {  	[spmem:s4] =	stream.linear.scatter [tilespmem:s16], [sflag:$0x1], $0x2800, $0x38;
	[tilespmem:$0x1C250] =	vst v63  }
0x7e: {  	_ =	swait.ge [sflag:s13], $0x2800  }
0x7f: {  	[sflag:s13] =	ssyncset.done $0x0  }
0x80: {  	[sflag:s13] =	ssyncadd.s32 $0xFFFFD800  }
0x81: {  	[spmem:s5] =	stream.linear.scatter [tilespmem:s14], [sflag:$0x1], $0x500, $0x38;
	[tilespmem:$0x1C250] =	vst v63  }
0x82: {  	_ =	swait.ge [sflag:s13], $0x500  }
0x83: {  	[sflag:s13] =	ssyncset.done $0x0  }
0x84: {  	[sflag:s13] =	ssyncadd.s32 $0xFFFFFB00  }
0x85: {  	[spmem:s6] =	stream.linear.scatter [tilespmem:s16], [sflag:$0x1], $0x2800, $0x38;
	[tilespmem:$0x1C250] =	vst v63  }
0x86: {  	_ =	swait.ge [sflag:s13], $0x2800  }
0x87: {  	[sflag:s13] =	ssyncset.done $0x0  }
0x88: {  	[sflag:s13] =	ssyncadd.s32 $0xFFFFD800  }
0x89: {  	[spmem:s7] =	stream.linear.scatter [tilespmem:s14], [sflag:$0x1], $0x500, $0x38;
	[tilespmem:$0x1C250] =	vst v63  }
0x8a: {  	_ =	swait.ge [sflag:s13], $0x500  }
0x8b: {  	[sflag:s13] =	ssyncset.done $0x0  }
0x8c: {  	[sflag:s13] =	ssyncadd.s32 $0xFFFFFB00  }
0x8d: {  	[spmem:s9] =	stream.linear.scatter [tilespmem:s16], [sflag:$0x1], $0x2800, $0x38;
	[tilespmem:$0x1C250] =	vst v63  }
0x8e: {  	_ =	swait.ge [sflag:s13], $0x2800  }
0x8f: {  	[sflag:s13] =	ssyncset.done $0x0  }
0x90: {  	[sflag:s13] =	ssyncadd.s32 $0xFFFFD800  }
0x91: {  	[spmem:s10] =	stream.linear.scatter [tilespmem:s14], [sflag:$0x1], $0x500, $0x38;
	[tilespmem:$0x1C250] =	vst v63  }
0x92: {  	_ =	swait.ge [sflag:s13], $0x500  }
0x93: {  	[sflag:s13] =	ssyncset.done $0x0  }
0x94: {  	[sflag:s13] =	ssyncadd.s32 $0xFFFFFB00  }
0x95: {  	s12 =	simm.s32 $0x0;
	s11 =	simm.s32 $0x0;
	[bflag:$0x0] =	sbarrier.arrive $0xFFFF  }
.LBB2_6:
0x96: {  	s30 =	sadd.s32 s25, s12  }
0x97: {  	s30 =	smul.u32 $0x28, s30;
	_ =	sdelay $0x1  }
0x98: {  	s30 =	sadd.s32 s15, s30  }
0x99: {  	[tilespmem:s20], [sflag:$0x1] =	stream.linear.gather [hbm4b:s30+s11], $0x140, $0x38;
	[tilespmem:$0x1C250] =	vst v63  }
0x9a: {  	_ =	swait.ge [sflag:s13], $0x140  }
0x9b: {  	[sflag:s13] =	ssyncset.done $0x0  }
0x9c: {  	[sflag:s13] =	ssyncadd.s32 $0xFFFFFEC0  }
0x9d: {  	[tilespmem:s16], [sflag:$0x1] =	stream.indirect.gather [hbm4b:s22+s21], $0x80, s20, s21, $0xb8;
	[tilespmem:$0x1C250] =	vst v63  }
0x9e: {  	_ =	swait.ge [sflag:s13], $0x2800  }
0x9f: {  	[sflag:s13] =	ssyncset.done $0x0  }
0xa0: {  	[sflag:s13] =	ssyncadd.s32 $0xFFFFD800  }
0xa1: {  	[tilespmem:s26], [sflag:$0x1] =	stream.indirect.gather [hbm4b:s23+s21], $0x10, s24, s21, $0xb8;
	[tilespmem:$0x1C250] =	vst v63  }
0xa2: {  	_ =	swait.ge [sflag:s13], $0x500  }
0xa3: {  	[sflag:s13] =	ssyncset.done $0x0  }
0xa4: {  	[sflag:s13] =	ssyncadd.s32 $0xFFFFFB00  }
0xa5: {  	v24 =	vld.idx.msk [tilespmem:v10+s20+$0x0], $0xffff  }
0xa6: {  	v25 =	vld.idx.msk [tilespmem:v11+s20+$0x0], $0xffff;
	_ =	sdelay $0x3  }
0xa7: {  	v24 =	vadd.s32 v8, v24;
	_ =	sdelay $0x3  }
0xa8: {  	v25 =	vld.idx.msk [tilespmem:v25+s11+$0x0], $0xffff  }
0xa9: {  	v24 =	vld.idx.msk [tilespmem:v24+s26+$0x0], $0xffff;
	_ =	sdelay $0x4  }
0xaa: {  	v24 =	vadd.f32 v25, v24;
	_ =	sdelay $0x1  }
0xab: {  	v25 =	vmul.f32 $2.000000030e-01, v24;
	_ =	sdelay $0x1  }
0xac: {  	v24 =	vmax.f32 v24, v25  }
0xad: {  	v24 =	vmin.f32 v24, $8.000000000e+01  }
0xae: {  	v24 =	vmul.f32 $1.442695020e+00, v24;
	_ =	sdelay $0x1  }
0xaf: {  	(erf) = vpow2.f32 v24;
	_ =	sdelay $0x8  }
0xb0: {  	v24 =	vpop (erf)  }
0xb1: {  	[tilespmem:v8+s14+$0x0] =	vst.idx.msk $0xffff, v24  }
0xb2: {  	v24 =	vld.idx.msk [tilespmem:v12+s20+$0x0], $0xffff  }
0xb3: {  	v25 =	vld.idx.msk [tilespmem:v13+s20+$0x0], $0xffff;
	_ =	sdelay $0x3  }
0xb4: {  	v24 =	vadd.s32 v14, v24;
	_ =	sdelay $0x3  }
0xb5: {  	v25 =	vld.idx.msk [tilespmem:v25+s11+$0x0], $0xffff  }
0xb6: {  	v24 =	vld.idx.msk [tilespmem:v24+s26+$0x0], $0xffff;
	_ =	sdelay $0x4  }
0xb7: {  	v24 =	vadd.f32 v25, v24;
	_ =	sdelay $0x1  }
0xb8: {  	v25 =	vmul.f32 $2.000000030e-01, v24;
	_ =	sdelay $0x1  }
0xb9: {  	v24 =	vmax.f32 v24, v25  }
0xba: {  	v24 =	vmin.f32 v24, $8.000000000e+01  }
0xbb: {  	v24 =	vmul.f32 $1.442695020e+00, v24;
	_ =	sdelay $0x1  }
0xbc: {  	(erf) = vpow2.f32 v24;
	_ =	sdelay $0x8  }
0xbd: {  	v24 =	vpop (erf)  }
0xbe: {  	[tilespmem:v14+s14+$0x0] =	vst.idx.msk $0xffff, v24  }
0xbf: {  	v24 =	vld.idx.msk [tilespmem:v15+s20+$0x0], $0xffff  }
0xc0: {  	v25 =	vld.idx.msk [tilespmem:v16+s20+$0x0], $0xffff;
	_ =	sdelay $0x3  }
0xc1: {  	v24 =	vadd.s32 v17, v24;
	_ =	sdelay $0x3  }
0xc2: {  	v25 =	vld.idx.msk [tilespmem:v25+s11+$0x0], $0xffff  }
0xc3: {  	v24 =	vld.idx.msk [tilespmem:v24+s26+$0x0], $0xffff;
	_ =	sdelay $0x4  }
0xc4: {  	v24 =	vadd.f32 v25, v24;
	_ =	sdelay $0x1  }
0xc5: {  	v25 =	vmul.f32 $2.000000030e-01, v24;
	_ =	sdelay $0x1  }
0xc6: {  	v24 =	vmax.f32 v24, v25  }
0xc7: {  	v24 =	vmin.f32 v24, $8.000000000e+01  }
0xc8: {  	v24 =	vmul.f32 $1.442695020e+00, v24;
	_ =	sdelay $0x1  }
0xc9: {  	(erf) = vpow2.f32 v24;
	_ =	sdelay $0x8  }
0xca: {  	v24 =	vpop (erf)  }
0xcb: {  	[tilespmem:v17+s14+$0x0] =	vst.idx.msk $0xffff, v24  }
0xcc: {  	v24 =	vld.idx.msk [tilespmem:v18+s20+$0x0], $0xffff  }
0xcd: {  	v25 =	vld.idx.msk [tilespmem:v19+s20+$0x0], $0xffff;
	_ =	sdelay $0x3  }
0xce: {  	v24 =	vadd.s32 v20, v24;
	_ =	sdelay $0x3  }
0xcf: {  	v25 =	vld.idx.msk [tilespmem:v25+s11+$0x0], $0xffff  }
0xd0: {  	v24 =	vld.idx.msk [tilespmem:v24+s26+$0x0], $0xffff;
	_ =	sdelay $0x4  }
0xd1: {  	v24 =	vadd.f32 v25, v24;
	_ =	sdelay $0x1  }
0xd2: {  	v25 =	vmul.f32 $2.000000030e-01, v24;
	_ =	sdelay $0x1  }
0xd3: {  	v24 =	vmax.f32 v24, v25  }
0xd4: {  	v24 =	vmin.f32 v24, $8.000000000e+01  }
0xd5: {  	v24 =	vmul.f32 $1.442695020e+00, v24;
	_ =	sdelay $0x1  }
0xd6: {  	(erf) = vpow2.f32 v24;
	_ =	sdelay $0x8  }
0xd7: {  	v24 =	vpop (erf)  }
0xd8: {  	[tilespmem:v20+s14+$0x0] =	vst.idx.msk $0xffff, v24  }
0xd9: {  	v24 =	vld.idx.msk [tilespmem:v21+s20+$0x0], $0xffff  }
0xda: {  	v25 =	vld.idx.msk [tilespmem:v22+s20+$0x0], $0xffff;
	_ =	sdelay $0x3  }
0xdb: {  	v24 =	vadd.s32 v23, v24;
	_ =	sdelay $0x3  }
0xdc: {  	v25 =	vld.idx.msk [tilespmem:v25+s11+$0x0], $0xffff  }
0xdd: {  	v24 =	vld.idx.msk [tilespmem:v24+s26+$0x0], $0xffff;
	_ =	sdelay $0x4  }
0xde: {  	v24 =	vadd.f32 v25, v24;
	_ =	sdelay $0x1  }
0xdf: {  	v25 =	vmul.f32 $2.000000030e-01, v24;
	_ =	sdelay $0x1  }
0xe0: {  	v24 =	vmax.f32 v24, v25  }
0xe1: {  	v24 =	vmin.f32 v24, $8.000000000e+01  }
0xe2: {  	v24 =	vmul.f32 $1.442695020e+00, v24;
	_ =	sdelay $0x1  }
0xe3: {  	(erf) = vpow2.f32 v24;
	_ =	sdelay $0x4  }
0xe4: {  	v24 =	vmov s11  }
0xe5: {  	v25 =	vshll.u32 v24, $0x4;
	v24 =	vshll.u32 v24, $0x7  }
0xe6: {  	v26 =	vor.u32 v0, v24;
	_ =	sdelay $0x1  }
0xe7: {  	v27 =	vpop (erf)  }
0xe8: {  	[tilespmem:v23+s14+$0x0] =	vst.idx.msk $0xffff, v27  }
0xe9: {  	v28 =	vld.idx.msk [tilespmem:v25+s14+$0x0], $0xffff  }
0xea: {  	v25 =	vld.idx.msk [tilespmem:v26+s16+$0x0], $0xffff;
	_ =	sdelay $0x2  }
0xeb: {  	v27 =	vor.u32 v2, v24;
	_ =	sdelay $0x1  }
0xec: {  	v25 =	vmul.f32 v25, v28;
	_ =	sdelay $0x1  }
0xed: {  	[tilespmem:v26+s16+$0x0] =	vst.idx.msk $0xffff, v25  }
0xee: {  	v25 =	vld.idx.msk [tilespmem:v27+s16+$0x0], $0xffff;
	_ =	sdelay $0x2  }
0xef: {  	v26 =	vor.u32 v3, v24;
	_ =	sdelay $0x1  }
0xf0: {  	v25 =	vmul.f32 v25, v28;
	_ =	sdelay $0x1  }
0xf1: {  	[tilespmem:v27+s16+$0x0] =	vst.idx.msk $0xffff, v25  }
0xf2: {  	v25 =	vld.idx.msk [tilespmem:v26+s16+$0x0], $0xffff;
	_ =	sdelay $0x2  }
0xf3: {  	v27 =	vor.u32 v4, v24;
	_ =	sdelay $0x1  }
0xf4: {  	v25 =	vmul.f32 v25, v28;
	_ =	sdelay $0x1  }
0xf5: {  	[tilespmem:v26+s16+$0x0] =	vst.idx.msk $0xffff, v25  }
0xf6: {  	v25 =	vld.idx.msk [tilespmem:v27+s16+$0x0], $0xffff;
	_ =	sdelay $0x2  }
0xf7: {  	v26 =	vor.u32 v5, v24;
	_ =	sdelay $0x1  }
0xf8: {  	v25 =	vmul.f32 v25, v28;
	_ =	sdelay $0x1  }
0xf9: {  	[tilespmem:v27+s16+$0x0] =	vst.idx.msk $0xffff, v25  }
0xfa: {  	v25 =	vld.idx.msk [tilespmem:v26+s16+$0x0], $0xffff;
	_ =	sdelay $0x2  }
0xfb: {  	v27 =	vor.u32 v6, v24;
	_ =	sdelay $0x1  }
0xfc: {  	v25 =	vmul.f32 v25, v28;
	_ =	sdelay $0x1  }
0xfd: {  	[tilespmem:v26+s16+$0x0] =	vst.idx.msk $0xffff, v25  }
0xfe: {  	v25 =	vld.idx.msk [tilespmem:v27+s16+$0x0], $0xffff;
	_ =	sdelay $0x2  }
0xff: {  	v26 =	vor.u32 v7, v24;
	_ =	sdelay $0x1  }
0x100: {  	v25 =	vmul.f32 v25, v28;
	_ =	sdelay $0x1  }
0x101: {  	[tilespmem:v27+s16+$0x0] =	vst.idx.msk $0xffff, v25  }
0x102: {  	v27 =	vld.idx.msk [tilespmem:v26+s16+$0x0], $0xffff;
	_ =	sdelay $0x2  }
0x103: {  	v25 =	vor.u32 v9, v24;
	_ =	sdelay $0x1  }
0x104: {  	v24 =	vmul.f32 v27, v28;
	_ =	sdelay $0x1  }
0x105: {  	[tilespmem:v26+s16+$0x0] =	vst.idx.msk $0xffff, v24  }
0x106: {  	v29 =	vld.idx.msk [tilespmem:v25+s16+$0x0], $0xffff  }
0x107: {  	s30 =	simm.s32 $0x1  }
0x108: {  	v26 =	vmov s30  }
0x109: {  	v24 =	vshll.u32 v26, $0x7;
	v27 =	vshll.u32 v26, $0x4  }
0x10a: {  	v26 =	vor.u32 v0, v24  }
0x10b: {  	s30 =	simm.s32 $0x2;
	v28 =	vmul.f32 v29, v28  }
.LBB2_7:
0x10c: {  	_ = 	snop  }
0x10d: {  	p0 =	sne.s32 s30, $0x4F;
	s31 =	smov.u32 s30;
	s30 =	sadd.s32 $0x1, s30;
	[tilespmem:v25+s16+$0x0] =	vst.idx.msk $0xffff, v28  }
0x10e: {  	v28 =	vld.idx.msk [tilespmem:v27+s14+$0x0], $0xffff  }
0x10f: {  	v25 =	vld.idx.msk [tilespmem:v26+s16+$0x0], $0xffff;
	_ =	sdelay $0x3  }
0x110: {  	v27 =	vor.u32 v2, v24;
	_ =	sdelay $0x1  }
0x111: {  	v25 =	vmul.f32 v25, v28;
	_ =	sdelay $0x1  }
0x112: {  	[tilespmem:v26+s16+$0x0] =	vst.idx.msk $0xffff, v25  }
0x113: {  	v25 =	vld.idx.msk [tilespmem:v27+s16+$0x0], $0xffff;
	_ =	sdelay $0x3  }
0x114: {  	v26 =	vor.u32 v3, v24;
	_ =	sdelay $0x1  }
0x115: {  	v25 =	vmul.f32 v25, v28;
	_ =	sdelay $0x1  }
0x116: {  	[tilespmem:v27+s16+$0x0] =	vst.idx.msk $0xffff, v25  }
0x117: {  	v25 =	vld.idx.msk [tilespmem:v26+s16+$0x0], $0xffff;
	_ =	sdelay $0x3  }
0x118: {  	v27 =	vor.u32 v4, v24;
	_ =	sdelay $0x1  }
0x119: {  	v25 =	vmul.f32 v25, v28;
	_ =	sdelay $0x1  }
0x11a: {  	[tilespmem:v26+s16+$0x0] =	vst.idx.msk $0xffff, v25  }
0x11b: {  	v25 =	vld.idx.msk [tilespmem:v27+s16+$0x0], $0xffff;
	_ =	sdelay $0x3  }
0x11c: {  	v26 =	vor.u32 v5, v24;
	_ =	sdelay $0x1  }
0x11d: {  	v25 =	vmul.f32 v25, v28;
	_ =	sdelay $0x1  }
0x11e: {  	[tilespmem:v27+s16+$0x0] =	vst.idx.msk $0xffff, v25  }
0x11f: {  	v25 =	vld.idx.msk [tilespmem:v26+s16+$0x0], $0xffff;
	_ =	sdelay $0x3  }
0x120: {  	v27 =	vor.u32 v6, v24;
	_ =	sdelay $0x1  }
0x121: {  	v25 =	vmul.f32 v25, v28;
	_ =	sdelay $0x1  }
0x122: {  	[tilespmem:v26+s16+$0x0] =	vst.idx.msk $0xffff, v25  }
0x123: {  	v25 =	vld.idx.msk [tilespmem:v27+s16+$0x0], $0xffff;
	_ =	sdelay $0x3  }
0x124: {  	v26 =	vor.u32 v7, v24;
	_ =	sdelay $0x1  }
0x125: {  	v25 =	vmul.f32 v25, v28;
	_ =	sdelay $0x1  }
0x126: {  	[tilespmem:v27+s16+$0x0] =	vst.idx.msk $0xffff, v25  }
0x127: {  	v27 =	vld.idx.msk [tilespmem:v26+s16+$0x0], $0xffff;
	_ =	sdelay $0x3  }
0x128: {  	v25 =	vor.u32 v9, v24;
	_ =	sdelay $0x1  }
0x129: {  	v24 =	vmul.f32 v27, v28;
	_ =	sdelay $0x1  }
0x12a: {  	[tilespmem:v26+s16+$0x0] =	vst.idx.msk $0xffff, v24  }
0x12b: {  	v29 =	vld.idx.msk [tilespmem:v25+s16+$0x0], $0xffff;
	_ =	sdelay $0x1  }
.Ltmp2:
0x12c: {  	(pc) =	sbr.rel @p0 .LBB2_7-.Ltmp2, $4  }
0x12d: {  	v24 =	vmov s31  }
0x12e: {  	v27 =	vshll.u32 v24, $0x4;
	v24 =	vshll.u32 v24, $0x7  }
0x12f: {  	v26 =	vor.u32 v0, v24  }
0x130: {  	v28 =	vmul.f32 v29, v28  }
0x131: {  	_ =	sdelay $0x3  }
0x132: {  	[tilespmem:v25+s16+$0x0] =	vst.idx.msk $0xffff, v28  }
0x133: {  	v25 =	vld.idx.msk [tilespmem:v27+s14+$0x0], $0xffff  }
0x134: {  	v56 =	vld.idx.msk [tilespmem:v26+s16+$0x0], $0xffff;
	_ =	sdelay $0x2  }
0x135: {  	v57 =	vor.u32 v2, v24;
	_ =	sdelay $0x1  }
0x136: {  	v27 =	vmul.f32 v56, v25;
	_ =	sdelay $0x1  }
0x137: {  	[tilespmem:v26+s16+$0x0] =	vst.idx.msk $0xffff, v27  }
0x138: {  	v26 =	vld.idx.msk [tilespmem:v57+s16+$0x0], $0xffff;
	_ =	sdelay $0x2  }
0x139: {  	v58 =	vor.u32 v3, v24;
	_ =	sdelay $0x1  }
0x13a: {  	v26 =	vmul.f32 v26, v25;
	_ =	sdelay $0x1  }
0x13b: {  	[tilespmem:v57+s16+$0x0] =	vst.idx.msk $0xffff, v26  }
0x13c: {  	v26 =	vld.idx.msk [tilespmem:v58+s16+$0x0], $0xffff;
	_ =	sdelay $0x2  }
0x13d: {  	v59 =	vor.u32 v4, v24;
	_ =	sdelay $0x1  }
0x13e: {  	v26 =	vmul.f32 v26, v25;
	_ =	sdelay $0x1  }
0x13f: {  	[tilespmem:v58+s16+$0x0] =	vst.idx.msk $0xffff, v26  }
0x140: {  	v26 =	vld.idx.msk [tilespmem:v59+s16+$0x0], $0xffff;
	_ =	sdelay $0x2  }
0x141: {  	v60 =	vor.u32 v5, v24;
	_ =	sdelay $0x1  }
0x142: {  	v26 =	vmul.f32 v26, v25;
	_ =	sdelay $0x1  }
0x143: {  	[tilespmem:v59+s16+$0x0] =	vst.idx.msk $0xffff, v26  }
0x144: {  	v26 =	vld.idx.msk [tilespmem:v60+s16+$0x0], $0xffff;
	_ =	sdelay $0x2  }
0x145: {  	v61 =	vor.u32 v6, v24;
	_ =	sdelay $0x1  }
0x146: {  	v26 =	vmul.f32 v26, v25;
	_ =	sdelay $0x1  }
0x147: {  	[tilespmem:v60+s16+$0x0] =	vst.idx.msk $0xffff, v26  }
0x148: {  	v26 =	vld.idx.msk [tilespmem:v61+s16+$0x0], $0xffff;
	_ =	sdelay $0x2  }
0x149: {  	v62 =	vor.u32 v7, v24;
	_ =	sdelay $0x1  }
0x14a: {  	v26 =	vmul.f32 v26, v25;
	_ =	sdelay $0x1  }
0x14b: {  	[tilespmem:v61+s16+$0x0] =	vst.idx.msk $0xffff, v26  }
0x14c: {  	v26 =	vld.idx.msk [tilespmem:v62+s16+$0x0], $0xffff;
	_ =	sdelay $0x2  }
0x14d: {  	v63 =	vor.u32 v9, v24;
	_ =	sdelay $0x1  }
0x14e: {  	v26 =	vmul.f32 v26, v25;
	_ =	sdelay $0x1  }
0x14f: {  	[tilespmem:v62+s16+$0x0] =	vst.idx.msk $0xffff, v26  }
0x150: {  	v26 =	vld.idx.msk [tilespmem:v63+s16+$0x0], $0xffff;
	_ =	sdelay $0x4  }
0x151: {  	v25 =	vmul.f32 v26, v25;
	_ =	sdelay $0x1  }
0x152: {  	[tilespmem:v63+s16+$0x0] =	vst.idx.msk $0xffff, v25  }
0x153: {  	[spmem:s17] =	stream.indirect.scatter.add.f32 [tilespmem:s16], [sflag:$0x1], $0x80, s28, s21, $0xb8;
	[tilespmem:$0x1C250] =	vst v63  }
0x154: {  	s12 =	sadd.s32 $0x1, s12;
	_ =	swait.ge [sflag:s13], $0x2800  }
0x155: {  	p0 =	sne.s32 s12, $0x7D;
	[sflag:s13] =	ssyncset.done $0x0  }
.Ltmp3:
0x156: {  	[sflag:s13] =	ssyncadd.s32 $0xFFFFD800;
	(pc) =	sbr.rel @p0 .LBB2_6-.Ltmp3, $4  }
0x157: {  	[spmem:s19] =	stream.indirect.scatter.add.f32 [tilespmem:s14], [sflag:$0x1], $0x10, s28, s21, $0xb8;
	[tilespmem:$0x1C250] =	vst v63  }
0x158: {  	_ =	swait.ge [sflag:s13], $0x500  }
0x159: {  	[sflag:s13] =	ssyncset.done $0x0  }
0x15a: {  	[sflag:s13] =	ssyncadd.s32 $0xFFFFFB00  }
0x15b: {  	s11 =	stileid.u32;
	[bflag:$0x0] =	sbarrier.arrive $0xFFFF  }
0x15c: {  	s11 =	sshll.u32 s11, $0x6;
	s12 =	rddreg [dreg:$0x5]  }
0x15d: {  	s30 =	rddreg [dreg:$0x1b];
	s11 =	sor.u32 $0x1C01, s11  }
0x15e: {  	[hbm:s12], [sflag:s11] =	dma.local [spmem:s30], $0x500  }
0x15f: {  	_ =	swait.ge [sflag:s13], $0x500  }
0x160: {  	[sflag:s13] =	ssyncset.done $0x0;
	s12 =	rddreg [dreg:$0xd]  }
0x161: {  	s30 =	rddreg [dreg:$0x1c];
	[sflag:s13] =	ssyncadd.s32 $0xFFFFFB00  }
0x162: {  	[hbm:s12], [sflag:s11] =	dma.local [spmem:s30], $0xA0  }
0x163: {  	_ =	swait.ge [sflag:s13], $0xA0  }
0x164: {  	s31 =	smov.u32 s18;
	[sflag:s13] =	ssyncset.done $0x0  }
0x165: {  	s12 =	sshrl.u32 s18, $0x3;
	s18 =	rddreg [dreg:$0x6];
	[sflag:s13] =	ssyncadd.s32 $0xFFFFFF60  }
0x166: {  	[hbm:s18], [sflag:s11] =	dma.local [spmem:s12], $0x500  }
0x167: {  	_ =	swait.ge [sflag:s13], $0x500  }
0x168: {  	[sflag:s13] =	ssyncset.done $0x0;
	s30 =	rddreg [dreg:$0x19]  }
0x169: {  	s18 =	rddreg [dreg:$0xe];
	[sflag:s13] =	ssyncadd.s32 $0xFFFFFB00;
	s12 =	sshrl.u32 s30, $0x3  }
0x16a: {  	[hbm:s18], [sflag:s11] =	dma.local [spmem:s12], $0xA0  }
0x16b: {  	_ =	swait.ge [sflag:s13], $0xA0  }
0x16c: {  	[sflag:s13] =	ssyncset.done $0x0;
	s30 =	rddreg [dreg:$0x1a]  }
0x16d: {  	s18 =	rddreg [dreg:$0x7];
	[sflag:s13] =	ssyncadd.s32 $0xFFFFFF60;
	s12 =	sshrl.u32 s30, $0x3  }
0x16e: {  	[hbm:s18], [sflag:s11] =	dma.local [spmem:s12], $0x500  }
0x16f: {  	_ =	swait.ge [sflag:s13], $0x500  }
0x170: {  	[sflag:s13] =	ssyncset.done $0x0  }
0x171: {  	s12 =	sshrl.u32 s8, $0x3;
	s18 =	rddreg [dreg:$0xf];
	[sflag:s13] =	ssyncadd.s32 $0xFFFFFB00  }
0x172: {  	[hbm:s18], [sflag:s11] =	dma.local [spmem:s12], $0xA0  }
0x173: {  	_ =	swait.ge [sflag:s13], $0xA0  }
0x174: {  	[sflag:s13] =	ssyncset.done $0x0  }
0x175: {  	s12 =	sshrl.u32 s0, $0x3;
	s18 =	rddreg [dreg:$0x8];
	[sflag:s13] =	ssyncadd.s32 $0xFFFFFF60  }
0x176: {  	[hbm:s18], [sflag:s11] =	dma.local [spmem:s12], $0x500  }
0x177: {  	_ =	swait.ge [sflag:s13], $0x500  }
0x178: {  	[sflag:s13] =	ssyncset.done $0x0  }
0x179: {  	s12 =	sshrl.u32 s1, $0x3;
	s18 =	rddreg [dreg:$0x10];
	[sflag:s13] =	ssyncadd.s32 $0xFFFFFB00  }
0x17a: {  	[hbm:s18], [sflag:s11] =	dma.local [spmem:s12], $0xA0  }
0x17b: {  	_ =	swait.ge [sflag:s13], $0xA0  }
0x17c: {  	[sflag:s13] =	ssyncset.done $0x0  }
0x17d: {  	s12 =	sshrl.u32 s2, $0x3;
	s18 =	rddreg [dreg:$0x9];
	[sflag:s13] =	ssyncadd.s32 $0xFFFFFF60  }
0x17e: {  	[hbm:s18], [sflag:s11] =	dma.local [spmem:s12], $0x500  }
0x17f: {  	_ =	swait.ge [sflag:s13], $0x500  }
0x180: {  	[sflag:s13] =	ssyncset.done $0x0  }
0x181: {  	s12 =	sshrl.u32 s3, $0x3;
	s18 =	rddreg [dreg:$0x11];
	[sflag:s13] =	ssyncadd.s32 $0xFFFFFB00  }
0x182: {  	[hbm:s18], [sflag:s11] =	dma.local [spmem:s12], $0xA0  }
0x183: {  	_ =	swait.ge [sflag:s13], $0xA0  }
0x184: {  	[sflag:s13] =	ssyncset.done $0x0  }
0x185: {  	s12 =	sshrl.u32 s4, $0x3;
	s18 =	rddreg [dreg:$0xa];
	[sflag:s13] =	ssyncadd.s32 $0xFFFFFF60  }
0x186: {  	[hbm:s18], [sflag:s11] =	dma.local [spmem:s12], $0x500  }
0x187: {  	_ =	swait.ge [sflag:s13], $0x500  }
0x188: {  	[sflag:s13] =	ssyncset.done $0x0  }
0x189: {  	s12 =	sshrl.u32 s5, $0x3;
	s18 =	rddreg [dreg:$0x12];
	[sflag:s13] =	ssyncadd.s32 $0xFFFFFB00  }
0x18a: {  	[hbm:s18], [sflag:s11] =	dma.local [spmem:s12], $0xA0  }
0x18b: {  	_ =	swait.ge [sflag:s13], $0xA0  }
0x18c: {  	[sflag:s13] =	ssyncset.done $0x0  }
0x18d: {  	s12 =	sshrl.u32 s6, $0x3;
	s18 =	rddreg [dreg:$0xb];
	[sflag:s13] =	ssyncadd.s32 $0xFFFFFF60  }
0x18e: {  	[hbm:s18], [sflag:s11] =	dma.local [spmem:s12], $0x500  }
0x18f: {  	_ =	swait.ge [sflag:s13], $0x500  }
0x190: {  	[sflag:s13] =	ssyncset.done $0x0  }
0x191: {  	s12 =	sshrl.u32 s7, $0x3;
	s18 =	rddreg [dreg:$0x13];
	[sflag:s13] =	ssyncadd.s32 $0xFFFFFB00  }
0x192: {  	[hbm:s18], [sflag:s11] =	dma.local [spmem:s12], $0xA0  }
0x193: {  	_ =	swait.ge [sflag:s13], $0xA0  }
0x194: {  	[sflag:s13] =	ssyncset.done $0x0  }
0x195: {  	s12 =	sshrl.u32 s9, $0x3;
	s18 =	rddreg [dreg:$0xc];
	[sflag:s13] =	ssyncadd.s32 $0xFFFFFF60  }
0x196: {  	[hbm:s18], [sflag:s11] =	dma.local [spmem:s12], $0x500  }
0x197: {  	_ =	swait.ge [sflag:s13], $0x500  }
0x198: {  	[sflag:s13] =	ssyncset.done $0x0  }
0x199: {  	s12 =	sshrl.u32 s10, $0x3;
	s18 =	rddreg [dreg:$0x14];
	[sflag:s13] =	ssyncadd.s32 $0xFFFFFB00  }
0x19a: {  	[hbm:s18], [sflag:s11] =	dma.local [spmem:s12], $0xA0  }
0x19b: {  	_ =	swait.ge [sflag:s13], $0xA0  }
0x19c: {  	s29 =	sadd.s32 $0x1, s29;
	s30 =	rddreg [dreg:$0x16]  }
0x19d: {  	p0 =	sne.s32 s29, s30  }
.Ltmp4:
0x19e: {  	_ = 	snop;
	(pc) =	sbr.rel @p0 .LBB2_1-.Ltmp4, $3  }
0x19f: {  	_ =	sdelay $0x1  }
0x1a0: {  	[sflag:s13] =	ssyncset.done $0x0  }
0x1a1: {  	[sflag:s13] =	ssyncadd.s32 $0xFFFFFF60  }
0x1a2: {  	_ =	sfence.sel $0x180000  }
0x1a3: {  	[bflag:$0x0] =	sbarrier.arrive $0xFFFF  }
0x1a4: {  	_ =	strace $0x9000004A  }
0x1a5: {  	s0 =	stileid.u32;
	[bflag:$0x2] =	sbarrier.arrive $0xFFFF  }
0x1a6: {  	p0 =	sne.s32 s0, $0x0;
	s0 =	rddreg [dreg:$0x4]  }
0x1a7: {  	s0 =	sadd.s32 @!p0 $0x100000, s0  }
0x1a8: {  	[sflag:s0] =	ssyncadd.tile.s32 @!p0 $0x1;
	_ =	shalt  }
.Lfunc_end2:
_tile_overlayer_lowered:
.L_overlay_start_2:
0x1a9: {  	(tag) =	ssettag $0x2  }
0x1aa: {  	s0 =	rddreg [dreg:$0x0];
	s2 =	stileid.u32  }
0x1ab: {  	s1 =	rddreg [dreg:$0x1];
	p0 =	sne.s32 s2, $0x0  }
0x1ac: {  	s3 =	rddreg [dreg:$0x2];
	[bflag:$0x3] =	sbarrier.arrive $0xFFFF;
	s2 =	simm.s32 @!p0 $0x1C01  }
0x1ad: {  	[timem:s3], [sflag:s2] =	dma.local @!p0 [hbm:s0], s1  }
0x1ae: {  	s0 =	simm.s32 @!p0 $0x1  }
0x1af: {  	_ =	swait.ge @!p0 [sflag:s0], s1  }
0x1b0: {  	s1 =	ssub.s32 @!p0 $0x0, s1;
	[sflag:s0] =	ssyncset.done @!p0 $0x0  }
0x1b1: {  	[sflag:s0] =	ssyncadd.s32 @!p0 s1  }
0x1b2: {  	[bflag:$0x3] =	sbarrier.arrive $0xFFFF  }
0x1b3: {  	_ =	shalt  }

// kernel: kernel.16.cloned.1.call-start
scs
__scs_entry_jumppad:
0x0: {  	(pc) =	sbr.rel $0x88, $3  }
0x1: {  	(tag) =	ssettag $0x0;
	lr =	simm.s32 $0x1  }
0x2: {  	[smem:$0x3F88] =	sst lr;
	_ =	strace $0xD0000000  }
0x3: {  	_ = 	snop  }
0x4: {  	_ = 	snop  }
0x5: {  	_ = 	snop  }
0x6: {  	_ = 	snop  }
0x7: {  	_ = 	snop  }
__scs_overlays_trampoline_lowered:
0x8: {  	[smem:$0x3F97] =	sst s0  }
0x9: {  	[smem:$0x3F98] =	sst s1  }
0xa: {  	[smem:$0x3F99] =	sst s2  }
0xb: {  	[smem:$0x3F9A] =	sst s3  }
0xc: {  	[smem:$0x3F9B] =	sst s4  }
0xd: {  	[smem:$0x3F9C] =	sst s5  }
0xe: {  	[smem:$0x3F9D] =	sst s6  }
0xf: {  	[smem:$0x3F9E] =	sst s7  }
0x10: {  	[smem:$0x3F9F] =	sst s8  }
0x11: {  	[smem:$0x3FA0] =	sst s9;
	s0 =	simm.s32 @!p0 $0x0  }
0x12: {  	s1 =	sld [smem:$0x3F86];
	s0 =	simm.s32 @p0 $0x1  }
0x13: {  	[smem:$0x3FA1] =	sst s0;
	s0 =	simm.s32 @!p1 $0x0  }
0x14: {  	s2 =	sld [smem:$0x3F85];
	s0 =	simm.s32 @p1 $0x1  }
0x15: {  	[smem:$0x3FA2] =	sst s0;
	s0 =	simm.s32 @!p2 $0x0  }
0x16: {  	s3 =	sld [smem:$0x3FDB];
	s0 =	simm.s32 @p2 $0x1  }
0x17: {  	s4 =	simm.s32 $0x1BF5;
	[smem:$0x3FA4] =	sst s0  }
0x18: {  	s0 =	sld [smem:$0x3F87];
	_ =	swait.ge [sflag:s4], $0x0  }
0x19: {  	s7 =	sld [smem:$0x3F88]  }
0x1a: {  	s8 =	sadd.s32 $0xFFFFE003, lr  }
0x1b: {  	s9 =	sadd.s32 $0xFFFFFEF7, lr;
	s5 =	simm.s32 $0xFFFFFFFF;
	p2 =	slt.u32 s8, $0xFFFFF086  }
0x1c: {  	p1 =	slt.u32 s9, $0xF7A;
	s5 =	simm.s32 @!p2 $0x0  }
0x1d: {  	s5 =	simm.s32 @p1 $0x1;
	p0 =	seq.s32 s7, s2  }
0x1e: {  	s7 =	smul.u32 @!p0 $0xF7A, s2;
	p2 =	seq.s32 @!p0 s5, $0x0  }
0x1f: {  	s9 =	smul.u32 $0xF7A, s1;
	s8 =	simm.s32 @!p0 $0x1BF5;
	p2 =	por !p2, p0  }
0x20: {  	[sflag:s8] =	ssyncset.s32 @!p0 $0xFFFFF086;
	s6 =	sadd.s32 @!p0 s3, s7;
	s7 =	simm.s32 @!p0 $0x108  }
0x21: {  	s3 =	sadd.s32 s3, s9;
	s6 =	sadd.s32 @!p0 $0x88, s6;
	s7 =	simm.s32 @p2 $0x1082  }
0x22: {  	[simem:s7], [sflag:s8] =	dma.local @!p0 [hbm:s6], $0xF7A  }
0x23: {  	s9 =	sor.u32 $0xD0000000, s2;
	s6 =	simm.s32 $0x108;
	_ =	swait.ge @!p0 [sflag:s8], $0x0  }
0x24: {  	s3 =	sadd.s32 $0x88, s3;
	s6 =	simm.s32 @!p1 $0x1082;
	[sflag:s4] =	ssyncset.s32 $0xFFFFF086  }
0x25: {  	[simem:s6], [sflag:s4] =	dma.local [hbm:s3], $0xF7A  }
0x26: {  	[smem:$0x3F88] =	sst s1;
	(tag) =	ssettag s2;
	_ =	strace s9  }
0x27: {  	s1 =	sld [smem:$0x3F98]  }
0x28: {  	s2 =	sld [smem:$0x3F99]  }
0x29: {  	s4 =	sld [smem:$0x3F9B]  }
0x2a: {  	p0 =	seq.s32 s5, $0x0;
	s5 =	sld [smem:$0x3F9C]  }
0x2b: {  	s6 =	sld [smem:$0x3F9D]  }
0x2c: {  	s7 =	sld [smem:$0x3F9E]  }
0x2d: {  	s3 =	simm.s32 $0x108;
	s8 =	sld [smem:$0x3F9F]  }
0x2e: {  	s3 =	simm.s32 @!p0 $0x1082;
	s9 =	sld [smem:$0x3FA0]  }
0x2f: {  	lr =	sadd.s32 s0, s3;
	s0 =	sld [smem:$0x3F97]  }
0x30: {  	s3 =	sld [smem:$0x3F9A]  }
0x31: {  	[smem:$0x3FA3] =	sst s10  }
0x32: {  	s10 =	sld [smem:$0x3FA1];
	_ =	sdelay $0x3  }
0x33: {  	p0 =	seq.s32 s10, $0x1;
	s10 =	sld [smem:$0x3FA3];
	_ =	sdelay $0x3  }
0x34: {  	[smem:$0x3FA3] =	sst s10  }
0x35: {  	s10 =	sld [smem:$0x3FA2];
	_ =	sdelay $0x3  }
0x36: {  	p1 =	seq.s32 s10, $0x1;
	s10 =	sld [smem:$0x3FA3];
	_ =	sdelay $0x3  }
0x37: {  	[smem:$0x3FA3] =	sst s10  }
0x38: {  	s10 =	sld [smem:$0x3FA4]  }
0x39: {  	_ = 	snop;
	(pc) =	sbr.ind lr, $3  }
0x3a: {  	_ = 	snop  }
0x3b: {  	_ = 	snop  }
0x3c: {  	p2 =	seq.s32 s10, $0x1;
	s10 =	sld [smem:$0x3FA3]  }
0x3d: {  	_ =	shalt  }
0x3e: {  	_ =	shalt  }
0x3f: {  	_ =	shalt  }
0x40: {  	_ =	shalt  }
0x41: {  	_ =	shalt  }
0x42: {  	_ =	shalt  }
0x43: {  	_ =	shalt  }
0x44: {  	_ =	shalt  }
0x45: {  	_ =	shalt  }
0x46: {  	_ =	shalt  }
0x47: {  	_ =	shalt  }
0x48: {  	_ =	shalt  }
0x49: {  	_ =	shalt  }
0x4a: {  	_ =	shalt  }
0x4b: {  	_ =	shalt  }
0x4c: {  	_ =	shalt  }
0x4d: {  	_ =	shalt  }
0x4e: {  	_ =	shalt  }
0x4f: {  	_ =	shalt  }
0x50: {  	_ =	shalt  }
0x51: {  	_ =	shalt  }
0x52: {  	_ =	shalt  }
0x53: {  	_ =	shalt  }
0x54: {  	_ =	shalt  }
0x55: {  	_ =	shalt  }
0x56: {  	_ =	shalt  }
0x57: {  	_ =	shalt  }
0x58: {  	_ =	shalt  }
0x59: {  	_ =	shalt  }
0x5a: {  	_ =	shalt  }
0x5b: {  	_ =	shalt  }
0x5c: {  	_ =	shalt  }
0x5d: {  	_ =	shalt  }
0x5e: {  	_ =	shalt  }
0x5f: {  	_ =	shalt  }
0x60: {  	_ =	shalt  }
0x61: {  	_ =	shalt  }
0x62: {  	_ =	shalt  }
0x63: {  	_ =	shalt  }
0x64: {  	_ =	shalt  }
0x65: {  	_ =	shalt  }
0x66: {  	_ =	shalt  }
0x67: {  	_ =	shalt  }
0x68: {  	_ =	shalt  }
0x69: {  	_ =	shalt  }
0x6a: {  	_ =	shalt  }
0x6b: {  	_ =	shalt  }
0x6c: {  	_ =	shalt  }
0x6d: {  	_ =	shalt  }
0x6e: {  	_ =	shalt  }
0x6f: {  	_ =	shalt  }
0x70: {  	_ =	shalt  }
0x71: {  	_ =	shalt  }
0x72: {  	_ =	shalt  }
0x73: {  	_ =	shalt  }
0x74: {  	_ =	shalt  }
0x75: {  	_ =	shalt  }
0x76: {  	_ =	shalt  }
0x77: {  	_ =	shalt  }
0x78: {  	_ =	shalt  }
0x79: {  	_ =	shalt  }
0x7a: {  	_ =	shalt  }
0x7b: {  	_ =	shalt  }
0x7c: {  	_ =	shalt  }
0x7d: {  	_ =	shalt  }
0x7e: {  	_ =	shalt  }
0x7f: {  	_ =	shalt  }
0x80: {  	_ =	shalt  }
0x81: {  	_ =	shalt  }
0x82: {  	_ =	shalt  }
0x83: {  	_ =	shalt  }
0x84: {  	_ =	shalt  }
0x85: {  	_ =	shalt  }
0x86: {  	_ =	shalt  }
0x87: {  	_ =	shalt  }
.Lfunc_end0:
.L_simem_size_0:
called_computation.4_lowered:
.L_overlay_start_0:
0x88: {  	s2 =	sld [smem:$0x3FD9]  }
0x89: {  	s3 =	sld [smem:$0x3FFE];
	_ =	sdelay $0x1  }
0x8a: {  	s1 =	srdreg.scid  }
0x8b: {  	s0 =	sand.u32 $0x1, s1  }
0x8c: {  	s17 =	sshll.u32 s0, $0xA;
	s2 =	sadd.s32 s3, s2  }
0x8d: {  	s2 =	sadd.s32 s2, s17  }
0x8e: {  	[smem:$0x3FAF] =	sst s2  }
0x8f: {  	_ = 	snop  }
0x90: {  	s2 =	sld [smem:$0x3FD0];
	(tm) =	ssettm $0x1  }
0x91: {  	s18 =	sld [smem:$0x3FFB];
	_ =	sdelay $0x3  }
0x92: {  	_ =	strace s18  }
0x93: {  	s3 =	sld [smem:$0x3FFC];
	_ =	sdelay $0x3  }
0x94: {  	_ =	strace s3  }
0x95: {  	s3 =	sld [smem:$0x3FFD];
	_ =	sdelay $0x3  }
0x96: {  	_ =	strace s3  }
0x97: {  	_ =	strace $0x8FFFFFFF  }
0x98: {  	s19 =	sld [smem:$0x3FDB];
	_ =	sdelay $0x1  }
0x99: {  	s4 =	simm.s32 $_scs_section_size  }
0x9a: {  	s5 =	simm.s32 $_size__tile_overlayer_lowered;
	s6 =	simm.s32 $_tile_overlayer_lowered  }
0x9b: {  	s22 =	simm.s32 $0x1BFF;
	s21 =	sshll.u32 s6, $0x1;
	s3 =	sadd.s32 s4, s19  }
0x9c: {  	s7 =	simm.s32 $0x0;
	s20 =	sshll.u32 s5, $0x1;
	s5 =	sadd.s32 s21, s3  }
0x9d: {  	[timem:s7], [sflag:s22] =	dma.local [hbm:s5], s20  }
0x9e: {  	_ =	swait.ge [sflag:s22], s20  }
0x9f: {  	s4 =	ssub.s32 $0x0, s20;
	[sflag:s22] =	ssyncset.done $0x0  }
0xa0: {  	[sflag:s22] =	ssyncadd.s32 s4;
	_ =	sdelay $0x1  }
0xa1: {  	s23 =	simm.s32 $0x1B8B  }
0xa2: {  	_ =	swait.ge [sflag:s23], $0x1  }
0xa3: {  	[sflag:s23] =	ssyncset.done $0x0  }
0xa4: {  	s25 =	simm.s32 $0x1B8E;
	s24 =	sld [smem:$0x3FFE];
	[sflag:s23] =	ssyncadd.s32 $0xFFFFFFFF  }
0xa5: {  	s26 =	simm.s32 $execute0_lowered;
	[smem:$0x3FD2] =	sst s25  }
0xa6: {  	s5 =	sshll.u32 s26, $0x1;
	_ =	strace $0x8000004F;
	[dreg:$0x1] =	wrdreg $0xFFFFFFFF  }
0xa7: {  	s28 =	simm.s32 $_size_execute0_lowered;
	s3 =	sadd.s32 s3, s5;
	[dreg:$0x0] =	wrdreg $0x0  }
0xa8: {  	s5 =	sshll.u32 s28, $0x1;
	[dreg:$0x2] =	wrdreg s3  }
0xa9: {  	[dreg:$0x3] =	wrdreg s5  }
0xaa: {  	[dreg:$0x4] =	wrdreg $0xC0  }
0xab: {  	_ =	task [dreg:s7], $0x5FFFF  }
0xac: {  	[dreg:$0x1] =	wrdreg $0xFFFFFFFF  }
0xad: {  	[dreg:$0x0] =	wrdreg $0x60  }
0xae: {  	[dreg:$0x2] =	wrdreg s24  }
0xaf: {  	[dreg:$0x3] =	wrdreg s2  }
0xb0: {  	[dreg:$0x4] =	wrdreg $0x5A500  }
0xb1: {  	[dreg:$0x5] =	wrdreg $0x19A500  }
0xb2: {  	[dreg:$0x6] =	wrdreg $0x9  }
0xb3: {  	_ =	task.clear_ibuf [dreg:s7], $0x7FFFF;
	_ =	strace $0x9000004F  }
0xb4: {  	s29 =	simm.s32 $0x9;
	_ =	strace $0x80000051  }
0xb5: {  	_ =	swait.ge [sflag:s29], $0x1  }
0xb6: {  	[sflag:s29] =	ssyncadd.s32 $0xFFFFFFFF  }
0xb7: {  	_ =	strace $0x90000051  }
0xb8: {  	_ =	sfence  }
0xb9: {  	s30 =	sld [smem:$0x0];
	_ =	sdelay $0x2  }
0xba: {  	s31 =	sshll.u32 s1, $0xD;
	s1 =	sshrl.u32 s1, $0x2  }
0xbb: {  	s3 =	sand.u32 $0x4000, s31;
	s1 =	sadd.s32 s1, s30  }
0xbc: {  	s0 =	sor.u32 s3, s0;
	s1 =	sshll.u32 s1, $0x11  }
0xbd: {  	s0 =	sor.u32 s1, s0  }
0xbe: {  	s0 =	sadd.s32 $0x8F2B, s0  }
0xbf: {  	[sflag:s0] =	ssyncadd.remote.s32 $0x1  }
0xc0: {  	_ =	sfence.sel $0xFFFF  }
0xc1: {  	[dreg:$0x0] =	wrdreg $0xFFFFFFFF;
	(pc) =	sbr.abs _section_cstart, $3  }
0xc2: {  	[dreg:$0x1] =	wrdreg $0xFFFFFFFF  }
0xc3: {  	_ =	task.clear_ibuf [dreg:s7], $0x2FFFF;
	_ =	strace $0x9FFFFFFF  }
0xc4: {  	(tm) =	ssettm $0x7FFFFFFF  }
0xc5: {  	_ =	shalt  }
tec
execute0_lowered:
.L_overlay_start_1:
0x0: {  	(tag) =	ssettag $0x1  }
0x1: {  	s0 =	srdreg.scid;
	s25 =	stileid.u32;
	s28 =	simm.s32 $0x2800  }
0x2: {  	s29 =	simm.s32 $0x0;
	s1 =	sand.u32 $0x1, s0;
	s10 =	smul.u32 $0x14000, s25  }
0x3: {  	s0 =	rddreg [dreg:$0x0];
	s9 =	smul.u32 $0x280, s25;
	s2 =	ssub.s32 $0x2, s1  }
0x4: {  	s11 =	smul.u32 $0x140000, s1;
	s12 =	sadd.s32 $0xEC00, s0;
	s4 =	sshrl.u32 s2, $0x1  }
0x5: {  	s13 =	sor.u32 $0x50, s9;
	s14 =	sadd.s32 $0xA0, s9;
	s15 =	sadd.s32 $0xF0, s9  }
0x6: {  	s16 =	sadd.s32 $0x140, s9;
	s17 =	sadd.s32 $0x190, s9;
	s18 =	sadd.s32 $0x1E0, s9  }
0x7: {  	s20 =	sadd.s32 $0x230, s9;
	s3 =	sadd.s32 s11, s10;
	s7 =	ssub.s32 s2, s4  }
0x8: {  	s8 =	sshll.u32 s14, $0x7;
	s5 =	sshll.u32 s15, $0x7;
	s2 =	sshll.u32 s16, $0x7  }
0x9: {  	s4 =	sshll.u32 s17, $0x7;
	s6 =	sshll.u32 s18, $0x7;
	s14 =	sshll.u32 s14, $0x4  }
0xa: {  	s16 =	sshll.u32 s16, $0x4;
	s3 =	sshrl.u32 s3, $0x3;
	s23 =	sadd.s32 s11, s8  }
0xb: {  	s24 =	sadd.s32 s11, s5;
	s7 =	smax.u32 s7, $0x1;
	s21 =	sadd.s32 s12, s3  }
0xc: {  	s3 =	sshll.u32 s13, $0x7;
	s9 =	sshrl.u32 s23, $0x3;
	s26 =	sshrl.u32 s24, $0x3  }
0xd: {  	s24 =	sadd.s32 s11, s6;
	s13 =	sshll.u32 s13, $0x4;
	[dreg:$0x5] =	wrdreg s21  }
0xe: {  	s19 =	sadd.s32 s11, s3;
	s21 =	sadd.s32 s11, s2;
	s9 =	sadd.s32 s12, s9  }
0xf: {  	s19 =	sshrl.u32 s19, $0x3;
	[dreg:$0x7] =	wrdreg s9;
	s30 =	sshrl.u32 s21, $0x3  }
0x10: {  	s9 =	sadd.s32 s12, s26;
	s26 =	sshrl.u32 s24, $0x3;
	s22 =	sadd.s32 s12, s19  }
0x11: {  	[dreg:$0x8] =	wrdreg s9;
	s21 =	sadd.s32 s12, s30;
	s9 =	sshll.u32 s20, $0x7  }
0x12: {  	s30 =	simm.s32 $0x0;
	[dreg:$0x6] =	wrdreg s22;
	s22 =	sadd.s32 s11, s4  }
0x13: {  	[dreg:$0x9] =	wrdreg s21;
	s11 =	sadd.s32 s11, s9;
	s23 =	sshrl.u32 s22, $0x3  }
0x14: {  	[smem:$0x7FF] =	sst s30;
	s11 =	sshrl.u32 s11, $0x3;
	s19 =	sadd.s32 s12, s23  }
0x15: {  	s24 =	sshll.u32 s17, $0x4;
	s11 =	sadd.s32 s12, s11;
	[dreg:$0xa] =	wrdreg s19  }
0x16: {  	s19 =	sadd.s32 s12, s26;
	[dreg:$0xc] =	wrdreg s11;
	s11 =	smul.u32 $0x2800, s25  }
0x17: {  	s21 =	sshll.u32 s15, $0x4;
	[dreg:$0xb] =	wrdreg s19;
	s19 =	smul.u32 $0x28000, s1  }
0x18: {  	s26 =	sshll.u32 s18, $0x4;
	s12 =	sshll.u32 s20, $0x4;
	s1 =	sshll.u32 s1, $0x4  }
0x19: {  	s18 =	sadd.s32 $0x4C00, s0;
	s1 =	sor.u32 s25, s1;
	s20 =	sadd.s32 s19, s11  }
0x1a: {  	s22 =	sadd.s32 s19, s13;
	s30 =	sadd.s32 s19, s14;
	s15 =	sshrl.u32 s20, $0x3  }
0x1b: {  	s23 =	sshrl.u32 s22, $0x3;
	s20 =	sshrl.u32 s30, $0x3;
	s15 =	sadd.s32 s18, s15  }
0x1c: {  	s22 =	sadd.s32 s19, s21;
	s30 =	sadd.s32 s19, s16;
	[dreg:$0xd] =	wrdreg s15  }
0x1d: {  	s15 =	sadd.s32 s18, s23;
	s23 =	sshrl.u32 s22, $0x3;
	s22 =	sadd.s32 s19, s24  }
0x1e: {  	[dreg:$0xe] =	wrdreg s15;
	s15 =	sadd.s32 s18, s20;
	s20 =	sshrl.u32 s30, $0x3  }
0x1f: {  	s17 =	sshrl.u32 s22, $0x3;
	s22 =	sadd.s32 s19, s12;
	[dreg:$0xf] =	wrdreg s15  }
0x20: {  	s15 =	sadd.s32 s18, s23;
	s23 =	sadd.s32 s19, s26;
	s19 =	rddreg [dreg:$0x3]  }
0x21: {  	s17 =	sadd.s32 s18, s17;
	s30 =	sshrl.u32 s22, $0x3;
	[dreg:$0x10] =	wrdreg s15  }
0x22: {  	s22 =	sadd.s32 $0x13D400, s0;
	s15 =	sadd.s32 s18, s20;
	[dreg:$0x12] =	wrdreg s17  }
0x23: {  	s17 =	rddreg [dreg:$0x2];
	s20 =	sshrl.u32 s23, $0x3;
	s23 =	sadd.s32 $0x275C00, s0  }
0x24: {  	s0 =	sadd.s32 $0x278400, s0;
	s11 =	sadd.s32 s11, s19;
	[dreg:$0x11] =	wrdreg s15  }
0x25: {  	s15 =	rddreg [dreg:$0x1];
	s20 =	sadd.s32 s18, s20;
	s18 =	sadd.s32 s18, s30  }
0x26: {  	s30 =	smul.u32 $0xA000, s25;
	s31 =	sadd.s32 s3, s17;
	s2 =	sadd.s32 s2, s17  }
0x27: {  	s3 =	sadd.s32 s16, s19;
	s4 =	sadd.s32 s4, s17;
	s6 =	sadd.s32 s6, s17  }
0x28: {  	s9 =	sadd.s32 s9, s17;
	s11 =	sshrl.u32 s11, $0x3;
	[dreg:$0x13] =	wrdreg s20  }
0x29: {  	s16 =	simm.s32 $0x2850;
	[dreg:$0x14] =	wrdreg s18;
	s20 =	smul.u32 $0x50000, s25  }
0x2a: {  	s25 =	smul.u32 $0x7D, s1;
	_ =	strace $0x80000050;
	[dreg:$0x15] =	wrdreg s0  }
0x2b: {  	v0 =	vlaneseq.u32;
	s1 =	sadd.s32 s21, s19;
	s21 =	simm.s32 $0x50;
	[dreg:$0x16] =	wrdreg s7  }
0x2c: {  	v1 =	vimm.f32 $0.0e+00;
	v2 =	vor.u32 $0x10, v0;
	s30 =	sshrl.u32 s30, $0x2;
	[dreg:$0x1c] =	wrdreg s11;
	s18 =	sshrl.u32 s20, $0x2  }
0x2d: {  	v3 =	vor.u32 $0x20, v0;
	v4 =	vor.u32 $0x30, v0;
	v5 =	vor.u32 $0x40, v0;
	s7 =	sadd.s32 s30, s19;
	s20 =	sadd.s32 s8, s17;
	s8 =	sadd.s32 s14, s19  }
0x2e: {  	v6 =	vor.u32 $0x50, v0;
	v7 =	vor.u32 $0x60, v0;
	v8 =	vmul.u32 $0x10, v0;
	s14 =	simm.s32 $0x5550;
	s0 =	sadd.s32 s18, s17;
	[dreg:$0x18] =	wrdreg s7  }
0x2f: {  	v9 =	vor.u32 $0x70, v0;
	v10 =	vor.u32 $0xA0, v0;
	v11 =	vor.u32 $0xF0, v0;
	s18 =	sadd.s32 s13, s19;
	[dreg:$0x1a] =	wrdreg s20;
	s7 =	sadd.s32 s26, s19  }
0x30: {  	v12 =	vor.u32 $0xB0, v0;
	v13 =	vor.u32 $0x100, v0;
	v15 =	vor.u32 $0xC0, v0;
	s26 =	sadd.s32 s10, s17;
	s10 =	sadd.s32 s12, s19;
	[dreg:$0x17] =	wrdreg s0  }
0x31: {  	v16 =	vor.u32 $0x110, v0;
	v18 =	vor.u32 $0xD0, v0;
	v19 =	vor.u32 $0x120, v0;
	s13 =	simm.s32 $0x1;
	s20 =	simm.s32 $0x2710;
	[dreg:$0x19] =	wrdreg s18  }
0x32: {  	v21 =	vor.u32 $0xE0, v0;
	v22 =	vor.u32 $0x130, v0;
	v14 =	vor.u32 $0x100, v8;
	s0 =	sadd.s32 s5, s17;
	s5 =	sadd.s32 s24, s19;
	s30 =	sshrl.u32 s26, $0x3  }
0x33: {  	v17 =	vor.u32 $0x200, v8;
	v20 =	vor.u32 $0x300, v8;
	v23 =	vor.u32 $0x400, v8;
	s24 =	simm.s32 $0x2760;
	s26 =	simm.s32 $0x5050;
	[dreg:$0x1b] =	wrdreg s30  }
.LBB2_1:
0x34: {  	s11 =	simm.s32 $0x0;
	s12 =	rddreg [dreg:$0x15]  }
0x35: {  	[tilespmem:s11], [sflag:$0x1] =	stream.linear.gather [hbm4b:s12+s11], $0x2710, $0x38;
	[tilespmem:$0x1C250] =	vst v63  }
0x36: {  	_ =	swait.ge [sflag:s13], $0x2710  }
0x37: {  	[sflag:s13] =	ssyncset.done $0x0  }
0x38: {  	s11 =	simm.s32 $0x0;
	[sflag:s13] =	ssyncadd.s32 $0xFFFFD8F0  }
.LBB2_2:
0x39: {  	s12 =	sshll.u32 s11, $0x4  }
0x3a: {  	p0 =	sne.s32 s11, $0x4F;
	v24 =	vor.u32 s12, v0  }
.Ltmp0:
0x3b: {  	_ = 	snop;
	(pc) =	sbr.rel @p0 .LBB2_2-.Ltmp0, $2  }
0x3c: {  	_ =	sdelay $0x2  }
0x3d: {  	s11 =	sadd.s32 $0x1, s11;
	[tilespmem:v24+s14+$0x0] =	vst.idx.msk $0xffff, v1  }
0x3e: {  	s12 =	simm.s32 $0x0  }
0x3f: {  	v27 =	vor.u32 s12, v0;
	_ =	sdelay $0x1  }
0x40: {  	v29 =	vor.u32 s12, v2  }
0x41: {  	v26 =	vor.u32 s12, v3  }
0x42: {  	v25 =	vor.u32 s12, v4  }
0x43: {  	[tilespmem:v27+s16+$0x0] =	vst.idx.msk $0xffff, v1;
	v27 =	vor.u32 s12, v5  }
0x44: {  	v28 =	vor.u32 s12, v6  }
0x45: {  	s11 =	simm.s32 $0x1;
	v24 =	vor.u32 s12, v9;
	[tilespmem:v29+s16+$0x0] =	vst.idx.msk $0xffff, v1;
	v29 =	vor.u32 s12, v7  }
.LBB2_4:
0x46: {  	s12 =	sshll.u32 s11, $0x7;
	p0 =	sne.s32 s11, $0x4F;
	s11 =	sadd.s32 $0x1, s11;
	[tilespmem:v26+s16+$0x0] =	vst.idx.msk $0xffff, v1  }
0x47: {  	v30 =	vor.u32 s12, v0;
	v31 =	vor.u32 s12, v9;
	[tilespmem:v25+s16+$0x0] =	vst.idx.msk $0xffff, v1  }
0x48: {  	v32 =	vor.u32 s12, v2;
	[tilespmem:v27+s16+$0x0] =	vst.idx.msk $0xffff, v1  }
.Ltmp1:
0x49: {  	v26 =	vor.u32 s12, v3;
	[tilespmem:v28+s16+$0x0] =	vst.idx.msk $0xffff, v1;
	(pc) =	sbr.rel @p0 .LBB2_4-.Ltmp1, $4  }
0x4a: {  	v25 =	vor.u32 s12, v4;
	[tilespmem:v29+s16+$0x0] =	vst.idx.msk $0xffff, v1  }
0x4b: {  	v27 =	vor.u32 s12, v5;
	[tilespmem:v24+s16+$0x0] =	vst.idx.msk $0xffff, v1;
	v24 =	vmov v31  }
0x4c: {  	v28 =	vor.u32 s12, v6;
	[tilespmem:v30+s16+$0x0] =	vst.idx.msk $0xffff, v1  }
0x4d: {  	v29 =	vor.u32 s12, v7;
	[tilespmem:v32+s16+$0x0] =	vst.idx.msk $0xffff, v1  }
0x4e: {  	_ =	sdelay $0x3  }
0x4f: {  	[tilespmem:v26+s16+$0x0] =	vst.idx.msk $0xffff, v1  }
0x50: {  	[tilespmem:v25+s16+$0x0] =	vst.idx.msk $0xffff, v1  }
0x51: {  	[tilespmem:v27+s16+$0x0] =	vst.idx.msk $0xffff, v1  }
0x52: {  	[tilespmem:v28+s16+$0x0] =	vst.idx.msk $0xffff, v1  }
0x53: {  	[tilespmem:v29+s16+$0x0] =	vst.idx.msk $0xffff, v1  }
0x54: {  	s11 =	rddreg [dreg:$0x17];
	[tilespmem:v24+s16+$0x0] =	vst.idx.msk $0xffff, v1  }
0x55: {  	[spmem:s11] =	stream.linear.scatter [tilespmem:s16], [sflag:$0x1], $0x2800, $0x38;
	[tilespmem:$0x1C250] =	vst v63  }
0x56: {  	_ =	swait.ge [sflag:s13], $0x2800  }
0x57: {  	[sflag:s13] =	ssyncset.done $0x0  }
0x58: {  	s18 =	rddreg [dreg:$0x18];
	[sflag:s13] =	ssyncadd.s32 $0xFFFFD800  }
0x59: {  	[spmem:s18] =	stream.linear.scatter [tilespmem:s14], [sflag:$0x1], $0x500, $0x38;
	[tilespmem:$0x1C250] =	vst v63  }
0x5a: {  	_ =	swait.ge [sflag:s13], $0x500  }
0x5b: {  	[sflag:s13] =	ssyncset.done $0x0  }
0x5c: {  	[sflag:s13] =	ssyncadd.s32 $0xFFFFFB00  }
0x5d: {  	[spmem:s31] =	stream.linear.scatter [tilespmem:s16], [sflag:$0x1], $0x2800, $0x38;
	[tilespmem:$0x1C250] =	vst v63  }
0x5e: {  	_ =	swait.ge [sflag:s13], $0x2800  }
0x5f: {  	[sflag:s13] =	ssyncset.done $0x0  }
0x60: {  	s30 =	rddreg [dreg:$0x19];
	[sflag:s13] =	ssyncadd.s32 $0xFFFFD800  }
0x61: {  	[spmem:s30] =	stream.linear.scatter [tilespmem:s14], [sflag:$0x1], $0x500, $0x38;
	[tilespmem:$0x1C250] =	vst v63  }
0x62: {  	_ =	swait.ge [sflag:s13], $0x500  }
0x63: {  	[sflag:s13] =	ssyncset.done $0x0  }
0x64: {  	s18 =	smov.u32 s31;
	s31 =	rddreg [dreg:$0x1a];
	[sflag:s13] =	ssyncadd.s32 $0xFFFFFB00  }
0x65: {  	[spmem:s31] =	stream.linear.scatter [tilespmem:s16], [sflag:$0x1], $0x2800, $0x38;
	[tilespmem:$0x1C250] =	vst v63  }
0x66: {  	_ =	swait.ge [sflag:s13], $0x2800  }
0x67: {  	[sflag:s13] =	ssyncset.done $0x0  }
0x68: {  	[sflag:s13] =	ssyncadd.s32 $0xFFFFD800  }
0x69: {  	[spmem:s8] =	stream.linear.scatter [tilespmem:s14], [sflag:$0x1], $0x500, $0x38;
	[tilespmem:$0x1C250] =	vst v63  }
0x6a: {  	_ =	swait.ge [sflag:s13], $0x500  }
0x6b: {  	[sflag:s13] =	ssyncset.done $0x0  }
0x6c: {  	[sflag:s13] =	ssyncadd.s32 $0xFFFFFB00  }
0x6d: {  	[spmem:s0] =	stream.linear.scatter [tilespmem:s16], [sflag:$0x1], $0x2800, $0x38;
	[tilespmem:$0x1C250] =	vst v63  }
0x6e: {  	_ =	swait.ge [sflag:s13], $0x2800  }
0x6f: {  	[sflag:s13] =	ssyncset.done $0x0  }
0x70: {  	[sflag:s13] =	ssyncadd.s32 $0xFFFFD800  }
0x71: {  	[spmem:s1] =	stream.linear.scatter [tilespmem:s14], [sflag:$0x1], $0x500, $0x38;
	[tilespmem:$0x1C250] =	vst v63  }
0x72: {  	_ =	swait.ge [sflag:s13], $0x500  }
0x73: {  	[sflag:s13] =	ssyncset.done $0x0  }
0x74: {  	[sflag:s13] =	ssyncadd.s32 $0xFFFFFB00  }
0x75: {  	[spmem:s2] =	stream.linear.scatter [tilespmem:s16], [sflag:$0x1], $0x2800, $0x38;
	[tilespmem:$0x1C250] =	vst v63  }
0x76: {  	_ =	swait.ge [sflag:s13], $0x2800  }
0x77: {  	[sflag:s13] =	ssyncset.done $0x0  }
0x78: {  	[sflag:s13] =	ssyncadd.s32 $0xFFFFD800  }
0x79: {  	[spmem:s3] =	stream.linear.scatter [tilespmem:s14], [sflag:$0x1], $0x500, $0x38;
	[tilespmem:$0x1C250] =	vst v63  }
0x7a: {  	_ =	swait.ge [sflag:s13], $0x500  }
0x7b: {  	[sflag:s13] =	ssyncset.done $0x0  }
0x7c: {  	[sflag:s13] =	ssyncadd.s32 $0xFFFFFB00  }
0x7d: {  	[spmem:s4] =	stream.linear.scatter [tilespmem:s16], [sflag:$0x1], $0x2800, $0x38;
	[tilespmem:$0x1C250] =	vst v63  }
0x7e: {  	_ =	swait.ge [sflag:s13], $0x2800  }
0x7f: {  	[sflag:s13] =	ssyncset.done $0x0  }
0x80: {  	[sflag:s13] =	ssyncadd.s32 $0xFFFFD800  }
0x81: {  	[spmem:s5] =	stream.linear.scatter [tilespmem:s14], [sflag:$0x1], $0x500, $0x38;
	[tilespmem:$0x1C250] =	vst v63  }
0x82: {  	_ =	swait.ge [sflag:s13], $0x500  }
0x83: {  	[sflag:s13] =	ssyncset.done $0x0  }
0x84: {  	[sflag:s13] =	ssyncadd.s32 $0xFFFFFB00  }
0x85: {  	[spmem:s6] =	stream.linear.scatter [tilespmem:s16], [sflag:$0x1], $0x2800, $0x38;
	[tilespmem:$0x1C250] =	vst v63  }
0x86: {  	_ =	swait.ge [sflag:s13], $0x2800  }
0x87: {  	[sflag:s13] =	ssyncset.done $0x0  }
0x88: {  	[sflag:s13] =	ssyncadd.s32 $0xFFFFD800  }
0x89: {  	[spmem:s7] =	stream.linear.scatter [tilespmem:s14], [sflag:$0x1], $0x500, $0x38;
	[tilespmem:$0x1C250] =	vst v63  }
0x8a: {  	_ =	swait.ge [sflag:s13], $0x500  }
0x8b: {  	[sflag:s13] =	ssyncset.done $0x0  }
0x8c: {  	[sflag:s13] =	ssyncadd.s32 $0xFFFFFB00  }
0x8d: {  	[spmem:s9] =	stream.linear.scatter [tilespmem:s16], [sflag:$0x1], $0x2800, $0x38;
	[tilespmem:$0x1C250] =	vst v63  }
0x8e: {  	_ =	swait.ge [sflag:s13], $0x2800  }
0x8f: {  	[sflag:s13] =	ssyncset.done $0x0  }
0x90: {  	[sflag:s13] =	ssyncadd.s32 $0xFFFFD800  }
0x91: {  	[spmem:s10] =	stream.linear.scatter [tilespmem:s14], [sflag:$0x1], $0x500, $0x38;
	[tilespmem:$0x1C250] =	vst v63  }
0x92: {  	_ =	swait.ge [sflag:s13], $0x500  }
0x93: {  	[sflag:s13] =	ssyncset.done $0x0  }
0x94: {  	[sflag:s13] =	ssyncadd.s32 $0xFFFFFB00  }
0x95: {  	s12 =	simm.s32 $0x0;
	s11 =	simm.s32 $0x0;
	[bflag:$0x0] =	sbarrier.arrive $0xFFFF  }
.LBB2_6:
0x96: {  	s30 =	sadd.s32 s25, s12  }
0x97: {  	s30 =	smul.u32 $0x28, s30;
	_ =	sdelay $0x1  }
0x98: {  	s30 =	sadd.s32 s15, s30  }
0x99: {  	[tilespmem:s20], [sflag:$0x1] =	stream.linear.gather [hbm4b:s30+s11], $0x140, $0x38;
	[tilespmem:$0x1C250] =	vst v63  }
0x9a: {  	_ =	swait.ge [sflag:s13], $0x140  }
0x9b: {  	[sflag:s13] =	ssyncset.done $0x0  }
0x9c: {  	[sflag:s13] =	ssyncadd.s32 $0xFFFFFEC0  }
0x9d: {  	[tilespmem:s16], [sflag:$0x1] =	stream.indirect.gather [hbm4b:s22+s21], $0x80, s20, s21, $0xb8;
	[tilespmem:$0x1C250] =	vst v63  }
0x9e: {  	_ =	swait.ge [sflag:s13], $0x2800  }
0x9f: {  	[sflag:s13] =	ssyncset.done $0x0  }
0xa0: {  	[sflag:s13] =	ssyncadd.s32 $0xFFFFD800  }
0xa1: {  	[tilespmem:s26], [sflag:$0x1] =	stream.indirect.gather [hbm4b:s23+s21], $0x10, s24, s21, $0xb8;
	[tilespmem:$0x1C250] =	vst v63  }
0xa2: {  	_ =	swait.ge [sflag:s13], $0x500  }
0xa3: {  	[sflag:s13] =	ssyncset.done $0x0  }
0xa4: {  	[sflag:s13] =	ssyncadd.s32 $0xFFFFFB00  }
0xa5: {  	v24 =	vld.idx.msk [tilespmem:v10+s20+$0x0], $0xffff  }
0xa6: {  	v25 =	vld.idx.msk [tilespmem:v11+s20+$0x0], $0xffff;
	_ =	sdelay $0x3  }
0xa7: {  	v24 =	vadd.s32 v8, v24;
	_ =	sdelay $0x3  }
0xa8: {  	v25 =	vld.idx.msk [tilespmem:v25+s11+$0x0], $0xffff  }
0xa9: {  	v24 =	vld.idx.msk [tilespmem:v24+s26+$0x0], $0xffff;
	_ =	sdelay $0x4  }
0xaa: {  	v24 =	vadd.f32 v25, v24;
	_ =	sdelay $0x1  }
0xab: {  	v25 =	vmul.f32 $2.000000030e-01, v24;
	_ =	sdelay $0x1  }
0xac: {  	v24 =	vmax.f32 v24, v25  }
0xad: {  	v24 =	vmin.f32 v24, $8.000000000e+01  }
0xae: {  	v24 =	vmul.f32 $1.442695020e+00, v24;
	_ =	sdelay $0x1  }
0xaf: {  	(erf) = vpow2.f32 v24;
	_ =	sdelay $0x8  }
0xb0: {  	v24 =	vpop (erf)  }
0xb1: {  	[tilespmem:v8+s14+$0x0] =	vst.idx.msk $0xffff, v24  }
0xb2: {  	v24 =	vld.idx.msk [tilespmem:v12+s20+$0x0], $0xffff  }
0xb3: {  	v25 =	vld.idx.msk [tilespmem:v13+s20+$0x0], $0xffff;
	_ =	sdelay $0x3  }
0xb4: {  	v24 =	vadd.s32 v14, v24;
	_ =	sdelay $0x3  }
0xb5: {  	v25 =	vld.idx.msk [tilespmem:v25+s11+$0x0], $0xffff  }
0xb6: {  	v24 =	vld.idx.msk [tilespmem:v24+s26+$0x0], $0xffff;
	_ =	sdelay $0x4  }
0xb7: {  	v24 =	vadd.f32 v25, v24;
	_ =	sdelay $0x1  }
0xb8: {  	v25 =	vmul.f32 $2.000000030e-01, v24;
	_ =	sdelay $0x1  }
0xb9: {  	v24 =	vmax.f32 v24, v25  }
0xba: {  	v24 =	vmin.f32 v24, $8.000000000e+01  }
0xbb: {  	v24 =	vmul.f32 $1.442695020e+00, v24;
	_ =	sdelay $0x1  }
0xbc: {  	(erf) = vpow2.f32 v24;
	_ =	sdelay $0x8  }
0xbd: {  	v24 =	vpop (erf)  }
0xbe: {  	[tilespmem:v14+s14+$0x0] =	vst.idx.msk $0xffff, v24  }
0xbf: {  	v24 =	vld.idx.msk [tilespmem:v15+s20+$0x0], $0xffff  }
0xc0: {  	v25 =	vld.idx.msk [tilespmem:v16+s20+$0x0], $0xffff;
	_ =	sdelay $0x3  }
0xc1: {  	v24 =	vadd.s32 v17, v24;
	_ =	sdelay $0x3  }
0xc2: {  	v25 =	vld.idx.msk [tilespmem:v25+s11+$0x0], $0xffff  }
0xc3: {  	v24 =	vld.idx.msk [tilespmem:v24+s26+$0x0], $0xffff;
	_ =	sdelay $0x4  }
0xc4: {  	v24 =	vadd.f32 v25, v24;
	_ =	sdelay $0x1  }
0xc5: {  	v25 =	vmul.f32 $2.000000030e-01, v24;
	_ =	sdelay $0x1  }
0xc6: {  	v24 =	vmax.f32 v24, v25  }
0xc7: {  	v24 =	vmin.f32 v24, $8.000000000e+01  }
0xc8: {  	v24 =	vmul.f32 $1.442695020e+00, v24;
	_ =	sdelay $0x1  }
0xc9: {  	(erf) = vpow2.f32 v24;
	_ =	sdelay $0x8  }
0xca: {  	v24 =	vpop (erf)  }
0xcb: {  	[tilespmem:v17+s14+$0x0] =	vst.idx.msk $0xffff, v24  }
0xcc: {  	v24 =	vld.idx.msk [tilespmem:v18+s20+$0x0], $0xffff  }
0xcd: {  	v25 =	vld.idx.msk [tilespmem:v19+s20+$0x0], $0xffff;
	_ =	sdelay $0x3  }
0xce: {  	v24 =	vadd.s32 v20, v24;
	_ =	sdelay $0x3  }
0xcf: {  	v25 =	vld.idx.msk [tilespmem:v25+s11+$0x0], $0xffff  }
0xd0: {  	v24 =	vld.idx.msk [tilespmem:v24+s26+$0x0], $0xffff;
	_ =	sdelay $0x4  }
0xd1: {  	v24 =	vadd.f32 v25, v24;
	_ =	sdelay $0x1  }
0xd2: {  	v25 =	vmul.f32 $2.000000030e-01, v24;
	_ =	sdelay $0x1  }
0xd3: {  	v24 =	vmax.f32 v24, v25  }
0xd4: {  	v24 =	vmin.f32 v24, $8.000000000e+01  }
0xd5: {  	v24 =	vmul.f32 $1.442695020e+00, v24;
	_ =	sdelay $0x1  }
0xd6: {  	(erf) = vpow2.f32 v24;
	_ =	sdelay $0x8  }
0xd7: {  	v24 =	vpop (erf)  }
0xd8: {  	[tilespmem:v20+s14+$0x0] =	vst.idx.msk $0xffff, v24  }
0xd9: {  	v24 =	vld.idx.msk [tilespmem:v21+s20+$0x0], $0xffff  }
0xda: {  	v25 =	vld.idx.msk [tilespmem:v22+s20+$0x0], $0xffff;
	_ =	sdelay $0x3  }
0xdb: {  	v24 =	vadd.s32 v23, v24;
	_ =	sdelay $0x3  }
0xdc: {  	v25 =	vld.idx.msk [tilespmem:v25+s11+$0x0], $0xffff  }
0xdd: {  	v24 =	vld.idx.msk [tilespmem:v24+s26+$0x0], $0xffff;
	_ =	sdelay $0x4  }
0xde: {  	v24 =	vadd.f32 v25, v24;
	_ =	sdelay $0x1  }
0xdf: {  	v25 =	vmul.f32 $2.000000030e-01, v24;
	_ =	sdelay $0x1  }
0xe0: {  	v24 =	vmax.f32 v24, v25  }
0xe1: {  	v24 =	vmin.f32 v24, $8.000000000e+01  }
0xe2: {  	v24 =	vmul.f32 $1.442695020e+00, v24;
	_ =	sdelay $0x1  }
0xe3: {  	(erf) = vpow2.f32 v24;
	_ =	sdelay $0x4  }
0xe4: {  	v24 =	vmov s11  }
0xe5: {  	v25 =	vshll.u32 v24, $0x4;
	v24 =	vshll.u32 v24, $0x7  }
0xe6: {  	v26 =	vor.u32 v0, v24;
	_ =	sdelay $0x1  }
0xe7: {  	v27 =	vpop (erf)  }
0xe8: {  	[tilespmem:v23+s14+$0x0] =	vst.idx.msk $0xffff, v27  }
0xe9: {  	v28 =	vld.idx.msk [tilespmem:v25+s14+$0x0], $0xffff  }
0xea: {  	v25 =	vld.idx.msk [tilespmem:v26+s16+$0x0], $0xffff;
	_ =	sdelay $0x2  }
0xeb: {  	v27 =	vor.u32 v2, v24;
	_ =	sdelay $0x1  }
0xec: {  	v25 =	vmul.f32 v25, v28;
	_ =	sdelay $0x1  }
0xed: {  	[tilespmem:v26+s16+$0x0] =	vst.idx.msk $0xffff, v25  }
0xee: {  	v25 =	vld.idx.msk [tilespmem:v27+s16+$0x0], $0xffff;
	_ =	sdelay $0x2  }
0xef: {  	v26 =	vor.u32 v3, v24;
	_ =	sdelay $0x1  }
0xf0: {  	v25 =	vmul.f32 v25, v28;
	_ =	sdelay $0x1  }
0xf1: {  	[tilespmem:v27+s16+$0x0] =	vst.idx.msk $0xffff, v25  }
0xf2: {  	v25 =	vld.idx.msk [tilespmem:v26+s16+$0x0], $0xffff;
	_ =	sdelay $0x2  }
0xf3: {  	v27 =	vor.u32 v4, v24;
	_ =	sdelay $0x1  }
0xf4: {  	v25 =	vmul.f32 v25, v28;
	_ =	sdelay $0x1  }
0xf5: {  	[tilespmem:v26+s16+$0x0] =	vst.idx.msk $0xffff, v25  }
0xf6: {  	v25 =	vld.idx.msk [tilespmem:v27+s16+$0x0], $0xffff;
	_ =	sdelay $0x2  }
0xf7: {  	v26 =	vor.u32 v5, v24;
	_ =	sdelay $0x1  }
0xf8: {  	v25 =	vmul.f32 v25, v28;
	_ =	sdelay $0x1  }
0xf9: {  	[tilespmem:v27+s16+$0x0] =	vst.idx.msk $0xffff, v25  }
0xfa: {  	v25 =	vld.idx.msk [tilespmem:v26+s16+$0x0], $0xffff;
	_ =	sdelay $0x2  }
0xfb: {  	v27 =	vor.u32 v6, v24;
	_ =	sdelay $0x1  }
0xfc: {  	v25 =	vmul.f32 v25, v28;
	_ =	sdelay $0x1  }
0xfd: {  	[tilespmem:v26+s16+$0x0] =	vst.idx.msk $0xffff, v25  }
0xfe: {  	v25 =	vld.idx.msk [tilespmem:v27+s16+$0x0], $0xffff;
	_ =	sdelay $0x2  }
0xff: {  	v26 =	vor.u32 v7, v24;
	_ =	sdelay $0x1  }
0x100: {  	v25 =	vmul.f32 v25, v28;
	_ =	sdelay $0x1  }
0x101: {  	[tilespmem:v27+s16+$0x0] =	vst.idx.msk $0xffff, v25  }
0x102: {  	v27 =	vld.idx.msk [tilespmem:v26+s16+$0x0], $0xffff;
	_ =	sdelay $0x2  }
0x103: {  	v25 =	vor.u32 v9, v24;
	_ =	sdelay $0x1  }
0x104: {  	v24 =	vmul.f32 v27, v28;
	_ =	sdelay $0x1  }
0x105: {  	[tilespmem:v26+s16+$0x0] =	vst.idx.msk $0xffff, v24  }
0x106: {  	v29 =	vld.idx.msk [tilespmem:v25+s16+$0x0], $0xffff  }
0x107: {  	s30 =	simm.s32 $0x1  }
0x108: {  	v26 =	vmov s30  }
0x109: {  	v24 =	vshll.u32 v26, $0x7;
	v27 =	vshll.u32 v26, $0x4  }
0x10a: {  	v26 =	vor.u32 v0, v24  }
0x10b: {  	s30 =	simm.s32 $0x2;
	v28 =	vmul.f32 v29, v28  }
.LBB2_7:
0x10c: {  	_ = 	snop  }
0x10d: {  	p0 =	sne.s32 s30, $0x4F;
	s31 =	smov.u32 s30;
	s30 =	sadd.s32 $0x1, s30;
	[tilespmem:v25+s16+$0x0] =	vst.idx.msk $0xffff, v28  }
0x10e: {  	v28 =	vld.idx.msk [tilespmem:v27+s14+$0x0], $0xffff  }
0x10f: {  	v25 =	vld.idx.msk [tilespmem:v26+s16+$0x0], $0xffff;
	_ =	sdelay $0x3  }
0x110: {  	v27 =	vor.u32 v2, v24;
	_ =	sdelay $0x1  }
0x111: {  	v25 =	vmul.f32 v25, v28;
	_ =	sdelay $0x1  }
0x112: {  	[tilespmem:v26+s16+$0x0] =	vst.idx.msk $0xffff, v25  }
0x113: {  	v25 =	vld.idx.msk [tilespmem:v27+s16+$0x0], $0xffff;
	_ =	sdelay $0x3  }
0x114: {  	v26 =	vor.u32 v3, v24;
	_ =	sdelay $0x1  }
0x115: {  	v25 =	vmul.f32 v25, v28;
	_ =	sdelay $0x1  }
0x116: {  	[tilespmem:v27+s16+$0x0] =	vst.idx.msk $0xffff, v25  }
0x117: {  	v25 =	vld.idx.msk [tilespmem:v26+s16+$0x0], $0xffff;
	_ =	sdelay $0x3  }
0x118: {  	v27 =	vor.u32 v4, v24;
	_ =	sdelay $0x1  }
0x119: {  	v25 =	vmul.f32 v25, v28;
	_ =	sdelay $0x1  }
0x11a: {  	[tilespmem:v26+s16+$0x0] =	vst.idx.msk $0xffff, v25  }
0x11b: {  	v25 =	vld.idx.msk [tilespmem:v27+s16+$0x0], $0xffff;
	_ =	sdelay $0x3  }
0x11c: {  	v26 =	vor.u32 v5, v24;
	_ =	sdelay $0x1  }
0x11d: {  	v25 =	vmul.f32 v25, v28;
	_ =	sdelay $0x1  }
0x11e: {  	[tilespmem:v27+s16+$0x0] =	vst.idx.msk $0xffff, v25  }
0x11f: {  	v25 =	vld.idx.msk [tilespmem:v26+s16+$0x0], $0xffff;
	_ =	sdelay $0x3  }
0x120: {  	v27 =	vor.u32 v6, v24;
	_ =	sdelay $0x1  }
0x121: {  	v25 =	vmul.f32 v25, v28;
	_ =	sdelay $0x1  }
0x122: {  	[tilespmem:v26+s16+$0x0] =	vst.idx.msk $0xffff, v25  }
0x123: {  	v25 =	vld.idx.msk [tilespmem:v27+s16+$0x0], $0xffff;
	_ =	sdelay $0x3  }
0x124: {  	v26 =	vor.u32 v7, v24;
	_ =	sdelay $0x1  }
0x125: {  	v25 =	vmul.f32 v25, v28;
	_ =	sdelay $0x1  }
0x126: {  	[tilespmem:v27+s16+$0x0] =	vst.idx.msk $0xffff, v25  }
0x127: {  	v27 =	vld.idx.msk [tilespmem:v26+s16+$0x0], $0xffff;
	_ =	sdelay $0x3  }
0x128: {  	v25 =	vor.u32 v9, v24;
	_ =	sdelay $0x1  }
0x129: {  	v24 =	vmul.f32 v27, v28;
	_ =	sdelay $0x1  }
0x12a: {  	[tilespmem:v26+s16+$0x0] =	vst.idx.msk $0xffff, v24  }
0x12b: {  	v29 =	vld.idx.msk [tilespmem:v25+s16+$0x0], $0xffff;
	_ =	sdelay $0x1  }
.Ltmp2:
0x12c: {  	(pc) =	sbr.rel @p0 .LBB2_7-.Ltmp2, $4  }
0x12d: {  	v24 =	vmov s31  }
0x12e: {  	v27 =	vshll.u32 v24, $0x4;
	v24 =	vshll.u32 v24, $0x7  }
0x12f: {  	v26 =	vor.u32 v0, v24  }
0x130: {  	v28 =	vmul.f32 v29, v28  }
0x131: {  	_ =	sdelay $0x3  }
0x132: {  	[tilespmem:v25+s16+$0x0] =	vst.idx.msk $0xffff, v28  }
0x133: {  	v25 =	vld.idx.msk [tilespmem:v27+s14+$0x0], $0xffff  }
0x134: {  	v56 =	vld.idx.msk [tilespmem:v26+s16+$0x0], $0xffff;
	_ =	sdelay $0x2  }
0x135: {  	v57 =	vor.u32 v2, v24;
	_ =	sdelay $0x1  }
0x136: {  	v27 =	vmul.f32 v56, v25;
	_ =	sdelay $0x1  }
0x137: {  	[tilespmem:v26+s16+$0x0] =	vst.idx.msk $0xffff, v27  }
0x138: {  	v26 =	vld.idx.msk [tilespmem:v57+s16+$0x0], $0xffff;
	_ =	sdelay $0x2  }
0x139: {  	v58 =	vor.u32 v3, v24;
	_ =	sdelay $0x1  }
0x13a: {  	v26 =	vmul.f32 v26, v25;
	_ =	sdelay $0x1  }
0x13b: {  	[tilespmem:v57+s16+$0x0] =	vst.idx.msk $0xffff, v26  }
0x13c: {  	v26 =	vld.idx.msk [tilespmem:v58+s16+$0x0], $0xffff;
	_ =	sdelay $0x2  }
0x13d: {  	v59 =	vor.u32 v4, v24;
	_ =	sdelay $0x1  }
0x13e: {  	v26 =	vmul.f32 v26, v25;
	_ =	sdelay $0x1  }
0x13f: {  	[tilespmem:v58+s16+$0x0] =	vst.idx.msk $0xffff, v26  }
0x140: {  	v26 =	vld.idx.msk [tilespmem:v59+s16+$0x0], $0xffff;
	_ =	sdelay $0x2  }
0x141: {  	v60 =	vor.u32 v5, v24;
	_ =	sdelay $0x1  }
0x142: {  	v26 =	vmul.f32 v26, v25;
	_ =	sdelay $0x1  }
0x143: {  	[tilespmem:v59+s16+$0x0] =	vst.idx.msk $0xffff, v26  }
0x144: {  	v26 =	vld.idx.msk [tilespmem:v60+s16+$0x0], $0xffff;
	_ =	sdelay $0x2  }
0x145: {  	v61 =	vor.u32 v6, v24;
	_ =	sdelay $0x1  }
0x146: {  	v26 =	vmul.f32 v26, v25;
	_ =	sdelay $0x1  }
0x147: {  	[tilespmem:v60+s16+$0x0] =	vst.idx.msk $0xffff, v26  }
0x148: {  	v26 =	vld.idx.msk [tilespmem:v61+s16+$0x0], $0xffff;
	_ =	sdelay $0x2  }
0x149: {  	v62 =	vor.u32 v7, v24;
	_ =	sdelay $0x1  }
0x14a: {  	v26 =	vmul.f32 v26, v25;
	_ =	sdelay $0x1  }
0x14b: {  	[tilespmem:v61+s16+$0x0] =	vst.idx.msk $0xffff, v26  }
0x14c: {  	v26 =	vld.idx.msk [tilespmem:v62+s16+$0x0], $0xffff;
	_ =	sdelay $0x2  }
0x14d: {  	v63 =	vor.u32 v9, v24;
	_ =	sdelay $0x1  }
0x14e: {  	v26 =	vmul.f32 v26, v25;
	_ =	sdelay $0x1  }
0x14f: {  	[tilespmem:v62+s16+$0x0] =	vst.idx.msk $0xffff, v26  }
0x150: {  	v26 =	vld.idx.msk [tilespmem:v63+s16+$0x0], $0xffff;
	_ =	sdelay $0x4  }
0x151: {  	v25 =	vmul.f32 v26, v25;
	_ =	sdelay $0x1  }
0x152: {  	[tilespmem:v63+s16+$0x0] =	vst.idx.msk $0xffff, v25  }
0x153: {  	[spmem:s17] =	stream.indirect.scatter.add.f32 [tilespmem:s16], [sflag:$0x1], $0x80, s28, s21, $0xb8;
	[tilespmem:$0x1C250] =	vst v63  }
0x154: {  	s12 =	sadd.s32 $0x1, s12;
	_ =	swait.ge [sflag:s13], $0x2800  }
0x155: {  	p0 =	sne.s32 s12, $0x7D;
	[sflag:s13] =	ssyncset.done $0x0  }
.Ltmp3:
0x156: {  	[sflag:s13] =	ssyncadd.s32 $0xFFFFD800;
	(pc) =	sbr.rel @p0 .LBB2_6-.Ltmp3, $4  }
0x157: {  	[spmem:s19] =	stream.indirect.scatter.add.f32 [tilespmem:s14], [sflag:$0x1], $0x10, s28, s21, $0xb8;
	[tilespmem:$0x1C250] =	vst v63  }
0x158: {  	_ =	swait.ge [sflag:s13], $0x500  }
0x159: {  	[sflag:s13] =	ssyncset.done $0x0  }
0x15a: {  	[sflag:s13] =	ssyncadd.s32 $0xFFFFFB00  }
0x15b: {  	s11 =	stileid.u32;
	[bflag:$0x0] =	sbarrier.arrive $0xFFFF  }
0x15c: {  	s11 =	sshll.u32 s11, $0x6;
	s12 =	rddreg [dreg:$0x5]  }
0x15d: {  	s30 =	rddreg [dreg:$0x1b];
	s11 =	sor.u32 $0x1C01, s11  }
0x15e: {  	[hbm:s12], [sflag:s11] =	dma.local [spmem:s30], $0x500  }
0x15f: {  	_ =	swait.ge [sflag:s13], $0x500  }
0x160: {  	[sflag:s13] =	ssyncset.done $0x0;
	s12 =	rddreg [dreg:$0xd]  }
0x161: {  	s30 =	rddreg [dreg:$0x1c];
	[sflag:s13] =	ssyncadd.s32 $0xFFFFFB00  }
0x162: {  	[hbm:s12], [sflag:s11] =	dma.local [spmem:s30], $0xA0  }
0x163: {  	_ =	swait.ge [sflag:s13], $0xA0  }
0x164: {  	s31 =	smov.u32 s18;
	[sflag:s13] =	ssyncset.done $0x0  }
0x165: {  	s12 =	sshrl.u32 s18, $0x3;
	s18 =	rddreg [dreg:$0x6];
	[sflag:s13] =	ssyncadd.s32 $0xFFFFFF60  }
0x166: {  	[hbm:s18], [sflag:s11] =	dma.local [spmem:s12], $0x500  }
0x167: {  	_ =	swait.ge [sflag:s13], $0x500  }
0x168: {  	[sflag:s13] =	ssyncset.done $0x0;
	s30 =	rddreg [dreg:$0x19]  }
0x169: {  	s18 =	rddreg [dreg:$0xe];
	[sflag:s13] =	ssyncadd.s32 $0xFFFFFB00;
	s12 =	sshrl.u32 s30, $0x3  }
0x16a: {  	[hbm:s18], [sflag:s11] =	dma.local [spmem:s12], $0xA0  }
0x16b: {  	_ =	swait.ge [sflag:s13], $0xA0  }
0x16c: {  	[sflag:s13] =	ssyncset.done $0x0;
	s30 =	rddreg [dreg:$0x1a]  }
0x16d: {  	s18 =	rddreg [dreg:$0x7];
	[sflag:s13] =	ssyncadd.s32 $0xFFFFFF60;
	s12 =	sshrl.u32 s30, $0x3  }
0x16e: {  	[hbm:s18], [sflag:s11] =	dma.local [spmem:s12], $0x500  }
0x16f: {  	_ =	swait.ge [sflag:s13], $0x500  }
0x170: {  	[sflag:s13] =	ssyncset.done $0x0  }
0x171: {  	s12 =	sshrl.u32 s8, $0x3;
	s18 =	rddreg [dreg:$0xf];
	[sflag:s13] =	ssyncadd.s32 $0xFFFFFB00  }
0x172: {  	[hbm:s18], [sflag:s11] =	dma.local [spmem:s12], $0xA0  }
0x173: {  	_ =	swait.ge [sflag:s13], $0xA0  }
0x174: {  	[sflag:s13] =	ssyncset.done $0x0  }
0x175: {  	s12 =	sshrl.u32 s0, $0x3;
	s18 =	rddreg [dreg:$0x8];
	[sflag:s13] =	ssyncadd.s32 $0xFFFFFF60  }
0x176: {  	[hbm:s18], [sflag:s11] =	dma.local [spmem:s12], $0x500  }
0x177: {  	_ =	swait.ge [sflag:s13], $0x500  }
0x178: {  	[sflag:s13] =	ssyncset.done $0x0  }
0x179: {  	s12 =	sshrl.u32 s1, $0x3;
	s18 =	rddreg [dreg:$0x10];
	[sflag:s13] =	ssyncadd.s32 $0xFFFFFB00  }
0x17a: {  	[hbm:s18], [sflag:s11] =	dma.local [spmem:s12], $0xA0  }
0x17b: {  	_ =	swait.ge [sflag:s13], $0xA0  }
0x17c: {  	[sflag:s13] =	ssyncset.done $0x0  }
0x17d: {  	s12 =	sshrl.u32 s2, $0x3;
	s18 =	rddreg [dreg:$0x9];
	[sflag:s13] =	ssyncadd.s32 $0xFFFFFF60  }
0x17e: {  	[hbm:s18], [sflag:s11] =	dma.local [spmem:s12], $0x500  }
0x17f: {  	_ =	swait.ge [sflag:s13], $0x500  }
0x180: {  	[sflag:s13] =	ssyncset.done $0x0  }
0x181: {  	s12 =	sshrl.u32 s3, $0x3;
	s18 =	rddreg [dreg:$0x11];
	[sflag:s13] =	ssyncadd.s32 $0xFFFFFB00  }
0x182: {  	[hbm:s18], [sflag:s11] =	dma.local [spmem:s12], $0xA0  }
0x183: {  	_ =	swait.ge [sflag:s13], $0xA0  }
0x184: {  	[sflag:s13] =	ssyncset.done $0x0  }
0x185: {  	s12 =	sshrl.u32 s4, $0x3;
	s18 =	rddreg [dreg:$0xa];
	[sflag:s13] =	ssyncadd.s32 $0xFFFFFF60  }
0x186: {  	[hbm:s18], [sflag:s11] =	dma.local [spmem:s12], $0x500  }
0x187: {  	_ =	swait.ge [sflag:s13], $0x500  }
0x188: {  	[sflag:s13] =	ssyncset.done $0x0  }
0x189: {  	s12 =	sshrl.u32 s5, $0x3;
	s18 =	rddreg [dreg:$0x12];
	[sflag:s13] =	ssyncadd.s32 $0xFFFFFB00  }
0x18a: {  	[hbm:s18], [sflag:s11] =	dma.local [spmem:s12], $0xA0  }
0x18b: {  	_ =	swait.ge [sflag:s13], $0xA0  }
0x18c: {  	[sflag:s13] =	ssyncset.done $0x0  }
0x18d: {  	s12 =	sshrl.u32 s6, $0x3;
	s18 =	rddreg [dreg:$0xb];
	[sflag:s13] =	ssyncadd.s32 $0xFFFFFF60  }
0x18e: {  	[hbm:s18], [sflag:s11] =	dma.local [spmem:s12], $0x500  }
0x18f: {  	_ =	swait.ge [sflag:s13], $0x500  }
0x190: {  	[sflag:s13] =	ssyncset.done $0x0  }
0x191: {  	s12 =	sshrl.u32 s7, $0x3;
	s18 =	rddreg [dreg:$0x13];
	[sflag:s13] =	ssyncadd.s32 $0xFFFFFB00  }
0x192: {  	[hbm:s18], [sflag:s11] =	dma.local [spmem:s12], $0xA0  }
0x193: {  	_ =	swait.ge [sflag:s13], $0xA0  }
0x194: {  	[sflag:s13] =	ssyncset.done $0x0  }
0x195: {  	s12 =	sshrl.u32 s9, $0x3;
	s18 =	rddreg [dreg:$0xc];
	[sflag:s13] =	ssyncadd.s32 $0xFFFFFF60  }
0x196: {  	[hbm:s18], [sflag:s11] =	dma.local [spmem:s12], $0x500  }
0x197: {  	_ =	swait.ge [sflag:s13], $0x500  }
0x198: {  	[sflag:s13] =	ssyncset.done $0x0  }
0x199: {  	s12 =	sshrl.u32 s10, $0x3;
	s18 =	rddreg [dreg:$0x14];
	[sflag:s13] =	ssyncadd.s32 $0xFFFFFB00  }
0x19a: {  	[hbm:s18], [sflag:s11] =	dma.local [spmem:s12], $0xA0  }
0x19b: {  	_ =	swait.ge [sflag:s13], $0xA0  }
0x19c: {  	s29 =	sadd.s32 $0x1, s29;
	s30 =	rddreg [dreg:$0x16]  }
0x19d: {  	p0 =	sne.s32 s29, s30  }
.Ltmp4:
0x19e: {  	_ = 	snop;
	(pc) =	sbr.rel @p0 .LBB2_1-.Ltmp4, $3  }
0x19f: {  	_ =	sdelay $0x1  }
0x1a0: {  	[sflag:s13] =	ssyncset.done $0x0  }
0x1a1: {  	[sflag:s13] =	ssyncadd.s32 $0xFFFFFF60  }
0x1a2: {  	_ =	sfence.sel $0x180000  }
0x1a3: {  	[bflag:$0x0] =	sbarrier.arrive $0xFFFF  }
0x1a4: {  	_ =	strace $0x90000050  }
0x1a5: {  	s0 =	stileid.u32;
	[bflag:$0x2] =	sbarrier.arrive $0xFFFF  }
0x1a6: {  	p0 =	sne.s32 s0, $0x0;
	s0 =	rddreg [dreg:$0x4]  }
0x1a7: {  	s0 =	sadd.s32 @!p0 $0x100000, s0  }
0x1a8: {  	[sflag:s0] =	ssyncadd.tile.s32 @!p0 $0x1;
	_ =	shalt  }
.Lfunc_end2:
_tile_overlayer_lowered:
.L_overlay_start_2:
0x1a9: {  	(tag) =	ssettag $0x2  }
0x1aa: {  	s0 =	rddreg [dreg:$0x0];
	s2 =	stileid.u32  }
0x1ab: {  	s1 =	rddreg [dreg:$0x1];
	p0 =	sne.s32 s2, $0x0  }
0x1ac: {  	s3 =	rddreg [dreg:$0x2];
	[bflag:$0x3] =	sbarrier.arrive $0xFFFF;
	s2 =	simm.s32 @!p0 $0x1C01  }
0x1ad: {  	[timem:s3], [sflag:s2] =	dma.local @!p0 [hbm:s0], s1  }
0x1ae: {  	s0 =	simm.s32 @!p0 $0x1  }
0x1af: {  	_ =	swait.ge @!p0 [sflag:s0], s1  }
0x1b0: {  	s1 =	ssub.s32 @!p0 $0x0, s1;
	[sflag:s0] =	ssyncset.done @!p0 $0x0  }
0x1b1: {  	[sflag:s0] =	ssyncadd.s32 @!p0 s1  }
0x1b2: {  	[bflag:$0x3] =	sbarrier.arrive $0xFFFF  }
0x1b3: {  	_ =	shalt  }

// kernel: kernel.19.cloned.1.call-start
scs
__scs_entry_jumppad:
0x0: {  	(pc) =	sbr.rel $0x88, $3  }
0x1: {  	(tag) =	ssettag $0x0;
	lr =	simm.s32 $0x1  }
0x2: {  	[smem:$0x3F88] =	sst lr;
	_ =	strace $0xD0000000  }
0x3: {  	_ = 	snop  }
0x4: {  	_ = 	snop  }
0x5: {  	_ = 	snop  }
0x6: {  	_ = 	snop  }
0x7: {  	_ = 	snop  }
__scs_overlays_trampoline_lowered:
0x8: {  	[smem:$0x3F97] =	sst s0  }
0x9: {  	[smem:$0x3F98] =	sst s1  }
0xa: {  	[smem:$0x3F99] =	sst s2  }
0xb: {  	[smem:$0x3F9A] =	sst s3  }
0xc: {  	[smem:$0x3F9B] =	sst s4  }
0xd: {  	[smem:$0x3F9C] =	sst s5  }
0xe: {  	[smem:$0x3F9D] =	sst s6  }
0xf: {  	[smem:$0x3F9E] =	sst s7  }
0x10: {  	[smem:$0x3F9F] =	sst s8  }
0x11: {  	[smem:$0x3FA0] =	sst s9;
	s0 =	simm.s32 @!p0 $0x0  }
0x12: {  	s1 =	sld [smem:$0x3F86];
	s0 =	simm.s32 @p0 $0x1  }
0x13: {  	[smem:$0x3FA1] =	sst s0;
	s0 =	simm.s32 @!p1 $0x0  }
0x14: {  	s2 =	sld [smem:$0x3F85];
	s0 =	simm.s32 @p1 $0x1  }
0x15: {  	[smem:$0x3FA2] =	sst s0;
	s0 =	simm.s32 @!p2 $0x0  }
0x16: {  	s3 =	sld [smem:$0x3FDB];
	s0 =	simm.s32 @p2 $0x1  }
0x17: {  	s4 =	simm.s32 $0x1BF5;
	[smem:$0x3FA4] =	sst s0  }
0x18: {  	s0 =	sld [smem:$0x3F87];
	_ =	swait.ge [sflag:s4], $0x0  }
0x19: {  	s7 =	sld [smem:$0x3F88]  }
0x1a: {  	s8 =	sadd.s32 $0xFFFFE003, lr  }
0x1b: {  	s9 =	sadd.s32 $0xFFFFFEF7, lr;
	s5 =	simm.s32 $0xFFFFFFFF;
	p2 =	slt.u32 s8, $0xFFFFF086  }
0x1c: {  	p1 =	slt.u32 s9, $0xF7A;
	s5 =	simm.s32 @!p2 $0x0  }
0x1d: {  	s5 =	simm.s32 @p1 $0x1;
	p0 =	seq.s32 s7, s2  }
0x1e: {  	s7 =	smul.u32 @!p0 $0xF7A, s2;
	p2 =	seq.s32 @!p0 s5, $0x0  }
0x1f: {  	s9 =	smul.u32 $0xF7A, s1;
	s8 =	simm.s32 @!p0 $0x1BF5;
	p2 =	por !p2, p0  }
0x20: {  	[sflag:s8] =	ssyncset.s32 @!p0 $0xFFFFF086;
	s6 =	sadd.s32 @!p0 s3, s7;
	s7 =	simm.s32 @!p0 $0x108  }
0x21: {  	s3 =	sadd.s32 s3, s9;
	s6 =	sadd.s32 @!p0 $0x88, s6;
	s7 =	simm.s32 @p2 $0x1082  }
0x22: {  	[simem:s7], [sflag:s8] =	dma.local @!p0 [hbm:s6], $0xF7A  }
0x23: {  	s9 =	sor.u32 $0xD0000000, s2;
	s6 =	simm.s32 $0x108;
	_ =	swait.ge @!p0 [sflag:s8], $0x0  }
0x24: {  	s3 =	sadd.s32 $0x88, s3;
	s6 =	simm.s32 @!p1 $0x1082;
	[sflag:s4] =	ssyncset.s32 $0xFFFFF086  }
0x25: {  	[simem:s6], [sflag:s4] =	dma.local [hbm:s3], $0xF7A  }
0x26: {  	[smem:$0x3F88] =	sst s1;
	(tag) =	ssettag s2;
	_ =	strace s9  }
0x27: {  	s1 =	sld [smem:$0x3F98]  }
0x28: {  	s2 =	sld [smem:$0x3F99]  }
0x29: {  	s4 =	sld [smem:$0x3F9B]  }
0x2a: {  	p0 =	seq.s32 s5, $0x0;
	s5 =	sld [smem:$0x3F9C]  }
0x2b: {  	s6 =	sld [smem:$0x3F9D]  }
0x2c: {  	s7 =	sld [smem:$0x3F9E]  }
0x2d: {  	s3 =	simm.s32 $0x108;
	s8 =	sld [smem:$0x3F9F]  }
0x2e: {  	s3 =	simm.s32 @!p0 $0x1082;
	s9 =	sld [smem:$0x3FA0]  }
0x2f: {  	lr =	sadd.s32 s0, s3;
	s0 =	sld [smem:$0x3F97]  }
0x30: {  	s3 =	sld [smem:$0x3F9A]  }
0x31: {  	[smem:$0x3FA3] =	sst s10  }
0x32: {  	s10 =	sld [smem:$0x3FA1];
	_ =	sdelay $0x3  }
0x33: {  	p0 =	seq.s32 s10, $0x1;
	s10 =	sld [smem:$0x3FA3];
	_ =	sdelay $0x3  }
0x34: {  	[smem:$0x3FA3] =	sst s10  }
0x35: {  	s10 =	sld [smem:$0x3FA2];
	_ =	sdelay $0x3  }
0x36: {  	p1 =	seq.s32 s10, $0x1;
	s10 =	sld [smem:$0x3FA3];
	_ =	sdelay $0x3  }
0x37: {  	[smem:$0x3FA3] =	sst s10  }
0x38: {  	s10 =	sld [smem:$0x3FA4]  }
0x39: {  	_ = 	snop;
	(pc) =	sbr.ind lr, $3  }
0x3a: {  	_ = 	snop  }
0x3b: {  	_ = 	snop  }
0x3c: {  	p2 =	seq.s32 s10, $0x1;
	s10 =	sld [smem:$0x3FA3]  }
0x3d: {  	_ =	shalt  }
0x3e: {  	_ =	shalt  }
0x3f: {  	_ =	shalt  }
0x40: {  	_ =	shalt  }
0x41: {  	_ =	shalt  }
0x42: {  	_ =	shalt  }
0x43: {  	_ =	shalt  }
0x44: {  	_ =	shalt  }
0x45: {  	_ =	shalt  }
0x46: {  	_ =	shalt  }
0x47: {  	_ =	shalt  }
0x48: {  	_ =	shalt  }
0x49: {  	_ =	shalt  }
0x4a: {  	_ =	shalt  }
0x4b: {  	_ =	shalt  }
0x4c: {  	_ =	shalt  }
0x4d: {  	_ =	shalt  }
0x4e: {  	_ =	shalt  }
0x4f: {  	_ =	shalt  }
0x50: {  	_ =	shalt  }
0x51: {  	_ =	shalt  }
0x52: {  	_ =	shalt  }
0x53: {  	_ =	shalt  }
0x54: {  	_ =	shalt  }
0x55: {  	_ =	shalt  }
0x56: {  	_ =	shalt  }
0x57: {  	_ =	shalt  }
0x58: {  	_ =	shalt  }
0x59: {  	_ =	shalt  }
0x5a: {  	_ =	shalt  }
0x5b: {  	_ =	shalt  }
0x5c: {  	_ =	shalt  }
0x5d: {  	_ =	shalt  }
0x5e: {  	_ =	shalt  }
0x5f: {  	_ =	shalt  }
0x60: {  	_ =	shalt  }
0x61: {  	_ =	shalt  }
0x62: {  	_ =	shalt  }
0x63: {  	_ =	shalt  }
0x64: {  	_ =	shalt  }
0x65: {  	_ =	shalt  }
0x66: {  	_ =	shalt  }
0x67: {  	_ =	shalt  }
0x68: {  	_ =	shalt  }
0x69: {  	_ =	shalt  }
0x6a: {  	_ =	shalt  }
0x6b: {  	_ =	shalt  }
0x6c: {  	_ =	shalt  }
0x6d: {  	_ =	shalt  }
0x6e: {  	_ =	shalt  }
0x6f: {  	_ =	shalt  }
0x70: {  	_ =	shalt  }
0x71: {  	_ =	shalt  }
0x72: {  	_ =	shalt  }
0x73: {  	_ =	shalt  }
0x74: {  	_ =	shalt  }
0x75: {  	_ =	shalt  }
0x76: {  	_ =	shalt  }
0x77: {  	_ =	shalt  }
0x78: {  	_ =	shalt  }
0x79: {  	_ =	shalt  }
0x7a: {  	_ =	shalt  }
0x7b: {  	_ =	shalt  }
0x7c: {  	_ =	shalt  }
0x7d: {  	_ =	shalt  }
0x7e: {  	_ =	shalt  }
0x7f: {  	_ =	shalt  }
0x80: {  	_ =	shalt  }
0x81: {  	_ =	shalt  }
0x82: {  	_ =	shalt  }
0x83: {  	_ =	shalt  }
0x84: {  	_ =	shalt  }
0x85: {  	_ =	shalt  }
0x86: {  	_ =	shalt  }
0x87: {  	_ =	shalt  }
.Lfunc_end0:
.L_simem_size_0:
called_computation.5_lowered:
.L_overlay_start_0:
0x88: {  	s2 =	sld [smem:$0x3FD9]  }
0x89: {  	s3 =	sld [smem:$0x3FFE];
	_ =	sdelay $0x1  }
0x8a: {  	s1 =	srdreg.scid  }
0x8b: {  	s0 =	sand.u32 $0x1, s1  }
0x8c: {  	s17 =	sshll.u32 s0, $0xA;
	s2 =	sadd.s32 s3, s2  }
0x8d: {  	s2 =	sadd.s32 s2, s17  }
0x8e: {  	[smem:$0x3FAF] =	sst s2  }
0x8f: {  	_ = 	snop  }
0x90: {  	s2 =	sld [smem:$0x3FD0];
	(tm) =	ssettm $0x1  }
0x91: {  	s18 =	sld [smem:$0x3FFB];
	_ =	sdelay $0x3  }
0x92: {  	_ =	strace s18  }
0x93: {  	s3 =	sld [smem:$0x3FFC];
	_ =	sdelay $0x3  }
0x94: {  	_ =	strace s3  }
0x95: {  	s3 =	sld [smem:$0x3FFD];
	_ =	sdelay $0x3  }
0x96: {  	_ =	strace s3  }
0x97: {  	_ =	strace $0x8FFFFFFF  }
0x98: {  	s19 =	sld [smem:$0x3FDB];
	_ =	sdelay $0x1  }
0x99: {  	s4 =	simm.s32 $_scs_section_size  }
0x9a: {  	s5 =	simm.s32 $_size__tile_overlayer_lowered;
	s6 =	simm.s32 $_tile_overlayer_lowered  }
0x9b: {  	s22 =	simm.s32 $0x1BFF;
	s21 =	sshll.u32 s6, $0x1;
	s3 =	sadd.s32 s4, s19  }
0x9c: {  	s7 =	simm.s32 $0x0;
	s20 =	sshll.u32 s5, $0x1;
	s5 =	sadd.s32 s21, s3  }
0x9d: {  	[timem:s7], [sflag:s22] =	dma.local [hbm:s5], s20  }
0x9e: {  	_ =	swait.ge [sflag:s22], s20  }
0x9f: {  	s4 =	ssub.s32 $0x0, s20;
	[sflag:s22] =	ssyncset.done $0x0  }
0xa0: {  	[sflag:s22] =	ssyncadd.s32 s4;
	_ =	sdelay $0x1  }
0xa1: {  	s23 =	simm.s32 $0x1B8B  }
0xa2: {  	_ =	swait.ge [sflag:s23], $0x1  }
0xa3: {  	[sflag:s23] =	ssyncset.done $0x0  }
0xa4: {  	s25 =	simm.s32 $0x1B8E;
	s24 =	sld [smem:$0x3FFE];
	[sflag:s23] =	ssyncadd.s32 $0xFFFFFFFF  }
0xa5: {  	s26 =	simm.s32 $execute0_lowered;
	[smem:$0x3FD2] =	sst s25  }
0xa6: {  	s5 =	sshll.u32 s26, $0x1;
	_ =	strace $0x80000055;
	[dreg:$0x1] =	wrdreg $0xFFFFFFFF  }
0xa7: {  	s28 =	simm.s32 $_size_execute0_lowered;
	s3 =	sadd.s32 s3, s5;
	[dreg:$0x0] =	wrdreg $0x0  }
0xa8: {  	s5 =	sshll.u32 s28, $0x1;
	[dreg:$0x2] =	wrdreg s3  }
0xa9: {  	[dreg:$0x3] =	wrdreg s5  }
0xaa: {  	[dreg:$0x4] =	wrdreg $0xC0  }
0xab: {  	_ =	task [dreg:s7], $0x5FFFF  }
0xac: {  	[dreg:$0x1] =	wrdreg $0xFFFFFFFF  }
0xad: {  	[dreg:$0x0] =	wrdreg $0x60  }
0xae: {  	[dreg:$0x2] =	wrdreg s24  }
0xaf: {  	[dreg:$0x3] =	wrdreg s2  }
0xb0: {  	[dreg:$0x4] =	wrdreg $0x5A500  }
0xb1: {  	[dreg:$0x5] =	wrdreg $0x19A500  }
0xb2: {  	[dreg:$0x6] =	wrdreg $0x9  }
0xb3: {  	_ =	task.clear_ibuf [dreg:s7], $0x7FFFF;
	_ =	strace $0x90000055  }
0xb4: {  	s29 =	simm.s32 $0x9;
	_ =	strace $0x80000057  }
0xb5: {  	_ =	swait.ge [sflag:s29], $0x1  }
0xb6: {  	[sflag:s29] =	ssyncadd.s32 $0xFFFFFFFF  }
0xb7: {  	_ =	strace $0x90000057  }
0xb8: {  	_ =	sfence  }
0xb9: {  	s30 =	sld [smem:$0x0];
	_ =	sdelay $0x2  }
0xba: {  	s31 =	sshll.u32 s1, $0xD;
	s1 =	sshrl.u32 s1, $0x2  }
0xbb: {  	s3 =	sand.u32 $0x4000, s31;
	s1 =	sadd.s32 s1, s30  }
0xbc: {  	s0 =	sor.u32 s3, s0;
	s1 =	sshll.u32 s1, $0x11  }
0xbd: {  	s0 =	sor.u32 s1, s0  }
0xbe: {  	s0 =	sadd.s32 $0x8F2B, s0  }
0xbf: {  	[sflag:s0] =	ssyncadd.remote.s32 $0x1  }
0xc0: {  	_ =	sfence.sel $0xFFFF  }
0xc1: {  	[dreg:$0x0] =	wrdreg $0xFFFFFFFF;
	(pc) =	sbr.abs _section_cstart, $3  }
0xc2: {  	[dreg:$0x1] =	wrdreg $0xFFFFFFFF  }
0xc3: {  	_ =	task.clear_ibuf [dreg:s7], $0x2FFFF;
	_ =	strace $0x9FFFFFFF  }
0xc4: {  	(tm) =	ssettm $0x7FFFFFFF  }
0xc5: {  	_ =	shalt  }
tec
execute0_lowered:
.L_overlay_start_1:
0x0: {  	(tag) =	ssettag $0x1  }
0x1: {  	s0 =	srdreg.scid;
	s25 =	stileid.u32;
	s28 =	simm.s32 $0x2800  }
0x2: {  	s29 =	simm.s32 $0x0;
	s1 =	sand.u32 $0x1, s0;
	s10 =	smul.u32 $0x14000, s25  }
0x3: {  	s0 =	rddreg [dreg:$0x0];
	s9 =	smul.u32 $0x280, s25;
	s2 =	ssub.s32 $0x2, s1  }
0x4: {  	s11 =	smul.u32 $0x140000, s1;
	s12 =	sadd.s32 $0xEC00, s0;
	s4 =	sshrl.u32 s2, $0x1  }
0x5: {  	s13 =	sor.u32 $0x50, s9;
	s14 =	sadd.s32 $0xA0, s9;
	s15 =	sadd.s32 $0xF0, s9  }
0x6: {  	s16 =	sadd.s32 $0x140, s9;
	s17 =	sadd.s32 $0x190, s9;
	s18 =	sadd.s32 $0x1E0, s9  }
0x7: {  	s20 =	sadd.s32 $0x230, s9;
	s3 =	sadd.s32 s11, s10;
	s7 =	ssub.s32 s2, s4  }
0x8: {  	s8 =	sshll.u32 s14, $0x7;
	s5 =	sshll.u32 s15, $0x7;
	s2 =	sshll.u32 s16, $0x7  }
0x9: {  	s4 =	sshll.u32 s17, $0x7;
	s6 =	sshll.u32 s18, $0x7;
	s14 =	sshll.u32 s14, $0x4  }
0xa: {  	s16 =	sshll.u32 s16, $0x4;
	s3 =	sshrl.u32 s3, $0x3;
	s23 =	sadd.s32 s11, s8  }
0xb: {  	s24 =	sadd.s32 s11, s5;
	s7 =	smax.u32 s7, $0x1;
	s21 =	sadd.s32 s12, s3  }
0xc: {  	s3 =	sshll.u32 s13, $0x7;
	s9 =	sshrl.u32 s23, $0x3;
	s26 =	sshrl.u32 s24, $0x3  }
0xd: {  	s24 =	sadd.s32 s11, s6;
	s13 =	sshll.u32 s13, $0x4;
	[dreg:$0x5] =	wrdreg s21  }
0xe: {  	s19 =	sadd.s32 s11, s3;
	s21 =	sadd.s32 s11, s2;
	s9 =	sadd.s32 s12, s9  }
0xf: {  	s19 =	sshrl.u32 s19, $0x3;
	[dreg:$0x7] =	wrdreg s9;
	s30 =	sshrl.u32 s21, $0x3  }
0x10: {  	s9 =	sadd.s32 s12, s26;
	s26 =	sshrl.u32 s24, $0x3;
	s22 =	sadd.s32 s12, s19  }
0x11: {  	[dreg:$0x8] =	wrdreg s9;
	s21 =	sadd.s32 s12, s30;
	s9 =	sshll.u32 s20, $0x7  }
0x12: {  	s30 =	simm.s32 $0x0;
	[dreg:$0x6] =	wrdreg s22;
	s22 =	sadd.s32 s11, s4  }
0x13: {  	[dreg:$0x9] =	wrdreg s21;
	s11 =	sadd.s32 s11, s9;
	s23 =	sshrl.u32 s22, $0x3  }
0x14: {  	[smem:$0x7FF] =	sst s30;
	s11 =	sshrl.u32 s11, $0x3;
	s19 =	sadd.s32 s12, s23  }
0x15: {  	s24 =	sshll.u32 s17, $0x4;
	s11 =	sadd.s32 s12, s11;
	[dreg:$0xa] =	wrdreg s19  }
0x16: {  	s19 =	sadd.s32 s12, s26;
	[dreg:$0xc] =	wrdreg s11;
	s11 =	smul.u32 $0x2800, s25  }
0x17: {  	s21 =	sshll.u32 s15, $0x4;
	[dreg:$0xb] =	wrdreg s19;
	s19 =	smul.u32 $0x28000, s1  }
0x18: {  	s26 =	sshll.u32 s18, $0x4;
	s12 =	sshll.u32 s20, $0x4;
	s1 =	sshll.u32 s1, $0x4  }
0x19: {  	s18 =	sadd.s32 $0x4C00, s0;
	s1 =	sor.u32 s25, s1;
	s20 =	sadd.s32 s19, s11  }
0x1a: {  	s22 =	sadd.s32 s19, s13;
	s30 =	sadd.s32 s19, s14;
	s15 =	sshrl.u32 s20, $0x3  }
0x1b: {  	s23 =	sshrl.u32 s22, $0x3;
	s20 =	sshrl.u32 s30, $0x3;
	s15 =	sadd.s32 s18, s15  }
0x1c: {  	s22 =	sadd.s32 s19, s21;
	s30 =	sadd.s32 s19, s16;
	[dreg:$0xd] =	wrdreg s15  }
0x1d: {  	s15 =	sadd.s32 s18, s23;
	s23 =	sshrl.u32 s22, $0x3;
	s22 =	sadd.s32 s19, s24  }
0x1e: {  	[dreg:$0xe] =	wrdreg s15;
	s15 =	sadd.s32 s18, s20;
	s20 =	sshrl.u32 s30, $0x3  }
0x1f: {  	s17 =	sshrl.u32 s22, $0x3;
	s22 =	sadd.s32 s19, s12;
	[dreg:$0xf] =	wrdreg s15  }
0x20: {  	s15 =	sadd.s32 s18, s23;
	s23 =	sadd.s32 s19, s26;
	s19 =	rddreg [dreg:$0x3]  }
0x21: {  	s17 =	sadd.s32 s18, s17;
	s30 =	sshrl.u32 s22, $0x3;
	[dreg:$0x10] =	wrdreg s15  }
0x22: {  	s22 =	sadd.s32 $0x13D400, s0;
	s15 =	sadd.s32 s18, s20;
	[dreg:$0x12] =	wrdreg s17  }
0x23: {  	s17 =	rddreg [dreg:$0x2];
	s20 =	sshrl.u32 s23, $0x3;
	s23 =	sadd.s32 $0x275C00, s0  }
0x24: {  	s0 =	sadd.s32 $0x278400, s0;
	s11 =	sadd.s32 s11, s19;
	[dreg:$0x11] =	wrdreg s15  }
0x25: {  	s15 =	rddreg [dreg:$0x1];
	s20 =	sadd.s32 s18, s20;
	s18 =	sadd.s32 s18, s30  }
0x26: {  	s30 =	smul.u32 $0xA000, s25;
	s31 =	sadd.s32 s3, s17;
	s2 =	sadd.s32 s2, s17  }
0x27: {  	s3 =	sadd.s32 s16, s19;
	s4 =	sadd.s32 s4, s17;
	s6 =	sadd.s32 s6, s17  }
0x28: {  	s9 =	sadd.s32 s9, s17;
	s11 =	sshrl.u32 s11, $0x3;
	[dreg:$0x13] =	wrdreg s20  }
0x29: {  	s16 =	simm.s32 $0x2850;
	[dreg:$0x14] =	wrdreg s18;
	s20 =	smul.u32 $0x50000, s25  }
0x2a: {  	s25 =	smul.u32 $0x7D, s1;
	_ =	strace $0x80000056;
	[dreg:$0x15] =	wrdreg s0  }
0x2b: {  	v0 =	vlaneseq.u32;
	s1 =	sadd.s32 s21, s19;
	s21 =	simm.s32 $0x50;
	[dreg:$0x16] =	wrdreg s7  }
0x2c: {  	v1 =	vimm.f32 $0.0e+00;
	v2 =	vor.u32 $0x10, v0;
	s30 =	sshrl.u32 s30, $0x2;
	[dreg:$0x1c] =	wrdreg s11;
	s18 =	sshrl.u32 s20, $0x2  }
0x2d: {  	v3 =	vor.u32 $0x20, v0;
	v4 =	vor.u32 $0x30, v0;
	v5 =	vor.u32 $0x40, v0;
	s7 =	sadd.s32 s30, s19;
	s20 =	sadd.s32 s8, s17;
	s8 =	sadd.s32 s14, s19  }
0x2e: {  	v6 =	vor.u32 $0x50, v0;
	v7 =	vor.u32 $0x60, v0;
	v8 =	vmul.u32 $0x10, v0;
	s14 =	simm.s32 $0x5550;
	s0 =	sadd.s32 s18, s17;
	[dreg:$0x18] =	wrdreg s7  }
0x2f: {  	v9 =	vor.u32 $0x70, v0;
	v10 =	vor.u32 $0xA0, v0;
	v11 =	vor.u32 $0xF0, v0;
	s18 =	sadd.s32 s13, s19;
	[dreg:$0x1a] =	wrdreg s20;
	s7 =	sadd.s32 s26, s19  }
0x30: {  	v12 =	vor.u32 $0xB0, v0;
	v13 =	vor.u32 $0x100, v0;
	v15 =	vor.u32 $0xC0, v0;
	s26 =	sadd.s32 s10, s17;
	s10 =	sadd.s32 s12, s19;
	[dreg:$0x17] =	wrdreg s0  }
0x31: {  	v16 =	vor.u32 $0x110, v0;
	v18 =	vor.u32 $0xD0, v0;
	v19 =	vor.u32 $0x120, v0;
	s13 =	simm.s32 $0x1;
	s20 =	simm.s32 $0x2710;
	[dreg:$0x19] =	wrdreg s18  }
0x32: {  	v21 =	vor.u32 $0xE0, v0;
	v22 =	vor.u32 $0x130, v0;
	v14 =	vor.u32 $0x100, v8;
	s0 =	sadd.s32 s5, s17;
	s5 =	sadd.s32 s24, s19;
	s30 =	sshrl.u32 s26, $0x3  }
0x33: {  	v17 =	vor.u32 $0x200, v8;
	v20 =	vor.u32 $0x300, v8;
	v23 =	vor.u32 $0x400, v8;
	s24 =	simm.s32 $0x2760;
	s26 =	simm.s32 $0x5050;
	[dreg:$0x1b] =	wrdreg s30  }
.LBB2_1:
0x34: {  	s11 =	simm.s32 $0x0;
	s12 =	rddreg [dreg:$0x15]  }
0x35: {  	[tilespmem:s11], [sflag:$0x1] =	stream.linear.gather [hbm4b:s12+s11], $0x2710, $0x38;
	[tilespmem:$0x1C250] =	vst v63  }
0x36: {  	_ =	swait.ge [sflag:s13], $0x2710  }
0x37: {  	[sflag:s13] =	ssyncset.done $0x0  }
0x38: {  	s11 =	simm.s32 $0x0;
	[sflag:s13] =	ssyncadd.s32 $0xFFFFD8F0  }
.LBB2_2:
0x39: {  	s12 =	sshll.u32 s11, $0x4  }
0x3a: {  	p0 =	sne.s32 s11, $0x4F;
	v24 =	vor.u32 s12, v0  }
.Ltmp0:
0x3b: {  	_ = 	snop;
	(pc) =	sbr.rel @p0 .LBB2_2-.Ltmp0, $2  }
0x3c: {  	_ =	sdelay $0x2  }
0x3d: {  	s11 =	sadd.s32 $0x1, s11;
	[tilespmem:v24+s14+$0x0] =	vst.idx.msk $0xffff, v1  }
0x3e: {  	s12 =	simm.s32 $0x0  }
0x3f: {  	v27 =	vor.u32 s12, v0;
	_ =	sdelay $0x1  }
0x40: {  	v29 =	vor.u32 s12, v2  }
0x41: {  	v26 =	vor.u32 s12, v3  }
0x42: {  	v25 =	vor.u32 s12, v4  }
0x43: {  	[tilespmem:v27+s16+$0x0] =	vst.idx.msk $0xffff, v1;
	v27 =	vor.u32 s12, v5  }
0x44: {  	v28 =	vor.u32 s12, v6  }
0x45: {  	s11 =	simm.s32 $0x1;
	v24 =	vor.u32 s12, v9;
	[tilespmem:v29+s16+$0x0] =	vst.idx.msk $0xffff, v1;
	v29 =	vor.u32 s12, v7  }
.LBB2_4:
0x46: {  	s12 =	sshll.u32 s11, $0x7;
	p0 =	sne.s32 s11, $0x4F;
	s11 =	sadd.s32 $0x1, s11;
	[tilespmem:v26+s16+$0x0] =	vst.idx.msk $0xffff, v1  }
0x47: {  	v30 =	vor.u32 s12, v0;
	v31 =	vor.u32 s12, v9;
	[tilespmem:v25+s16+$0x0] =	vst.idx.msk $0xffff, v1  }
0x48: {  	v32 =	vor.u32 s12, v2;
	[tilespmem:v27+s16+$0x0] =	vst.idx.msk $0xffff, v1  }
.Ltmp1:
0x49: {  	v26 =	vor.u32 s12, v3;
	[tilespmem:v28+s16+$0x0] =	vst.idx.msk $0xffff, v1;
	(pc) =	sbr.rel @p0 .LBB2_4-.Ltmp1, $4  }
0x4a: {  	v25 =	vor.u32 s12, v4;
	[tilespmem:v29+s16+$0x0] =	vst.idx.msk $0xffff, v1  }
0x4b: {  	v27 =	vor.u32 s12, v5;
	[tilespmem:v24+s16+$0x0] =	vst.idx.msk $0xffff, v1;
	v24 =	vmov v31  }
0x4c: {  	v28 =	vor.u32 s12, v6;
	[tilespmem:v30+s16+$0x0] =	vst.idx.msk $0xffff, v1  }
0x4d: {  	v29 =	vor.u32 s12, v7;
	[tilespmem:v32+s16+$0x0] =	vst.idx.msk $0xffff, v1  }
0x4e: {  	_ =	sdelay $0x3  }
0x4f: {  	[tilespmem:v26+s16+$0x0] =	vst.idx.msk $0xffff, v1  }
0x50: {  	[tilespmem:v25+s16+$0x0] =	vst.idx.msk $0xffff, v1  }
0x51: {  	[tilespmem:v27+s16+$0x0] =	vst.idx.msk $0xffff, v1  }
0x52: {  	[tilespmem:v28+s16+$0x0] =	vst.idx.msk $0xffff, v1  }
0x53: {  	[tilespmem:v29+s16+$0x0] =	vst.idx.msk $0xffff, v1  }
0x54: {  	s11 =	rddreg [dreg:$0x17];
	[tilespmem:v24+s16+$0x0] =	vst.idx.msk $0xffff, v1  }
0x55: {  	[spmem:s11] =	stream.linear.scatter [tilespmem:s16], [sflag:$0x1], $0x2800, $0x38;
	[tilespmem:$0x1C250] =	vst v63  }
0x56: {  	_ =	swait.ge [sflag:s13], $0x2800  }
0x57: {  	[sflag:s13] =	ssyncset.done $0x0  }
0x58: {  	s18 =	rddreg [dreg:$0x18];
	[sflag:s13] =	ssyncadd.s32 $0xFFFFD800  }
0x59: {  	[spmem:s18] =	stream.linear.scatter [tilespmem:s14], [sflag:$0x1], $0x500, $0x38;
	[tilespmem:$0x1C250] =	vst v63  }
0x5a: {  	_ =	swait.ge [sflag:s13], $0x500  }
0x5b: {  	[sflag:s13] =	ssyncset.done $0x0  }
0x5c: {  	[sflag:s13] =	ssyncadd.s32 $0xFFFFFB00  }
0x5d: {  	[spmem:s31] =	stream.linear.scatter [tilespmem:s16], [sflag:$0x1], $0x2800, $0x38;
	[tilespmem:$0x1C250] =	vst v63  }
0x5e: {  	_ =	swait.ge [sflag:s13], $0x2800  }
0x5f: {  	[sflag:s13] =	ssyncset.done $0x0  }
0x60: {  	s30 =	rddreg [dreg:$0x19];
	[sflag:s13] =	ssyncadd.s32 $0xFFFFD800  }
0x61: {  	[spmem:s30] =	stream.linear.scatter [tilespmem:s14], [sflag:$0x1], $0x500, $0x38;
	[tilespmem:$0x1C250] =	vst v63  }
0x62: {  	_ =	swait.ge [sflag:s13], $0x500  }
0x63: {  	[sflag:s13] =	ssyncset.done $0x0  }
0x64: {  	s18 =	smov.u32 s31;
	s31 =	rddreg [dreg:$0x1a];
	[sflag:s13] =	ssyncadd.s32 $0xFFFFFB00  }
0x65: {  	[spmem:s31] =	stream.linear.scatter [tilespmem:s16], [sflag:$0x1], $0x2800, $0x38;
	[tilespmem:$0x1C250] =	vst v63  }
0x66: {  	_ =	swait.ge [sflag:s13], $0x2800  }
0x67: {  	[sflag:s13] =	ssyncset.done $0x0  }
0x68: {  	[sflag:s13] =	ssyncadd.s32 $0xFFFFD800  }
0x69: {  	[spmem:s8] =	stream.linear.scatter [tilespmem:s14], [sflag:$0x1], $0x500, $0x38;
	[tilespmem:$0x1C250] =	vst v63  }
0x6a: {  	_ =	swait.ge [sflag:s13], $0x500  }
0x6b: {  	[sflag:s13] =	ssyncset.done $0x0  }
0x6c: {  	[sflag:s13] =	ssyncadd.s32 $0xFFFFFB00  }
0x6d: {  	[spmem:s0] =	stream.linear.scatter [tilespmem:s16], [sflag:$0x1], $0x2800, $0x38;
	[tilespmem:$0x1C250] =	vst v63  }
0x6e: {  	_ =	swait.ge [sflag:s13], $0x2800  }
0x6f: {  	[sflag:s13] =	ssyncset.done $0x0  }
0x70: {  	[sflag:s13] =	ssyncadd.s32 $0xFFFFD800  }
0x71: {  	[spmem:s1] =	stream.linear.scatter [tilespmem:s14], [sflag:$0x1], $0x500, $0x38;
	[tilespmem:$0x1C250] =	vst v63  }
0x72: {  	_ =	swait.ge [sflag:s13], $0x500  }
0x73: {  	[sflag:s13] =	ssyncset.done $0x0  }
0x74: {  	[sflag:s13] =	ssyncadd.s32 $0xFFFFFB00  }
0x75: {  	[spmem:s2] =	stream.linear.scatter [tilespmem:s16], [sflag:$0x1], $0x2800, $0x38;
	[tilespmem:$0x1C250] =	vst v63  }
0x76: {  	_ =	swait.ge [sflag:s13], $0x2800  }
0x77: {  	[sflag:s13] =	ssyncset.done $0x0  }
0x78: {  	[sflag:s13] =	ssyncadd.s32 $0xFFFFD800  }
0x79: {  	[spmem:s3] =	stream.linear.scatter [tilespmem:s14], [sflag:$0x1], $0x500, $0x38;
	[tilespmem:$0x1C250] =	vst v63  }
0x7a: {  	_ =	swait.ge [sflag:s13], $0x500  }
0x7b: {  	[sflag:s13] =	ssyncset.done $0x0  }
0x7c: {  	[sflag:s13] =	ssyncadd.s32 $0xFFFFFB00  }
0x7d: {  	[spmem:s4] =	stream.linear.scatter [tilespmem:s16], [sflag:$0x1], $0x2800, $0x38;
	[tilespmem:$0x1C250] =	vst v63  }
0x7e: {  	_ =	swait.ge [sflag:s13], $0x2800  }
0x7f: {  	[sflag:s13] =	ssyncset.done $0x0  }
0x80: {  	[sflag:s13] =	ssyncadd.s32 $0xFFFFD800  }
0x81: {  	[spmem:s5] =	stream.linear.scatter [tilespmem:s14], [sflag:$0x1], $0x500, $0x38;
	[tilespmem:$0x1C250] =	vst v63  }
0x82: {  	_ =	swait.ge [sflag:s13], $0x500  }
0x83: {  	[sflag:s13] =	ssyncset.done $0x0  }
0x84: {  	[sflag:s13] =	ssyncadd.s32 $0xFFFFFB00  }
0x85: {  	[spmem:s6] =	stream.linear.scatter [tilespmem:s16], [sflag:$0x1], $0x2800, $0x38;
	[tilespmem:$0x1C250] =	vst v63  }
0x86: {  	_ =	swait.ge [sflag:s13], $0x2800  }
0x87: {  	[sflag:s13] =	ssyncset.done $0x0  }
0x88: {  	[sflag:s13] =	ssyncadd.s32 $0xFFFFD800  }
0x89: {  	[spmem:s7] =	stream.linear.scatter [tilespmem:s14], [sflag:$0x1], $0x500, $0x38;
	[tilespmem:$0x1C250] =	vst v63  }
0x8a: {  	_ =	swait.ge [sflag:s13], $0x500  }
0x8b: {  	[sflag:s13] =	ssyncset.done $0x0  }
0x8c: {  	[sflag:s13] =	ssyncadd.s32 $0xFFFFFB00  }
0x8d: {  	[spmem:s9] =	stream.linear.scatter [tilespmem:s16], [sflag:$0x1], $0x2800, $0x38;
	[tilespmem:$0x1C250] =	vst v63  }
0x8e: {  	_ =	swait.ge [sflag:s13], $0x2800  }
0x8f: {  	[sflag:s13] =	ssyncset.done $0x0  }
0x90: {  	[sflag:s13] =	ssyncadd.s32 $0xFFFFD800  }
0x91: {  	[spmem:s10] =	stream.linear.scatter [tilespmem:s14], [sflag:$0x1], $0x500, $0x38;
	[tilespmem:$0x1C250] =	vst v63  }
0x92: {  	_ =	swait.ge [sflag:s13], $0x500  }
0x93: {  	[sflag:s13] =	ssyncset.done $0x0  }
0x94: {  	[sflag:s13] =	ssyncadd.s32 $0xFFFFFB00  }
0x95: {  	s12 =	simm.s32 $0x0;
	s11 =	simm.s32 $0x0;
	[bflag:$0x0] =	sbarrier.arrive $0xFFFF  }
.LBB2_6:
0x96: {  	s30 =	sadd.s32 s25, s12  }
0x97: {  	s30 =	smul.u32 $0x28, s30;
	_ =	sdelay $0x1  }
0x98: {  	s30 =	sadd.s32 s15, s30  }
0x99: {  	[tilespmem:s20], [sflag:$0x1] =	stream.linear.gather [hbm4b:s30+s11], $0x140, $0x38;
	[tilespmem:$0x1C250] =	vst v63  }
0x9a: {  	_ =	swait.ge [sflag:s13], $0x140  }
0x9b: {  	[sflag:s13] =	ssyncset.done $0x0  }
0x9c: {  	[sflag:s13] =	ssyncadd.s32 $0xFFFFFEC0  }
0x9d: {  	[tilespmem:s16], [sflag:$0x1] =	stream.indirect.gather [hbm4b:s22+s21], $0x80, s20, s21, $0xb8;
	[tilespmem:$0x1C250] =	vst v63  }
0x9e: {  	_ =	swait.ge [sflag:s13], $0x2800  }
0x9f: {  	[sflag:s13] =	ssyncset.done $0x0  }
0xa0: {  	[sflag:s13] =	ssyncadd.s32 $0xFFFFD800  }
0xa1: {  	[tilespmem:s26], [sflag:$0x1] =	stream.indirect.gather [hbm4b:s23+s21], $0x10, s24, s21, $0xb8;
	[tilespmem:$0x1C250] =	vst v63  }
0xa2: {  	_ =	swait.ge [sflag:s13], $0x500  }
0xa3: {  	[sflag:s13] =	ssyncset.done $0x0  }
0xa4: {  	[sflag:s13] =	ssyncadd.s32 $0xFFFFFB00  }
0xa5: {  	v24 =	vld.idx.msk [tilespmem:v10+s20+$0x0], $0xffff  }
0xa6: {  	v25 =	vld.idx.msk [tilespmem:v11+s20+$0x0], $0xffff;
	_ =	sdelay $0x3  }
0xa7: {  	v24 =	vadd.s32 v8, v24;
	_ =	sdelay $0x3  }
0xa8: {  	v25 =	vld.idx.msk [tilespmem:v25+s11+$0x0], $0xffff  }
0xa9: {  	v24 =	vld.idx.msk [tilespmem:v24+s26+$0x0], $0xffff;
	_ =	sdelay $0x4  }
0xaa: {  	v24 =	vadd.f32 v25, v24;
	_ =	sdelay $0x1  }
0xab: {  	v25 =	vmul.f32 $2.000000030e-01, v24;
	_ =	sdelay $0x1  }
0xac: {  	v24 =	vmax.f32 v24, v25  }
0xad: {  	v24 =	vmin.f32 v24, $8.000000000e+01  }
0xae: {  	v24 =	vmul.f32 $1.442695020e+00, v24;
	_ =	sdelay $0x1  }
0xaf: {  	(erf) = vpow2.f32 v24;
	_ =	sdelay $0x8  }
0xb0: {  	v24 =	vpop (erf)  }
0xb1: {  	[tilespmem:v8+s14+$0x0] =	vst.idx.msk $0xffff, v24  }
0xb2: {  	v24 =	vld.idx.msk [tilespmem:v12+s20+$0x0], $0xffff  }
0xb3: {  	v25 =	vld.idx.msk [tilespmem:v13+s20+$0x0], $0xffff;
	_ =	sdelay $0x3  }
0xb4: {  	v24 =	vadd.s32 v14, v24;
	_ =	sdelay $0x3  }
0xb5: {  	v25 =	vld.idx.msk [tilespmem:v25+s11+$0x0], $0xffff  }
0xb6: {  	v24 =	vld.idx.msk [tilespmem:v24+s26+$0x0], $0xffff;
	_ =	sdelay $0x4  }
0xb7: {  	v24 =	vadd.f32 v25, v24;
	_ =	sdelay $0x1  }
0xb8: {  	v25 =	vmul.f32 $2.000000030e-01, v24;
	_ =	sdelay $0x1  }
0xb9: {  	v24 =	vmax.f32 v24, v25  }
0xba: {  	v24 =	vmin.f32 v24, $8.000000000e+01  }
0xbb: {  	v24 =	vmul.f32 $1.442695020e+00, v24;
	_ =	sdelay $0x1  }
0xbc: {  	(erf) = vpow2.f32 v24;
	_ =	sdelay $0x8  }
0xbd: {  	v24 =	vpop (erf)  }
0xbe: {  	[tilespmem:v14+s14+$0x0] =	vst.idx.msk $0xffff, v24  }
0xbf: {  	v24 =	vld.idx.msk [tilespmem:v15+s20+$0x0], $0xffff  }
0xc0: {  	v25 =	vld.idx.msk [tilespmem:v16+s20+$0x0], $0xffff;
	_ =	sdelay $0x3  }
0xc1: {  	v24 =	vadd.s32 v17, v24;
	_ =	sdelay $0x3  }
0xc2: {  	v25 =	vld.idx.msk [tilespmem:v25+s11+$0x0], $0xffff  }
0xc3: {  	v24 =	vld.idx.msk [tilespmem:v24+s26+$0x0], $0xffff;
	_ =	sdelay $0x4  }
0xc4: {  	v24 =	vadd.f32 v25, v24;
	_ =	sdelay $0x1  }
0xc5: {  	v25 =	vmul.f32 $2.000000030e-01, v24;
	_ =	sdelay $0x1  }
0xc6: {  	v24 =	vmax.f32 v24, v25  }
0xc7: {  	v24 =	vmin.f32 v24, $8.000000000e+01  }
0xc8: {  	v24 =	vmul.f32 $1.442695020e+00, v24;
	_ =	sdelay $0x1  }
0xc9: {  	(erf) = vpow2.f32 v24;
	_ =	sdelay $0x8  }
0xca: {  	v24 =	vpop (erf)  }
0xcb: {  	[tilespmem:v17+s14+$0x0] =	vst.idx.msk $0xffff, v24  }
0xcc: {  	v24 =	vld.idx.msk [tilespmem:v18+s20+$0x0], $0xffff  }
0xcd: {  	v25 =	vld.idx.msk [tilespmem:v19+s20+$0x0], $0xffff;
	_ =	sdelay $0x3  }
0xce: {  	v24 =	vadd.s32 v20, v24;
	_ =	sdelay $0x3  }
0xcf: {  	v25 =	vld.idx.msk [tilespmem:v25+s11+$0x0], $0xffff  }
0xd0: {  	v24 =	vld.idx.msk [tilespmem:v24+s26+$0x0], $0xffff;
	_ =	sdelay $0x4  }
0xd1: {  	v24 =	vadd.f32 v25, v24;
	_ =	sdelay $0x1  }
0xd2: {  	v25 =	vmul.f32 $2.000000030e-01, v24;
	_ =	sdelay $0x1  }
0xd3: {  	v24 =	vmax.f32 v24, v25  }
0xd4: {  	v24 =	vmin.f32 v24, $8.000000000e+01  }
0xd5: {  	v24 =	vmul.f32 $1.442695020e+00, v24;
	_ =	sdelay $0x1  }
0xd6: {  	(erf) = vpow2.f32 v24;
	_ =	sdelay $0x8  }
0xd7: {  	v24 =	vpop (erf)  }
0xd8: {  	[tilespmem:v20+s14+$0x0] =	vst.idx.msk $0xffff, v24  }
0xd9: {  	v24 =	vld.idx.msk [tilespmem:v21+s20+$0x0], $0xffff  }
0xda: {  	v25 =	vld.idx.msk [tilespmem:v22+s20+$0x0], $0xffff;
	_ =	sdelay $0x3  }
0xdb: {  	v24 =	vadd.s32 v23, v24;
	_ =	sdelay $0x3  }
0xdc: {  	v25 =	vld.idx.msk [tilespmem:v25+s11+$0x0], $0xffff  }
0xdd: {  	v24 =	vld.idx.msk [tilespmem:v24+s26+$0x0], $0xffff;
	_ =	sdelay $0x4  }
0xde: {  	v24 =	vadd.f32 v25, v24;
	_ =	sdelay $0x1  }
0xdf: {  	v25 =	vmul.f32 $2.000000030e-01, v24;
	_ =	sdelay $0x1  }
0xe0: {  	v24 =	vmax.f32 v24, v25  }
0xe1: {  	v24 =	vmin.f32 v24, $8.000000000e+01  }
0xe2: {  	v24 =	vmul.f32 $1.442695020e+00, v24;
	_ =	sdelay $0x1  }
0xe3: {  	(erf) = vpow2.f32 v24;
	_ =	sdelay $0x4  }
0xe4: {  	v24 =	vmov s11  }
0xe5: {  	v25 =	vshll.u32 v24, $0x4;
	v24 =	vshll.u32 v24, $0x7  }
0xe6: {  	v26 =	vor.u32 v0, v24;
	_ =	sdelay $0x1  }
0xe7: {  	v27 =	vpop (erf)  }
0xe8: {  	[tilespmem:v23+s14+$0x0] =	vst.idx.msk $0xffff, v27  }
0xe9: {  	v28 =	vld.idx.msk [tilespmem:v25+s14+$0x0], $0xffff  }
0xea: {  	v25 =	vld.idx.msk [tilespmem:v26+s16+$0x0], $0xffff;
	_ =	sdelay $0x2  }
0xeb: {  	v27 =	vor.u32 v2, v24;
	_ =	sdelay $0x1  }
0xec: {  	v25 =	vmul.f32 v25, v28;
	_ =	sdelay $0x1  }
0xed: {  	[tilespmem:v26+s16+$0x0] =	vst.idx.msk $0xffff, v25  }
0xee: {  	v25 =	vld.idx.msk [tilespmem:v27+s16+$0x0], $0xffff;
	_ =	sdelay $0x2  }
0xef: {  	v26 =	vor.u32 v3, v24;
	_ =	sdelay $0x1  }
0xf0: {  	v25 =	vmul.f32 v25, v28;
	_ =	sdelay $0x1  }
0xf1: {  	[tilespmem:v27+s16+$0x0] =	vst.idx.msk $0xffff, v25  }
0xf2: {  	v25 =	vld.idx.msk [tilespmem:v26+s16+$0x0], $0xffff;
	_ =	sdelay $0x2  }
0xf3: {  	v27 =	vor.u32 v4, v24;
	_ =	sdelay $0x1  }
0xf4: {  	v25 =	vmul.f32 v25, v28;
	_ =	sdelay $0x1  }
0xf5: {  	[tilespmem:v26+s16+$0x0] =	vst.idx.msk $0xffff, v25  }
0xf6: {  	v25 =	vld.idx.msk [tilespmem:v27+s16+$0x0], $0xffff;
	_ =	sdelay $0x2  }
0xf7: {  	v26 =	vor.u32 v5, v24;
	_ =	sdelay $0x1  }
0xf8: {  	v25 =	vmul.f32 v25, v28;
	_ =	sdelay $0x1  }
0xf9: {  	[tilespmem:v27+s16+$0x0] =	vst.idx.msk $0xffff, v25  }
0xfa: {  	v25 =	vld.idx.msk [tilespmem:v26+s16+$0x0], $0xffff;
	_ =	sdelay $0x2  }
0xfb: {  	v27 =	vor.u32 v6, v24;
	_ =	sdelay $0x1  }
0xfc: {  	v25 =	vmul.f32 v25, v28;
	_ =	sdelay $0x1  }
0xfd: {  	[tilespmem:v26+s16+$0x0] =	vst.idx.msk $0xffff, v25  }
0xfe: {  	v25 =	vld.idx.msk [tilespmem:v27+s16+$0x0], $0xffff;
	_ =	sdelay $0x2  }
0xff: {  	v26 =	vor.u32 v7, v24;
	_ =	sdelay $0x1  }
0x100: {  	v25 =	vmul.f32 v25, v28;
	_ =	sdelay $0x1  }
0x101: {  	[tilespmem:v27+s16+$0x0] =	vst.idx.msk $0xffff, v25  }
0x102: {  	v27 =	vld.idx.msk [tilespmem:v26+s16+$0x0], $0xffff;
	_ =	sdelay $0x2  }
0x103: {  	v25 =	vor.u32 v9, v24;
	_ =	sdelay $0x1  }
0x104: {  	v24 =	vmul.f32 v27, v28;
	_ =	sdelay $0x1  }
0x105: {  	[tilespmem:v26+s16+$0x0] =	vst.idx.msk $0xffff, v24  }
0x106: {  	v29 =	vld.idx.msk [tilespmem:v25+s16+$0x0], $0xffff  }
0x107: {  	s30 =	simm.s32 $0x1  }
0x108: {  	v26 =	vmov s30  }
0x109: {  	v24 =	vshll.u32 v26, $0x7;
	v27 =	vshll.u32 v26, $0x4  }
0x10a: {  	v26 =	vor.u32 v0, v24  }
0x10b: {  	s30 =	simm.s32 $0x2;
	v28 =	vmul.f32 v29, v28  }
.LBB2_7:
0x10c: {  	_ = 	snop  }
0x10d: {  	p0 =	sne.s32 s30, $0x4F;
	s31 =	smov.u32 s30;
	s30 =	sadd.s32 $0x1, s30;
	[tilespmem:v25+s16+$0x0] =	vst.idx.msk $0xffff, v28  }
0x10e: {  	v28 =	vld.idx.msk [tilespmem:v27+s14+$0x0], $0xffff  }
0x10f: {  	v25 =	vld.idx.msk [tilespmem:v26+s16+$0x0], $0xffff;
	_ =	sdelay $0x3  }
0x110: {  	v27 =	vor.u32 v2, v24;
	_ =	sdelay $0x1  }
0x111: {  	v25 =	vmul.f32 v25, v28;
	_ =	sdelay $0x1  }
0x112: {  	[tilespmem:v26+s16+$0x0] =	vst.idx.msk $0xffff, v25  }
0x113: {  	v25 =	vld.idx.msk [tilespmem:v27+s16+$0x0], $0xffff;
	_ =	sdelay $0x3  }
0x114: {  	v26 =	vor.u32 v3, v24;
	_ =	sdelay $0x1  }
0x115: {  	v25 =	vmul.f32 v25, v28;
	_ =	sdelay $0x1  }
0x116: {  	[tilespmem:v27+s16+$0x0] =	vst.idx.msk $0xffff, v25  }
0x117: {  	v25 =	vld.idx.msk [tilespmem:v26+s16+$0x0], $0xffff;
	_ =	sdelay $0x3  }
0x118: {  	v27 =	vor.u32 v4, v24;
	_ =	sdelay $0x1  }
0x119: {  	v25 =	vmul.f32 v25, v28;
	_ =	sdelay $0x1  }
0x11a: {  	[tilespmem:v26+s16+$0x0] =	vst.idx.msk $0xffff, v25  }
0x11b: {  	v25 =	vld.idx.msk [tilespmem:v27+s16+$0x0], $0xffff;
	_ =	sdelay $0x3  }
0x11c: {  	v26 =	vor.u32 v5, v24;
	_ =	sdelay $0x1  }
0x11d: {  	v25 =	vmul.f32 v25, v28;
	_ =	sdelay $0x1  }
0x11e: {  	[tilespmem:v27+s16+$0x0] =	vst.idx.msk $0xffff, v25  }
0x11f: {  	v25 =	vld.idx.msk [tilespmem:v26+s16+$0x0], $0xffff;
	_ =	sdelay $0x3  }
0x120: {  	v27 =	vor.u32 v6, v24;
	_ =	sdelay $0x1  }
0x121: {  	v25 =	vmul.f32 v25, v28;
	_ =	sdelay $0x1  }
0x122: {  	[tilespmem:v26+s16+$0x0] =	vst.idx.msk $0xffff, v25  }
0x123: {  	v25 =	vld.idx.msk [tilespmem:v27+s16+$0x0], $0xffff;
	_ =	sdelay $0x3  }
0x124: {  	v26 =	vor.u32 v7, v24;
	_ =	sdelay $0x1  }
0x125: {  	v25 =	vmul.f32 v25, v28;
	_ =	sdelay $0x1  }
0x126: {  	[tilespmem:v27+s16+$0x0] =	vst.idx.msk $0xffff, v25  }
0x127: {  	v27 =	vld.idx.msk [tilespmem:v26+s16+$0x0], $0xffff;
	_ =	sdelay $0x3  }
0x128: {  	v25 =	vor.u32 v9, v24;
	_ =	sdelay $0x1  }
0x129: {  	v24 =	vmul.f32 v27, v28;
	_ =	sdelay $0x1  }
0x12a: {  	[tilespmem:v26+s16+$0x0] =	vst.idx.msk $0xffff, v24  }
0x12b: {  	v29 =	vld.idx.msk [tilespmem:v25+s16+$0x0], $0xffff;
	_ =	sdelay $0x1  }
.Ltmp2:
0x12c: {  	(pc) =	sbr.rel @p0 .LBB2_7-.Ltmp2, $4  }
0x12d: {  	v24 =	vmov s31  }
0x12e: {  	v27 =	vshll.u32 v24, $0x4;
	v24 =	vshll.u32 v24, $0x7  }
0x12f: {  	v26 =	vor.u32 v0, v24  }
0x130: {  	v28 =	vmul.f32 v29, v28  }
0x131: {  	_ =	sdelay $0x3  }
0x132: {  	[tilespmem:v25+s16+$0x0] =	vst.idx.msk $0xffff, v28  }
0x133: {  	v25 =	vld.idx.msk [tilespmem:v27+s14+$0x0], $0xffff  }
0x134: {  	v56 =	vld.idx.msk [tilespmem:v26+s16+$0x0], $0xffff;
	_ =	sdelay $0x2  }
0x135: {  	v57 =	vor.u32 v2, v24;
	_ =	sdelay $0x1  }
0x136: {  	v27 =	vmul.f32 v56, v25;
	_ =	sdelay $0x1  }
0x137: {  	[tilespmem:v26+s16+$0x0] =	vst.idx.msk $0xffff, v27  }
0x138: {  	v26 =	vld.idx.msk [tilespmem:v57+s16+$0x0], $0xffff;
	_ =	sdelay $0x2  }
0x139: {  	v58 =	vor.u32 v3, v24;
	_ =	sdelay $0x1  }
0x13a: {  	v26 =	vmul.f32 v26, v25;
	_ =	sdelay $0x1  }
0x13b: {  	[tilespmem:v57+s16+$0x0] =	vst.idx.msk $0xffff, v26  }
0x13c: {  	v26 =	vld.idx.msk [tilespmem:v58+s16+$0x0], $0xffff;
	_ =	sdelay $0x2  }
0x13d: {  	v59 =	vor.u32 v4, v24;
	_ =	sdelay $0x1  }
0x13e: {  	v26 =	vmul.f32 v26, v25;
	_ =	sdelay $0x1  }
0x13f: {  	[tilespmem:v58+s16+$0x0] =	vst.idx.msk $0xffff, v26  }
0x140: {  	v26 =	vld.idx.msk [tilespmem:v59+s16+$0x0], $0xffff;
	_ =	sdelay $0x2  }
0x141: {  	v60 =	vor.u32 v5, v24;
	_ =	sdelay $0x1  }
0x142: {  	v26 =	vmul.f32 v26, v25;
	_ =	sdelay $0x1  }
0x143: {  	[tilespmem:v59+s16+$0x0] =	vst.idx.msk $0xffff, v26  }
0x144: {  	v26 =	vld.idx.msk [tilespmem:v60+s16+$0x0], $0xffff;
	_ =	sdelay $0x2  }
0x145: {  	v61 =	vor.u32 v6, v24;
	_ =	sdelay $0x1  }
0x146: {  	v26 =	vmul.f32 v26, v25;
	_ =	sdelay $0x1  }
0x147: {  	[tilespmem:v60+s16+$0x0] =	vst.idx.msk $0xffff, v26  }
0x148: {  	v26 =	vld.idx.msk [tilespmem:v61+s16+$0x0], $0xffff;
	_ =	sdelay $0x2  }
0x149: {  	v62 =	vor.u32 v7, v24;
	_ =	sdelay $0x1  }
0x14a: {  	v26 =	vmul.f32 v26, v25;
	_ =	sdelay $0x1  }
0x14b: {  	[tilespmem:v61+s16+$0x0] =	vst.idx.msk $0xffff, v26  }
0x14c: {  	v26 =	vld.idx.msk [tilespmem:v62+s16+$0x0], $0xffff;
	_ =	sdelay $0x2  }
0x14d: {  	v63 =	vor.u32 v9, v24;
	_ =	sdelay $0x1  }
0x14e: {  	v26 =	vmul.f32 v26, v25;
	_ =	sdelay $0x1  }
0x14f: {  	[tilespmem:v62+s16+$0x0] =	vst.idx.msk $0xffff, v26  }
0x150: {  	v26 =	vld.idx.msk [tilespmem:v63+s16+$0x0], $0xffff;
	_ =	sdelay $0x4  }
0x151: {  	v25 =	vmul.f32 v26, v25;
	_ =	sdelay $0x1  }
0x152: {  	[tilespmem:v63+s16+$0x0] =	vst.idx.msk $0xffff, v25  }
0x153: {  	[spmem:s17] =	stream.indirect.scatter.add.f32 [tilespmem:s16], [sflag:$0x1], $0x80, s28, s21, $0xb8;
	[tilespmem:$0x1C250] =	vst v63  }
0x154: {  	s12 =	sadd.s32 $0x1, s12;
	_ =	swait.ge [sflag:s13], $0x2800  }
0x155: {  	p0 =	sne.s32 s12, $0x7D;
	[sflag:s13] =	ssyncset.done $0x0  }
.Ltmp3:
0x156: {  	[sflag:s13] =	ssyncadd.s32 $0xFFFFD800;
	(pc) =	sbr.rel @p0 .LBB2_6-.Ltmp3, $4  }
0x157: {  	[spmem:s19] =	stream.indirect.scatter.add.f32 [tilespmem:s14], [sflag:$0x1], $0x10, s28, s21, $0xb8;
	[tilespmem:$0x1C250] =	vst v63  }
0x158: {  	_ =	swait.ge [sflag:s13], $0x500  }
0x159: {  	[sflag:s13] =	ssyncset.done $0x0  }
0x15a: {  	[sflag:s13] =	ssyncadd.s32 $0xFFFFFB00  }
0x15b: {  	s11 =	stileid.u32;
	[bflag:$0x0] =	sbarrier.arrive $0xFFFF  }
0x15c: {  	s11 =	sshll.u32 s11, $0x6;
	s12 =	rddreg [dreg:$0x5]  }
0x15d: {  	s30 =	rddreg [dreg:$0x1b];
	s11 =	sor.u32 $0x1C01, s11  }
0x15e: {  	[hbm:s12], [sflag:s11] =	dma.local [spmem:s30], $0x500  }
0x15f: {  	_ =	swait.ge [sflag:s13], $0x500  }
0x160: {  	[sflag:s13] =	ssyncset.done $0x0;
	s12 =	rddreg [dreg:$0xd]  }
0x161: {  	s30 =	rddreg [dreg:$0x1c];
	[sflag:s13] =	ssyncadd.s32 $0xFFFFFB00  }
0x162: {  	[hbm:s12], [sflag:s11] =	dma.local [spmem:s30], $0xA0  }
0x163: {  	_ =	swait.ge [sflag:s13], $0xA0  }
0x164: {  	s31 =	smov.u32 s18;
	[sflag:s13] =	ssyncset.done $0x0  }
0x165: {  	s12 =	sshrl.u32 s18, $0x3;
	s18 =	rddreg [dreg:$0x6];
	[sflag:s13] =	ssyncadd.s32 $0xFFFFFF60  }
0x166: {  	[hbm:s18], [sflag:s11] =	dma.local [spmem:s12], $0x500  }
0x167: {  	_ =	swait.ge [sflag:s13], $0x500  }
0x168: {  	[sflag:s13] =	ssyncset.done $0x0;
	s30 =	rddreg [dreg:$0x19]  }
0x169: {  	s18 =	rddreg [dreg:$0xe];
	[sflag:s13] =	ssyncadd.s32 $0xFFFFFB00;
	s12 =	sshrl.u32 s30, $0x3  }
0x16a: {  	[hbm:s18], [sflag:s11] =	dma.local [spmem:s12], $0xA0  }
0x16b: {  	_ =	swait.ge [sflag:s13], $0xA0  }
0x16c: {  	[sflag:s13] =	ssyncset.done $0x0;
	s30 =	rddreg [dreg:$0x1a]  }
0x16d: {  	s18 =	rddreg [dreg:$0x7];
	[sflag:s13] =	ssyncadd.s32 $0xFFFFFF60;
	s12 =	sshrl.u32 s30, $0x3  }
0x16e: {  	[hbm:s18], [sflag:s11] =	dma.local [spmem:s12], $0x500  }
0x16f: {  	_ =	swait.ge [sflag:s13], $0x500  }
0x170: {  	[sflag:s13] =	ssyncset.done $0x0  }
0x171: {  	s12 =	sshrl.u32 s8, $0x3;
	s18 =	rddreg [dreg:$0xf];
	[sflag:s13] =	ssyncadd.s32 $0xFFFFFB00  }
0x172: {  	[hbm:s18], [sflag:s11] =	dma.local [spmem:s12], $0xA0  }
0x173: {  	_ =	swait.ge [sflag:s13], $0xA0  }
0x174: {  	[sflag:s13] =	ssyncset.done $0x0  }
0x175: {  	s12 =	sshrl.u32 s0, $0x3;
	s18 =	rddreg [dreg:$0x8];
	[sflag:s13] =	ssyncadd.s32 $0xFFFFFF60  }
0x176: {  	[hbm:s18], [sflag:s11] =	dma.local [spmem:s12], $0x500  }
0x177: {  	_ =	swait.ge [sflag:s13], $0x500  }
0x178: {  	[sflag:s13] =	ssyncset.done $0x0  }
0x179: {  	s12 =	sshrl.u32 s1, $0x3;
	s18 =	rddreg [dreg:$0x10];
	[sflag:s13] =	ssyncadd.s32 $0xFFFFFB00  }
0x17a: {  	[hbm:s18], [sflag:s11] =	dma.local [spmem:s12], $0xA0  }
0x17b: {  	_ =	swait.ge [sflag:s13], $0xA0  }
0x17c: {  	[sflag:s13] =	ssyncset.done $0x0  }
0x17d: {  	s12 =	sshrl.u32 s2, $0x3;
	s18 =	rddreg [dreg:$0x9];
	[sflag:s13] =	ssyncadd.s32 $0xFFFFFF60  }
0x17e: {  	[hbm:s18], [sflag:s11] =	dma.local [spmem:s12], $0x500  }
0x17f: {  	_ =	swait.ge [sflag:s13], $0x500  }
0x180: {  	[sflag:s13] =	ssyncset.done $0x0  }
0x181: {  	s12 =	sshrl.u32 s3, $0x3;
	s18 =	rddreg [dreg:$0x11];
	[sflag:s13] =	ssyncadd.s32 $0xFFFFFB00  }
0x182: {  	[hbm:s18], [sflag:s11] =	dma.local [spmem:s12], $0xA0  }
0x183: {  	_ =	swait.ge [sflag:s13], $0xA0  }
0x184: {  	[sflag:s13] =	ssyncset.done $0x0  }
0x185: {  	s12 =	sshrl.u32 s4, $0x3;
	s18 =	rddreg [dreg:$0xa];
	[sflag:s13] =	ssyncadd.s32 $0xFFFFFF60  }
0x186: {  	[hbm:s18], [sflag:s11] =	dma.local [spmem:s12], $0x500  }
0x187: {  	_ =	swait.ge [sflag:s13], $0x500  }
0x188: {  	[sflag:s13] =	ssyncset.done $0x0  }
0x189: {  	s12 =	sshrl.u32 s5, $0x3;
	s18 =	rddreg [dreg:$0x12];
	[sflag:s13] =	ssyncadd.s32 $0xFFFFFB00  }
0x18a: {  	[hbm:s18], [sflag:s11] =	dma.local [spmem:s12], $0xA0  }
0x18b: {  	_ =	swait.ge [sflag:s13], $0xA0  }
0x18c: {  	[sflag:s13] =	ssyncset.done $0x0  }
0x18d: {  	s12 =	sshrl.u32 s6, $0x3;
	s18 =	rddreg [dreg:$0xb];
	[sflag:s13] =	ssyncadd.s32 $0xFFFFFF60  }
0x18e: {  	[hbm:s18], [sflag:s11] =	dma.local [spmem:s12], $0x500  }
0x18f: {  	_ =	swait.ge [sflag:s13], $0x500  }
0x190: {  	[sflag:s13] =	ssyncset.done $0x0  }
0x191: {  	s12 =	sshrl.u32 s7, $0x3;
	s18 =	rddreg [dreg:$0x13];
	[sflag:s13] =	ssyncadd.s32 $0xFFFFFB00  }
0x192: {  	[hbm:s18], [sflag:s11] =	dma.local [spmem:s12], $0xA0  }
0x193: {  	_ =	swait.ge [sflag:s13], $0xA0  }
0x194: {  	[sflag:s13] =	ssyncset.done $0x0  }
0x195: {  	s12 =	sshrl.u32 s9, $0x3;
	s18 =	rddreg [dreg:$0xc];
	[sflag:s13] =	ssyncadd.s32 $0xFFFFFF60  }
0x196: {  	[hbm:s18], [sflag:s11] =	dma.local [spmem:s12], $0x500  }
0x197: {  	_ =	swait.ge [sflag:s13], $0x500  }
0x198: {  	[sflag:s13] =	ssyncset.done $0x0  }
0x199: {  	s12 =	sshrl.u32 s10, $0x3;
	s18 =	rddreg [dreg:$0x14];
	[sflag:s13] =	ssyncadd.s32 $0xFFFFFB00  }
0x19a: {  	[hbm:s18], [sflag:s11] =	dma.local [spmem:s12], $0xA0  }
0x19b: {  	_ =	swait.ge [sflag:s13], $0xA0  }
0x19c: {  	s29 =	sadd.s32 $0x1, s29;
	s30 =	rddreg [dreg:$0x16]  }
0x19d: {  	p0 =	sne.s32 s29, s30  }
.Ltmp4:
0x19e: {  	_ = 	snop;
	(pc) =	sbr.rel @p0 .LBB2_1-.Ltmp4, $3  }
0x19f: {  	_ =	sdelay $0x1  }
0x1a0: {  	[sflag:s13] =	ssyncset.done $0x0  }
0x1a1: {  	[sflag:s13] =	ssyncadd.s32 $0xFFFFFF60  }
0x1a2: {  	_ =	sfence.sel $0x180000  }
0x1a3: {  	[bflag:$0x0] =	sbarrier.arrive $0xFFFF  }
0x1a4: {  	_ =	strace $0x90000056  }
0x1a5: {  	s0 =	stileid.u32;
	[bflag:$0x2] =	sbarrier.arrive $0xFFFF  }
0x1a6: {  	p0 =	sne.s32 s0, $0x0;
	s0 =	rddreg [dreg:$0x4]  }
0x1a7: {  	s0 =	sadd.s32 @!p0 $0x100000, s0  }
0x1a8: {  	[sflag:s0] =	ssyncadd.tile.s32 @!p0 $0x1;
	_ =	shalt  }
.Lfunc_end2:
_tile_overlayer_lowered:
.L_overlay_start_2:
0x1a9: {  	(tag) =	ssettag $0x2  }
0x1aa: {  	s0 =	rddreg [dreg:$0x0];
	s2 =	stileid.u32  }
0x1ab: {  	s1 =	rddreg [dreg:$0x1];
	p0 =	sne.s32 s2, $0x0  }
0x1ac: {  	s3 =	rddreg [dreg:$0x2];
	[bflag:$0x3] =	sbarrier.arrive $0xFFFF;
	s2 =	simm.s32 @!p0 $0x1C01  }
0x1ad: {  	[timem:s3], [sflag:s2] =	dma.local @!p0 [hbm:s0], s1  }
0x1ae: {  	s0 =	simm.s32 @!p0 $0x1  }
0x1af: {  	_ =	swait.ge @!p0 [sflag:s0], s1  }
0x1b0: {  	s1 =	ssub.s32 @!p0 $0x0, s1;
	[sflag:s0] =	ssyncset.done @!p0 $0x0  }
0x1b1: {  	[sflag:s0] =	ssyncadd.s32 @!p0 s1  }
0x1b2: {  	[bflag:$0x3] =	sbarrier.arrive $0xFFFF  }
0x1b3: {  	_ =	shalt  }

// kernel: sparse-core-data-format-call.1.cloned.1.call-start
scs
called_computation.1_lowered:
.L_overlay_start_0:
0x0: {  	s1 =	sld [smem:$0x3FD9]  }
0x1: {  	s2 =	sld [smem:$0x3FFE];
	_ =	sdelay $0x1  }
0x2: {  	s3 =	srdreg.scid  }
0x3: {  	s0 =	sand.u32 $0x1, s3  }
0x4: {  	s17 =	sshll.u32 s0, $0xA;
	s1 =	sadd.s32 s2, s1  }
0x5: {  	s1 =	sadd.s32 s1, s17  }
0x6: {  	[smem:$0x3FAF] =	sst s1  }
0x7: {  	_ = 	snop  }
0x8: {  	(tm) =	ssettm $0x1  }
0x9: {  	s18 =	sld [smem:$0x3FFB];
	_ =	sdelay $0x3  }
0xa: {  	_ =	strace s18  }
0xb: {  	s1 =	sld [smem:$0x3FFC];
	_ =	sdelay $0x3  }
0xc: {  	_ =	strace s1  }
0xd: {  	s1 =	sld [smem:$0x3FFD];
	_ =	sdelay $0x3  }
0xe: {  	_ =	strace s1  }
0xf: {  	_ =	strace $0x8FFFFFFF  }
0x10: {  	s19 =	sld [smem:$0x3FDB];
	_ =	sdelay $0x1  }
0x11: {  	s20 =	simm.s32 $_scs_section_size  }
0x12: {  	s4 =	simm.s32 $_size__tile_overlayer_lowered;
	s5 =	simm.s32 $_tile_overlayer_lowered  }
0x13: {  	s23 =	simm.s32 $0x1BFF;
	s22 =	sshll.u32 s5, $0x1;
	s1 =	sadd.s32 s20, s19  }
0x14: {  	s6 =	simm.s32 $0x0;
	s21 =	sshll.u32 s4, $0x1;
	s4 =	sadd.s32 s22, s1  }
0x15: {  	[timem:s6], [sflag:s23] =	dma.local [hbm:s4], s21  }
0x16: {  	_ =	swait.ge [sflag:s23], s21  }
0x17: {  	s2 =	ssub.s32 $0x0, s21;
	[sflag:s23] =	ssyncset.done $0x0  }
0x18: {  	[sflag:s23] =	ssyncadd.s32 s2;
	_ =	sdelay $0x1  }
0x19: {  	s24 =	simm.s32 $0x1B8B  }
0x1a: {  	_ =	swait.ge [sflag:s24], $0x1  }
0x1b: {  	[sflag:s24] =	ssyncset.done $0x0  }
0x1c: {  	s26 =	simm.s32 $0x1B8E;
	s25 =	sld [smem:$0x3FFE];
	[sflag:s24] =	ssyncadd.s32 $0xFFFFFFFF  }
0x1d: {  	s27 =	simm.s32 $execute0_lowered;
	[smem:$0x3FD2] =	sst s26  }
0x1e: {  	s4 =	sshll.u32 s27, $0x1;
	_ =	strace $0x8000004C;
	[dreg:$0x1] =	wrdreg $0xFFFFFFFF  }
0x1f: {  	s28 =	simm.s32 $_size_execute0_lowered;
	s1 =	sadd.s32 s1, s4;
	[dreg:$0x0] =	wrdreg $0x0  }
0x20: {  	s4 =	sshll.u32 s28, $0x1;
	[dreg:$0x2] =	wrdreg s1  }
0x21: {  	[dreg:$0x3] =	wrdreg s4  }
0x22: {  	[dreg:$0x4] =	wrdreg $0xC0  }
0x23: {  	_ =	task [dreg:s6], $0x5FFFF  }
0x24: {  	[dreg:$0x1] =	wrdreg $0xFFFFFFFF  }
0x25: {  	[dreg:$0x0] =	wrdreg $0x60  }
0x26: {  	[dreg:$0x2] =	wrdreg s25  }
0x27: {  	[dreg:$0x3] =	wrdreg $0x9  }
0x28: {  	_ =	task.clear_ibuf [dreg:s6], $0x4FFFF;
	_ =	strace $0x9000004C  }
0x29: {  	s29 =	simm.s32 $0x9;
	_ =	strace $0x8000004E  }
0x2a: {  	_ =	swait.ge [sflag:s29], $0x1  }
0x2b: {  	[sflag:s29] =	ssyncadd.s32 $0xFFFFFFFF  }
0x2c: {  	_ =	strace $0x9000004E  }
0x2d: {  	_ =	sfence  }
0x2e: {  	s30 =	sld [smem:$0x0];
	_ =	sdelay $0x2  }
0x2f: {  	s31 =	sshll.u32 s3, $0xD;
	s3 =	sshrl.u32 s3, $0x2  }
0x30: {  	s2 =	sand.u32 $0x4000, s31;
	s1 =	sadd.s32 s3, s30  }
0x31: {  	s0 =	sor.u32 s2, s0;
	s1 =	sshll.u32 s1, $0x11  }
0x32: {  	s0 =	sor.u32 s1, s0  }
0x33: {  	s0 =	sadd.s32 $0x8F2B, s0  }
0x34: {  	[sflag:s0] =	ssyncadd.remote.s32 $0x1  }
0x35: {  	_ =	sfence.sel $0xFFFF  }
0x36: {  	[dreg:$0x0] =	wrdreg $0xFFFFFFFF;
	(pc) =	sbr.abs _section_cstart, $3  }
0x37: {  	[dreg:$0x1] =	wrdreg $0xFFFFFFFF  }
0x38: {  	_ =	task.clear_ibuf [dreg:s6], $0x2FFFF;
	_ =	strace $0x9FFFFFFF  }
0x39: {  	(tm) =	ssettm $0x7FFFFFFF  }
tec
execute0_lowered:
.L_overlay_start_1:
0x0: {  	(tag) =	ssettag $0x1  }
0x1: {  	s0 =	srdreg.scid  }
0x2: {  	s1 =	sshll.u32 s0, $0x4  }
0x3: {  	s4 =	rddreg [dreg:$0x0];
	s0 =	stileid.u32;
	s1 =	sand.u32 $0x10, s1  }
0x4: {  	s7 =	simm.s32 $0x1;
	s8 =	simm.s32 $0x2;
	s1 =	sor.u32 s0, s1  }
0x5: {  	s9 =	simm.s32 $0x0;
	s12 =	simm.s32 $0x0;
	s2 =	sshll.u32 s1, $0x1  }
0x6: {  	s11 =	simm.s32 $0x0;
	s3 =	sadd.s32 $0x4C00, s4;
	s6 =	ssub.s32 $0x4E2, s2  }
.Ltmp0:
0x7: {  	s4 =	sadd.s32 $0x13D400, s4;
	s5 =	sand.u32 $0x3E, s6;
	(pc) =	sbr.rel .LBB1_1-.Ltmp0, $4  }
0x8: {  	s1 =	rddreg [dreg:$0x1];
	_ =	strace $0x8000004D;
	p0 =	sne.s32 s5, $0x0  }
0x9: {  	s6 =	sshrl.u32 s6, $0x6;
	s5 =	simm.s32 $0x1;
	s7 =	simm.s32 @!p0 $0x0  }
0xa: {  	s10 =	smov.u32 s2;
	[sflag:s5] =	ssyncpa.u1 $0x0;
	s6 =	sadd.s32 s7, s6  }
0xb: {  	[sflag:s8] =	ssyncpa.u1 $0x0;
	s8 =	simm.s32 $0x0;
	s7 =	sadd.s32 $0x1, s6  }
.LBB1_9:
0xc: {  	s14 =	sadd.s32 $0x40, s10  }
0xd: {  	p1 =	sgt.s32 s14, $0x4E1  }
0xe: {  	s14 =	smov.u32 @p1 s2;
	p1 =	sne.s32 s11, s7  }
.Ltmp1:
0xf: {  	p0 =	slt.u32 s11, $0x2;
	(pc) =	sbr.rel @!p1 .LBB1_10-.Ltmp1, $4  }
0x10: {  	s13 =	simm.s32 @!p0 $0x2  }
0x11: {  	s15 =	sadd.s32 $0x1, s11;
	_ =	swait.ge @!p0 [sflag:s13], $0x4000  }
0x12: {  	s12 =	smov.u32 s10;
	s9 =	sadd.s32 $0x4000, s9;
	[sflag:s13] =	ssyncset.done @!p0 $0x0  }
0x13: {  	s11 =	smov.u32 s15;
	s10 =	smov.u32 s14;
	[sflag:s13] =	ssyncadd.s32 @!p0 $0xFFFFC000  }
.LBB1_1:
0x14: {  	p0 =	sge.u32 s11, s6  }
0x15: {  	s13 =	sxor.u32 @!p0 $0xFFFFFFFF, s11  }
0x16: {  	s31 =	sadd.s32 $0xFFFFFFFF, s11;
	s14 =	sshll.u32 @!p0 s10, $0xA;
	s13 =	sshll.u32 @!p0 s13, $0xE  }
0x17: {  	s15 =	simm.s32 @!p0 $0x0;
	s14 =	sadd.s32 @!p0 s3, s14;
	s13 =	sand.u32 @!p0 $0x4000, s13  }
0x18: {  	[tilespmem:s13], [sflag:$0x1] =	stream.linear.gather @!p0 [hbm4b:s14+s15], $0x4000, $0x38;
	[tilespmem:$0x10000] =	vst v63  }
0x19: {  	p0 =	sge.u32 s31, s6  }
.Ltmp2:
0x1a: {  	_ = 	snop;
	(pc) =	sbr.rel @p0 .LBB1_9-.Ltmp2, $1  }
0x1b: {  	_ =	sdelay $0x3  }
0x1c: {  	s13 =	sshll.u32 s9, $0x2  }
0x1d: {  	_ =	swait.ge [sflag:s5], $0x4000;
	s14 =	sshll.u32 s11, $0xE;
	s16 =	simm.s32 $0x0  }
0x1e: {  	p1 =	por $0x1, $0x1;
	s13 =	sand.u32 $0x10000, s13;
	[sflag:s5] =	ssyncset.done $0x0  }
0x1f: {  	s14 =	sand.u32 $0x4000, s14;
	s15 =	sshrl.u32 s13, $0x2;
	[sflag:s5] =	ssyncadd.s32 $0xFFFFC000  }
0x20: {  	s13 =	sor.u32 $0x8000, s14;
	s14 =	sadd.s32 $0x8040, s15;
	s15 =	sadd.s32 $0x40, s15  }
.LBB1_3:
0x21: {  	s16 =	sshll.u32 s16, $0x2  }
0x22: {  	p0 =	por p1, p1;
	s17 =	sshra.s32 s16, $0x2  }
0x23: {  	s18 =	simm.s32 $0x0;
	s16 =	sadd.s32 s17, s14;
	s17 =	sadd.s32 s17, s15  }
.LBB1_4:
0x24: {  	v0 =	vmov s17;
	_ =	sdelay $0x3  }
0x25: {  	s20 =	simm.s32 $0x0  }
0x26: {  	v6 =	vld.idx.msk [tilespmem:v0+s20+$0x30 ss:$0x1], $0xffff  }
0x27: {  	v7 =	vld.idx.msk [tilespmem:v0+s20+$0xFFFFFFC0 ss:$0x1], $0xffff  }
0x28: {  	v5 =	vld.idx.msk [tilespmem:v0+s20+$0xFFFFFFD0 ss:$0x1], $0xffff  }
0x29: {  	v4 =	vld.idx.msk [tilespmem:v0+s20+$0xFFFFFFE0 ss:$0x1], $0xffff  }
0x2a: {  	v3 =	vld.idx.msk [tilespmem:v0+s20+$0xFFFFFFF0 ss:$0x1], $0xffff  }
0x2b: {  	v1 =	vld.idx.msk [tilespmem:v0+s20+$0x0 ss:$0x1], $0xffff  }
0x2c: {  	v2 =	vld.idx.msk [tilespmem:v0+s20+$0x10 ss:$0x1], $0xffff;
	[tilespmem:s16+$0x30] =	vst v6  }
0x2d: {  	s19 =	simm.s32 $0x80;
	s21 =	simm.s32 $0x400;
	[tilespmem:s16+$0xFFFFFFC0] =	vst v7;
	v6 =	vld.idx.msk [tilespmem:v0+s20+$0x20 ss:$0x1], $0xffff;
	s20 =	smov.u32 s16  }
.LBB1_5:
0x2e: {  	p1 =	sne.s32 s21, $0xE00;
	v7 =	vld.idx.msk [tilespmem:v0+s19+$0x30 ss:$0x1], $0xffff;
	[tilespmem:s20+$0xFFFFFFD0] =	vst v5  }
0x2f: {  	v8 =	vld.idx.msk [tilespmem:v0+s19+$0xFFFFFFC0 ss:$0x1], $0xffff;
	[tilespmem:s20+$0xFFFFFFE0] =	vst v4  }
0x30: {  	v5 =	vld.idx.msk [tilespmem:v0+s19+$0xFFFFFFD0 ss:$0x1], $0xffff;
	[tilespmem:s20+$0xFFFFFFF0] =	vst v3  }
.Ltmp3:
0x31: {  	v4 =	vld.idx.msk [tilespmem:v0+s19+$0xFFFFFFE0 ss:$0x1], $0xffff;
	[tilespmem:s20+$0x0] =	vst v1;
	(pc) =	sbr.rel @p1 .LBB1_5-.Ltmp3, $4  }
0x32: {  	v3 =	vld.idx.msk [tilespmem:v0+s19+$0xFFFFFFF0 ss:$0x1], $0xffff;
	[tilespmem:s20+$0x10] =	vst v2  }
0x33: {  	v1 =	vld.idx.msk [tilespmem:v0+s19+$0x0 ss:$0x1], $0xffff;
	[tilespmem:s20+$0x20] =	vst v6;
	s20 =	sadd.s32 $0x400, s20  }
0x34: {  	v2 =	vld.idx.msk [tilespmem:v0+s19+$0x10 ss:$0x1], $0xffff;
	[tilespmem:s20+$0x30] =	vst v7  }
0x35: {  	[tilespmem:s20+$0xFFFFFFC0] =	vst v8;
	v6 =	vld.idx.msk [tilespmem:v0+s19+$0x20 ss:$0x1], $0xffff;
	s19 =	sshra.s32 s21, $0x2;
	s21 =	sadd.s32 $0x200, s21  }
0x36: {  	_ =	sdelay $0x2  }
0x37: {  	[tilespmem:s20+$0xFFFFFFD0] =	vst v5  }
0x38: {  	v56 =	vld.idx.msk [tilespmem:v0+s19+$0x30 ss:$0x1], $0xffff;
	[tilespmem:s20+$0xFFFFFFE0] =	vst v4  }
0x39: {  	v57 =	vld.idx.msk [tilespmem:v0+s19+$0xFFFFFFC0 ss:$0x1], $0xffff;
	[tilespmem:s20+$0xFFFFFFF0] =	vst v3  }
0x3a: {  	v58 =	vld.idx.msk [tilespmem:v0+s19+$0xFFFFFFD0 ss:$0x1], $0xffff;
	[tilespmem:s20+$0x0] =	vst v1  }
0x3b: {  	v59 =	vld.idx.msk [tilespmem:v0+s19+$0xFFFFFFE0 ss:$0x1], $0xffff;
	[tilespmem:s20+$0x10] =	vst v2  }
0x3c: {  	v60 =	vld.idx.msk [tilespmem:v0+s19+$0xFFFFFFF0 ss:$0x1], $0xffff;
	s31 =	sadd.s32 $0x400, s20;
	[tilespmem:s20+$0x20] =	vst v6  }
0x3d: {  	v61 =	vld.idx.msk [tilespmem:v0+s19+$0x0 ss:$0x1], $0xffff;
	[tilespmem:s31+$0x30] =	vst v56  }
0x3e: {  	v62 =	vld.idx.msk [tilespmem:v0+s19+$0x10 ss:$0x1], $0xffff;
	s18 =	sadd.s32 $0x1, s18;
	[tilespmem:s31+$0xFFFFFFC0] =	vst v57  }
0x3f: {  	v63 =	vld.idx.msk [tilespmem:v0+s19+$0x20 ss:$0x1], $0xffff;
	p1 =	sne.s32 s18, $0x8;
	[tilespmem:s31+$0xFFFFFFD0] =	vst v58  }
.Ltmp4:
0x40: {  	[tilespmem:s31+$0xFFFFFFE0] =	vst v59;
	(pc) =	sbr.rel @p1 .LBB1_4-.Ltmp4, $4  }
0x41: {  	[tilespmem:s31+$0xFFFFFFF0] =	vst v60  }
0x42: {  	[tilespmem:s31+$0x0] =	vst v61  }
0x43: {  	[tilespmem:s31+$0x10] =	vst v62  }
0x44: {  	s16 =	sadd.s32 $0x80, s16;
	s17 =	sadd.s32 $0x400, s17;
	[tilespmem:s31+$0x20] =	vst v63  }
.Ltmp5:
0x45: {  	(pc) =	sbr.rel @p0 .LBB1_3-.Ltmp5, $2  }
0x46: {  	_ =	sdelay $0x2  }
0x47: {  	s16 =	simm.s32 $0x2000;
	p1 =	por $0x0, $0x0  }
.Ltmp6:
0x48: {  	(pc) =	sbr.rel .LBB1_9-.Ltmp6, $4  }
0x49: {  	_ = 	snop  }
0x4a: {  	s12 =	sshll.u32 s12, $0xA  }
0x4b: {  	s12 =	sadd.s32 s4, s12  }
0x4c: {  	[hbm4b:s12+s8] =	stream.linear.scatter [tilespmem:s13], [sflag:$0x2], $0x4000, $0x38;
	[tilespmem:$0x10000] =	vst v63  }
.LBB1_10:
0x4d: {  	_ =	sfence.sel $0x180000  }
0x4e: {  	s2 =	simm.s32 $0x1;
	[bflag:$0x0] =	sbarrier.arrive $0xFFFF  }
0x4f: {  	s31 =	simm.s32 $0x2;
	[sflag:s2] =	ssyncpa.u1 $0x1  }
0x50: {  	[sflag:s31] =	ssyncpa.u1 $0x1  }
0x51: {  	p0 =	sne.s32 s0, $0x0;
	_ =	strace $0x9000004D  }
0x52: {  	s0 =	sadd.s32 @!p0 $0x100000, s1;
	[bflag:$0x2] =	sbarrier.arrive $0xFFFF  }
0x53: {  	[sflag:s0] =	ssyncadd.tile.s32 @!p0 $0x1;
	_ =	shalt  }
.Lfunc_end1:
_tile_overlayer_lowered:
.L_overlay_start_2:
0x54: {  	(tag) =	ssettag $0x2  }
0x55: {  	s0 =	rddreg [dreg:$0x0];
	s2 =	stileid.u32  }
0x56: {  	s1 =	rddreg [dreg:$0x1];
	p0 =	sne.s32 s2, $0x0  }
0x57: {  	s3 =	rddreg [dreg:$0x2];
	[bflag:$0x3] =	sbarrier.arrive $0xFFFF;
	s2 =	simm.s32 @!p0 $0x1C01  }
0x58: {  	[timem:s3], [sflag:s2] =	dma.local @!p0 [hbm:s0], s1  }
0x59: {  	s0 =	simm.s32 @!p0 $0x1  }
0x5a: {  	_ =	swait.ge @!p0 [sflag:s0], s1  }
0x5b: {  	s1 =	ssub.s32 @!p0 $0x0, s1;
	[sflag:s0] =	ssyncset.done @!p0 $0x0  }
0x5c: {  	[sflag:s0] =	ssyncadd.s32 @!p0 s1  }
0x5d: {  	[bflag:$0x3] =	sbarrier.arrive $0xFFFF  }
0x5e: {  	_ =	shalt  }

// kernel: sparse-core-data-format-call.2.cloned.1.call-start
scs
called_computation.2_lowered:
.L_overlay_start_0:
0x0: {  	s1 =	sld [smem:$0x3FD9]  }
0x1: {  	s2 =	sld [smem:$0x3FFE];
	_ =	sdelay $0x1  }
0x2: {  	s3 =	srdreg.scid  }
0x3: {  	s0 =	sand.u32 $0x1, s3  }
0x4: {  	s17 =	sshll.u32 s0, $0xA;
	s1 =	sadd.s32 s2, s1  }
0x5: {  	s1 =	sadd.s32 s1, s17  }
0x6: {  	[smem:$0x3FAF] =	sst s1  }
0x7: {  	_ = 	snop  }
0x8: {  	(tm) =	ssettm $0x1  }
0x9: {  	s18 =	sld [smem:$0x3FFB];
	_ =	sdelay $0x3  }
0xa: {  	_ =	strace s18  }
0xb: {  	s1 =	sld [smem:$0x3FFC];
	_ =	sdelay $0x3  }
0xc: {  	_ =	strace s1  }
0xd: {  	s1 =	sld [smem:$0x3FFD];
	_ =	sdelay $0x3  }
0xe: {  	_ =	strace s1  }
0xf: {  	_ =	strace $0x8FFFFFFF  }
0x10: {  	s19 =	sld [smem:$0x3FDB];
	_ =	sdelay $0x1  }
0x11: {  	s20 =	simm.s32 $_scs_section_size  }
0x12: {  	s4 =	simm.s32 $_size__tile_overlayer_lowered;
	s5 =	simm.s32 $_tile_overlayer_lowered  }
0x13: {  	s23 =	simm.s32 $0x1BFF;
	s22 =	sshll.u32 s5, $0x1;
	s1 =	sadd.s32 s20, s19  }
0x14: {  	s6 =	simm.s32 $0x0;
	s21 =	sshll.u32 s4, $0x1;
	s4 =	sadd.s32 s22, s1  }
0x15: {  	[timem:s6], [sflag:s23] =	dma.local [hbm:s4], s21  }
0x16: {  	_ =	swait.ge [sflag:s23], s21  }
0x17: {  	s2 =	ssub.s32 $0x0, s21;
	[sflag:s23] =	ssyncset.done $0x0  }
0x18: {  	[sflag:s23] =	ssyncadd.s32 s2;
	_ =	sdelay $0x1  }
0x19: {  	s24 =	simm.s32 $0x1B8B  }
0x1a: {  	_ =	swait.ge [sflag:s24], $0x1  }
0x1b: {  	[sflag:s24] =	ssyncset.done $0x0  }
0x1c: {  	s26 =	simm.s32 $0x1B8E;
	s25 =	sld [smem:$0x3FFE];
	[sflag:s24] =	ssyncadd.s32 $0xFFFFFFFF  }
0x1d: {  	s27 =	simm.s32 $execute0_lowered;
	[smem:$0x3FD2] =	sst s26  }
0x1e: {  	s4 =	sshll.u32 s27, $0x1;
	_ =	strace $0x80000046;
	[dreg:$0x1] =	wrdreg $0xFFFFFFFF  }
0x1f: {  	s28 =	simm.s32 $_size_execute0_lowered;
	s1 =	sadd.s32 s1, s4;
	[dreg:$0x0] =	wrdreg $0x0  }
0x20: {  	s4 =	sshll.u32 s28, $0x1;
	[dreg:$0x2] =	wrdreg s1  }
0x21: {  	[dreg:$0x3] =	wrdreg s4  }
0x22: {  	[dreg:$0x4] =	wrdreg $0xC0  }
0x23: {  	_ =	task [dreg:s6], $0x5FFFF  }
0x24: {  	[dreg:$0x1] =	wrdreg $0xFFFFFFFF  }
0x25: {  	[dreg:$0x0] =	wrdreg $0x60  }
0x26: {  	[dreg:$0x2] =	wrdreg s25  }
0x27: {  	[dreg:$0x3] =	wrdreg $0x9  }
0x28: {  	_ =	task.clear_ibuf [dreg:s6], $0x4FFFF;
	_ =	strace $0x90000046  }
0x29: {  	s29 =	simm.s32 $0x9;
	_ =	strace $0x80000048  }
0x2a: {  	_ =	swait.ge [sflag:s29], $0x1  }
0x2b: {  	[sflag:s29] =	ssyncadd.s32 $0xFFFFFFFF  }
0x2c: {  	_ =	strace $0x90000048  }
0x2d: {  	_ =	sfence  }
0x2e: {  	s30 =	sld [smem:$0x0];
	_ =	sdelay $0x2  }
0x2f: {  	s31 =	sshll.u32 s3, $0xD;
	s3 =	sshrl.u32 s3, $0x2  }
0x30: {  	s2 =	sand.u32 $0x4000, s31;
	s1 =	sadd.s32 s3, s30  }
0x31: {  	s0 =	sor.u32 s2, s0;
	s1 =	sshll.u32 s1, $0x11  }
0x32: {  	s0 =	sor.u32 s1, s0  }
0x33: {  	s0 =	sadd.s32 $0x8F2B, s0  }
0x34: {  	[sflag:s0] =	ssyncadd.remote.s32 $0x1  }
0x35: {  	_ =	sfence.sel $0xFFFF  }
0x36: {  	[dreg:$0x0] =	wrdreg $0xFFFFFFFF;
	(pc) =	sbr.abs _section_cstart, $3  }
0x37: {  	[dreg:$0x1] =	wrdreg $0xFFFFFFFF  }
0x38: {  	_ =	task.clear_ibuf [dreg:s6], $0x2FFFF;
	_ =	strace $0x9FFFFFFF  }
0x39: {  	(tm) =	ssettm $0x7FFFFFFF  }
tec
execute0_lowered:
.L_overlay_start_1:
0x0: {  	(tag) =	ssettag $0x1  }
0x1: {  	s0 =	srdreg.scid  }
0x2: {  	s1 =	sshll.u32 s0, $0x4  }
0x3: {  	s4 =	rddreg [dreg:$0x0];
	s0 =	stileid.u32;
	s1 =	sand.u32 $0x10, s1  }
0x4: {  	s7 =	simm.s32 $0x1;
	s8 =	simm.s32 $0x2;
	s1 =	sor.u32 s0, s1  }
0x5: {  	s9 =	simm.s32 $0x0;
	s12 =	simm.s32 $0x0;
	s2 =	sshll.u32 s1, $0x1  }
0x6: {  	s11 =	simm.s32 $0x0;
	s3 =	sadd.s32 $0x4C00, s4;
	s6 =	ssub.s32 $0x4E2, s2  }
.Ltmp0:
0x7: {  	s4 =	sadd.s32 $0x13D400, s4;
	s5 =	sand.u32 $0x3E, s6;
	(pc) =	sbr.rel .LBB1_1-.Ltmp0, $4  }
0x8: {  	s1 =	rddreg [dreg:$0x1];
	_ =	strace $0x80000047;
	p0 =	sne.s32 s5, $0x0  }
0x9: {  	s6 =	sshrl.u32 s6, $0x6;
	s5 =	simm.s32 $0x1;
	s7 =	simm.s32 @!p0 $0x0  }
0xa: {  	s10 =	smov.u32 s2;
	[sflag:s5] =	ssyncpa.u1 $0x0;
	s6 =	sadd.s32 s7, s6  }
0xb: {  	[sflag:s8] =	ssyncpa.u1 $0x0;
	s8 =	simm.s32 $0x0;
	s7 =	sadd.s32 $0x1, s6  }
.LBB1_9:
0xc: {  	s14 =	sadd.s32 $0x40, s10  }
0xd: {  	p1 =	sgt.s32 s14, $0x4E1  }
0xe: {  	s14 =	smov.u32 @p1 s2;
	p1 =	sne.s32 s11, s7  }
.Ltmp1:
0xf: {  	p0 =	slt.u32 s11, $0x2;
	(pc) =	sbr.rel @!p1 .LBB1_10-.Ltmp1, $4  }
0x10: {  	s13 =	simm.s32 @!p0 $0x2  }
0x11: {  	s15 =	sadd.s32 $0x1, s11;
	_ =	swait.ge @!p0 [sflag:s13], $0x4000  }
0x12: {  	s12 =	smov.u32 s10;
	s9 =	sadd.s32 $0x4000, s9;
	[sflag:s13] =	ssyncset.done @!p0 $0x0  }
0x13: {  	s11 =	smov.u32 s15;
	s10 =	smov.u32 s14;
	[sflag:s13] =	ssyncadd.s32 @!p0 $0xFFFFC000  }
.LBB1_1:
0x14: {  	p0 =	sge.u32 s11, s6  }
0x15: {  	s13 =	sxor.u32 @!p0 $0xFFFFFFFF, s11  }
0x16: {  	s31 =	sadd.s32 $0xFFFFFFFF, s11;
	s14 =	sshll.u32 @!p0 s10, $0xA;
	s13 =	sshll.u32 @!p0 s13, $0xE  }
0x17: {  	s15 =	simm.s32 @!p0 $0x0;
	s14 =	sadd.s32 @!p0 s3, s14;
	s13 =	sand.u32 @!p0 $0x4000, s13  }
0x18: {  	[tilespmem:s13], [sflag:$0x1] =	stream.linear.gather @!p0 [hbm4b:s14+s15], $0x4000, $0x38;
	[tilespmem:$0x10000] =	vst v63  }
0x19: {  	p0 =	sge.u32 s31, s6  }
.Ltmp2:
0x1a: {  	_ = 	snop;
	(pc) =	sbr.rel @p0 .LBB1_9-.Ltmp2, $1  }
0x1b: {  	_ =	sdelay $0x3  }
0x1c: {  	s13 =	sshll.u32 s9, $0x2  }
0x1d: {  	_ =	swait.ge [sflag:s5], $0x4000;
	s14 =	sshll.u32 s11, $0xE;
	s16 =	simm.s32 $0x0  }
0x1e: {  	p1 =	por $0x1, $0x1;
	s13 =	sand.u32 $0x10000, s13;
	[sflag:s5] =	ssyncset.done $0x0  }
0x1f: {  	s14 =	sand.u32 $0x4000, s14;
	s15 =	sshrl.u32 s13, $0x2;
	[sflag:s5] =	ssyncadd.s32 $0xFFFFC000  }
0x20: {  	s13 =	sor.u32 $0x8000, s14;
	s14 =	sadd.s32 $0x8040, s15;
	s15 =	sadd.s32 $0x40, s15  }
.LBB1_3:
0x21: {  	s16 =	sshll.u32 s16, $0x2  }
0x22: {  	p0 =	por p1, p1;
	s17 =	sshra.s32 s16, $0x2  }
0x23: {  	s18 =	simm.s32 $0x0;
	s16 =	sadd.s32 s17, s14;
	s17 =	sadd.s32 s17, s15  }
.LBB1_4:
0x24: {  	v0 =	vmov s17;
	_ =	sdelay $0x3  }
0x25: {  	s20 =	simm.s32 $0x0  }
0x26: {  	v6 =	vld.idx.msk [tilespmem:v0+s20+$0x30 ss:$0x1], $0xffff  }
0x27: {  	v7 =	vld.idx.msk [tilespmem:v0+s20+$0xFFFFFFC0 ss:$0x1], $0xffff  }
0x28: {  	v5 =	vld.idx.msk [tilespmem:v0+s20+$0xFFFFFFD0 ss:$0x1], $0xffff  }
0x29: {  	v4 =	vld.idx.msk [tilespmem:v0+s20+$0xFFFFFFE0 ss:$0x1], $0xffff  }
0x2a: {  	v3 =	vld.idx.msk [tilespmem:v0+s20+$0xFFFFFFF0 ss:$0x1], $0xffff  }
0x2b: {  	v1 =	vld.idx.msk [tilespmem:v0+s20+$0x0 ss:$0x1], $0xffff  }
0x2c: {  	v2 =	vld.idx.msk [tilespmem:v0+s20+$0x10 ss:$0x1], $0xffff;
	[tilespmem:s16+$0x30] =	vst v6  }
0x2d: {  	s19 =	simm.s32 $0x80;
	s21 =	simm.s32 $0x400;
	[tilespmem:s16+$0xFFFFFFC0] =	vst v7;
	v6 =	vld.idx.msk [tilespmem:v0+s20+$0x20 ss:$0x1], $0xffff;
	s20 =	smov.u32 s16  }
.LBB1_5:
0x2e: {  	p1 =	sne.s32 s21, $0xE00;
	v7 =	vld.idx.msk [tilespmem:v0+s19+$0x30 ss:$0x1], $0xffff;
	[tilespmem:s20+$0xFFFFFFD0] =	vst v5  }
0x2f: {  	v8 =	vld.idx.msk [tilespmem:v0+s19+$0xFFFFFFC0 ss:$0x1], $0xffff;
	[tilespmem:s20+$0xFFFFFFE0] =	vst v4  }
0x30: {  	v5 =	vld.idx.msk [tilespmem:v0+s19+$0xFFFFFFD0 ss:$0x1], $0xffff;
	[tilespmem:s20+$0xFFFFFFF0] =	vst v3  }
.Ltmp3:
0x31: {  	v4 =	vld.idx.msk [tilespmem:v0+s19+$0xFFFFFFE0 ss:$0x1], $0xffff;
	[tilespmem:s20+$0x0] =	vst v1;
	(pc) =	sbr.rel @p1 .LBB1_5-.Ltmp3, $4  }
0x32: {  	v3 =	vld.idx.msk [tilespmem:v0+s19+$0xFFFFFFF0 ss:$0x1], $0xffff;
	[tilespmem:s20+$0x10] =	vst v2  }
0x33: {  	v1 =	vld.idx.msk [tilespmem:v0+s19+$0x0 ss:$0x1], $0xffff;
	[tilespmem:s20+$0x20] =	vst v6;
	s20 =	sadd.s32 $0x400, s20  }
0x34: {  	v2 =	vld.idx.msk [tilespmem:v0+s19+$0x10 ss:$0x1], $0xffff;
	[tilespmem:s20+$0x30] =	vst v7  }
0x35: {  	[tilespmem:s20+$0xFFFFFFC0] =	vst v8;
	v6 =	vld.idx.msk [tilespmem:v0+s19+$0x20 ss:$0x1], $0xffff;
	s19 =	sshra.s32 s21, $0x2;
	s21 =	sadd.s32 $0x200, s21  }
0x36: {  	_ =	sdelay $0x2  }
0x37: {  	[tilespmem:s20+$0xFFFFFFD0] =	vst v5  }
0x38: {  	v56 =	vld.idx.msk [tilespmem:v0+s19+$0x30 ss:$0x1], $0xffff;
	[tilespmem:s20+$0xFFFFFFE0] =	vst v4  }
0x39: {  	v57 =	vld.idx.msk [tilespmem:v0+s19+$0xFFFFFFC0 ss:$0x1], $0xffff;
	[tilespmem:s20+$0xFFFFFFF0] =	vst v3  }
0x3a: {  	v58 =	vld.idx.msk [tilespmem:v0+s19+$0xFFFFFFD0 ss:$0x1], $0xffff;
	[tilespmem:s20+$0x0] =	vst v1  }
0x3b: {  	v59 =	vld.idx.msk [tilespmem:v0+s19+$0xFFFFFFE0 ss:$0x1], $0xffff;
	[tilespmem:s20+$0x10] =	vst v2  }
0x3c: {  	v60 =	vld.idx.msk [tilespmem:v0+s19+$0xFFFFFFF0 ss:$0x1], $0xffff;
	s31 =	sadd.s32 $0x400, s20;
	[tilespmem:s20+$0x20] =	vst v6  }
0x3d: {  	v61 =	vld.idx.msk [tilespmem:v0+s19+$0x0 ss:$0x1], $0xffff;
	[tilespmem:s31+$0x30] =	vst v56  }
0x3e: {  	v62 =	vld.idx.msk [tilespmem:v0+s19+$0x10 ss:$0x1], $0xffff;
	s18 =	sadd.s32 $0x1, s18;
	[tilespmem:s31+$0xFFFFFFC0] =	vst v57  }
0x3f: {  	v63 =	vld.idx.msk [tilespmem:v0+s19+$0x20 ss:$0x1], $0xffff;
	p1 =	sne.s32 s18, $0x8;
	[tilespmem:s31+$0xFFFFFFD0] =	vst v58  }
.Ltmp4:
0x40: {  	[tilespmem:s31+$0xFFFFFFE0] =	vst v59;
	(pc) =	sbr.rel @p1 .LBB1_4-.Ltmp4, $4  }
0x41: {  	[tilespmem:s31+$0xFFFFFFF0] =	vst v60  }
0x42: {  	[tilespmem:s31+$0x0] =	vst v61  }
0x43: {  	[tilespmem:s31+$0x10] =	vst v62  }
0x44: {  	s16 =	sadd.s32 $0x80, s16;
	s17 =	sadd.s32 $0x400, s17;
	[tilespmem:s31+$0x20] =	vst v63  }
.Ltmp5:
0x45: {  	(pc) =	sbr.rel @p0 .LBB1_3-.Ltmp5, $2  }
0x46: {  	_ =	sdelay $0x2  }
0x47: {  	s16 =	simm.s32 $0x2000;
	p1 =	por $0x0, $0x0  }
.Ltmp6:
0x48: {  	(pc) =	sbr.rel .LBB1_9-.Ltmp6, $4  }
0x49: {  	_ = 	snop  }
0x4a: {  	s12 =	sshll.u32 s12, $0xA  }
0x4b: {  	s12 =	sadd.s32 s4, s12  }
0x4c: {  	[hbm4b:s12+s8] =	stream.linear.scatter [tilespmem:s13], [sflag:$0x2], $0x4000, $0x38;
	[tilespmem:$0x10000] =	vst v63  }
.LBB1_10:
0x4d: {  	_ =	sfence.sel $0x180000  }
0x4e: {  	s2 =	simm.s32 $0x1;
	[bflag:$0x0] =	sbarrier.arrive $0xFFFF  }
0x4f: {  	s31 =	simm.s32 $0x2;
	[sflag:s2] =	ssyncpa.u1 $0x1  }
0x50: {  	[sflag:s31] =	ssyncpa.u1 $0x1  }
0x51: {  	p0 =	sne.s32 s0, $0x0;
	_ =	strace $0x90000047  }
0x52: {  	s0 =	sadd.s32 @!p0 $0x100000, s1;
	[bflag:$0x2] =	sbarrier.arrive $0xFFFF  }
0x53: {  	[sflag:s0] =	ssyncadd.tile.s32 @!p0 $0x1;
	_ =	shalt  }
.Lfunc_end1:
_tile_overlayer_lowered:
.L_overlay_start_2:
0x54: {  	(tag) =	ssettag $0x2  }
0x55: {  	s0 =	rddreg [dreg:$0x0];
	s2 =	stileid.u32  }
0x56: {  	s1 =	rddreg [dreg:$0x1];
	p0 =	sne.s32 s2, $0x0  }
0x57: {  	s3 =	rddreg [dreg:$0x2];
	[bflag:$0x3] =	sbarrier.arrive $0xFFFF;
	s2 =	simm.s32 @!p0 $0x1C01  }
0x58: {  	[timem:s3], [sflag:s2] =	dma.local @!p0 [hbm:s0], s1  }
0x59: {  	s0 =	simm.s32 @!p0 $0x1  }
0x5a: {  	_ =	swait.ge @!p0 [sflag:s0], s1  }
0x5b: {  	s1 =	ssub.s32 @!p0 $0x0, s1;
	[sflag:s0] =	ssyncset.done @!p0 $0x0  }
0x5c: {  	[sflag:s0] =	ssyncadd.s32 @!p0 s1  }
0x5d: {  	[bflag:$0x3] =	sbarrier.arrive $0xFFFF  }
0x5e: {  	_ =	shalt  }

// kernel: sparse-core-data-format-call.cloned.1.call-start
scs
called_computation_lowered:
.L_overlay_start_0:
0x0: {  	s1 =	sld [smem:$0x3FD9]  }
0x1: {  	s2 =	sld [smem:$0x3FFE];
	_ =	sdelay $0x1  }
0x2: {  	s3 =	srdreg.scid  }
0x3: {  	s0 =	sand.u32 $0x1, s3  }
0x4: {  	s17 =	sshll.u32 s0, $0xA;
	s1 =	sadd.s32 s2, s1  }
0x5: {  	s1 =	sadd.s32 s1, s17  }
0x6: {  	[smem:$0x3FAF] =	sst s1  }
0x7: {  	_ = 	snop  }
0x8: {  	(tm) =	ssettm $0x1  }
0x9: {  	s18 =	sld [smem:$0x3FFB];
	_ =	sdelay $0x3  }
0xa: {  	_ =	strace s18  }
0xb: {  	s1 =	sld [smem:$0x3FFC];
	_ =	sdelay $0x3  }
0xc: {  	_ =	strace s1  }
0xd: {  	s1 =	sld [smem:$0x3FFD];
	_ =	sdelay $0x3  }
0xe: {  	_ =	strace s1  }
0xf: {  	_ =	strace $0x8FFFFFFF  }
0x10: {  	s19 =	sld [smem:$0x3FDB];
	_ =	sdelay $0x1  }
0x11: {  	s20 =	simm.s32 $_scs_section_size  }
0x12: {  	s4 =	simm.s32 $_size__tile_overlayer_lowered;
	s5 =	simm.s32 $_tile_overlayer_lowered  }
0x13: {  	s23 =	simm.s32 $0x1BFF;
	s22 =	sshll.u32 s5, $0x1;
	s1 =	sadd.s32 s20, s19  }
0x14: {  	s6 =	simm.s32 $0x0;
	s21 =	sshll.u32 s4, $0x1;
	s4 =	sadd.s32 s22, s1  }
0x15: {  	[timem:s6], [sflag:s23] =	dma.local [hbm:s4], s21  }
0x16: {  	_ =	swait.ge [sflag:s23], s21  }
0x17: {  	s2 =	ssub.s32 $0x0, s21;
	[sflag:s23] =	ssyncset.done $0x0  }
0x18: {  	[sflag:s23] =	ssyncadd.s32 s2;
	_ =	sdelay $0x1  }
0x19: {  	s24 =	simm.s32 $0x1B8B  }
0x1a: {  	_ =	swait.ge [sflag:s24], $0x1  }
0x1b: {  	[sflag:s24] =	ssyncset.done $0x0  }
0x1c: {  	s26 =	simm.s32 $0x1B8E;
	s25 =	sld [smem:$0x3FFE];
	[sflag:s24] =	ssyncadd.s32 $0xFFFFFFFF  }
0x1d: {  	s27 =	simm.s32 $execute0_lowered;
	[smem:$0x3FD2] =	sst s26  }
0x1e: {  	s4 =	sshll.u32 s27, $0x1;
	_ =	strace $0x80000052;
	[dreg:$0x1] =	wrdreg $0xFFFFFFFF  }
0x1f: {  	s28 =	simm.s32 $_size_execute0_lowered;
	s1 =	sadd.s32 s1, s4;
	[dreg:$0x0] =	wrdreg $0x0  }
0x20: {  	s4 =	sshll.u32 s28, $0x1;
	[dreg:$0x2] =	wrdreg s1  }
0x21: {  	[dreg:$0x3] =	wrdreg s4  }
0x22: {  	[dreg:$0x4] =	wrdreg $0xC0  }
0x23: {  	_ =	task [dreg:s6], $0x5FFFF  }
0x24: {  	[dreg:$0x1] =	wrdreg $0xFFFFFFFF  }
0x25: {  	[dreg:$0x0] =	wrdreg $0x60  }
0x26: {  	[dreg:$0x2] =	wrdreg s25  }
0x27: {  	[dreg:$0x3] =	wrdreg $0x9  }
0x28: {  	_ =	task.clear_ibuf [dreg:s6], $0x4FFFF;
	_ =	strace $0x90000052  }
0x29: {  	s29 =	simm.s32 $0x9;
	_ =	strace $0x80000054  }
0x2a: {  	_ =	swait.ge [sflag:s29], $0x1  }
0x2b: {  	[sflag:s29] =	ssyncadd.s32 $0xFFFFFFFF  }
0x2c: {  	_ =	strace $0x90000054  }
0x2d: {  	_ =	sfence  }
0x2e: {  	s30 =	sld [smem:$0x0];
	_ =	sdelay $0x2  }
0x2f: {  	s31 =	sshll.u32 s3, $0xD;
	s3 =	sshrl.u32 s3, $0x2  }
0x30: {  	s2 =	sand.u32 $0x4000, s31;
	s1 =	sadd.s32 s3, s30  }
0x31: {  	s0 =	sor.u32 s2, s0;
	s1 =	sshll.u32 s1, $0x11  }
0x32: {  	s0 =	sor.u32 s1, s0  }
0x33: {  	s0 =	sadd.s32 $0x8F2B, s0  }
0x34: {  	[sflag:s0] =	ssyncadd.remote.s32 $0x1  }
0x35: {  	_ =	sfence.sel $0xFFFF  }
0x36: {  	[dreg:$0x0] =	wrdreg $0xFFFFFFFF;
	(pc) =	sbr.abs _section_cstart, $3  }
0x37: {  	[dreg:$0x1] =	wrdreg $0xFFFFFFFF  }
0x38: {  	_ =	task.clear_ibuf [dreg:s6], $0x2FFFF;
	_ =	strace $0x9FFFFFFF  }
0x39: {  	(tm) =	ssettm $0x7FFFFFFF  }
tec
execute0_lowered:
.L_overlay_start_1:
0x0: {  	(tag) =	ssettag $0x1  }
0x1: {  	s0 =	srdreg.scid  }
0x2: {  	s1 =	sshll.u32 s0, $0x4  }
0x3: {  	s4 =	rddreg [dreg:$0x0];
	s0 =	stileid.u32;
	s1 =	sand.u32 $0x10, s1  }
0x4: {  	s7 =	simm.s32 $0x1;
	s8 =	simm.s32 $0x2;
	s1 =	sor.u32 s0, s1  }
0x5: {  	s9 =	simm.s32 $0x0;
	s12 =	simm.s32 $0x0;
	s2 =	sshll.u32 s1, $0x1  }
0x6: {  	s11 =	simm.s32 $0x0;
	s3 =	sadd.s32 $0x4C00, s4;
	s6 =	ssub.s32 $0x4E2, s2  }
.Ltmp0:
0x7: {  	s4 =	sadd.s32 $0x13D400, s4;
	s5 =	sand.u32 $0x3E, s6;
	(pc) =	sbr.rel .LBB1_1-.Ltmp0, $4  }
0x8: {  	s1 =	rddreg [dreg:$0x1];
	_ =	strace $0x80000053;
	p0 =	sne.s32 s5, $0x0  }
0x9: {  	s6 =	sshrl.u32 s6, $0x6;
	s5 =	simm.s32 $0x1;
	s7 =	simm.s32 @!p0 $0x0  }
0xa: {  	s10 =	smov.u32 s2;
	[sflag:s5] =	ssyncpa.u1 $0x0;
	s6 =	sadd.s32 s7, s6  }
0xb: {  	[sflag:s8] =	ssyncpa.u1 $0x0;
	s8 =	simm.s32 $0x0;
	s7 =	sadd.s32 $0x1, s6  }
.LBB1_9:
0xc: {  	s14 =	sadd.s32 $0x40, s10  }
0xd: {  	p1 =	sgt.s32 s14, $0x4E1  }
0xe: {  	s14 =	smov.u32 @p1 s2;
	p1 =	sne.s32 s11, s7  }
.Ltmp1:
0xf: {  	p0 =	slt.u32 s11, $0x2;
	(pc) =	sbr.rel @!p1 .LBB1_10-.Ltmp1, $4  }
0x10: {  	s13 =	simm.s32 @!p0 $0x2  }
0x11: {  	s15 =	sadd.s32 $0x1, s11;
	_ =	swait.ge @!p0 [sflag:s13], $0x4000  }
0x12: {  	s12 =	smov.u32 s10;
	s9 =	sadd.s32 $0x4000, s9;
	[sflag:s13] =	ssyncset.done @!p0 $0x0  }
0x13: {  	s11 =	smov.u32 s15;
	s10 =	smov.u32 s14;
	[sflag:s13] =	ssyncadd.s32 @!p0 $0xFFFFC000  }
.LBB1_1:
0x14: {  	p0 =	sge.u32 s11, s6  }
0x15: {  	s13 =	sxor.u32 @!p0 $0xFFFFFFFF, s11  }
0x16: {  	s31 =	sadd.s32 $0xFFFFFFFF, s11;
	s14 =	sshll.u32 @!p0 s10, $0xA;
	s13 =	sshll.u32 @!p0 s13, $0xE  }
0x17: {  	s15 =	simm.s32 @!p0 $0x0;
	s14 =	sadd.s32 @!p0 s3, s14;
	s13 =	sand.u32 @!p0 $0x4000, s13  }
0x18: {  	[tilespmem:s13], [sflag:$0x1] =	stream.linear.gather @!p0 [hbm4b:s14+s15], $0x4000, $0x38;
	[tilespmem:$0x10000] =	vst v63  }
0x19: {  	p0 =	sge.u32 s31, s6  }
.Ltmp2:
0x1a: {  	_ = 	snop;
	(pc) =	sbr.rel @p0 .LBB1_9-.Ltmp2, $1  }
0x1b: {  	_ =	sdelay $0x3  }
0x1c: {  	s13 =	sshll.u32 s9, $0x2  }
0x1d: {  	_ =	swait.ge [sflag:s5], $0x4000;
	s14 =	sshll.u32 s11, $0xE;
	s16 =	simm.s32 $0x0  }
0x1e: {  	p1 =	por $0x1, $0x1;
	s13 =	sand.u32 $0x10000, s13;
	[sflag:s5] =	ssyncset.done $0x0  }
0x1f: {  	s14 =	sand.u32 $0x4000, s14;
	s15 =	sshrl.u32 s13, $0x2;
	[sflag:s5] =	ssyncadd.s32 $0xFFFFC000  }
0x20: {  	s13 =	sor.u32 $0x8000, s14;
	s14 =	sadd.s32 $0x8040, s15;
	s15 =	sadd.s32 $0x40, s15  }
.LBB1_3:
0x21: {  	s16 =	sshll.u32 s16, $0x2  }
0x22: {  	p0 =	por p1, p1;
	s17 =	sshra.s32 s16, $0x2  }
0x23: {  	s18 =	simm.s32 $0x0;
	s16 =	sadd.s32 s17, s14;
	s17 =	sadd.s32 s17, s15  }
.LBB1_4:
0x24: {  	v0 =	vmov s17;
	_ =	sdelay $0x3  }
0x25: {  	s20 =	simm.s32 $0x0  }
0x26: {  	v6 =	vld.idx.msk [tilespmem:v0+s20+$0x30 ss:$0x1], $0xffff  }
0x27: {  	v7 =	vld.idx.msk [tilespmem:v0+s20+$0xFFFFFFC0 ss:$0x1], $0xffff  }
0x28: {  	v5 =	vld.idx.msk [tilespmem:v0+s20+$0xFFFFFFD0 ss:$0x1], $0xffff  }
0x29: {  	v4 =	vld.idx.msk [tilespmem:v0+s20+$0xFFFFFFE0 ss:$0x1], $0xffff  }
0x2a: {  	v3 =	vld.idx.msk [tilespmem:v0+s20+$0xFFFFFFF0 ss:$0x1], $0xffff  }
0x2b: {  	v1 =	vld.idx.msk [tilespmem:v0+s20+$0x0 ss:$0x1], $0xffff  }
0x2c: {  	v2 =	vld.idx.msk [tilespmem:v0+s20+$0x10 ss:$0x1], $0xffff;
	[tilespmem:s16+$0x30] =	vst v6  }
0x2d: {  	s19 =	simm.s32 $0x80;
	s21 =	simm.s32 $0x400;
	[tilespmem:s16+$0xFFFFFFC0] =	vst v7;
	v6 =	vld.idx.msk [tilespmem:v0+s20+$0x20 ss:$0x1], $0xffff;
	s20 =	smov.u32 s16  }
.LBB1_5:
0x2e: {  	p1 =	sne.s32 s21, $0xE00;
	v7 =	vld.idx.msk [tilespmem:v0+s19+$0x30 ss:$0x1], $0xffff;
	[tilespmem:s20+$0xFFFFFFD0] =	vst v5  }
0x2f: {  	v8 =	vld.idx.msk [tilespmem:v0+s19+$0xFFFFFFC0 ss:$0x1], $0xffff;
	[tilespmem:s20+$0xFFFFFFE0] =	vst v4  }
0x30: {  	v5 =	vld.idx.msk [tilespmem:v0+s19+$0xFFFFFFD0 ss:$0x1], $0xffff;
	[tilespmem:s20+$0xFFFFFFF0] =	vst v3  }
.Ltmp3:
0x31: {  	v4 =	vld.idx.msk [tilespmem:v0+s19+$0xFFFFFFE0 ss:$0x1], $0xffff;
	[tilespmem:s20+$0x0] =	vst v1;
	(pc) =	sbr.rel @p1 .LBB1_5-.Ltmp3, $4  }
0x32: {  	v3 =	vld.idx.msk [tilespmem:v0+s19+$0xFFFFFFF0 ss:$0x1], $0xffff;
	[tilespmem:s20+$0x10] =	vst v2  }
0x33: {  	v1 =	vld.idx.msk [tilespmem:v0+s19+$0x0 ss:$0x1], $0xffff;
	[tilespmem:s20+$0x20] =	vst v6;
	s20 =	sadd.s32 $0x400, s20  }
0x34: {  	v2 =	vld.idx.msk [tilespmem:v0+s19+$0x10 ss:$0x1], $0xffff;
	[tilespmem:s20+$0x30] =	vst v7  }
0x35: {  	[tilespmem:s20+$0xFFFFFFC0] =	vst v8;
	v6 =	vld.idx.msk [tilespmem:v0+s19+$0x20 ss:$0x1], $0xffff;
	s19 =	sshra.s32 s21, $0x2;
	s21 =	sadd.s32 $0x200, s21  }
0x36: {  	_ =	sdelay $0x2  }
0x37: {  	[tilespmem:s20+$0xFFFFFFD0] =	vst v5  }
0x38: {  	v56 =	vld.idx.msk [tilespmem:v0+s19+$0x30 ss:$0x1], $0xffff;
	[tilespmem:s20+$0xFFFFFFE0] =	vst v4  }
0x39: {  	v57 =	vld.idx.msk [tilespmem:v0+s19+$0xFFFFFFC0 ss:$0x1], $0xffff;
	[tilespmem:s20+$0xFFFFFFF0] =	vst v3  }
0x3a: {  	v58 =	vld.idx.msk [tilespmem:v0+s19+$0xFFFFFFD0 ss:$0x1], $0xffff;
	[tilespmem:s20+$0x0] =	vst v1  }
0x3b: {  	v59 =	vld.idx.msk [tilespmem:v0+s19+$0xFFFFFFE0 ss:$0x1], $0xffff;
	[tilespmem:s20+$0x10] =	vst v2  }
0x3c: {  	v60 =	vld.idx.msk [tilespmem:v0+s19+$0xFFFFFFF0 ss:$0x1], $0xffff;
	s31 =	sadd.s32 $0x400, s20;
	[tilespmem:s20+$0x20] =	vst v6  }
0x3d: {  	v61 =	vld.idx.msk [tilespmem:v0+s19+$0x0 ss:$0x1], $0xffff;
	[tilespmem:s31+$0x30] =	vst v56  }
0x3e: {  	v62 =	vld.idx.msk [tilespmem:v0+s19+$0x10 ss:$0x1], $0xffff;
	s18 =	sadd.s32 $0x1, s18;
	[tilespmem:s31+$0xFFFFFFC0] =	vst v57  }
0x3f: {  	v63 =	vld.idx.msk [tilespmem:v0+s19+$0x20 ss:$0x1], $0xffff;
	p1 =	sne.s32 s18, $0x8;
	[tilespmem:s31+$0xFFFFFFD0] =	vst v58  }
.Ltmp4:
0x40: {  	[tilespmem:s31+$0xFFFFFFE0] =	vst v59;
	(pc) =	sbr.rel @p1 .LBB1_4-.Ltmp4, $4  }
0x41: {  	[tilespmem:s31+$0xFFFFFFF0] =	vst v60  }
0x42: {  	[tilespmem:s31+$0x0] =	vst v61  }
0x43: {  	[tilespmem:s31+$0x10] =	vst v62  }
0x44: {  	s16 =	sadd.s32 $0x80, s16;
	s17 =	sadd.s32 $0x400, s17;
	[tilespmem:s31+$0x20] =	vst v63  }
.Ltmp5:
0x45: {  	(pc) =	sbr.rel @p0 .LBB1_3-.Ltmp5, $2  }
0x46: {  	_ =	sdelay $0x2  }
0x47: {  	s16 =	simm.s32 $0x2000;
	p1 =	por $0x0, $0x0  }
.Ltmp6:
0x48: {  	(pc) =	sbr.rel .LBB1_9-.Ltmp6, $4  }
0x49: {  	_ = 	snop  }
0x4a: {  	s12 =	sshll.u32 s12, $0xA  }
0x4b: {  	s12 =	sadd.s32 s4, s12  }
0x4c: {  	[hbm4b:s12+s8] =	stream.linear.scatter [tilespmem:s13], [sflag:$0x2], $0x4000, $0x38;
	[tilespmem:$0x10000] =	vst v63  }
.LBB1_10:
0x4d: {  	_ =	sfence.sel $0x180000  }
0x4e: {  	s2 =	simm.s32 $0x1;
	[bflag:$0x0] =	sbarrier.arrive $0xFFFF  }
0x4f: {  	s31 =	simm.s32 $0x2;
	[sflag:s2] =	ssyncpa.u1 $0x1  }
0x50: {  	[sflag:s31] =	ssyncpa.u1 $0x1  }
0x51: {  	p0 =	sne.s32 s0, $0x0;
	_ =	strace $0x90000053  }
0x52: {  	s0 =	sadd.s32 @!p0 $0x100000, s1;
	[bflag:$0x2] =	sbarrier.arrive $0xFFFF  }
0x53: {  	[sflag:s0] =	ssyncadd.tile.s32 @!p0 $0x1;
	_ =	shalt  }
.Lfunc_end1:
_tile_overlayer_lowered:
.L_overlay_start_2:
0x54: {  	(tag) =	ssettag $0x2  }
0x55: {  	s0 =	rddreg [dreg:$0x0];
	s2 =	stileid.u32  }
0x56: {  	s1 =	rddreg [dreg:$0x1];
	p0 =	sne.s32 s2, $0x0  }
0x57: {  	s3 =	rddreg [dreg:$0x2];
	[bflag:$0x3] =	sbarrier.arrive $0xFFFF;
	s2 =	simm.s32 @!p0 $0x1C01  }
0x58: {  	[timem:s3], [sflag:s2] =	dma.local @!p0 [hbm:s0], s1  }
0x59: {  	s0 =	simm.s32 @!p0 $0x1  }
0x5a: {  	_ =	swait.ge @!p0 [sflag:s0], s1  }
0x5b: {  	s1 =	ssub.s32 @!p0 $0x0, s1;
	[sflag:s0] =	ssyncset.done @!p0 $0x0  }
0x5c: {  	[sflag:s0] =	ssyncadd.s32 @!p0 s1  }
0x5d: {  	[bflag:$0x3] =	sbarrier.arrive $0xFFFF  }
0x5e: {  	_ =	shalt  }

</sc_bundles>
